<compile_context>
chip_gen: v7x
topology: tpu7x:2x2x1
jax: 0.10.2.dev20260603
libtpu: 0.0.44.dev20260713+nightly
codegen_flags: <defaults>
</compile_context>

<pallas_src>
import functools

import jax
import jax.numpy as jnp
from jax import lax
from jax.experimental import pallas as pl
from jax.experimental.pallas import tpu as pltpu
from jax.experimental.pallas import tpu_sc as plsc

_NC = 2
_NS = 16
_NW = _NC * _NS
_CH = 128
_LN_EPS = 1e-5


def _sc_agg(table, srcp, dstp, n_pad, with_cnt):
    k_chunks = srcp.shape[0] // (_NW * _CH)
    rows_per_tile = n_pad // _NS
    f = table.shape[1]

    mesh = plsc.VectorSubcoreMesh(
        core_axis_name="c", subcore_axis_name="s",
        num_cores=_NC, num_subcores=_NS)

    out_type = [jax.ShapeDtypeStruct((_NC, n_pad, f), jnp.float32)]
    scratch = [
        pltpu.VMEM((_CH,), jnp.int32),
        pltpu.VMEM((_CH,), jnp.int32),
        pltpu.VMEM((_CH,), jnp.int32),
        pltpu.VMEM((_CH, f), jnp.float32),
        pltpu.VMEM((_CH, f), jnp.float32),
        pltpu.VMEM((16, f), jnp.float32),
        pltpu.VMEM_SHARED((n_pad, f), jnp.float32),
        pltpu.SemaphoreType.DMA,
        pltpu.SemaphoreType.DMA,
        pltpu.SemaphoreType.DMA,
        pltpu.SemaphoreType.DMA,
        pltpu.SemaphoreType.DMA,
    ]
    if with_cnt:
        out_type.append(jax.ShapeDtypeStruct((_NW * n_pad,), jnp.float32))
        scratch.append(pltpu.VMEM((n_pad,), jnp.float32))

    def body(table_hbm, src_hbm, dst_hbm, *rest):
        if with_cnt:
            (sum_out, cnt_out, src0_v, src1_v, dst_v, rows0_v, rows1_v,
             zb_v, acc_sh, sem0, sem1, semsrc, semi, sems, lcnt_v) = rest
        else:
            (sum_out, src0_v, src1_v, dst_v, rows0_v, rows1_v,
             zb_v, acc_sh, sem0, sem1, semsrc, semi, sems) = rest
        srcb = (src0_v, src1_v)
        rows = (rows0_v, rows1_v)
        gsem = (sem0, sem1)
        c = lax.axis_index("c")
        s = lax.axis_index("s")
        wid = s * _NC + c

        for r in range(16):
            for q in range(f // 16):
                zb_v[r, pl.ds(q * 16, 16)] = jnp.zeros((16,), jnp.float32)
        if with_cnt:
            def czero_body(i, _):
                lcnt_v[pl.ds(i * 16, 16)] = jnp.zeros((16,), jnp.float32)
                return 0
            lax.fori_loop(0, n_pad // 16, czero_body, 0)

        rbase = s * rows_per_tile
        nfull = rows_per_tile // 16
        rem = rows_per_tile - nfull * 16

        def zero_issue(j, _):
            pltpu.async_copy(zb_v, acc_sh.at[pl.ds(rbase + j * 16, 16)],
                             semi)
            return 0
        lax.fori_loop(0, nfull, zero_issue, 0)
        if rem:
            pltpu.async_copy(zb_v.at[pl.ds(0, rem)],
                             acc_sh.at[pl.ds(rbase + nfull * 16, rem)], semi)

        def zero_drain(j, _):
            pltpu.make_async_copy(
                zb_v, acc_sh.at[pl.ds(rbase + j * 16, 16)], semi).wait()
            return 0
        lax.fori_loop(0, nfull, zero_drain, 0)
        if rem:
            pltpu.make_async_copy(
                zb_v.at[pl.ds(0, rem)],
                acc_sh.at[pl.ds(rbase + nfull * 16, rem)], semi).wait()
        plsc.subcore_barrier()

        ebase = wid * k_chunks * _CH
        ones16 = jnp.ones((16,), jnp.float32)

        kk = k_chunks

        def src_load(ci, b):
            pltpu.async_copy(src_hbm.at[pl.ds(ebase + ci * _CH, _CH)],
                             srcb[b], semsrc)

        def src_wait(b):
            pltpu.make_async_copy(src_hbm.at[pl.ds(0, _CH)], srcb[b],
                                  semsrc).wait()

        def scat_wait(b):
            pltpu.make_async_copy(rows[b], acc_sh.at[dst_v], sems).wait()

        def half(ck, b):
            @pl.when(ck > 0)
            def _():
                scat_wait(1 - b)
            @pl.when(ck + 1 < kk)
            def _():
                src_wait(1 - b)
                pltpu.async_copy(table_hbm.at[srcb[1 - b]], rows[1 - b],
                                 gsem[1 - b])
            a_dst = pltpu.async_copy(
                dst_hbm.at[pl.ds(ebase + ck * _CH, _CH)], dst_v, semi)
            pltpu.make_async_copy(table_hbm.at[pl.ds(0, _CH)], rows[b],
                                  gsem[b]).wait()
            @pl.when(ck + 2 < kk)
            def _():
                src_load(ck + 2, b)
            a_dst.wait()
            pltpu.async_copy(rows[b], acc_sh.at[dst_v], sems, add=True)
            if with_cnt:
                for j in range(_CH // 16):
                    plsc.addupdate_scatter(
                        lcnt_v, [dst_v[pl.ds(j * 16, 16)]], ones16)

        src_load(0, 0)
        src_wait(0)
        pltpu.async_copy(table_hbm.at[srcb[0]], rows[0], gsem[0])
        if kk > 1:
            src_load(1, 1)

        def pair_body(p, _):
            half(2 * p, 0)
            @pl.when(2 * p + 1 < kk)
            def _():
                half_dyn(2 * p + 1)
            return 0

        def half_dyn(ck):
            half(ck, 1)

        lax.fori_loop(0, (kk + 1) // 2, pair_body, 0)
        scat_wait((kk - 1) % 2)
        plsc.subcore_barrier()

        pltpu.sync_copy(acc_sh.at[pl.ds(rbase, rows_per_tile)],
                        sum_out.at[c, pl.ds(rbase, rows_per_tile)])
        if with_cnt:
            pltpu.sync_copy(lcnt_v, cnt_out.at[pl.ds(wid * n_pad, n_pad)])

    kfn = pl.kernel(body, mesh=mesh, out_type=tuple(out_type),
                    scratch_types=scratch,
                    compiler_params=pltpu.CompilerParams(
                        needs_layout_passes=False))
    return kfn(table, srcp, dstp)


def _tc_proj_ln(x_p, w0t, b0, g0, be0):
    n_pad, f = x_p.shape
    h = w0t.shape[1]
    rb = n_pad // 4

    def body(x_ref, w_ref, b_ref, g_ref, be_ref, o_ref):
        z = jnp.dot(x_ref[...], w_ref[...],
                    preferred_element_type=jnp.float32) + b_ref[...]
        mu = jnp.mean(z, axis=-1, keepdims=True)
        var = jnp.mean((z - mu) ** 2, axis=-1, keepdims=True)
        y = (z - mu) / jnp.sqrt(var + _LN_EPS) * g_ref[...] + be_ref[...]
        o_ref[...] = jnp.maximum(y, 0.0)

    return pl.pallas_call(
        body,
        grid=(4,),
        in_specs=[
            pl.BlockSpec((rb, f), lambda i: (i, 0)),
            pl.BlockSpec((f, h), lambda i: (0, 0)),
            pl.BlockSpec((1, h), lambda i: (0, 0)),
            pl.BlockSpec((1, h), lambda i: (0, 0)),
            pl.BlockSpec((1, h), lambda i: (0, 0)),
        ],
        out_specs=pl.BlockSpec((rb, h), lambda i: (i, 0)),
        out_shape=jax.ShapeDtypeStruct((n_pad, h), jnp.float32),
    )(x_p, w0t, b0, g0, be0)


def _tc_sage(ssum, cnt, hin, wlt, bl, wrt, relu, resid):
    _, n_pad, f = ssum.shape
    h = wlt.shape[1]
    rb = n_pad // 4

    def body(s_ref, c_ref, h_ref, wl_ref, bl_ref, wr_ref, o_ref):
        stot = s_ref[0] + s_ref[1]
        ctot = jnp.sum(c_ref[...], axis=1, keepdims=True)
        mean = stot / jnp.maximum(ctot, 1.0)
        y = (jnp.dot(mean, wl_ref[...], preferred_element_type=jnp.float32)
             + bl_ref[...]
             + jnp.dot(h_ref[...], wr_ref[...],
                       preferred_element_type=jnp.float32))
        if resid:
            y = y + h_ref[...]
        if relu:
            y = jnp.maximum(y, 0.0)
        o_ref[...] = y

    return pl.pallas_call(
        body,
        grid=(4,),
        in_specs=[
            pl.BlockSpec((2, rb, f), lambda i: (0, i, 0)),
            pl.BlockSpec((rb, _NW), lambda i: (i, 0)),
            pl.BlockSpec((rb, f), lambda i: (i, 0)),
            pl.BlockSpec((f, h), lambda i: (0, 0)),
            pl.BlockSpec((1, h), lambda i: (0, 0)),
            pl.BlockSpec((f, h), lambda i: (0, 0)),
        ],
        out_specs=pl.BlockSpec((rb, h), lambda i: (i, 0)),
        out_shape=jax.ShapeDtypeStruct((n_pad, h), jnp.float32),
    )(ssum, cnt, hin, wlt, bl, wrt)


def kernel(x, edge_index, W0, b0, g0, be0, Wl1, bl1, Wr1, Wl2, bl2, Wr2):
    n, f = x.shape
    e = edge_index.shape[1]

    n_pad = ((n + 1 + 127) // 128) * 128
    chunk = _CH * _NW
    e_pad = ((e + chunk - 1) // chunk) * chunk

    src = edge_index[0]
    dst = edge_index[1]
    srcp = jnp.concatenate([src, jnp.zeros((e_pad - e,), jnp.int32)])
    dstp = jnp.concatenate([dst, jnp.full((e_pad - e,), n, jnp.int32)])
    x_p = jnp.concatenate([x, jnp.zeros((n_pad - n, f), x.dtype)])

    h1 = _tc_proj_ln(x_p, W0.T, b0.reshape(1, -1), g0.reshape(1, -1),
                     be0.reshape(1, -1))

    s1, cnt_flat = _sc_agg(h1, srcp, dstp, n_pad, with_cnt=True)
    cnt = cnt_flat.reshape(_NW, n_pad).T
    x1 = _tc_sage(s1, cnt, h1, Wl1.T, bl1.reshape(1, -1), Wr1.T,
                  relu=True, resid=False)

    (s2,) = _sc_agg(x1, srcp, dstp, n_pad, with_cnt=False)
    out_p = _tc_sage(s2, cnt, x1, Wl2.T, bl2.reshape(1, -1), Wr2.T,
                     relu=False, resid=True)

    return out_p[:n]

# --- scband reference (transcript-rebuilt; emitter-appended) ---
"""Pipeline reference for scband-simple-temporal-model-47347719471579 (READ-ONLY COPY).

The authoritative reference and input builder live on the scoring server;
editing this copy changes nothing except your own understanding.
"""

import jax, jax.numpy as jnp
import numpy as np

N = 10000
E = 320000
F = 128
H = 128


def _layer_norm(x, g, b, eps=1e-5):
    mu = jnp.mean(x, axis=-1, keepdims=True)
    var = jnp.var(x, axis=-1, keepdims=True)
    return (x - mu) / jnp.sqrt(var + eps) * g + b


def _sage_conv(x, src, dst, Wl, bl, Wr):
    # PyG SAGEConv with mean aggregation:
    # out = lin_l(mean_{j in N(i)} x_j) + lin_r(x_i)
    msgs = x[src]
    summed = jax.ops.segment_sum(msgs, dst, num_segments=N)
    cnt = jax.ops.segment_sum(jnp.ones((src.shape[0], 1), x.dtype), dst, num_segments=N)
    mean = summed / jnp.maximum(cnt, 1.0)
    return mean @ Wl.T + bl + x @ Wr.T


def setup_inputs(seed: int = 0) -> dict:
    key = jax.random.key(seed)
    ks = jax.random.split(key, 14)
    s = 1.0 / np.sqrt(H)
    x = jax.random.normal(ks[0], (N, F), dtype=jnp.float32)
    edge_index = jax.random.randint(ks[1], (2, E), 0, N, dtype=jnp.int32)
    W0 = jax.random.normal(ks[2], (H, F), dtype=jnp.float32) * s
    b0 = jnp.zeros((H,), jnp.float32)
    g0 = jnp.ones((H,), jnp.float32)
    be0 = jnp.zeros((H,), jnp.float32)
    Wl1 = jax.random.normal(ks[3], (H, H), dtype=jnp.float32) * s
    bl1 = jnp.zeros((H,), jnp.float32)
    Wr1 = jax.random.normal(ks[4], (H, H), dtype=jnp.float32) * s
    Wl2 = jax.random.normal(ks[5], (H, H), dtype=jnp.float32) * s
    bl2 = jnp.zeros((H,), jnp.float32)
    Wr2 = jax.random.normal(ks[6], (H, H), dtype=jnp.float32) * s
    return {"x": x, "edge_index": edge_index, "W0": W0, "b0": b0, "g0": g0, "be0": be0,
            "Wl1": Wl1, "bl1": bl1, "Wr1": Wr1, "Wl2": Wl2, "bl2": bl2, "Wr2": Wr2}


def reference(x, edge_index, W0, b0, g0, be0, Wl1, bl1, Wr1, Wl2, bl2, Wr2):
    # eval mode: dropout layers are identity
    src = edge_index[0]
    dst = edge_index[1]
    h = x @ W0.T + b0
    h = _layer_norm(h, g0, be0)
    h = jax.nn.relu(h)
    x1 = _sage_conv(h, src, dst, Wl1, bl1, Wr1)
    x1 = jax.nn.relu(x1)
    x2 = _sage_conv(x1, src, dst, Wl2, bl2, Wr2)
    return x2 + x1

if __name__ == "__main__":
    import jax
    _d = setup_inputs()
    print(jax.jit(kernel)(*tuple(_d.values())))

</pallas_src>

<mosaic_0001>
#map = affine_map<(d0, d1) -> (0, 0)>
#map1 = affine_map<(d0, d1) -> (0)>
#map2 = affine_map<(d0, d1) -> (0, 0, 0)>
module attributes {stable_mosaic.version = 14 : i64} {
  func.func @body(%arg0: i32, %arg1: i32, %arg2: memref<10112x128xf32, #tpu.memory_space<hbm>>, %arg3: memref<323584xi32, #tpu.memory_space<hbm>>, %arg4: memref<323584xi32, #tpu.memory_space<hbm>>, %arg5: memref<2x10112x128xf32, #tpu.memory_space<hbm>>, %arg6: memref<128xi32, #tpu.memory_space<vmem>>, %arg7: memref<128xi32, #tpu.memory_space<vmem>>, %arg8: memref<128xi32, #tpu.memory_space<vmem>>, %arg9: memref<128x128xf32, #tpu.memory_space<vmem>>, %arg10: memref<128x128xf32, #tpu.memory_space<vmem>>, %arg11: memref<16x128xf32, #tpu.memory_space<vmem>>, %arg12: memref<10112x128xf32, #tpu.memory_space<vmem_shared>>, %arg13: memref<!tpu.dma_semaphore, #tpu.memory_space<semaphore_mem>>, %arg14: memref<!tpu.dma_semaphore, #tpu.memory_space<semaphore_mem>>, %arg15: memref<!tpu.dma_semaphore, #tpu.memory_space<semaphore_mem>>, %arg16: memref<!tpu.dma_semaphore, #tpu.memory_space<semaphore_mem>>, %arg17: memref<!tpu.dma_semaphore, #tpu.memory_space<semaphore_mem>>) attributes {dimension_semantics = [#tpu.dimension_semantics<core_parallel>, #tpu.dimension_semantics<subcore_parallel>], iteration_bounds = array<i64: 2, 16>, scalar_prefetch = 0 : i64, scratch_operands = 12 : i64, tpu.core_type = #tpu.core_type<sc_vector_subcore>, window_params = [{transform_indices = #map}, {transform_indices = #map1}, {transform_indices = #map1}, {transform_indices = #map2}]} {
    %mul3A = arith.constant 2 : i32
    %mul3A_0 = arith.muli %arg1, %mul3A : i32
    %add3A = arith.addi %mul3A_0, %arg0 : i32
    %broadcast_in_dim3A = arith.constant 0.000000e+00 : f32
    %broadcast_in_dim3A_1 = vector.broadcast %broadcast_in_dim3A : f32 to vector<16xf32>
    %swap3A = arith.constant 0 : i32
    %swap3A_2 = arith.index_cast %swap3A : i32 to index
    %swap3A_3 = arith.constant 0 : index
    %swap3A_4 = tpu.vector_load %arg11[%swap3A_2, %swap3A_3] {strides = array<i32>} : memref<16x128xf32, #tpu.memory_space<vmem>>, vector<16xf32>,
    tpu.vector_store %arg11[%swap3A_2, %swap3A_3], %broadcast_in_dim3A_1 {strides = array<i32>} : memref<16x128xf32, #tpu.memory_space<vmem>>, vector<16xf32>,
    %broadcast_in_dim3A_5 = arith.constant 0.000000e+00 : f32
    %broadcast_in_dim3A_6 = vector.broadcast %broadcast_in_dim3A_5 : f32 to vector<16xf32>
    %swap3A_7 = arith.constant 0 : i32
    %swap3A_8 = arith.index_cast %swap3A_7 : i32 to index
    %swap3A_9 = arith.constant 16 : index
    %swap3A_10 = tpu.vector_load %arg11[%swap3A_8, %swap3A_9] {strides = array<i32>} : memref<16x128xf32, #tpu.memory_space<vmem>>, vector<16xf32>,
    tpu.vector_store %arg11[%swap3A_8, %swap3A_9], %broadcast_in_dim3A_6 {strides = array<i32>} : memref<16x128xf32, #tpu.memory_space<vmem>>, vector<16xf32>,
    %broadcast_in_dim3A_11 = arith.constant 0.000000e+00 : f32
    %broadcast_in_dim3A_12 = vector.broadcast %broadcast_in_dim3A_11 : f32 to vector<16xf32>
    %swap3A_13 = arith.constant 0 : i32
    %swap3A_14 = arith.index_cast %swap3A_13 : i32 to index
    %swap3A_15 = arith.constant 32 : index
    %swap3A_16 = tpu.vector_load %arg11[%swap3A_14, %swap3A_15] {strides = array<i32>} : memref<16x128xf32, #tpu.memory_space<vmem>>, vector<16xf32>,
    tpu.vector_store %arg11[%swap3A_14, %swap3A_15], %broadcast_in_dim3A_12 {strides = array<i32>} : memref<16x128xf32, #tpu.memory_space<vmem>>, vector<16xf32>,
    %broadcast_in_dim3A_17 = arith.constant 0.000000e+00 : f32
    %broadcast_in_dim3A_18 = vector.broadcast %broadcast_in_dim3A_17 : f32 to vector<16xf32>
    %swap3A_19 = arith.constant 0 : i32
    %swap3A_20 = arith.index_cast %swap3A_19 : i32 to index
    %swap3A_21 = arith.constant 48 : index
    %swap3A_22 = tpu.vector_load %arg11[%swap3A_20, %swap3A_21] {strides = array<i32>} : memref<16x128xf32, #tpu.memory_space<vmem>>, vector<16xf32>,
    tpu.vector_store %arg11[%swap3A_20, %swap3A_21], %broadcast_in_dim3A_18 {strides = array<i32>} : memref<16x128xf32, #tpu.memory_space<vmem>>, vector<16xf32>,
    %broadcast_in_dim3A_23 = arith.constant 0.000000e+00 : f32
    %broadcast_in_dim3A_24 = vector.broadcast %broadcast_in_dim3A_23 : f32 to vector<16xf32>
    %swap3A_25 = arith.constant 0 : i32
    %swap3A_26 = arith.index_cast %swap3A_25 : i32 to index
    %swap3A_27 = arith.constant 64 : index
    %swap3A_28 = tpu.vector_load %arg11[%swap3A_26, %swap3A_27] {strides = array<i32>} : memref<16x128xf32, #tpu.memory_space<vmem>>, vector<16xf32>,
    tpu.vector_store %arg11[%swap3A_26, %swap3A_27], %broadcast_in_dim3A_24 {strides = array<i32>} : memref<16x128xf32, #tpu.memory_space<vmem>>, vector<16xf32>,
    %broadcast_in_dim3A_29 = arith.constant 0.000000e+00 : f32
    %broadcast_in_dim3A_30 = vector.broadcast %broadcast_in_dim3A_29 : f32 to vector<16xf32>
    %swap3A_31 = arith.constant 0 : i32
    %swap3A_32 = arith.index_cast %swap3A_31 : i32 to index
    %swap3A_33 = arith.constant 80 : index
    %swap3A_34 = tpu.vector_load %arg11[%swap3A_32, %swap3A_33] {strides = array<i32>} : memref<16x128xf32, #tpu.memory_space<vmem>>, vector<16xf32>,
    tpu.vector_store %arg11[%swap3A_32, %swap3A_33], %broadcast_in_dim3A_30 {strides = array<i32>} : memref<16x128xf32, #tpu.memory_space<vmem>>, vector<16xf32>,
    %broadcast_in_dim3A_35 = arith.constant 0.000000e+00 : f32
    %broadcast_in_dim3A_36 = vector.broadcast %broadcast_in_dim3A_35 : f32 to vector<16xf32>
    %swap3A_37 = arith.constant 0 : i32
    %swap3A_38 = arith.index_cast %swap3A_37 : i32 to index
    %swap3A_39 = arith.constant 96 : index
    %swap3A_40 = tpu.vector_load %arg11[%swap3A_38, %swap3A_39] {strides = array<i32>} : memref<16x128xf32, #tpu.memory_space<vmem>>, vector<16xf32>,
    tpu.vector_store %arg11[%swap3A_38, %swap3A_39], %broadcast_in_dim3A_36 {strides = array<i32>} : memref<16x128xf32, #tpu.memory_space<vmem>>, vector<16xf32>,
    %broadcast_in_dim3A_41 = arith.constant 0.000000e+00 : f32
    %broadcast_in_dim3A_42 = vector.broadcast %broadcast_in_dim3A_41 : f32 to vector<16xf32>
    %swap3A_43 = arith.constant 0 : i32
    %swap3A_44 = arith.index_cast %swap3A_43 : i32 to index
    %swap3A_45 = arith.constant 112 : index
    %swap3A_46 = tpu.vector_load %arg11[%swap3A_44, %swap3A_45] {strides = array<i32>} : memref<16x128xf32, #tpu.memory_space<vmem>>, vector<16xf32>,
    tpu.vector_store %arg11[%swap3A_44, %swap3A_45], %broadcast_in_dim3A_42 {strides = array<i32>} : memref<16x128xf32, #tpu.memory_space<vmem>>, vector<16xf32>,
    %broadcast_in_dim3A_47 = arith.constant 0.000000e+00 : f32
    %broadcast_in_dim3A_48 = vector.broadcast %broadcast_in_dim3A_47 : f32 to vector<16xf32>
    %swap3A_49 = arith.constant 1 : i32
    %swap3A_50 = arith.index_cast %swap3A_49 : i32 to index
    %swap3A_51 = arith.constant 0 : index
    %swap3A_52 = tpu.vector_load %arg11[%swap3A_50, %swap3A_51] {strides = array<i32>} : memref<16x128xf32, #tpu.memory_space<vmem>>, vector<16xf32>,
    tpu.vector_store %arg11[%swap3A_50, %swap3A_51], %broadcast_in_dim3A_48 {strides = array<i32>} : memref<16x128xf32, #tpu.memory_space<vmem>>, vector<16xf32>,
    %broadcast_in_dim3A_53 = arith.constant 0.000000e+00 : f32
    %broadcast_in_dim3A_54 = vector.broadcast %broadcast_in_dim3A_53 : f32 to vector<16xf32>
    %swap3A_55 = arith.constant 1 : i32
    %swap3A_56 = arith.index_cast %swap3A_55 : i32 to index
    %swap3A_57 = arith.constant 16 : index
    %swap3A_58 = tpu.vector_load %arg11[%swap3A_56, %swap3A_57] {strides = array<i32>} : memref<16x128xf32, #tpu.memory_space<vmem>>, vector<16xf32>,
    tpu.vector_store %arg11[%swap3A_56, %swap3A_57], %broadcast_in_dim3A_54 {strides = array<i32>} : memref<16x128xf32, #tpu.memory_space<vmem>>, vector<16xf32>,
    %broadcast_in_dim3A_59 = arith.constant 0.000000e+00 : f32
    %broadcast_in_dim3A_60 = vector.broadcast %broadcast_in_dim3A_59 : f32 to vector<16xf32>
    %swap3A_61 = arith.constant 1 : i32
    %swap3A_62 = arith.index_cast %swap3A_61 : i32 to index
    %swap3A_63 = arith.constant 32 : index
    %swap3A_64 = tpu.vector_load %arg11[%swap3A_62, %swap3A_63] {strides = array<i32>} : memref<16x128xf32, #tpu.memory_space<vmem>>, vector<16xf32>,
    tpu.vector_store %arg11[%swap3A_62, %swap3A_63], %broadcast_in_dim3A_60 {strides = array<i32>} : memref<16x128xf32, #tpu.memory_space<vmem>>, vector<16xf32>,
    %broadcast_in_dim3A_65 = arith.constant 0.000000e+00 : f32
    %broadcast_in_dim3A_66 = vector.broadcast %broadcast_in_dim3A_65 : f32 to vector<16xf32>
    %swap3A_67 = arith.constant 1 : i32
    %swap3A_68 = arith.index_cast %swap3A_67 : i32 to index
    %swap3A_69 = arith.constant 48 : index
    %swap3A_70 = tpu.vector_load %arg11[%swap3A_68, %swap3A_69] {strides = array<i32>} : memref<16x128xf32, #tpu.memory_space<vmem>>, vector<16xf32>,
    tpu.vector_store %arg11[%swap3A_68, %swap3A_69], %broadcast_in_dim3A_66 {strides = array<i32>} : memref<16x128xf32, #tpu.memory_space<vmem>>, vector<16xf32>,
    %broadcast_in_dim3A_71 = arith.constant 0.000000e+00 : f32
    %broadcast_in_dim3A_72 = vector.broadcast %broadcast_in_dim3A_71 : f32 to vector<16xf32>
    %swap3A_73 = arith.constant 1 : i32
    %swap3A_74 = arith.index_cast %swap3A_73 : i32 to index
    %swap3A_75 = arith.constant 64 : index
    %swap3A_76 = tpu.vector_load %arg11[%swap3A_74, %swap3A_75] {strides = array<i32>} : memref<16x128xf32, #tpu.memory_space<vmem>>, vector<16xf32>,
    tpu.vector_store %arg11[%swap3A_74, %swap3A_75], %broadcast_in_dim3A_72 {strides = array<i32>} : memref<16x128xf32, #tpu.memory_space<vmem>>, vector<16xf32>,
    %broadcast_in_dim3A_77 = arith.constant 0.000000e+00 : f32
    %broadcast_in_dim3A_78 = vector.broadcast %broadcast_in_dim3A_77 : f32 to vector<16xf32>
    %swap3A_79 = arith.constant 1 : i32
    %swap3A_80 = arith.index_cast %swap3A_79 : i32 to index
    %swap3A_81 = arith.constant 80 : index
    %swap3A_82 = tpu.vector_load %arg11[%swap3A_80, %swap3A_81] {strides = array<i32>} : memref<16x128xf32, #tpu.memory_space<vmem>>, vector<16xf32>,
    tpu.vector_store %arg11[%swap3A_80, %swap3A_81], %broadcast_in_dim3A_78 {strides = array<i32>} : memref<16x128xf32, #tpu.memory_space<vmem>>, vector<16xf32>,
    %broadcast_in_dim3A_83 = arith.constant 0.000000e+00 : f32
    %broadcast_in_dim3A_84 = vector.broadcast %broadcast_in_dim3A_83 : f32 to vector<16xf32>
    %swap3A_85 = arith.constant 1 : i32
    %swap3A_86 = arith.index_cast %swap3A_85 : i32 to index
    %swap3A_87 = arith.constant 96 : index
    %swap3A_88 = tpu.vector_load %arg11[%swap3A_86, %swap3A_87] {strides = array<i32>} : memref<16x128xf32, #tpu.memory_space<vmem>>, vector<16xf32>,
    tpu.vector_store %arg11[%swap3A_86, %swap3A_87], %broadcast_in_dim3A_84 {strides = array<i32>} : memref<16x128xf32, #tpu.memory_space<vmem>>, vector<16xf32>,
    %broadcast_in_dim3A_89 = arith.constant 0.000000e+00 : f32
    %broadcast_in_dim3A_90 = vector.broadcast %broadcast_in_dim3A_89 : f32 to vector<16xf32>
    %swap3A_91 = arith.constant 1 : i32
    %swap3A_92 = arith.index_cast %swap3A_91 : i32 to index
    %swap3A_93 = arith.constant 112 : index
    %swap3A_94 = tpu.vector_load %arg11[%swap3A_92, %swap3A_93] {strides = array<i32>} : memref<16x128xf32, #tpu.memory_space<vmem>>, vector<16xf32>,
    tpu.vector_store %arg11[%swap3A_92, %swap3A_93], %broadcast_in_dim3A_90 {strides = array<i32>} : memref<16x128xf32, #tpu.memory_space<vmem>>, vector<16xf32>,
    %broadcast_in_dim3A_95 = arith.constant 0.000000e+00 : f32
    %broadcast_in_dim3A_96 = vector.broadcast %broadcast_in_dim3A_95 : f32 to vector<16xf32>
    %swap3A_97 = arith.constant 2 : i32
    %swap3A_98 = arith.index_cast %swap3A_97 : i32 to index
    %swap3A_99 = arith.constant 0 : index
    %swap3A_100 = tpu.vector_load %arg11[%swap3A_98, %swap3A_99] {strides = array<i32>} : memref<16x128xf32, #tpu.memory_space<vmem>>, vector<16xf32>,
    tpu.vector_store %arg11[%swap3A_98, %swap3A_99], %broadcast_in_dim3A_96 {strides = array<i32>} : memref<16x128xf32, #tpu.memory_space<vmem>>, vector<16xf32>,
    %broadcast_in_dim3A_101 = arith.constant 0.000000e+00 : f32
    %broadcast_in_dim3A_102 = vector.broadcast %broadcast_in_dim3A_101 : f32 to vector<16xf32>
    %swap3A_103 = arith.constant 2 : i32
    %swap3A_104 = arith.index_cast %swap3A_103 : i32 to index
    %swap3A_105 = arith.constant 16 : index
    %swap3A_106 = tpu.vector_load %arg11[%swap3A_104, %swap3A_105] {strides = array<i32>} : memref<16x128xf32, #tpu.memory_space<vmem>>, vector<16xf32>,
    tpu.vector_store %arg11[%swap3A_104, %swap3A_105], %broadcast_in_dim3A_102 {strides = array<i32>} : memref<16x128xf32, #tpu.memory_space<vmem>>, vector<16xf32>,
    %broadcast_in_dim3A_107 = arith.constant 0.000000e+00 : f32
    %broadcast_in_dim3A_108 = vector.broadcast %broadcast_in_dim3A_107 : f32 to vector<16xf32>
    %swap3A_109 = arith.constant 2 : i32
    %swap3A_110 = arith.index_cast %swap3A_109 : i32 to index
    %swap3A_111 = arith.constant 32 : index
    %swap3A_112 = tpu.vector_load %arg11[%swap3A_110, %swap3A_111] {strides = array<i32>} : memref<16x128xf32, #tpu.memory_space<vmem>>, vector<16xf32>,
    tpu.vector_store %arg11[%swap3A_110, %swap3A_111], %broadcast_in_dim3A_108 {strides = array<i32>} : memref<16x128xf32, #tpu.memory_space<vmem>>, vector<16xf32>,
    %broadcast_in_dim3A_113 = arith.constant 0.000000e+00 : f32
    %broadcast_in_dim3A_114 = vector.broadcast %broadcast_in_dim3A_113 : f32 to vector<16xf32>
    %swap3A_115 = arith.constant 2 : i32
    %swap3A_116 = arith.index_cast %swap3A_115 : i32 to index
    %swap3A_117 = arith.constant 48 : index
    %swap3A_118 = tpu.vector_load %arg11[%swap3A_116, %swap3A_117] {strides = array<i32>} : memref<16x128xf32, #tpu.memory_space<vmem>>, vector<16xf32>,
    tpu.vector_store %arg11[%swap3A_116, %swap3A_117], %broadcast_in_dim3A_114 {strides = array<i32>} : memref<16x128xf32, #tpu.memory_space<vmem>>, vector<16xf32>,
    %broadcast_in_dim3A_119 = arith.constant 0.000000e+00 : f32
    %broadcast_in_dim3A_120 = vector.broadcast %broadcast_in_dim3A_119 : f32 to vector<16xf32>
    %swap3A_121 = arith.constant 2 : i32
    %swap3A_122 = arith.index_cast %swap3A_121 : i32 to index
    %swap3A_123 = arith.constant 64 : index
    %swap3A_124 = tpu.vector_load %arg11[%swap3A_122, %swap3A_123] {strides = array<i32>} : memref<16x128xf32, #tpu.memory_space<vmem>>, vector<16xf32>,
    tpu.vector_store %arg11[%swap3A_122, %swap3A_123], %broadcast_in_dim3A_120 {strides = array<i32>} : memref<16x128xf32, #tpu.memory_space<vmem>>, vector<16xf32>,
    %broadcast_in_dim3A_125 = arith.constant 0.000000e+00 : f32
    %broadcast_in_dim3A_126 = vector.broadcast %broadcast_in_dim3A_125 : f32 to vector<16xf32>
    %swap3A_127 = arith.constant 2 : i32
    %swap3A_128 = arith.index_cast %swap3A_127 : i32 to index
    %swap3A_129 = arith.constant 80 : index
    %swap3A_130 = tpu.vector_load %arg11[%swap3A_128, %swap3A_129] {strides = array<i32>} : memref<16x128xf32, #tpu.memory_space<vmem>>, vector<16xf32>,
    tpu.vector_store %arg11[%swap3A_128, %swap3A_129], %broadcast_in_dim3A_126 {strides = array<i32>} : memref<16x128xf32, #tpu.memory_space<vmem>>, vector<16xf32>,
    %broadcast_in_dim3A_131 = arith.constant 0.000000e+00 : f32
    %broadcast_in_dim3A_132 = vector.broadcast %broadcast_in_dim3A_131 : f32 to vector<16xf32>
    %swap3A_133 = arith.constant 2 : i32
    %swap3A_134 = arith.index_cast %swap3A_133 : i32 to index
    %swap3A_135 = arith.constant 96 : index
    %swap3A_136 = tpu.vector_load %arg11[%swap3A_134, %swap3A_135] {strides = array<i32>} : memref<16x128xf32, #tpu.memory_space<vmem>>, vector<16xf32>,
    tpu.vector_store %arg11[%swap3A_134, %swap3A_135], %broadcast_in_dim3A_132 {strides = array<i32>} : memref<16x128xf32, #tpu.memory_space<vmem>>, vector<16xf32>,
    %broadcast_in_dim3A_137 = arith.constant 0.000000e+00 : f32
    %broadcast_in_dim3A_138 = vector.broadcast %broadcast_in_dim3A_137 : f32 to vector<16xf32>
    %swap3A_139 = arith.constant 2 : i32
    %swap3A_140 = arith.index_cast %swap3A_139 : i32 to index
    %swap3A_141 = arith.constant 112 : index
    %swap3A_142 = tpu.vector_load %arg11[%swap3A_140, %swap3A_141] {strides = array<i32>} : memref<16x128xf32, #tpu.memory_space<vmem>>, vector<16xf32>,
    tpu.vector_store %arg11[%swap3A_140, %swap3A_141], %broadcast_in_dim3A_138 {strides = array<i32>} : memref<16x128xf32, #tpu.memory_space<vmem>>, vector<16xf32>,
    %broadcast_in_dim3A_143 = arith.constant 0.000000e+00 : f32
    %broadcast_in_dim3A_144 = vector.broadcast %broadcast_in_dim3A_143 : f32 to vector<16xf32>
    %swap3A_145 = arith.constant 3 : i32
    %swap3A_146 = arith.index_cast %swap3A_145 : i32 to index
    %swap3A_147 = arith.constant 0 : index
    %swap3A_148 = tpu.vector_load %arg11[%swap3A_146, %swap3A_147] {strides = array<i32>} : memref<16x128xf32, #tpu.memory_space<vmem>>, vector<16xf32>,
    tpu.vector_store %arg11[%swap3A_146, %swap3A_147], %broadcast_in_dim3A_144 {strides = array<i32>} : memref<16x128xf32, #tpu.memory_space<vmem>>, vector<16xf32>,
    %broadcast_in_dim3A_149 = arith.constant 0.000000e+00 : f32
    %broadcast_in_dim3A_150 = vector.broadcast %broadcast_in_dim3A_149 : f32 to vector<16xf32>
    %swap3A_151 = arith.constant 3 : i32
    %swap3A_152 = arith.index_cast %swap3A_151 : i32 to index
    %swap3A_153 = arith.constant 16 : index
    %swap3A_154 = tpu.vector_load %arg11[%swap3A_152, %swap3A_153] {strides = array<i32>} : memref<16x128xf32, #tpu.memory_space<vmem>>, vector<16xf32>,
    tpu.vector_store %arg11[%swap3A_152, %swap3A_153], %broadcast_in_dim3A_150 {strides = array<i32>} : memref<16x128xf32, #tpu.memory_space<vmem>>, vector<16xf32>,
    %broadcast_in_dim3A_155 = arith.constant 0.000000e+00 : f32
    %broadcast_in_dim3A_156 = vector.broadcast %broadcast_in_dim3A_155 : f32 to vector<16xf32>
    %swap3A_157 = arith.constant 3 : i32
    %swap3A_158 = arith.index_cast %swap3A_157 : i32 to index
    %swap3A_159 = arith.constant 32 : index
    %swap3A_160 = tpu.vector_load %arg11[%swap3A_158, %swap3A_159] {strides = array<i32>} : memref<16x128xf32, #tpu.memory_space<vmem>>, vector<16xf32>,
    tpu.vector_store %arg11[%swap3A_158, %swap3A_159], %broadcast_in_dim3A_156 {strides = array<i32>} : memref<16x128xf32, #tpu.memory_space<vmem>>, vector<16xf32>,
    %broadcast_in_dim3A_161 = arith.constant 0.000000e+00 : f32
    %broadcast_in_dim3A_162 = vector.broadcast %broadcast_in_dim3A_161 : f32 to vector<16xf32>
    %swap3A_163 = arith.constant 3 : i32
    %swap3A_164 = arith.index_cast %swap3A_163 : i32 to index
    %swap3A_165 = arith.constant 48 : index
    %swap3A_166 = tpu.vector_load %arg11[%swap3A_164, %swap3A_165] {strides = array<i32>} : memref<16x128xf32, #tpu.memory_space<vmem>>, vector<16xf32>,
    tpu.vector_store %arg11[%swap3A_164, %swap3A_165], %broadcast_in_dim3A_162 {strides = array<i32>} : memref<16x128xf32, #tpu.memory_space<vmem>>, vector<16xf32>,
    %broadcast_in_dim3A_167 = arith.constant 0.000000e+00 : f32
    %broadcast_in_dim3A_168 = vector.broadcast %broadcast_in_dim3A_167 : f32 to vector<16xf32>
    %swap3A_169 = arith.constant 3 : i32
    %swap3A_170 = arith.index_cast %swap3A_169 : i32 to index
    %swap3A_171 = arith.constant 64 : index
    %swap3A_172 = tpu.vector_load %arg11[%swap3A_170, %swap3A_171] {strides = array<i32>} : memref<16x128xf32, #tpu.memory_space<vmem>>, vector<16xf32>,
    tpu.vector_store %arg11[%swap3A_170, %swap3A_171], %broadcast_in_dim3A_168 {strides = array<i32>} : memref<16x128xf32, #tpu.memory_space<vmem>>, vector<16xf32>,
    %broadcast_in_dim3A_173 = arith.constant 0.000000e+00 : f32
    %broadcast_in_dim3A_174 = vector.broadcast %broadcast_in_dim3A_173 : f32 to vector<16xf32>
    %swap3A_175 = arith.constant 3 : i32
    %swap3A_176 = arith.index_cast %swap3A_175 : i32 to index
    %swap3A_177 = arith.constant 80 : index
    %swap3A_178 = tpu.vector_load %arg11[%swap3A_176, %swap3A_177] {strides = array<i32>} : memref<16x128xf32, #tpu.memory_space<vmem>>, vector<16xf32>,
    tpu.vector_store %arg11[%swap3A_176, %swap3A_177], %broadcast_in_dim3A_174 {strides = array<i32>} : memref<16x128xf32, #tpu.memory_space<vmem>>, vector<16xf32>,
    %broadcast_in_dim3A_179 = arith.constant 0.000000e+00 : f32
    %broadcast_in_dim3A_180 = vector.broadcast %broadcast_in_dim3A_179 : f32 to vector<16xf32>
    %swap3A_181 = arith.constant 3 : i32
    %swap3A_182 = arith.index_cast %swap3A_181 : i32 to index
    %swap3A_183 = arith.constant 96 : index
    %swap3A_184 = tpu.vector_load %arg11[%swap3A_182, %swap3A_183] {strides = array<i32>} : memref<16x128xf32, #tpu.memory_space<vmem>>, vector<16xf32>,
    tpu.vector_store %arg11[%swap3A_182, %swap3A_183], %broadcast_in_dim3A_180 {strides = array<i32>} : memref<16x128xf32, #tpu.memory_space<vmem>>, vector<16xf32>,
    %broadcast_in_dim3A_185 = arith.constant 0.000000e+00 : f32
    %broadcast_in_dim3A_186 = vector.broadcast %broadcast_in_dim3A_185 : f32 to vector<16xf32>
    %swap3A_187 = arith.constant 3 : i32
    %swap3A_188 = arith.index_cast %swap3A_187 : i32 to index
    %swap3A_189 = arith.constant 112 : index
    %swap3A_190 = tpu.vector_load %arg11[%swap3A_188, %swap3A_189] {strides = array<i32>} : memref<16x128xf32, #tpu.memory_space<vmem>>, vector<16xf32>,
    tpu.vector_store %arg11[%swap3A_188, %swap3A_189], %broadcast_in_dim3A_186 {strides = array<i32>} : memref<16x128xf32, #tpu.memory_space<vmem>>, vector<16xf32>,
    %broadcast_in_dim3A_191 = arith.constant 0.000000e+00 : f32
    %broadcast_in_dim3A_192 = vector.broadcast %broadcast_in_dim3A_191 : f32 to vector<16xf32>
    %swap3A_193 = arith.constant 4 : i32
    %swap3A_194 = arith.index_cast %swap3A_193 : i32 to index
    %swap3A_195 = arith.constant 0 : index
    %swap3A_196 = tpu.vector_load %arg11[%swap3A_194, %swap3A_195] {strides = array<i32>} : memref<16x128xf32, #tpu.memory_space<vmem>>, vector<16xf32>,
    tpu.vector_store %arg11[%swap3A_194, %swap3A_195], %broadcast_in_dim3A_192 {strides = array<i32>} : memref<16x128xf32, #tpu.memory_space<vmem>>, vector<16xf32>,
    %broadcast_in_dim3A_197 = arith.constant 0.000000e+00 : f32
    %broadcast_in_dim3A_198 = vector.broadcast %broadcast_in_dim3A_197 : f32 to vector<16xf32>
    %swap3A_199 = arith.constant 4 : i32
    %swap3A_200 = arith.index_cast %swap3A_199 : i32 to index
    %swap3A_201 = arith.constant 16 : index
    %swap3A_202 = tpu.vector_load %arg11[%swap3A_200, %swap3A_201] {strides = array<i32>} : memref<16x128xf32, #tpu.memory_space<vmem>>, vector<16xf32>,
    tpu.vector_store %arg11[%swap3A_200, %swap3A_201], %broadcast_in_dim3A_198 {strides = array<i32>} : memref<16x128xf32, #tpu.memory_space<vmem>>, vector<16xf32>,
    %broadcast_in_dim3A_203 = arith.constant 0.000000e+00 : f32
    %broadcast_in_dim3A_204 = vector.broadcast %broadcast_in_dim3A_203 : f32 to vector<16xf32>
    %swap3A_205 = arith.constant 4 : i32
    %swap3A_206 = arith.index_cast %swap3A_205 : i32 to index
    %swap3A_207 = arith.constant 32 : index
    %swap3A_208 = tpu.vector_load %arg11[%swap3A_206, %swap3A_207] {strides = array<i32>} : memref<16x128xf32, #tpu.memory_space<vmem>>, vector<16xf32>,
    tpu.vector_store %arg11[%swap3A_206, %swap3A_207], %broadcast_in_dim3A_204 {strides = array<i32>} : memref<16x128xf32, #tpu.memory_space<vmem>>, vector<16xf32>,
    %broadcast_in_dim3A_209 = arith.constant 0.000000e+00 : f32
    %broadcast_in_dim3A_210 = vector.broadcast %broadcast_in_dim3A_209 : f32 to vector<16xf32>
    %swap3A_211 = arith.constant 4 : i32
    %swap3A_212 = arith.index_cast %swap3A_211 : i32 to index
    %swap3A_213 = arith.constant 48 : index
    %swap3A_214 = tpu.vector_load %arg11[%swap3A_212, %swap3A_213] {strides = array<i32>} : memref<16x128xf32, #tpu.memory_space<vmem>>, vector<16xf32>,
    tpu.vector_store %arg11[%swap3A_212, %swap3A_213], %broadcast_in_dim3A_210 {strides = array<i32>} : memref<16x128xf32, #tpu.memory_space<vmem>>, vector<16xf32>,
    %broadcast_in_dim3A_215 = arith.constant 0.000000e+00 : f32
    %broadcast_in_dim3A_216 = vector.broadcast %broadcast_in_dim3A_215 : f32 to vector<16xf32>
    %swap3A_217 = arith.constant 4 : i32
    %swap3A_218 = arith.index_cast %swap3A_217 : i32 to index
    %swap3A_219 = arith.constant 64 : index
    %swap3A_220 = tpu.vector_load %arg11[%swap3A_218, %swap3A_219] {strides = array<i32>} : memref<16x128xf32, #tpu.memory_space<vmem>>, vector<16xf32>,
    tpu.vector_store %arg11[%swap3A_218, %swap3A_219], %broadcast_in_dim3A_216 {strides = array<i32>} : memref<16x128xf32, #tpu.memory_space<vmem>>, vector<16xf32>,
    %broadcast_in_dim3A_221 = arith.constant 0.000000e+00 : f32
    %broadcast_in_dim3A_222 = vector.broadcast %broadcast_in_dim3A_221 : f32 to vector<16xf32>
    %swap3A_223 = arith.constant 4 : i32
    %swap3A_224 = arith.index_cast %swap3A_223 : i32 to index
    %swap3A_225 = arith.constant 80 : index
    %swap3A_226 = tpu.vector_load %arg11[%swap3A_224, %swap3A_225] {strides = array<i32>} : memref<16x128xf32, #tpu.memory_space<vmem>>, vector<16xf32>,
    tpu.vector_store %arg11[%swap3A_224, %swap3A_225], %broadcast_in_dim3A_222 {strides = array<i32>} : memref<16x128xf32, #tpu.memory_space<vmem>>, vector<16xf32>,
    %broadcast_in_dim3A_227 = arith.constant 0.000000e+00 : f32
    %broadcast_in_dim3A_228 = vector.broadcast %broadcast_in_dim3A_227 : f32 to vector<16xf32>
    %swap3A_229 = arith.constant 4 : i32
    %swap3A_230 = arith.index_cast %swap3A_229 : i32 to index
    %swap3A_231 = arith.constant 96 : index
    %swap3A_232 = tpu.vector_load %arg11[%swap3A_230, %swap3A_231] {strides = array<i32>} : memref<16x128xf32, #tpu.memory_space<vmem>>, vector<16xf32>,
    tpu.vector_store %arg11[%swap3A_230, %swap3A_231], %broadcast_in_dim3A_228 {strides = array<i32>} : memref<16x128xf32, #tpu.memory_space<vmem>>, vector<16xf32>,
    %broadcast_in_dim3A_233 = arith.constant 0.000000e+00 : f32
    %broadcast_in_dim3A_234 = vector.broadcast %broadcast_in_dim3A_233 : f32 to vector<16xf32>
    %swap3A_235 = arith.constant 4 : i32
    %swap3A_236 = arith.index_cast %swap3A_235 : i32 to index
    %swap3A_237 = arith.constant 112 : index
    %swap3A_238 = tpu.vector_load %arg11[%swap3A_236, %swap3A_237] {strides = array<i32>} : memref<16x128xf32, #tpu.memory_space<vmem>>, vector<16xf32>,
    tpu.vector_store %arg11[%swap3A_236, %swap3A_237], %broadcast_in_dim3A_234 {strides = array<i32>} : memref<16x128xf32, #tpu.memory_space<vmem>>, vector<16xf32>,
    %broadcast_in_dim3A_239 = arith.constant 0.000000e+00 : f32
    %broadcast_in_dim3A_240 = vector.broadcast %broadcast_in_dim3A_239 : f32 to vector<16xf32>
    %swap3A_241 = arith.constant 5 : i32
    %swap3A_242 = arith.index_cast %swap3A_241 : i32 to index
    %swap3A_243 = arith.constant 0 : index
    %swap3A_244 = tpu.vector_load %arg11[%swap3A_242, %swap3A_243] {strides = array<i32>} : memref<16x128xf32, #tpu.memory_space<vmem>>, vector<16xf32>,
    tpu.vector_store %arg11[%swap3A_242, %swap3A_243], %broadcast_in_dim3A_240 {strides = array<i32>} : memref<16x128xf32, #tpu.memory_space<vmem>>, vector<16xf32>,
    %broadcast_in_dim3A_245 = arith.constant 0.000000e+00 : f32
    %broadcast_in_dim3A_246 = vector.broadcast %broadcast_in_dim3A_245 : f32 to vector<16xf32>
    %swap3A_247 = arith.constant 5 : i32
    %swap3A_248 = arith.index_cast %swap3A_247 : i32 to index
    %swap3A_249 = arith.constant 16 : index
    %swap3A_250 = tpu.vector_load %arg11[%swap3A_248, %swap3A_249] {strides = array<i32>} : memref<16x128xf32, #tpu.memory_space<vmem>>, vector<16xf32>,
    tpu.vector_store %arg11[%swap3A_248, %swap3A_249], %broadcast_in_dim3A_246 {strides = array<i32>} : memref<16x128xf32, #tpu.memory_space<vmem>>, vector<16xf32>,
    %broadcast_in_dim3A_251 = arith.constant 0.000000e+00 : f32
    %broadcast_in_dim3A_252 = vector.broadcast %broadcast_in_dim3A_251 : f32 to vector<16xf32>
    %swap3A_253 = arith.constant 5 : i32
    %swap3A_254 = arith.index_cast %swap3A_253 : i32 to index
    %swap3A_255 = arith.constant 32 : index
    %swap3A_256 = tpu.vector_load %arg11[%swap3A_254, %swap3A_255] {strides = array<i32>} : memref<16x128xf32, #tpu.memory_space<vmem>>, vector<16xf32>,
    tpu.vector_store %arg11[%swap3A_254, %swap3A_255], %broadcast_in_dim3A_252 {strides = array<i32>} : memref<16x128xf32, #tpu.memory_space<vmem>>, vector<16xf32>,
    %broadcast_in_dim3A_257 = arith.constant 0.000000e+00 : f32
    %broadcast_in_dim3A_258 = vector.broadcast %broadcast_in_dim3A_257 : f32 to vector<16xf32>
    %swap3A_259 = arith.constant 5 : i32
    %swap3A_260 = arith.index_cast %swap3A_259 : i32 to index
    %swap3A_261 = arith.constant 48 : index
    %swap3A_262 = tpu.vector_load %arg11[%swap3A_260, %swap3A_261] {strides = array<i32>} : memref<16x128xf32, #tpu.memory_space<vmem>>, vector<16xf32>,
    tpu.vector_store %arg11[%swap3A_260, %swap3A_261], %broadcast_in_dim3A_258 {strides = array<i32>} : memref<16x128xf32, #tpu.memory_space<vmem>>, vector<16xf32>,
    %broadcast_in_dim3A_263 = arith.constant 0.000000e+00 : f32
    %broadcast_in_dim3A_264 = vector.broadcast %broadcast_in_dim3A_263 : f32 to vector<16xf32>
    %swap3A_265 = arith.constant 5 : i32
    %swap3A_266 = arith.index_cast %swap3A_265 : i32 to index
    %swap3A_267 = arith.constant 64 : index
    %swap3A_268 = tpu.vector_load %arg11[%swap3A_266, %swap3A_267] {strides = array<i32>} : memref<16x128xf32, #tpu.memory_space<vmem>>, vector<16xf32>,
    tpu.vector_store %arg11[%swap3A_266, %swap3A_267], %broadcast_in_dim3A_264 {strides = array<i32>} : memref<16x128xf32, #tpu.memory_space<vmem>>, vector<16xf32>,
    %broadcast_in_dim3A_269 = arith.constant 0.000000e+00 : f32
    %broadcast_in_dim3A_270 = vector.broadcast %broadcast_in_dim3A_269 : f32 to vector<16xf32>
    %swap3A_271 = arith.constant 5 : i32
    %swap3A_272 = arith.index_cast %swap3A_271 : i32 to index
    %swap3A_273 = arith.constant 80 : index
    %swap3A_274 = tpu.vector_load %arg11[%swap3A_272, %swap3A_273] {strides = array<i32>} : memref<16x128xf32, #tpu.memory_space<vmem>>, vector<16xf32>,
    tpu.vector_store %arg11[%swap3A_272, %swap3A_273], %broadcast_in_dim3A_270 {strides = array<i32>} : memref<16x128xf32, #tpu.memory_space<vmem>>, vector<16xf32>,
    %broadcast_in_dim3A_275 = arith.constant 0.000000e+00 : f32
    %broadcast_in_dim3A_276 = vector.broadcast %broadcast_in_dim3A_275 : f32 to vector<16xf32>
    %swap3A_277 = arith.constant 5 : i32
    %swap3A_278 = arith.index_cast %swap3A_277 : i32 to index
    %swap3A_279 = arith.constant 96 : index
    %swap3A_280 = tpu.vector_load %arg11[%swap3A_278, %swap3A_279] {strides = array<i32>} : memref<16x128xf32, #tpu.memory_space<vmem>>, vector<16xf32>,
    tpu.vector_store %arg11[%swap3A_278, %swap3A_279], %broadcast_in_dim3A_276 {strides = array<i32>} : memref<16x128xf32, #tpu.memory_space<vmem>>, vector<16xf32>,
    %broadcast_in_dim3A_281 = arith.constant 0.000000e+00 : f32
    %broadcast_in_dim3A_282 = vector.broadcast %broadcast_in_dim3A_281 : f32 to vector<16xf32>
    %swap3A_283 = arith.constant 5 : i32
    %swap3A_284 = arith.index_cast %swap3A_283 : i32 to index
    %swap3A_285 = arith.constant 112 : index
    %swap3A_286 = tpu.vector_load %arg11[%swap3A_284, %swap3A_285] {strides = array<i32>} : memref<16x128xf32, #tpu.memory_space<vmem>>, vector<16xf32>,
    tpu.vector_store %arg11[%swap3A_284, %swap3A_285], %broadcast_in_dim3A_282 {strides = array<i32>} : memref<16x128xf32, #tpu.memory_space<vmem>>, vector<16xf32>,
    %broadcast_in_dim3A_287 = arith.constant 0.000000e+00 : f32
    %broadcast_in_dim3A_288 = vector.broadcast %broadcast_in_dim3A_287 : f32 to vector<16xf32>
    %swap3A_289 = arith.constant 6 : i32
    %swap3A_290 = arith.index_cast %swap3A_289 : i32 to index
    %swap3A_291 = arith.constant 0 : index
    %swap3A_292 = tpu.vector_load %arg11[%swap3A_290, %swap3A_291] {strides = array<i32>} : memref<16x128xf32, #tpu.memory_space<vmem>>, vector<16xf32>,
    tpu.vector_store %arg11[%swap3A_290, %swap3A_291], %broadcast_in_dim3A_288 {strides = array<i32>} : memref<16x128xf32, #tpu.memory_space<vmem>>, vector<16xf32>,
    %broadcast_in_dim3A_293 = arith.constant 0.000000e+00 : f32
    %broadcast_in_dim3A_294 = vector.broadcast %broadcast_in_dim3A_293 : f32 to vector<16xf32>
    %swap3A_295 = arith.constant 6 : i32
    %swap3A_296 = arith.index_cast %swap3A_295 : i32 to index
    %swap3A_297 = arith.constant 16 : index
    %swap3A_298 = tpu.vector_load %arg11[%swap3A_296, %swap3A_297] {strides = array<i32>} : memref<16x128xf32, #tpu.memory_space<vmem>>, vector<16xf32>,
    tpu.vector_store %arg11[%swap3A_296, %swap3A_297], %broadcast_in_dim3A_294 {strides = array<i32>} : memref<16x128xf32, #tpu.memory_space<vmem>>, vector<16xf32>,
    %broadcast_in_dim3A_299 = arith.constant 0.000000e+00 : f32
    %broadcast_in_dim3A_300 = vector.broadcast %broadcast_in_dim3A_299 : f32 to vector<16xf32>
    %swap3A_301 = arith.constant 6 : i32
    %swap3A_302 = arith.index_cast %swap3A_301 : i32 to index
    %swap3A_303 = arith.constant 32 : index
    %swap3A_304 = tpu.vector_load %arg11[%swap3A_302, %swap3A_303] {strides = array<i32>} : memref<16x128xf32, #tpu.memory_space<vmem>>, vector<16xf32>,
    tpu.vector_store %arg11[%swap3A_302, %swap3A_303], %broadcast_in_dim3A_300 {strides = array<i32>} : memref<16x128xf32, #tpu.memory_space<vmem>>, vector<16xf32>,
    %broadcast_in_dim3A_305 = arith.constant 0.000000e+00 : f32
    %broadcast_in_dim3A_306 = vector.broadcast %broadcast_in_dim3A_305 : f32 to vector<16xf32>
    %swap3A_307 = arith.constant 6 : i32
    %swap3A_308 = arith.index_cast %swap3A_307 : i32 to index
    %swap3A_309 = arith.constant 48 : index
    %swap3A_310 = tpu.vector_load %arg11[%swap3A_308, %swap3A_309] {strides = array<i32>} : memref<16x128xf32, #tpu.memory_space<vmem>>, vector<16xf32>,
    tpu.vector_store %arg11[%swap3A_308, %swap3A_309], %broadcast_in_dim3A_306 {strides = array<i32>} : memref<16x128xf32, #tpu.memory_space<vmem>>, vector<16xf32>,
    %broadcast_in_dim3A_311 = arith.constant 0.000000e+00 : f32
    %broadcast_in_dim3A_312 = vector.broadcast %broadcast_in_dim3A_311 : f32 to vector<16xf32>
    %swap3A_313 = arith.constant 6 : i32
    %swap3A_314 = arith.index_cast %swap3A_313 : i32 to index
    %swap3A_315 = arith.constant 64 : index
    %swap3A_316 = tpu.vector_load %arg11[%swap3A_314, %swap3A_315] {strides = array<i32>} : memref<16x128xf32, #tpu.memory_space<vmem>>, vector<16xf32>,
    tpu.vector_store %arg11[%swap3A_314, %swap3A_315], %broadcast_in_dim3A_312 {strides = array<i32>} : memref<16x128xf32, #tpu.memory_space<vmem>>, vector<16xf32>,
    %broadcast_in_dim3A_317 = arith.constant 0.000000e+00 : f32
    %broadcast_in_dim3A_318 = vector.broadcast %broadcast_in_dim3A_317 : f32 to vector<16xf32>
    %swap3A_319 = arith.constant 6 : i32
    %swap3A_320 = arith.index_cast %swap3A_319 : i32 to index
    %swap3A_321 = arith.constant 80 : index
    %swap3A_322 = tpu.vector_load %arg11[%swap3A_320, %swap3A_321] {strides = array<i32>} : memref<16x128xf32, #tpu.memory_space<vmem>>, vector<16xf32>,
    tpu.vector_store %arg11[%swap3A_320, %swap3A_321], %broadcast_in_dim3A_318 {strides = array<i32>} : memref<16x128xf32, #tpu.memory_space<vmem>>, vector<16xf32>,
    %broadcast_in_dim3A_323 = arith.constant 0.000000e+00 : f32
    %broadcast_in_dim3A_324 = vector.broadcast %broadcast_in_dim3A_323 : f32 to vector<16xf32>
    %swap3A_325 = arith.constant 6 : i32
    %swap3A_326 = arith.index_cast %swap3A_325 : i32 to index
    %swap3A_327 = arith.constant 96 : index
    %swap3A_328 = tpu.vector_load %arg11[%swap3A_326, %swap3A_327] {strides = array<i32>} : memref<16x128xf32, #tpu.memory_space<vmem>>, vector<16xf32>,
    tpu.vector_store %arg11[%swap3A_326, %swap3A_327], %broadcast_in_dim3A_324 {strides = array<i32>} : memref<16x128xf32, #tpu.memory_space<vmem>>, vector<16xf32>,
    %broadcast_in_dim3A_329 = arith.constant 0.000000e+00 : f32
    %broadcast_in_dim3A_330 = vector.broadcast %broadcast_in_dim3A_329 : f32 to vector<16xf32>
    %swap3A_331 = arith.constant 6 : i32
    %swap3A_332 = arith.index_cast %swap3A_331 : i32 to index
    %swap3A_333 = arith.constant 112 : index
    %swap3A_334 = tpu.vector_load %arg11[%swap3A_332, %swap3A_333] {strides = array<i32>} : memref<16x128xf32, #tpu.memory_space<vmem>>, vector<16xf32>,
    tpu.vector_store %arg11[%swap3A_332, %swap3A_333], %broadcast_in_dim3A_330 {strides = array<i32>} : memref<16x128xf32, #tpu.memory_space<vmem>>, vector<16xf32>,
    %broadcast_in_dim3A_335 = arith.constant 0.000000e+00 : f32
    %broadcast_in_dim3A_336 = vector.broadcast %broadcast_in_dim3A_335 : f32 to vector<16xf32>
    %swap3A_337 = arith.constant 7 : i32
    %swap3A_338 = arith.index_cast %swap3A_337 : i32 to index
    %swap3A_339 = arith.constant 0 : index
    %swap3A_340 = tpu.vector_load %arg11[%swap3A_338, %swap3A_339] {strides = array<i32>} : memref<16x128xf32, #tpu.memory_space<vmem>>, vector<16xf32>,
    tpu.vector_store %arg11[%swap3A_338, %swap3A_339], %broadcast_in_dim3A_336 {strides = array<i32>} : memref<16x128xf32, #tpu.memory_space<vmem>>, vector<16xf32>,
    %broadcast_in_dim3A_341 = arith.constant 0.000000e+00 : f32
    %broadcast_in_dim3A_342 = vector.broadcast %broadcast_in_dim3A_341 : f32 to vector<16xf32>
    %swap3A_343 = arith.constant 7 : i32
    %swap3A_344 = arith.index_cast %swap3A_343 : i32 to index
    %swap3A_345 = arith.constant 16 : index
    %swap3A_346 = tpu.vector_load %arg11[%swap3A_344, %swap3A_345] {strides = array<i32>} : memref<16x128xf32, #tpu.memory_space<vmem>>, vector<16xf32>,
    tpu.vector_store %arg11[%swap3A_344, %swap3A_345], %broadcast_in_dim3A_342 {strides = array<i32>} : memref<16x128xf32, #tpu.memory_space<vmem>>, vector<16xf32>,
    %broadcast_in_dim3A_347 = arith.constant 0.000000e+00 : f32
    %broadcast_in_dim3A_348 = vector.broadcast %broadcast_in_dim3A_347 : f32 to vector<16xf32>
    %swap3A_349 = arith.constant 7 : i32
    %swap3A_350 = arith.index_cast %swap3A_349 : i32 to index
    %swap3A_351 = arith.constant 32 : index
    %swap3A_352 = tpu.vector_load %arg11[%swap3A_350, %swap3A_351] {strides = array<i32>} : memref<16x128xf32, #tpu.memory_space<vmem>>, vector<16xf32>,
    tpu.vector_store %arg11[%swap3A_350, %swap3A_351], %broadcast_in_dim3A_348 {strides = array<i32>} : memref<16x128xf32, #tpu.memory_space<vmem>>, vector<16xf32>,
    %broadcast_in_dim3A_353 = arith.constant 0.000000e+00 : f32
    %broadcast_in_dim3A_354 = vector.broadcast %broadcast_in_dim3A_353 : f32 to vector<16xf32>
    %swap3A_355 = arith.constant 7 : i32
    %swap3A_356 = arith.index_cast %swap3A_355 : i32 to index
    %swap3A_357 = arith.constant 48 : index
    %swap3A_358 = tpu.vector_load %arg11[%swap3A_356, %swap3A_357] {strides = array<i32>} : memref<16x128xf32, #tpu.memory_space<vmem>>, vector<16xf32>,
    tpu.vector_store %arg11[%swap3A_356, %swap3A_357], %broadcast_in_dim3A_354 {strides = array<i32>} : memref<16x128xf32, #tpu.memory_space<vmem>>, vector<16xf32>,
    %broadcast_in_dim3A_359 = arith.constant 0.000000e+00 : f32
    %broadcast_in_dim3A_360 = vector.broadcast %broadcast_in_dim3A_359 : f32 to vector<16xf32>
    %swap3A_361 = arith.constant 7 : i32
    %swap3A_362 = arith.index_cast %swap3A_361 : i32 to index
    %swap3A_363 = arith.constant 64 : index
    %swap3A_364 = tpu.vector_load %arg11[%swap3A_362, %swap3A_363] {strides = array<i32>} : memref<16x128xf32, #tpu.memory_space<vmem>>, vector<16xf32>,
    tpu.vector_store %arg11[%swap3A_362, %swap3A_363], %broadcast_in_dim3A_360 {strides = array<i32>} : memref<16x128xf32, #tpu.memory_space<vmem>>, vector<16xf32>,
    %broadcast_in_dim3A_365 = arith.constant 0.000000e+00 : f32
    %broadcast_in_dim3A_366 = vector.broadcast %broadcast_in_dim3A_365 : f32 to vector<16xf32>
    %swap3A_367 = arith.constant 7 : i32
    %swap3A_368 = arith.index_cast %swap3A_367 : i32 to index
    %swap3A_369 = arith.constant 80 : index
    %swap3A_370 = tpu.vector_load %arg11[%swap3A_368, %swap3A_369] {strides = array<i32>} : memref<16x128xf32, #tpu.memory_space<vmem>>, vector<16xf32>,
    tpu.vector_store %arg11[%swap3A_368, %swap3A_369], %broadcast_in_dim3A_366 {strides = array<i32>} : memref<16x128xf32, #tpu.memory_space<vmem>>, vector<16xf32>,
    %broadcast_in_dim3A_371 = arith.constant 0.000000e+00 : f32
    %broadcast_in_dim3A_372 = vector.broadcast %broadcast_in_dim3A_371 : f32 to vector<16xf32>
    %swap3A_373 = arith.constant 7 : i32
    %swap3A_374 = arith.index_cast %swap3A_373 : i32 to index
    %swap3A_375 = arith.constant 96 : index
    %swap3A_376 = tpu.vector_load %arg11[%swap3A_374, %swap3A_375] {strides = array<i32>} : memref<16x128xf32, #tpu.memory_space<vmem>>, vector<16xf32>,
    tpu.vector_store %arg11[%swap3A_374, %swap3A_375], %broadcast_in_dim3A_372 {strides = array<i32>} : memref<16x128xf32, #tpu.memory_space<vmem>>, vector<16xf32>,
    %broadcast_in_dim3A_377 = arith.constant 0.000000e+00 : f32
    %broadcast_in_dim3A_378 = vector.broadcast %broadcast_in_dim3A_377 : f32 to vector<16xf32>
    %swap3A_379 = arith.constant 7 : i32
    %swap3A_380 = arith.index_cast %swap3A_379 : i32 to index
    %swap3A_381 = arith.constant 112 : index
    %swap3A_382 = tpu.vector_load %arg11[%swap3A_380, %swap3A_381] {strides = array<i32>} : memref<16x128xf32, #tpu.memory_space<vmem>>, vector<16xf32>,
    tpu.vector_store %arg11[%swap3A_380, %swap3A_381], %broadcast_in_dim3A_378 {strides = array<i32>} : memref<16x128xf32, #tpu.memory_space<vmem>>, vector<16xf32>,
    %broadcast_in_dim3A_383 = arith.constant 0.000000e+00 : f32
    %broadcast_in_dim3A_384 = vector.broadcast %broadcast_in_dim3A_383 : f32 to vector<16xf32>
    %swap3A_385 = arith.constant 8 : i32
    %swap3A_386 = arith.index_cast %swap3A_385 : i32 to index
    %swap3A_387 = arith.constant 0 : index
    %swap3A_388 = tpu.vector_load %arg11[%swap3A_386, %swap3A_387] {strides = array<i32>} : memref<16x128xf32, #tpu.memory_space<vmem>>, vector<16xf32>,
    tpu.vector_store %arg11[%swap3A_386, %swap3A_387], %broadcast_in_dim3A_384 {strides = array<i32>} : memref<16x128xf32, #tpu.memory_space<vmem>>, vector<16xf32>,
    %broadcast_in_dim3A_389 = arith.constant 0.000000e+00 : f32
    %broadcast_in_dim3A_390 = vector.broadcast %broadcast_in_dim3A_389 : f32 to vector<16xf32>
    %swap3A_391 = arith.constant 8 : i32
    %swap3A_392 = arith.index_cast %swap3A_391 : i32 to index
    %swap3A_393 = arith.constant 16 : index
    %swap3A_394 = tpu.vector_load %arg11[%swap3A_392, %swap3A_393] {strides = array<i32>} : memref<16x128xf32, #tpu.memory_space<vmem>>, vector<16xf32>,
    tpu.vector_store %arg11[%swap3A_392, %swap3A_393], %broadcast_in_dim3A_390 {strides = array<i32>} : memref<16x128xf32, #tpu.memory_space<vmem>>, vector<16xf32>,
    %broadcast_in_dim3A_395 = arith.constant 0.000000e+00 : f32
    %broadcast_in_dim3A_396 = vector.broadcast %broadcast_in_dim3A_395 : f32 to vector<16xf32>
    %swap3A_397 = arith.constant 8 : i32
    %swap3A_398 = arith.index_cast %swap3A_397 : i32 to index
    %swap3A_399 = arith.constant 32 : index
    %swap3A_400 = tpu.vector_load %arg11[%swap3A_398, %swap3A_399] {strides = array<i32>} : memref<16x128xf32, #tpu.memory_space<vmem>>, vector<16xf32>,
    tpu.vector_store %arg11[%swap3A_398, %swap3A_399], %broadcast_in_dim3A_396 {strides = array<i32>} : memref<16x128xf32, #tpu.memory_space<vmem>>, vector<16xf32>,
    %broadcast_in_dim3A_401 = arith.constant 0.000000e+00 : f32
    %broadcast_in_dim3A_402 = vector.broadcast %broadcast_in_dim3A_401 : f32 to vector<16xf32>
    %swap3A_403 = arith.constant 8 : i32
    %swap3A_404 = arith.index_cast %swap3A_403 : i32 to index
    %swap3A_405 = arith.constant 48 : index
    %swap3A_406 = tpu.vector_load %arg11[%swap3A_404, %swap3A_405] {strides = array<i32>} : memref<16x128xf32, #tpu.memory_space<vmem>>, vector<16xf32>,
    tpu.vector_store %arg11[%swap3A_404, %swap3A_405], %broadcast_in_dim3A_402 {strides = array<i32>} : memref<16x128xf32, #tpu.memory_space<vmem>>, vector<16xf32>,
    %broadcast_in_dim3A_407 = arith.constant 0.000000e+00 : f32
    %broadcast_in_dim3A_408 = vector.broadcast %broadcast_in_dim3A_407 : f32 to vector<16xf32>
    %swap3A_409 = arith.constant 8 : i32
    %swap3A_410 = arith.index_cast %swap3A_409 : i32 to index
    %swap3A_411 = arith.constant 64 : index
    %swap3A_412 = tpu.vector_load %arg11[%swap3A_410, %swap3A_411] {strides = array<i32>} : memref<16x128xf32, #tpu.memory_space<vmem>>, vector<16xf32>,
    tpu.vector_store %arg11[%swap3A_410, %swap3A_411], %broadcast_in_dim3A_408 {strides = array<i32>} : memref<16x128xf32, #tpu.memory_space<vmem>>, vector<16xf32>,
    %broadcast_in_dim3A_413 = arith.constant 0.000000e+00 : f32
    %broadcast_in_dim3A_414 = vector.broadcast %broadcast_in_dim3A_413 : f32 to vector<16xf32>
    %swap3A_415 = arith.constant 8 : i32
    %swap3A_416 = arith.index_cast %swap3A_415 : i32 to index
    %swap3A_417 = arith.constant 80 : index
    %swap3A_418 = tpu.vector_load %arg11[%swap3A_416, %swap3A_417] {strides = array<i32>} : memref<16x128xf32, #tpu.memory_space<vmem>>, vector<16xf32>,
    tpu.vector_store %arg11[%swap3A_416, %swap3A_417], %broadcast_in_dim3A_414 {strides = array<i32>} : memref<16x128xf32, #tpu.memory_space<vmem>>, vector<16xf32>,
    %broadcast_in_dim3A_419 = arith.constant 0.000000e+00 : f32
    %broadcast_in_dim3A_420 = vector.broadcast %broadcast_in_dim3A_419 : f32 to vector<16xf32>
    %swap3A_421 = arith.constant 8 : i32
    %swap3A_422 = arith.index_cast %swap3A_421 : i32 to index
    %swap3A_423 = arith.constant 96 : index
    %swap3A_424 = tpu.vector_load %arg11[%swap3A_422, %swap3A_423] {strides = array<i32>} : memref<16x128xf32, #tpu.memory_space<vmem>>, vector<16xf32>,
    tpu.vector_store %arg11[%swap3A_422, %swap3A_423], %broadcast_in_dim3A_420 {strides = array<i32>} : memref<16x128xf32, #tpu.memory_space<vmem>>, vector<16xf32>,
    %broadcast_in_dim3A_425 = arith.constant 0.000000e+00 : f32
    %broadcast_in_dim3A_426 = vector.broadcast %broadcast_in_dim3A_425 : f32 to vector<16xf32>
    %swap3A_427 = arith.constant 8 : i32
    %swap3A_428 = arith.index_cast %swap3A_427 : i32 to index
    %swap3A_429 = arith.constant 112 : index
    %swap3A_430 = tpu.vector_load %arg11[%swap3A_428, %swap3A_429] {strides = array<i32>} : memref<16x128xf32, #tpu.memory_space<vmem>>, vector<16xf32>,
    tpu.vector_store %arg11[%swap3A_428, %swap3A_429], %broadcast_in_dim3A_426 {strides = array<i32>} : memref<16x128xf32, #tpu.memory_space<vmem>>, vector<16xf32>,
    %broadcast_in_dim3A_431 = arith.constant 0.000000e+00 : f32
    %broadcast_in_dim3A_432 = vector.broadcast %broadcast_in_dim3A_431 : f32 to vector<16xf32>
    %swap3A_433 = arith.constant 9 : i32
    %swap3A_434 = arith.index_cast %swap3A_433 : i32 to index
    %swap3A_435 = arith.constant 0 : index
    %swap3A_436 = tpu.vector_load %arg11[%swap3A_434, %swap3A_435] {strides = array<i32>} : memref<16x128xf32, #tpu.memory_space<vmem>>, vector<16xf32>,
    tpu.vector_store %arg11[%swap3A_434, %swap3A_435], %broadcast_in_dim3A_432 {strides = array<i32>} : memref<16x128xf32, #tpu.memory_space<vmem>>, vector<16xf32>,
    %broadcast_in_dim3A_437 = arith.constant 0.000000e+00 : f32
    %broadcast_in_dim3A_438 = vector.broadcast %broadcast_in_dim3A_437 : f32 to vector<16xf32>
    %swap3A_439 = arith.constant 9 : i32
    %swap3A_440 = arith.index_cast %swap3A_439 : i32 to index
    %swap3A_441 = arith.constant 16 : index
    %swap3A_442 = tpu.vector_load %arg11[%swap3A_440, %swap3A_441] {strides = array<i32>} : memref<16x128xf32, #tpu.memory_space<vmem>>, vector<16xf32>,
    tpu.vector_store %arg11[%swap3A_440, %swap3A_441], %broadcast_in_dim3A_438 {strides = array<i32>} : memref<16x128xf32, #tpu.memory_space<vmem>>, vector<16xf32>,
    %broadcast_in_dim3A_443 = arith.constant 0.000000e+00 : f32
    %broadcast_in_dim3A_444 = vector.broadcast %broadcast_in_dim3A_443 : f32 to vector<16xf32>
    %swap3A_445 = arith.constant 9 : i32
    %swap3A_446 = arith.index_cast %swap3A_445 : i32 to index
    %swap3A_447 = arith.constant 32 : index
    %swap3A_448 = tpu.vector_load %arg11[%swap3A_446, %swap3A_447] {strides = array<i32>} : memref<16x128xf32, #tpu.memory_space<vmem>>, vector<16xf32>,
    tpu.vector_store %arg11[%swap3A_446, %swap3A_447], %broadcast_in_dim3A_444 {strides = array<i32>} : memref<16x128xf32, #tpu.memory_space<vmem>>, vector<16xf32>,
    %broadcast_in_dim3A_449 = arith.constant 0.000000e+00 : f32
    %broadcast_in_dim3A_450 = vector.broadcast %broadcast_in_dim3A_449 : f32 to vector<16xf32>
    %swap3A_451 = arith.constant 9 : i32
    %swap3A_452 = arith.index_cast %swap3A_451 : i32 to index
    %swap3A_453 = arith.constant 48 : index
    %swap3A_454 = tpu.vector_load %arg11[%swap3A_452, %swap3A_453] {strides = array<i32>} : memref<16x128xf32, #tpu.memory_space<vmem>>, vector<16xf32>,
    tpu.vector_store %arg11[%swap3A_452, %swap3A_453], %broadcast_in_dim3A_450 {strides = array<i32>} : memref<16x128xf32, #tpu.memory_space<vmem>>, vector<16xf32>,
    %broadcast_in_dim3A_455 = arith.constant 0.000000e+00 : f32
    %broadcast_in_dim3A_456 = vector.broadcast %broadcast_in_dim3A_455 : f32 to vector<16xf32>
    %swap3A_457 = arith.constant 9 : i32
    %swap3A_458 = arith.index_cast %swap3A_457 : i32 to index
    %swap3A_459 = arith.constant 64 : index
    %swap3A_460 = tpu.vector_load %arg11[%swap3A_458, %swap3A_459] {strides = array<i32>} : memref<16x128xf32, #tpu.memory_space<vmem>>, vector<16xf32>,
    tpu.vector_store %arg11[%swap3A_458, %swap3A_459], %broadcast_in_dim3A_456 {strides = array<i32>} : memref<16x128xf32, #tpu.memory_space<vmem>>, vector<16xf32>,
    %broadcast_in_dim3A_461 = arith.constant 0.000000e+00 : f32
    %broadcast_in_dim3A_462 = vector.broadcast %broadcast_in_dim3A_461 : f32 to vector<16xf32>
    %swap3A_463 = arith.constant 9 : i32
    %swap3A_464 = arith.index_cast %swap3A_463 : i32 to index
    %swap3A_465 = arith.constant 80 : index
    %swap3A_466 = tpu.vector_load %arg11[%swap3A_464, %swap3A_465] {strides = array<i32>} : memref<16x128xf32, #tpu.memory_space<vmem>>, vector<16xf32>,
    tpu.vector_store %arg11[%swap3A_464, %swap3A_465], %broadcast_in_dim3A_462 {strides = array<i32>} : memref<16x128xf32, #tpu.memory_space<vmem>>, vector<16xf32>,
    %broadcast_in_dim3A_467 = arith.constant 0.000000e+00 : f32
    %broadcast_in_dim3A_468 = vector.broadcast %broadcast_in_dim3A_467 : f32 to vector<16xf32>
    %swap3A_469 = arith.constant 9 : i32
    %swap3A_470 = arith.index_cast %swap3A_469 : i32 to index
    %swap3A_471 = arith.constant 96 : index
    %swap3A_472 = tpu.vector_load %arg11[%swap3A_470, %swap3A_471] {strides = array<i32>} : memref<16x128xf32, #tpu.memory_space<vmem>>, vector<16xf32>,
    tpu.vector_store %arg11[%swap3A_470, %swap3A_471], %broadcast_in_dim3A_468 {strides = array<i32>} : memref<16x128xf32, #tpu.memory_space<vmem>>, vector<16xf32>,
    %broadcast_in_dim3A_473 = arith.constant 0.000000e+00 : f32
    %broadcast_in_dim3A_474 = vector.broadcast %broadcast_in_dim3A_473 : f32 to vector<16xf32>
    %swap3A_475 = arith.constant 9 : i32
    %swap3A_476 = arith.index_cast %swap3A_475 : i32 to index
    %swap3A_477 = arith.constant 112 : index
    %swap3A_478 = tpu.vector_load %arg11[%swap3A_476, %swap3A_477] {strides = array<i32>} : memref<16x128xf32, #tpu.memory_space<vmem>>, vector<16xf32>,
    tpu.vector_store %arg11[%swap3A_476, %swap3A_477], %broadcast_in_dim3A_474 {strides = array<i32>} : memref<16x128xf32, #tpu.memory_space<vmem>>, vector<16xf32>,
    %broadcast_in_dim3A_479 = arith.constant 0.000000e+00 : f32
    %broadcast_in_dim3A_480 = vector.broadcast %broadcast_in_dim3A_479 : f32 to vector<16xf32>
    %swap3A_481 = arith.constant 10 : i32
    %swap3A_482 = arith.index_cast %swap3A_481 : i32 to index
    %swap3A_483 = arith.constant 0 : index
    %swap3A_484 = tpu.vector_load %arg11[%swap3A_482, %swap3A_483] {strides = array<i32>} : memref<16x128xf32, #tpu.memory_space<vmem>>, vector<16xf32>,
    tpu.vector_store %arg11[%swap3A_482, %swap3A_483], %broadcast_in_dim3A_480 {strides = array<i32>} : memref<16x128xf32, #tpu.memory_space<vmem>>, vector<16xf32>,
    %broadcast_in_dim3A_485 = arith.constant 0.000000e+00 : f32
    %broadcast_in_dim3A_486 = vector.broadcast %broadcast_in_dim3A_485 : f32 to vector<16xf32>
    %swap3A_487 = arith.constant 10 : i32
    %swap3A_488 = arith.index_cast %swap3A_487 : i32 to index
    %swap3A_489 = arith.constant 16 : index
    %swap3A_490 = tpu.vector_load %arg11[%swap3A_488, %swap3A_489] {strides = array<i32>} : memref<16x128xf32, #tpu.memory_space<vmem>>, vector<16xf32>,
    tpu.vector_store %arg11[%swap3A_488, %swap3A_489], %broadcast_in_dim3A_486 {strides = array<i32>} : memref<16x128xf32, #tpu.memory_space<vmem>>, vector<16xf32>,
    %broadcast_in_dim3A_491 = arith.constant 0.000000e+00 : f32
    %broadcast_in_dim3A_492 = vector.broadcast %broadcast_in_dim3A_491 : f32 to vector<16xf32>
    %swap3A_493 = arith.constant 10 : i32
    %swap3A_494 = arith.index_cast %swap3A_493 : i32 to index
    %swap3A_495 = arith.constant 32 : index
    %swap3A_496 = tpu.vector_load %arg11[%swap3A_494, %swap3A_495] {strides = array<i32>} : memref<16x128xf32, #tpu.memory_space<vmem>>, vector<16xf32>,
    tpu.vector_store %arg11[%swap3A_494, %swap3A_495], %broadcast_in_dim3A_492 {strides = array<i32>} : memref<16x128xf32, #tpu.memory_space<vmem>>, vector<16xf32>,
    %broadcast_in_dim3A_497 = arith.constant 0.000000e+00 : f32
    %broadcast_in_dim3A_498 = vector.broadcast %broadcast_in_dim3A_497 : f32 to vector<16xf32>
    %swap3A_499 = arith.constant 10 : i32
    %swap3A_500 = arith.index_cast %swap3A_499 : i32 to index
    %swap3A_501 = arith.constant 48 : index
    %swap3A_502 = tpu.vector_load %arg11[%swap3A_500, %swap3A_501] {strides = array<i32>} : memref<16x128xf32, #tpu.memory_space<vmem>>, vector<16xf32>,
    tpu.vector_store %arg11[%swap3A_500, %swap3A_501], %broadcast_in_dim3A_498 {strides = array<i32>} : memref<16x128xf32, #tpu.memory_space<vmem>>, vector<16xf32>,
    %broadcast_in_dim3A_503 = arith.constant 0.000000e+00 : f32
    %broadcast_in_dim3A_504 = vector.broadcast %broadcast_in_dim3A_503 : f32 to vector<16xf32>
    %swap3A_505 = arith.constant 10 : i32
    %swap3A_506 = arith.index_cast %swap3A_505 : i32 to index
    %swap3A_507 = arith.constant 64 : index
    %swap3A_508 = tpu.vector_load %arg11[%swap3A_506, %swap3A_507] {strides = array<i32>} : memref<16x128xf32, #tpu.memory_space<vmem>>, vector<16xf32>,
    tpu.vector_store %arg11[%swap3A_506, %swap3A_507], %broadcast_in_dim3A_504 {strides = array<i32>} : memref<16x128xf32, #tpu.memory_space<vmem>>, vector<16xf32>,
    %broadcast_in_dim3A_509 = arith.constant 0.000000e+00 : f32
    %broadcast_in_dim3A_510 = vector.broadcast %broadcast_in_dim3A_509 : f32 to vector<16xf32>
    %swap3A_511 = arith.constant 10 : i32
    %swap3A_512 = arith.index_cast %swap3A_511 : i32 to index
    %swap3A_513 = arith.constant 80 : index
    %swap3A_514 = tpu.vector_load %arg11[%swap3A_512, %swap3A_513] {strides = array<i32>} : memref<16x128xf32, #tpu.memory_space<vmem>>, vector<16xf32>,
    tpu.vector_store %arg11[%swap3A_512, %swap3A_513], %broadcast_in_dim3A_510 {strides = array<i32>} : memref<16x128xf32, #tpu.memory_space<vmem>>, vector<16xf32>,
    %broadcast_in_dim3A_515 = arith.constant 0.000000e+00 : f32
    %broadcast_in_dim3A_516 = vector.broadcast %broadcast_in_dim3A_515 : f32 to vector<16xf32>
    %swap3A_517 = arith.constant 10 : i32
    %swap3A_518 = arith.index_cast %swap3A_517 : i32 to index
    %swap3A_519 = arith.constant 96 : index
    %swap3A_520 = tpu.vector_load %arg11[%swap3A_518, %swap3A_519] {strides = array<i32>} : memref<16x128xf32, #tpu.memory_space<vmem>>, vector<16xf32>,
    tpu.vector_store %arg11[%swap3A_518, %swap3A_519], %broadcast_in_dim3A_516 {strides = array<i32>} : memref<16x128xf32, #tpu.memory_space<vmem>>, vector<16xf32>,
    %broadcast_in_dim3A_521 = arith.constant 0.000000e+00 : f32
    %broadcast_in_dim3A_522 = vector.broadcast %broadcast_in_dim3A_521 : f32 to vector<16xf32>
    %swap3A_523 = arith.constant 10 : i32
    %swap3A_524 = arith.index_cast %swap3A_523 : i32 to index
    %swap3A_525 = arith.constant 112 : index
    %swap3A_526 = tpu.vector_load %arg11[%swap3A_524, %swap3A_525] {strides = array<i32>} : memref<16x128xf32, #tpu.memory_space<vmem>>, vector<16xf32>,
    tpu.vector_store %arg11[%swap3A_524, %swap3A_525], %broadcast_in_dim3A_522 {strides = array<i32>} : memref<16x128xf32, #tpu.memory_space<vmem>>, vector<16xf32>,
    %broadcast_in_dim3A_527 = arith.constant 0.000000e+00 : f32
    %broadcast_in_dim3A_528 = vector.broadcast %broadcast_in_dim3A_527 : f32 to vector<16xf32>
    %swap3A_529 = arith.constant 11 : i32
    %swap3A_530 = arith.index_cast %swap3A_529 : i32 to index
    %swap3A_531 = arith.constant 0 : index
    %swap3A_532 = tpu.vector_load %arg11[%swap3A_530, %swap3A_531] {strides = array<i32>} : memref<16x128xf32, #tpu.memory_space<vmem>>, vector<16xf32>,
    tpu.vector_store %arg11[%swap3A_530, %swap3A_531], %broadcast_in_dim3A_528 {strides = array<i32>} : memref<16x128xf32, #tpu.memory_space<vmem>>, vector<16xf32>,
    %broadcast_in_dim3A_533 = arith.constant 0.000000e+00 : f32
    %broadcast_in_dim3A_534 = vector.broadcast %broadcast_in_dim3A_533 : f32 to vector<16xf32>
    %swap3A_535 = arith.constant 11 : i32
    %swap3A_536 = arith.index_cast %swap3A_535 : i32 to index
    %swap3A_537 = arith.constant 16 : index
    %swap3A_538 = tpu.vector_load %arg11[%swap3A_536, %swap3A_537] {strides = array<i32>} : memref<16x128xf32, #tpu.memory_space<vmem>>, vector<16xf32>,
    tpu.vector_store %arg11[%swap3A_536, %swap3A_537], %broadcast_in_dim3A_534 {strides = array<i32>} : memref<16x128xf32, #tpu.memory_space<vmem>>, vector<16xf32>,
    %broadcast_in_dim3A_539 = arith.constant 0.000000e+00 : f32
    %broadcast_in_dim3A_540 = vector.broadcast %broadcast_in_dim3A_539 : f32 to vector<16xf32>
    %swap3A_541 = arith.constant 11 : i32
    %swap3A_542 = arith.index_cast %swap3A_541 : i32 to index
    %swap3A_543 = arith.constant 32 : index
    %swap3A_544 = tpu.vector_load %arg11[%swap3A_542, %swap3A_543] {strides = array<i32>} : memref<16x128xf32, #tpu.memory_space<vmem>>, vector<16xf32>,
    tpu.vector_store %arg11[%swap3A_542, %swap3A_543], %broadcast_in_dim3A_540 {strides = array<i32>} : memref<16x128xf32, #tpu.memory_space<vmem>>, vector<16xf32>,
    %broadcast_in_dim3A_545 = arith.constant 0.000000e+00 : f32
    %broadcast_in_dim3A_546 = vector.broadcast %broadcast_in_dim3A_545 : f32 to vector<16xf32>
    %swap3A_547 = arith.constant 11 : i32
    %swap3A_548 = arith.index_cast %swap3A_547 : i32 to index
    %swap3A_549 = arith.constant 48 : index
    %swap3A_550 = tpu.vector_load %arg11[%swap3A_548, %swap3A_549] {strides = array<i32>} : memref<16x128xf32, #tpu.memory_space<vmem>>, vector<16xf32>,
    tpu.vector_store %arg11[%swap3A_548, %swap3A_549], %broadcast_in_dim3A_546 {strides = array<i32>} : memref<16x128xf32, #tpu.memory_space<vmem>>, vector<16xf32>,
    %broadcast_in_dim3A_551 = arith.constant 0.000000e+00 : f32
    %broadcast_in_dim3A_552 = vector.broadcast %broadcast_in_dim3A_551 : f32 to vector<16xf32>
    %swap3A_553 = arith.constant 11 : i32
    %swap3A_554 = arith.index_cast %swap3A_553 : i32 to index
    %swap3A_555 = arith.constant 64 : index
    %swap3A_556 = tpu.vector_load %arg11[%swap3A_554, %swap3A_555] {strides = array<i32>} : memref<16x128xf32, #tpu.memory_space<vmem>>, vector<16xf32>,
    tpu.vector_store %arg11[%swap3A_554, %swap3A_555], %broadcast_in_dim3A_552 {strides = array<i32>} : memref<16x128xf32, #tpu.memory_space<vmem>>, vector<16xf32>,
    %broadcast_in_dim3A_557 = arith.constant 0.000000e+00 : f32
    %broadcast_in_dim3A_558 = vector.broadcast %broadcast_in_dim3A_557 : f32 to vector<16xf32>
    %swap3A_559 = arith.constant 11 : i32
    %swap3A_560 = arith.index_cast %swap3A_559 : i32 to index
    %swap3A_561 = arith.constant 80 : index
    %swap3A_562 = tpu.vector_load %arg11[%swap3A_560, %swap3A_561] {strides = array<i32>} : memref<16x128xf32, #tpu.memory_space<vmem>>, vector<16xf32>,
    tpu.vector_store %arg11[%swap3A_560, %swap3A_561], %broadcast_in_dim3A_558 {strides = array<i32>} : memref<16x128xf32, #tpu.memory_space<vmem>>, vector<16xf32>,
    %broadcast_in_dim3A_563 = arith.constant 0.000000e+00 : f32
    %broadcast_in_dim3A_564 = vector.broadcast %broadcast_in_dim3A_563 : f32 to vector<16xf32>
    %swap3A_565 = arith.constant 11 : i32
    %swap3A_566 = arith.index_cast %swap3A_565 : i32 to index
    %swap3A_567 = arith.constant 96 : index
    %swap3A_568 = tpu.vector_load %arg11[%swap3A_566, %swap3A_567] {strides = array<i32>} : memref<16x128xf32, #tpu.memory_space<vmem>>, vector<16xf32>,
    tpu.vector_store %arg11[%swap3A_566, %swap3A_567], %broadcast_in_dim3A_564 {strides = array<i32>} : memref<16x128xf32, #tpu.memory_space<vmem>>, vector<16xf32>,
    %broadcast_in_dim3A_569 = arith.constant 0.000000e+00 : f32
    %broadcast_in_dim3A_570 = vector.broadcast %broadcast_in_dim3A_569 : f32 to vector<16xf32>
    %swap3A_571 = arith.constant 11 : i32
    %swap3A_572 = arith.index_cast %swap3A_571 : i32 to index
    %swap3A_573 = arith.constant 112 : index
    %swap3A_574 = tpu.vector_load %arg11[%swap3A_572, %swap3A_573] {strides = array<i32>} : memref<16x128xf32, #tpu.memory_space<vmem>>, vector<16xf32>,
    tpu.vector_store %arg11[%swap3A_572, %swap3A_573], %broadcast_in_dim3A_570 {strides = array<i32>} : memref<16x128xf32, #tpu.memory_space<vmem>>, vector<16xf32>,
    %broadcast_in_dim3A_575 = arith.constant 0.000000e+00 : f32
    %broadcast_in_dim3A_576 = vector.broadcast %broadcast_in_dim3A_575 : f32 to vector<16xf32>
    %swap3A_577 = arith.constant 12 : i32
    %swap3A_578 = arith.index_cast %swap3A_577 : i32 to index
    %swap3A_579 = arith.constant 0 : index
    %swap3A_580 = tpu.vector_load %arg11[%swap3A_578, %swap3A_579] {strides = array<i32>} : memref<16x128xf32, #tpu.memory_space<vmem>>, vector<16xf32>,
    tpu.vector_store %arg11[%swap3A_578, %swap3A_579], %broadcast_in_dim3A_576 {strides = array<i32>} : memref<16x128xf32, #tpu.memory_space<vmem>>, vector<16xf32>,
    %broadcast_in_dim3A_581 = arith.constant 0.000000e+00 : f32
    %broadcast_in_dim3A_582 = vector.broadcast %broadcast_in_dim3A_581 : f32 to vector<16xf32>
    %swap3A_583 = arith.constant 12 : i32
    %swap3A_584 = arith.index_cast %swap3A_583 : i32 to index
    %swap3A_585 = arith.constant 16 : index
    %swap3A_586 = tpu.vector_load %arg11[%swap3A_584, %swap3A_585] {strides = array<i32>} : memref<16x128xf32, #tpu.memory_space<vmem>>, vector<16xf32>,
    tpu.vector_store %arg11[%swap3A_584, %swap3A_585], %broadcast_in_dim3A_582 {strides = array<i32>} : memref<16x128xf32, #tpu.memory_space<vmem>>, vector<16xf32>,
    %broadcast_in_dim3A_587 = arith.constant 0.000000e+00 : f32
    %broadcast_in_dim3A_588 = vector.broadcast %broadcast_in_dim3A_587 : f32 to vector<16xf32>
    %swap3A_589 = arith.constant 12 : i32
    %swap3A_590 = arith.index_cast %swap3A_589 : i32 to index
    %swap3A_591 = arith.constant 32 : index
    %swap3A_592 = tpu.vector_load %arg11[%swap3A_590, %swap3A_591] {strides = array<i32>} : memref<16x128xf32, #tpu.memory_space<vmem>>, vector<16xf32>,
    tpu.vector_store %arg11[%swap3A_590, %swap3A_591], %broadcast_in_dim3A_588 {strides = array<i32>} : memref<16x128xf32, #tpu.memory_space<vmem>>, vector<16xf32>,
    %broadcast_in_dim3A_593 = arith.constant 0.000000e+00 : f32
    %broadcast_in_dim3A_594 = vector.broadcast %broadcast_in_dim3A_593 : f32 to vector<16xf32>
    %swap3A_595 = arith.constant 12 : i32
    %swap3A_596 = arith.index_cast %swap3A_595 : i32 to index
    %swap3A_597 = arith.constant 48 : index
    %swap3A_598 = tpu.vector_load %arg11[%swap3A_596, %swap3A_597] {strides = array<i32>} : memref<16x128xf32, #tpu.memory_space<vmem>>, vector<16xf32>,
    tpu.vector_store %arg11[%swap3A_596, %swap3A_597], %broadcast_in_dim3A_594 {strides = array<i32>} : memref<16x128xf32, #tpu.memory_space<vmem>>, vector<16xf32>,
    %broadcast_in_dim3A_599 = arith.constant 0.000000e+00 : f32
    %broadcast_in_dim3A_600 = vector.broadcast %broadcast_in_dim3A_599 : f32 to vector<16xf32>
    %swap3A_601 = arith.constant 12 : i32
    %swap3A_602 = arith.index_cast %swap3A_601 : i32 to index
    %swap3A_603 = arith.constant 64 : index
    %swap3A_604 = tpu.vector_load %arg11[%swap3A_602, %swap3A_603] {strides = array<i32>} : memref<16x128xf32, #tpu.memory_space<vmem>>, vector<16xf32>,
    tpu.vector_store %arg11[%swap3A_602, %swap3A_603], %broadcast_in_dim3A_600 {strides = array<i32>} : memref<16x128xf32, #tpu.memory_space<vmem>>, vector<16xf32>,
    %broadcast_in_dim3A_605 = arith.constant 0.000000e+00 : f32
    %broadcast_in_dim3A_606 = vector.broadcast %broadcast_in_dim3A_605 : f32 to vector<16xf32>
    %swap3A_607 = arith.constant 12 : i32
    %swap3A_608 = arith.index_cast %swap3A_607 : i32 to index
    %swap3A_609 = arith.constant 80 : index
    %swap3A_610 = tpu.vector_load %arg11[%swap3A_608, %swap3A_609] {strides = array<i32>} : memref<16x128xf32, #tpu.memory_space<vmem>>, vector<16xf32>,
    tpu.vector_store %arg11[%swap3A_608, %swap3A_609], %broadcast_in_dim3A_606 {strides = array<i32>} : memref<16x128xf32, #tpu.memory_space<vmem>>, vector<16xf32>,
    %broadcast_in_dim3A_611 = arith.constant 0.000000e+00 : f32
    %broadcast_in_dim3A_612 = vector.broadcast %broadcast_in_dim3A_611 : f32 to vector<16xf32>
    %swap3A_613 = arith.constant 12 : i32
    %swap3A_614 = arith.index_cast %swap3A_613 : i32 to index
    %swap3A_615 = arith.constant 96 : index
    %swap3A_616 = tpu.vector_load %arg11[%swap3A_614, %swap3A_615] {strides = array<i32>} : memref<16x128xf32, #tpu.memory_space<vmem>>, vector<16xf32>,
    tpu.vector_store %arg11[%swap3A_614, %swap3A_615], %broadcast_in_dim3A_612 {strides = array<i32>} : memref<16x128xf32, #tpu.memory_space<vmem>>, vector<16xf32>,
    %broadcast_in_dim3A_617 = arith.constant 0.000000e+00 : f32
    %broadcast_in_dim3A_618 = vector.broadcast %broadcast_in_dim3A_617 : f32 to vector<16xf32>
    %swap3A_619 = arith.constant 12 : i32
    %swap3A_620 = arith.index_cast %swap3A_619 : i32 to index
    %swap3A_621 = arith.constant 112 : index
    %swap3A_622 = tpu.vector_load %arg11[%swap3A_620, %swap3A_621] {strides = array<i32>} : memref<16x128xf32, #tpu.memory_space<vmem>>, vector<16xf32>,
    tpu.vector_store %arg11[%swap3A_620, %swap3A_621], %broadcast_in_dim3A_618 {strides = array<i32>} : memref<16x128xf32, #tpu.memory_space<vmem>>, vector<16xf32>,
    %broadcast_in_dim3A_623 = arith.constant 0.000000e+00 : f32
    %broadcast_in_dim3A_624 = vector.broadcast %broadcast_in_dim3A_623 : f32 to vector<16xf32>
    %swap3A_625 = arith.constant 13 : i32
    %swap3A_626 = arith.index_cast %swap3A_625 : i32 to index
    %swap3A_627 = arith.constant 0 : index
    %swap3A_628 = tpu.vector_load %arg11[%swap3A_626, %swap3A_627] {strides = array<i32>} : memref<16x128xf32, #tpu.memory_space<vmem>>, vector<16xf32>,
    tpu.vector_store %arg11[%swap3A_626, %swap3A_627], %broadcast_in_dim3A_624 {strides = array<i32>} : memref<16x128xf32, #tpu.memory_space<vmem>>, vector<16xf32>,
    %broadcast_in_dim3A_629 = arith.constant 0.000000e+00 : f32
    %broadcast_in_dim3A_630 = vector.broadcast %broadcast_in_dim3A_629 : f32 to vector<16xf32>
    %swap3A_631 = arith.constant 13 : i32
    %swap3A_632 = arith.index_cast %swap3A_631 : i32 to index
    %swap3A_633 = arith.constant 16 : index
    %swap3A_634 = tpu.vector_load %arg11[%swap3A_632, %swap3A_633] {strides = array<i32>} : memref<16x128xf32, #tpu.memory_space<vmem>>, vector<16xf32>,
    tpu.vector_store %arg11[%swap3A_632, %swap3A_633], %broadcast_in_dim3A_630 {strides = array<i32>} : memref<16x128xf32, #tpu.memory_space<vmem>>, vector<16xf32>,
    %broadcast_in_dim3A_635 = arith.constant 0.000000e+00 : f32
    %broadcast_in_dim3A_636 = vector.broadcast %broadcast_in_dim3A_635 : f32 to vector<16xf32>
    %swap3A_637 = arith.constant 13 : i32
    %swap3A_638 = arith.index_cast %swap3A_637 : i32 to index
    %swap3A_639 = arith.constant 32 : index
    %swap3A_640 = tpu.vector_load %arg11[%swap3A_638, %swap3A_639] {strides = array<i32>} : memref<16x128xf32, #tpu.memory_space<vmem>>, vector<16xf32>,
    tpu.vector_store %arg11[%swap3A_638, %swap3A_639], %broadcast_in_dim3A_636 {strides = array<i32>} : memref<16x128xf32, #tpu.memory_space<vmem>>, vector<16xf32>,
    %broadcast_in_dim3A_641 = arith.constant 0.000000e+00 : f32
    %broadcast_in_dim3A_642 = vector.broadcast %broadcast_in_dim3A_641 : f32 to vector<16xf32>
    %swap3A_643 = arith.constant 13 : i32
    %swap3A_644 = arith.index_cast %swap3A_643 : i32 to index
    %swap3A_645 = arith.constant 48 : index
    %swap3A_646 = tpu.vector_load %arg11[%swap3A_644, %swap3A_645] {strides = array<i32>} : memref<16x128xf32, #tpu.memory_space<vmem>>, vector<16xf32>,
    tpu.vector_store %arg11[%swap3A_644, %swap3A_645], %broadcast_in_dim3A_642 {strides = array<i32>} : memref<16x128xf32, #tpu.memory_space<vmem>>, vector<16xf32>,
    %broadcast_in_dim3A_647 = arith.constant 0.000000e+00 : f32
    %broadcast_in_dim3A_648 = vector.broadcast %broadcast_in_dim3A_647 : f32 to vector<16xf32>
    %swap3A_649 = arith.constant 13 : i32
    %swap3A_650 = arith.index_cast %swap3A_649 : i32 to index
    %swap3A_651 = arith.constant 64 : index
    %swap3A_652 = tpu.vector_load %arg11[%swap3A_650, %swap3A_651] {strides = array<i32>} : memref<16x128xf32, #tpu.memory_space<vmem>>, vector<16xf32>,
    tpu.vector_store %arg11[%swap3A_650, %swap3A_651], %broadcast_in_dim3A_648 {strides = array<i32>} : memref<16x128xf32, #tpu.memory_space<vmem>>, vector<16xf32>,
    %broadcast_in_dim3A_653 = arith.constant 0.000000e+00 : f32
    %broadcast_in_dim3A_654 = vector.broadcast %broadcast_in_dim3A_653 : f32 to vector<16xf32>
    %swap3A_655 = arith.constant 13 : i32
    %swap3A_656 = arith.index_cast %swap3A_655 : i32 to index
    %swap3A_657 = arith.constant 80 : index
    %swap3A_658 = tpu.vector_load %arg11[%swap3A_656, %swap3A_657] {strides = array<i32>} : memref<16x128xf32, #tpu.memory_space<vmem>>, vector<16xf32>,
    tpu.vector_store %arg11[%swap3A_656, %swap3A_657], %broadcast_in_dim3A_654 {strides = array<i32>} : memref<16x128xf32, #tpu.memory_space<vmem>>, vector<16xf32>,
    %broadcast_in_dim3A_659 = arith.constant 0.000000e+00 : f32
    %broadcast_in_dim3A_660 = vector.broadcast %broadcast_in_dim3A_659 : f32 to vector<16xf32>
    %swap3A_661 = arith.constant 13 : i32
    %swap3A_662 = arith.index_cast %swap3A_661 : i32 to index
    %swap3A_663 = arith.constant 96 : index
    %swap3A_664 = tpu.vector_load %arg11[%swap3A_662, %swap3A_663] {strides = array<i32>} : memref<16x128xf32, #tpu.memory_space<vmem>>, vector<16xf32>,
    tpu.vector_store %arg11[%swap3A_662, %swap3A_663], %broadcast_in_dim3A_660 {strides = array<i32>} : memref<16x128xf32, #tpu.memory_space<vmem>>, vector<16xf32>,
    %broadcast_in_dim3A_665 = arith.constant 0.000000e+00 : f32
    %broadcast_in_dim3A_666 = vector.broadcast %broadcast_in_dim3A_665 : f32 to vector<16xf32>
    %swap3A_667 = arith.constant 13 : i32
    %swap3A_668 = arith.index_cast %swap3A_667 : i32 to index
    %swap3A_669 = arith.constant 112 : index
    %swap3A_670 = tpu.vector_load %arg11[%swap3A_668, %swap3A_669] {strides = array<i32>} : memref<16x128xf32, #tpu.memory_space<vmem>>, vector<16xf32>,
    tpu.vector_store %arg11[%swap3A_668, %swap3A_669], %broadcast_in_dim3A_666 {strides = array<i32>} : memref<16x128xf32, #tpu.memory_space<vmem>>, vector<16xf32>,
    %broadcast_in_dim3A_671 = arith.constant 0.000000e+00 : f32
    %broadcast_in_dim3A_672 = vector.broadcast %broadcast_in_dim3A_671 : f32 to vector<16xf32>
    %swap3A_673 = arith.constant 14 : i32
    %swap3A_674 = arith.index_cast %swap3A_673 : i32 to index
    %swap3A_675 = arith.constant 0 : index
    %swap3A_676 = tpu.vector_load %arg11[%swap3A_674, %swap3A_675] {strides = array<i32>} : memref<16x128xf32, #tpu.memory_space<vmem>>, vector<16xf32>,
    tpu.vector_store %arg11[%swap3A_674, %swap3A_675], %broadcast_in_dim3A_672 {strides = array<i32>} : memref<16x128xf32, #tpu.memory_space<vmem>>, vector<16xf32>,
    %broadcast_in_dim3A_677 = arith.constant 0.000000e+00 : f32
    %broadcast_in_dim3A_678 = vector.broadcast %broadcast_in_dim3A_677 : f32 to vector<16xf32>
    %swap3A_679 = arith.constant 14 : i32
    %swap3A_680 = arith.index_cast %swap3A_679 : i32 to index
    %swap3A_681 = arith.constant 16 : index
    %swap3A_682 = tpu.vector_load %arg11[%swap3A_680, %swap3A_681] {strides = array<i32>} : memref<16x128xf32, #tpu.memory_space<vmem>>, vector<16xf32>,
    tpu.vector_store %arg11[%swap3A_680, %swap3A_681], %broadcast_in_dim3A_678 {strides = array<i32>} : memref<16x128xf32, #tpu.memory_space<vmem>>, vector<16xf32>,
    %broadcast_in_dim3A_683 = arith.constant 0.000000e+00 : f32
    %broadcast_in_dim3A_684 = vector.broadcast %broadcast_in_dim3A_683 : f32 to vector<16xf32>
    %swap3A_685 = arith.constant 14 : i32
    %swap3A_686 = arith.index_cast %swap3A_685 : i32 to index
    %swap3A_687 = arith.constant 32 : index
    %swap3A_688 = tpu.vector_load %arg11[%swap3A_686, %swap3A_687] {strides = array<i32>} : memref<16x128xf32, #tpu.memory_space<vmem>>, vector<16xf32>,
    tpu.vector_store %arg11[%swap3A_686, %swap3A_687], %broadcast_in_dim3A_684 {strides = array<i32>} : memref<16x128xf32, #tpu.memory_space<vmem>>, vector<16xf32>,
    %broadcast_in_dim3A_689 = arith.constant 0.000000e+00 : f32
    %broadcast_in_dim3A_690 = vector.broadcast %broadcast_in_dim3A_689 : f32 to vector<16xf32>
    %swap3A_691 = arith.constant 14 : i32
    %swap3A_692 = arith.index_cast %swap3A_691 : i32 to index
    %swap3A_693 = arith.constant 48 : index
    %swap3A_694 = tpu.vector_load %arg11[%swap3A_692, %swap3A_693] {strides = array<i32>} : memref<16x128xf32, #tpu.memory_space<vmem>>, vector<16xf32>,
    tpu.vector_store %arg11[%swap3A_692, %swap3A_693], %broadcast_in_dim3A_690 {strides = array<i32>} : memref<16x128xf32, #tpu.memory_space<vmem>>, vector<16xf32>,
    %broadcast_in_dim3A_695 = arith.constant 0.000000e+00 : f32
    %broadcast_in_dim3A_696 = vector.broadcast %broadcast_in_dim3A_695 : f32 to vector<16xf32>
    %swap3A_697 = arith.constant 14 : i32
    %swap3A_698 = arith.index_cast %swap3A_697 : i32 to index
    %swap3A_699 = arith.constant 64 : index
    %swap3A_700 = tpu.vector_load %arg11[%swap3A_698, %swap3A_699] {strides = array<i32>} : memref<16x128xf32, #tpu.memory_space<vmem>>, vector<16xf32>,
    tpu.vector_store %arg11[%swap3A_698, %swap3A_699], %broadcast_in_dim3A_696 {strides = array<i32>} : memref<16x128xf32, #tpu.memory_space<vmem>>, vector<16xf32>,
    %broadcast_in_dim3A_701 = arith.constant 0.000000e+00 : f32
    %broadcast_in_dim3A_702 = vector.broadcast %broadcast_in_dim3A_701 : f32 to vector<16xf32>
    %swap3A_703 = arith.constant 14 : i32
    %swap3A_704 = arith.index_cast %swap3A_703 : i32 to index
    %swap3A_705 = arith.constant 80 : index
    %swap3A_706 = tpu.vector_load %arg11[%swap3A_704, %swap3A_705] {strides = array<i32>} : memref<16x128xf32, #tpu.memory_space<vmem>>, vector<16xf32>,
    tpu.vector_store %arg11[%swap3A_704, %swap3A_705], %broadcast_in_dim3A_702 {strides = array<i32>} : memref<16x128xf32, #tpu.memory_space<vmem>>, vector<16xf32>,
    %broadcast_in_dim3A_707 = arith.constant 0.000000e+00 : f32
    %broadcast_in_dim3A_708 = vector.broadcast %broadcast_in_dim3A_707 : f32 to vector<16xf32>
    %swap3A_709 = arith.constant 14 : i32
    %swap3A_710 = arith.index_cast %swap3A_709 : i32 to index
    %swap3A_711 = arith.constant 96 : index
    %swap3A_712 = tpu.vector_load %arg11[%swap3A_710, %swap3A_711] {strides = array<i32>} : memref<16x128xf32, #tpu.memory_space<vmem>>, vector<16xf32>,
    tpu.vector_store %arg11[%swap3A_710, %swap3A_711], %broadcast_in_dim3A_708 {strides = array<i32>} : memref<16x128xf32, #tpu.memory_space<vmem>>, vector<16xf32>,
    %broadcast_in_dim3A_713 = arith.constant 0.000000e+00 : f32
    %broadcast_in_dim3A_714 = vector.broadcast %broadcast_in_dim3A_713 : f32 to vector<16xf32>
    %swap3A_715 = arith.constant 14 : i32
    %swap3A_716 = arith.index_cast %swap3A_715 : i32 to index
    %swap3A_717 = arith.constant 112 : index
    %swap3A_718 = tpu.vector_load %arg11[%swap3A_716, %swap3A_717] {strides = array<i32>} : memref<16x128xf32, #tpu.memory_space<vmem>>, vector<16xf32>,
    tpu.vector_store %arg11[%swap3A_716, %swap3A_717], %broadcast_in_dim3A_714 {strides = array<i32>} : memref<16x128xf32, #tpu.memory_space<vmem>>, vector<16xf32>,
    %broadcast_in_dim3A_719 = arith.constant 0.000000e+00 : f32
    %broadcast_in_dim3A_720 = vector.broadcast %broadcast_in_dim3A_719 : f32 to vector<16xf32>
    %swap3A_721 = arith.constant 15 : i32
    %swap3A_722 = arith.index_cast %swap3A_721 : i32 to index
    %swap3A_723 = arith.constant 0 : index
    %swap3A_724 = tpu.vector_load %arg11[%swap3A_722, %swap3A_723] {strides = array<i32>} : memref<16x128xf32, #tpu.memory_space<vmem>>, vector<16xf32>,
    tpu.vector_store %arg11[%swap3A_722, %swap3A_723], %broadcast_in_dim3A_720 {strides = array<i32>} : memref<16x128xf32, #tpu.memory_space<vmem>>, vector<16xf32>,
    %broadcast_in_dim3A_725 = arith.constant 0.000000e+00 : f32
    %broadcast_in_dim3A_726 = vector.broadcast %broadcast_in_dim3A_725 : f32 to vector<16xf32>
    %swap3A_727 = arith.constant 15 : i32
    %swap3A_728 = arith.index_cast %swap3A_727 : i32 to index
    %swap3A_729 = arith.constant 16 : index
    %swap3A_730 = tpu.vector_load %arg11[%swap3A_728, %swap3A_729] {strides = array<i32>} : memref<16x128xf32, #tpu.memory_space<vmem>>, vector<16xf32>,
    tpu.vector_store %arg11[%swap3A_728, %swap3A_729], %broadcast_in_dim3A_726 {strides = array<i32>} : memref<16x128xf32, #tpu.memory_space<vmem>>, vector<16xf32>,
    %broadcast_in_dim3A_731 = arith.constant 0.000000e+00 : f32
    %broadcast_in_dim3A_732 = vector.broadcast %broadcast_in_dim3A_731 : f32 to vector<16xf32>
    %swap3A_733 = arith.constant 15 : i32
    %swap3A_734 = arith.index_cast %swap3A_733 : i32 to index
    %swap3A_735 = arith.constant 32 : index
    %swap3A_736 = tpu.vector_load %arg11[%swap3A_734, %swap3A_735] {strides = array<i32>} : memref<16x128xf32, #tpu.memory_space<vmem>>, vector<16xf32>,
    tpu.vector_store %arg11[%swap3A_734, %swap3A_735], %broadcast_in_dim3A_732 {strides = array<i32>} : memref<16x128xf32, #tpu.memory_space<vmem>>, vector<16xf32>,
    %broadcast_in_dim3A_737 = arith.constant 0.000000e+00 : f32
    %broadcast_in_dim3A_738 = vector.broadcast %broadcast_in_dim3A_737 : f32 to vector<16xf32>
    %swap3A_739 = arith.constant 15 : i32
    %swap3A_740 = arith.index_cast %swap3A_739 : i32 to index
    %swap3A_741 = arith.constant 48 : index
    %swap3A_742 = tpu.vector_load %arg11[%swap3A_740, %swap3A_741] {strides = array<i32>} : memref<16x128xf32, #tpu.memory_space<vmem>>, vector<16xf32>,
    tpu.vector_store %arg11[%swap3A_740, %swap3A_741], %broadcast_in_dim3A_738 {strides = array<i32>} : memref<16x128xf32, #tpu.memory_space<vmem>>, vector<16xf32>,
    %broadcast_in_dim3A_743 = arith.constant 0.000000e+00 : f32
    %broadcast_in_dim3A_744 = vector.broadcast %broadcast_in_dim3A_743 : f32 to vector<16xf32>
    %swap3A_745 = arith.constant 15 : i32
    %swap3A_746 = arith.index_cast %swap3A_745 : i32 to index
    %swap3A_747 = arith.constant 64 : index
    %swap3A_748 = tpu.vector_load %arg11[%swap3A_746, %swap3A_747] {strides = array<i32>} : memref<16x128xf32, #tpu.memory_space<vmem>>, vector<16xf32>,
    tpu.vector_store %arg11[%swap3A_746, %swap3A_747], %broadcast_in_dim3A_744 {strides = array<i32>} : memref<16x128xf32, #tpu.memory_space<vmem>>, vector<16xf32>,
    %broadcast_in_dim3A_749 = arith.constant 0.000000e+00 : f32
    %broadcast_in_dim3A_750 = vector.broadcast %broadcast_in_dim3A_749 : f32 to vector<16xf32>
    %swap3A_751 = arith.constant 15 : i32
    %swap3A_752 = arith.index_cast %swap3A_751 : i32 to index
    %swap3A_753 = arith.constant 80 : index
    %swap3A_754 = tpu.vector_load %arg11[%swap3A_752, %swap3A_753] {strides = array<i32>} : memref<16x128xf32, #tpu.memory_space<vmem>>, vector<16xf32>,
    tpu.vector_store %arg11[%swap3A_752, %swap3A_753], %broadcast_in_dim3A_750 {strides = array<i32>} : memref<16x128xf32, #tpu.memory_space<vmem>>, vector<16xf32>,
    %broadcast_in_dim3A_755 = arith.constant 0.000000e+00 : f32
    %broadcast_in_dim3A_756 = vector.broadcast %broadcast_in_dim3A_755 : f32 to vector<16xf32>
    %swap3A_757 = arith.constant 15 : i32
    %swap3A_758 = arith.index_cast %swap3A_757 : i32 to index
    %swap3A_759 = arith.constant 96 : index
    %swap3A_760 = tpu.vector_load %arg11[%swap3A_758, %swap3A_759] {strides = array<i32>} : memref<16x128xf32, #tpu.memory_space<vmem>>, vector<16xf32>,
    tpu.vector_store %arg11[%swap3A_758, %swap3A_759], %broadcast_in_dim3A_756 {strides = array<i32>} : memref<16x128xf32, #tpu.memory_space<vmem>>, vector<16xf32>,
    %broadcast_in_dim3A_761 = arith.constant 0.000000e+00 : f32
    %broadcast_in_dim3A_762 = vector.broadcast %broadcast_in_dim3A_761 : f32 to vector<16xf32>
    %swap3A_763 = arith.constant 15 : i32
    %swap3A_764 = arith.index_cast %swap3A_763 : i32 to index
    %swap3A_765 = arith.constant 112 : index
    %swap3A_766 = tpu.vector_load %arg11[%swap3A_764, %swap3A_765] {strides = array<i32>} : memref<16x128xf32, #tpu.memory_space<vmem>>, vector<16xf32>,
    tpu.vector_store %arg11[%swap3A_764, %swap3A_765], %broadcast_in_dim3A_762 {strides = array<i32>} : memref<16x128xf32, #tpu.memory_space<vmem>>, vector<16xf32>,
    %mul3A_767 = arith.constant 632 : i32
    %mul3A_768 = arith.muli %arg1, %mul3A_767 : i32
    %scan3A = arith.constant 0 : i32
    %scan3A_769 = arith.constant 0 : i32
    %scan3A_770 = arith.constant 39 : i32
    %scan3A_771 = arith.addi %scan3A_769, %scan3A_770 : i32
    %scan3A_772 = arith.constant 1 : i32
    %scan3A_773 = scf.for %scan3A_836 = %scan3A_769 to %scan3A_771 step %scan3A_772 iter_args(%scan3A_837 = %scan3A) -> (i32)  : i32 {
      %mul3A_838 = arith.constant 16 : i32
      %mul3A_839 = arith.muli %scan3A_836, %mul3A_838 : i32
      %add3A_840 = arith.addi %mul3A_768, %mul3A_839 : i32
      %dma_start3A_841 = arith.constant 0 : i32
      %dma_start3A_842 = tpu.memref_slice %arg12[%add3A_840, %dma_start3A_841] : memref<10112x128xf32, #tpu.memory_space<vmem_shared>> -> memref<16x128xf32, #tpu.memory_space<vmem_shared>>
      %dma_start3A_843 = arith.constant 0 : i32
      %dma_start3A_844 = tpu.memref_slice %arg12[%add3A_840, %dma_start3A_843] : memref<10112x128xf32, #tpu.memory_space<vmem_shared>> -> memref<16x128xf32, #tpu.memory_space<vmem_shared>>
      tpu.enqueue_dma source(%arg11 : memref<16x128xf32, #tpu.memory_space<vmem>>) target(%dma_start3A_844 : memref<16x128xf32, #tpu.memory_space<vmem_shared>>) target_semaphore(%arg16 : memref<!tpu.dma_semaphore, #tpu.memory_space<semaphore_mem>>)
      %scan3A_845 = arith.constant 0 : i32
      scf.yield %scan3A_845 : i32
    }
    %scan3A_774 = arith.constant 39 : i32
    %add3A_775 = arith.constant 624 : i32
    %add3A_776 = arith.addi %mul3A_768, %add3A_775 : i32
    %dma_start3A = arith.constant 0 : i32
    %dma_start3A_777 = arith.constant 0 : i32
    %dma_start3A_778 = tpu.memref_slice %arg11[%dma_start3A, %dma_start3A_777] : memref<16x128xf32, #tpu.memory_space<vmem>> -> memref<8x128xf32, #tpu.memory_space<vmem>>
    %dma_start3A_779 = arith.constant 0 : i32
    %dma_start3A_780 = tpu.memref_slice %arg12[%add3A_776, %dma_start3A_779] : memref<10112x128xf32, #tpu.memory_space<vmem_shared>> -> memref<8x128xf32, #tpu.memory_space<vmem_shared>>
    %dma_start3A_781 = arith.constant 0 : i32
    %dma_start3A_782 = tpu.memref_slice %arg12[%add3A_776, %dma_start3A_781] : memref<10112x128xf32, #tpu.memory_space<vmem_shared>> -> memref<8x128xf32, #tpu.memory_space<vmem_shared>>
    %dma_start3A_783 = arith.constant 0 : i32
    %dma_start3A_784 = arith.constant 0 : i32
    %dma_start3A_785 = tpu.memref_slice %arg11[%dma_start3A_783, %dma_start3A_784] : memref<16x128xf32, #tpu.memory_space<vmem>> -> memref<8x128xf32, #tpu.memory_space<vmem>>
    tpu.enqueue_dma source(%dma_start3A_785 : memref<8x128xf32, #tpu.memory_space<vmem>>) target(%dma_start3A_782 : memref<8x128xf32, #tpu.memory_space<vmem_shared>>) target_semaphore(%arg16 : memref<!tpu.dma_semaphore, #tpu.memory_space<semaphore_mem>>)
    %scan3A_786 = arith.constant 0 : i32
    %scan3A_787 = arith.constant 0 : i32
    %scan3A_788 = arith.constant 39 : i32
    %scan3A_789 = arith.addi %scan3A_787, %scan3A_788 : i32
    %scan3A_790 = arith.constant 1 : i32
    %scan3A_791 = scf.for %scan3A_836 = %scan3A_787 to %scan3A_789 step %scan3A_790 iter_args(%scan3A_837 = %scan3A_786) -> (i32)  : i32 {
      %mul3A_838 = arith.constant 16 : i32
      %mul3A_839 = arith.muli %scan3A_836, %mul3A_838 : i32
      %add3A_840 = arith.addi %mul3A_768, %mul3A_839 : i32
      %dma_wait3A_841 = arith.constant 0 : i32
      %dma_wait3A_842 = tpu.memref_slice %arg12[%add3A_840, %dma_wait3A_841] : memref<10112x128xf32, #tpu.memory_space<vmem_shared>> -> memref<16x128xf32, #tpu.memory_space<vmem_shared>>
      %dma_wait3A_843 = arith.constant 0 : i32
      %dma_wait3A_844 = tpu.memref_slice %arg12[%add3A_840, %dma_wait3A_843] : memref<10112x128xf32, #tpu.memory_space<vmem_shared>> -> memref<16x128xf32, #tpu.memory_space<vmem_shared>>
      tpu.wait_dma2 semaphore(%arg16 : memref<!tpu.dma_semaphore, #tpu.memory_space<semaphore_mem>>) src(%arg11 : memref<16x128xf32, #tpu.memory_space<vmem>>) dst(%dma_wait3A_844 : memref<16x128xf32, #tpu.memory_space<vmem_shared>>)
      %scan3A_845 = arith.constant 0 : i32
      scf.yield %scan3A_845 : i32
    }
    %scan3A_792 = arith.constant 39 : i32
    %add3A_793 = arith.constant 624 : i32
    %add3A_794 = arith.addi %mul3A_768, %add3A_793 : i32
    %dma_wait3A = arith.constant 0 : i32
    %dma_wait3A_795 = arith.constant 0 : i32
    %dma_wait3A_796 = tpu.memref_slice %arg11[%dma_wait3A, %dma_wait3A_795] : memref<16x128xf32, #tpu.memory_space<vmem>> -> memref<8x128xf32, #tpu.memory_space<vmem>>
    %dma_wait3A_797 = arith.constant 0 : i32
    %dma_wait3A_798 = tpu.memref_slice %arg12[%add3A_794, %dma_wait3A_797] : memref<10112x128xf32, #tpu.memory_space<vmem_shared>> -> memref<8x128xf32, #tpu.memory_space<vmem_shared>>
    %dma_wait3A_799 = arith.constant 0 : i32
    %dma_wait3A_800 = tpu.memref_slice %arg12[%add3A_794, %dma_wait3A_799] : memref<10112x128xf32, #tpu.memory_space<vmem_shared>> -> memref<8x128xf32, #tpu.memory_space<vmem_shared>>
    %dma_wait3A_801 = arith.constant 0 : i32
    %dma_wait3A_802 = arith.constant 0 : i32
    %dma_wait3A_803 = tpu.memref_slice %arg11[%dma_wait3A_801, %dma_wait3A_802] : memref<16x128xf32, #tpu.memory_space<vmem>> -> memref<8x128xf32, #tpu.memory_space<vmem>>
    tpu.wait_dma2 semaphore(%arg16 : memref<!tpu.dma_semaphore, #tpu.memory_space<semaphore_mem>>) src(%dma_wait3A_803 : memref<8x128xf32, #tpu.memory_space<vmem>>) dst(%dma_wait3A_800 : memref<8x128xf32, #tpu.memory_space<vmem_shared>>)
    %barrier3A = arith.constant 0 : index
    tpu.barrier barrier_id(%barrier3A)
    %mul3A_804 = arith.constant 79 : i32
    %mul3A_805 = arith.muli %add3A, %mul3A_804 : i32
    %mul3A_806 = arith.constant 128 : i32
    %mul3A_807 = arith.muli %mul3A_805, %mul3A_806 : i32
    %broadcast_in_dim3A_808 = arith.constant 1.000000e+00 : f32
    %broadcast_in_dim3A_809 = vector.broadcast %broadcast_in_dim3A_808 : f32 to vector<16xf32>
    %add3A_810 = arith.constant 0 : i32
    %add3A_811 = arith.addi %mul3A_807, %add3A_810 : i32
    %dma_start3A_812 = tpu.memref_slice %arg3[%add3A_811] : memref<323584xi32, #tpu.memory_space<hbm>> -> memref<128xi32, #tpu.memory_space<hbm>>
    %dma_start3A_813 = tpu.memref_slice %arg3[%add3A_811] : memref<323584xi32, #tpu.memory_space<hbm>> -> memref<128xi32, #tpu.memory_space<hbm>>
    tpu.enqueue_dma source(%dma_start3A_813 : memref<128xi32, #tpu.memory_space<hbm>>) target(%arg6 : memref<128xi32, #tpu.memory_space<vmem>>) target_semaphore(%arg15 : memref<!tpu.dma_semaphore, #tpu.memory_space<semaphore_mem>>)
    %dma_wait3A_814 = arith.constant 0 : i32
    %dma_wait3A_815 = tpu.memref_slice %arg3[%dma_wait3A_814] : memref<323584xi32, #tpu.memory_space<hbm>> -> memref<128xi32, #tpu.memory_space<hbm>>
    %dma_wait3A_816 = arith.constant 0 : i32
    %dma_wait3A_817 = tpu.memref_slice %arg3[%dma_wait3A_816] : memref<323584xi32, #tpu.memory_space<hbm>> -> memref<128xi32, #tpu.memory_space<hbm>>
    tpu.wait_dma2 semaphore(%arg15 : memref<!tpu.dma_semaphore, #tpu.memory_space<semaphore_mem>>) src(%dma_wait3A_817 : memref<128xi32, #tpu.memory_space<hbm>>) dst(%arg6 : memref<128xi32, #tpu.memory_space<vmem>>)
    %dma_start3A_818 = arith.constant 0 : i32
    %dma_start3A_819 = arith.constant 0 : i32
    %dma_start3A_820 = tpu.memref_slice %arg2[%dma_start3A_818, %dma_start3A_819] : memref<10112x128xf32, #tpu.memory_space<hbm>> -> memref<10112x128xf32, #tpu.memory_space<hbm>>
    tpu.enqueue_indirect_dma source(%dma_start3A_820 : memref<10112x128xf32, #tpu.memory_space<hbm>>) target(%arg9 : memref<128x128xf32, #tpu.memory_space<vmem>>) offsets(%arg6 : memref<128xi32, #tpu.memory_space<vmem>>) semaphore(%arg13 : memref<!tpu.dma_semaphore, #tpu.memory_space<semaphore_mem>>)
    %add3A_821 = arith.constant 128 : i32
    %add3A_822 = arith.addi %mul3A_807, %add3A_821 : i32
    %dma_start3A_823 = tpu.memref_slice %arg3[%add3A_822] : memref<323584xi32, #tpu.memory_space<hbm>> -> memref<128xi32, #tpu.memory_space<hbm>>
    %dma_start3A_824 = tpu.memref_slice %arg3[%add3A_822] : memref<323584xi32, #tpu.memory_space<hbm>> -> memref<128xi32, #tpu.memory_space<hbm>>
    tpu.enqueue_dma source(%dma_start3A_824 : memref<128xi32, #tpu.memory_space<hbm>>) target(%arg7 : memref<128xi32, #tpu.memory_space<vmem>>) target_semaphore(%arg15 : memref<!tpu.dma_semaphore, #tpu.memory_space<semaphore_mem>>)
    %scan3A_825 = arith.constant 0 : i32
    %scan3A_826 = arith.constant 0 : i32
    %scan3A_827 = arith.constant 40 : i32
    %scan3A_828 = arith.addi %scan3A_826, %scan3A_827 : i32
    %scan3A_829 = arith.constant 1 : i32
    %scan3A_830 = scf.for %scan3A_836 = %scan3A_826 to %scan3A_828 step %scan3A_829 iter_args(%scan3A_837 = %scan3A_825) -> (i32)  : i32 {
      %mul3A_838 = arith.constant 2 : i32
      %mul3A_839 = arith.muli %mul3A_838, %scan3A_836 : i32
      %gt3A = arith.constant 0 : i32
      %gt3A_840 = arith.cmpi sgt, %mul3A_839, %gt3A : i32
      %convert_element_type3A = arith.extui %gt3A_840 : i1 to i32
      %cond3A = arith.constant 0 : i32
      %cond3A_841 = arith.cmpi ne, %convert_element_type3A, %cond3A : i32
      scf.if %cond3A_841 {
        %dma_wait3A_881 = arith.constant 0 : i32
        %dma_wait3A_882 = arith.constant 0 : i32
        %dma_wait3A_883 = tpu.memref_slice %arg12[%dma_wait3A_881, %dma_wait3A_882] : memref<10112x128xf32, #tpu.memory_space<vmem_shared>> -> memref<10112x128xf32, #tpu.memory_space<vmem_shared>>
        tpu.wait_indirect_dma semaphore(%arg17 : memref<!tpu.dma_semaphore, #tpu.memory_space<semaphore_mem>>) src(%arg10 : memref<128x128xf32, #tpu.memory_space<vmem>>) dst(%dma_wait3A_883 : memref<10112x128xf32, #tpu.memory_space<vmem_shared>>)
      } else {
      }
      %add3A_842 = arith.constant 1 : i32
      %add3A_843 = arith.addi %mul3A_839, %add3A_842 : i32
      %lt3A = arith.constant 79 : i32
      %lt3A_844 = arith.cmpi slt, %add3A_843, %lt3A : i32
      %convert_element_type3A_845 = arith.extui %lt3A_844 : i1 to i32
      %cond3A_846 = arith.constant 0 : i32
      %cond3A_847 = arith.cmpi ne, %convert_element_type3A_845, %cond3A_846 : i32
      scf.if %cond3A_847 {
        %dma_wait3A_881 = arith.constant 0 : i32
        %dma_wait3A_882 = tpu.memref_slice %arg3[%dma_wait3A_881] : memref<323584xi32, #tpu.memory_space<hbm>> -> memref<128xi32, #tpu.memory_space<hbm>>
        %dma_wait3A_883 = arith.constant 0 : i32
        %dma_wait3A_884 = tpu.memref_slice %arg3[%dma_wait3A_883] : memref<323584xi32, #tpu.memory_space<hbm>> -> memref<128xi32, #tpu.memory_space<hbm>>
        tpu.wait_dma2 semaphore(%arg15 : memref<!tpu.dma_semaphore, #tpu.memory_space<semaphore_mem>>) src(%dma_wait3A_884 : memref<128xi32, #tpu.memory_space<hbm>>) dst(%arg7 : memref<128xi32, #tpu.memory_space<vmem>>)
        %dma_start3A_885 = arith.constant 0 : i32
        %dma_start3A_886 = arith.constant 0 : i32
        %dma_start3A_887 = tpu.memref_slice %arg2[%dma_start3A_885, %dma_start3A_886] : memref<10112x128xf32, #tpu.memory_space<hbm>> -> memref<10112x128xf32, #tpu.memory_space<hbm>>
        tpu.enqueue_indirect_dma source(%dma_start3A_887 : memref<10112x128xf32, #tpu.memory_space<hbm>>) target(%arg10 : memref<128x128xf32, #tpu.memory_space<vmem>>) offsets(%arg7 : memref<128xi32, #tpu.memory_space<vmem>>) semaphore(%arg14 : memref<!tpu.dma_semaphore, #tpu.memory_space<semaphore_mem>>)
      } else {
      }
      %mul3A_848 = arith.constant 128 : i32
      %mul3A_849 = arith.muli %mul3A_839, %mul3A_848 : i32
      %add3A_850 = arith.addi %mul3A_807, %mul3A_849 : i32
      %dma_start3A_851 = tpu.memref_slice %arg4[%add3A_850] : memref<323584xi32, #tpu.memory_space<hbm>> -> memref<128xi32, #tpu.memory_space<hbm>>
      %dma_start3A_852 = tpu.memref_slice %arg4[%add3A_850] : memref<323584xi32, #tpu.memory_space<hbm>> -> memref<128xi32, #tpu.memory_space<hbm>>
      tpu.enqueue_dma source(%dma_start3A_852 : memref<128xi32, #tpu.memory_space<hbm>>) target(%arg8 : memref<128xi32, #tpu.memory_space<vmem>>) target_semaphore(%arg16 : memref<!tpu.dma_semaphore, #tpu.memory_space<semaphore_mem>>)
      %dma_wait3A_853 = arith.constant 0 : i32
      %dma_wait3A_854 = arith.constant 0 : i32
      %dma_wait3A_855 = tpu.memref_slice %arg2[%dma_wait3A_853, %dma_wait3A_854] : memref<10112x128xf32, #tpu.memory_space<hbm>> -> memref<128x128xf32, #tpu.memory_space<hbm>>
      %dma_wait3A_856 = arith.constant 0 : i32
      %dma_wait3A_857 = arith.constant 0 : i32
      %dma_wait3A_858 = tpu.memref_slice %arg2[%dma_wait3A_856, %dma_wait3A_857] : memref<10112x128xf32, #tpu.memory_space<hbm>> -> memref<128x128xf32, #tpu.memory_space<hbm>>
      tpu.wait_dma2 semaphore(%arg13 : memref<!tpu.dma_semaphore, #tpu.memory_space<semaphore_mem>>) src(%dma_wait3A_858 : memref<128x128xf32, #tpu.memory_space<hbm>>) dst(%arg9 : memref<128x128xf32, #tpu.memory_space<vmem>>)
      %add3A_859 = arith.constant 2 : i32
      %add3A_860 = arith.addi %mul3A_839, %add3A_859 : i32
      %lt3A_861 = arith.constant 79 : i32
      %lt3A_862 = arith.cmpi slt, %add3A_860, %lt3A_861 : i32
      %convert_element_type3A_863 = arith.extui %lt3A_862 : i1 to i32
      %cond3A_864 = arith.constant 0 : i32
      %cond3A_865 = arith.cmpi ne, %convert_element_type3A_863, %cond3A_864 : i32
      scf.if %cond3A_865 {
        %add3A_881 = arith.constant 2 : i32
        %add3A_882 = arith.addi %mul3A_839, %add3A_881 : i32
        %mul3A_883 = arith.constant 128 : i32
        %mul3A_884 = arith.muli %add3A_882, %mul3A_883 : i32
        %add3A_885 = arith.addi %mul3A_807, %mul3A_884 : i32
        %dma_start3A_886 = tpu.memref_slice %arg3[%add3A_885] : memref<323584xi32, #tpu.memory_space<hbm>> -> memref<128xi32, #tpu.memory_space<hbm>>
        %dma_start3A_887 = tpu.memref_slice %arg3[%add3A_885] : memref<323584xi32, #tpu.memory_space<hbm>> -> memref<128xi32, #tpu.memory_space<hbm>>
        tpu.enqueue_dma source(%dma_start3A_887 : memref<128xi32, #tpu.memory_space<hbm>>) target(%arg6 : memref<128xi32, #tpu.memory_space<vmem>>) target_semaphore(%arg15 : memref<!tpu.dma_semaphore, #tpu.memory_space<semaphore_mem>>)
      } else {
      }
      %dma_wait3A_866 = tpu.memref_slice %arg4[%add3A_850] : memref<323584xi32, #tpu.memory_space<hbm>> -> memref<128xi32, #tpu.memory_space<hbm>>
      %dma_wait3A_867 = tpu.memref_slice %arg4[%add3A_850] : memref<323584xi32, #tpu.memory_space<hbm>> -> memref<128xi32, #tpu.memory_space<hbm>>
      tpu.wait_dma2 semaphore(%arg16 : memref<!tpu.dma_semaphore, #tpu.memory_space<semaphore_mem>>) src(%dma_wait3A_867 : memref<128xi32, #tpu.memory_space<hbm>>) dst(%arg8 : memref<128xi32, #tpu.memory_space<vmem>>)
      %dma_start3A_868 = arith.constant 0 : i32
      %dma_start3A_869 = arith.constant 0 : i32
      %dma_start3A_870 = tpu.memref_slice %arg12[%dma_start3A_868, %dma_start3A_869] : memref<10112x128xf32, #tpu.memory_space<vmem_shared>> -> memref<10112x128xf32, #tpu.memory_space<vmem_shared>>
      tpu.enqueue_indirect_dma source(%arg9 : memref<128x128xf32, #tpu.memory_space<vmem>>) target(%dma_start3A_870 : memref<10112x128xf32, #tpu.memory_space<vmem_shared>>) offsets(%arg8 : memref<128xi32, #tpu.memory_space<vmem>>) semaphore(%arg17 : memref<!tpu.dma_semaphore, #tpu.memory_space<semaphore_mem>>) {add = true}
      %mul3A_871 = arith.constant 2 : i32
      %mul3A_872 = arith.muli %mul3A_871, %scan3A_836 : i32
      %add3A_873 = arith.constant 1 : i32
      %add3A_874 = arith.addi %mul3A_872, %add3A_873 : i32
      %lt3A_875 = arith.constant 79 : i32
      %lt3A_876 = arith.cmpi slt, %add3A_874, %lt3A_875 : i32
      %convert_element_type3A_877 = arith.extui %lt3A_876 : i1 to i32
      %cond3A_878 = arith.constant 0 : i32
      %cond3A_879 = arith.cmpi ne, %convert_element_type3A_877, %cond3A_878 : i32
      scf.if %cond3A_879 {
        %mul3A_881 = arith.constant 2 : i32
        %mul3A_882 = arith.muli %mul3A_881, %scan3A_836 : i32
        %add3A_883 = arith.constant 1 : i32
        %add3A_884 = arith.addi %mul3A_882, %add3A_883 : i32
        %gt3A_885 = arith.constant 0 : i32
        %gt3A_886 = arith.cmpi sgt, %add3A_884, %gt3A_885 : i32
        %convert_element_type3A_887 = arith.extui %gt3A_886 : i1 to i32
        %cond3A_888 = arith.constant 0 : i32
        %cond3A_889 = arith.cmpi ne, %convert_element_type3A_887, %cond3A_888 : i32
        scf.if %cond3A_889 {
          %dma_wait3A_920 = arith.constant 0 : i32
          %dma_wait3A_921 = arith.constant 0 : i32
          %dma_wait3A_922 = tpu.memref_slice %arg12[%dma_wait3A_920, %dma_wait3A_921] : memref<10112x128xf32, #tpu.memory_space<vmem_shared>> -> memref<10112x128xf32, #tpu.memory_space<vmem_shared>>
          tpu.wait_indirect_dma semaphore(%arg17 : memref<!tpu.dma_semaphore, #tpu.memory_space<semaphore_mem>>) src(%arg9 : memref<128x128xf32, #tpu.memory_space<vmem>>) dst(%dma_wait3A_922 : memref<10112x128xf32, #tpu.memory_space<vmem_shared>>)
        } else {
        }
        %add3A_890 = arith.constant 1 : i32
        %add3A_891 = arith.addi %add3A_884, %add3A_890 : i32
        %lt3A_892 = arith.constant 79 : i32
        %lt3A_893 = arith.cmpi slt, %add3A_891, %lt3A_892 : i32
        %convert_element_type3A_894 = arith.extui %lt3A_893 : i1 to i32
        %cond3A_895 = arith.constant 0 : i32
        %cond3A_896 = arith.cmpi ne, %convert_element_type3A_894, %cond3A_895 : i32
        scf.if %cond3A_896 {
          %dma_wait3A_920 = arith.constant 0 : i32
          %dma_wait3A_921 = tpu.memref_slice %arg3[%dma_wait3A_920] : memref<323584xi32, #tpu.memory_space<hbm>> -> memref<128xi32, #tpu.memory_space<hbm>>
          %dma_wait3A_922 = arith.constant 0 : i32
          %dma_wait3A_923 = tpu.memref_slice %arg3[%dma_wait3A_922] : memref<323584xi32, #tpu.memory_space<hbm>> -> memref<128xi32, #tpu.memory_space<hbm>>
          tpu.wait_dma2 semaphore(%arg15 : memref<!tpu.dma_semaphore, #tpu.memory_space<semaphore_mem>>) src(%dma_wait3A_923 : memref<128xi32, #tpu.memory_space<hbm>>) dst(%arg6 : memref<128xi32, #tpu.memory_space<vmem>>)
          %dma_start3A_924 = arith.constant 0 : i32
          %dma_start3A_925 = arith.constant 0 : i32
          %dma_start3A_926 = tpu.memref_slice %arg2[%dma_start3A_924, %dma_start3A_925] : memref<10112x128xf32, #tpu.memory_space<hbm>> -> memref<10112x128xf32, #tpu.memory_space<hbm>>
          tpu.enqueue_indirect_dma source(%dma_start3A_926 : memref<10112x128xf32, #tpu.memory_space<hbm>>) target(%arg9 : memref<128x128xf32, #tpu.memory_space<vmem>>) offsets(%arg6 : memref<128xi32, #tpu.memory_space<vmem>>) semaphore(%arg13 : memref<!tpu.dma_semaphore, #tpu.memory_space<semaphore_mem>>)
        } else {
        }
        %mul3A_897 = arith.constant 128 : i32
        %mul3A_898 = arith.muli %add3A_884, %mul3A_897 : i32
        %add3A_899 = arith.addi %mul3A_807, %mul3A_898 : i32
        %dma_start3A_900 = tpu.memref_slice %arg4[%add3A_899] : memref<323584xi32, #tpu.memory_space<hbm>> -> memref<128xi32, #tpu.memory_space<hbm>>
        %dma_start3A_901 = tpu.memref_slice %arg4[%add3A_899] : memref<323584xi32, #tpu.memory_space<hbm>> -> memref<128xi32, #tpu.memory_space<hbm>>
        tpu.enqueue_dma source(%dma_start3A_901 : memref<128xi32, #tpu.memory_space<hbm>>) target(%arg8 : memref<128xi32, #tpu.memory_space<vmem>>) target_semaphore(%arg16 : memref<!tpu.dma_semaphore, #tpu.memory_space<semaphore_mem>>)
        %dma_wait3A_902 = arith.constant 0 : i32
        %dma_wait3A_903 = arith.constant 0 : i32
        %dma_wait3A_904 = tpu.memref_slice %arg2[%dma_wait3A_902, %dma_wait3A_903] : memref<10112x128xf32, #tpu.memory_space<hbm>> -> memref<128x128xf32, #tpu.memory_space<hbm>>
        %dma_wait3A_905 = arith.constant 0 : i32
        %dma_wait3A_906 = arith.constant 0 : i32
        %dma_wait3A_907 = tpu.memref_slice %arg2[%dma_wait3A_905, %dma_wait3A_906] : memref<10112x128xf32, #tpu.memory_space<hbm>> -> memref<128x128xf32, #tpu.memory_space<hbm>>
        tpu.wait_dma2 semaphore(%arg14 : memref<!tpu.dma_semaphore, #tpu.memory_space<semaphore_mem>>) src(%dma_wait3A_907 : memref<128x128xf32, #tpu.memory_space<hbm>>) dst(%arg10 : memref<128x128xf32, #tpu.memory_space<vmem>>)
        %add3A_908 = arith.constant 2 : i32
        %add3A_909 = arith.addi %add3A_884, %add3A_908 : i32
        %lt3A_910 = arith.constant 79 : i32
        %lt3A_911 = arith.cmpi slt, %add3A_909, %lt3A_910 : i32
        %convert_element_type3A_912 = arith.extui %lt3A_911 : i1 to i32
        %cond3A_913 = arith.constant 0 : i32
        %cond3A_914 = arith.cmpi ne, %convert_element_type3A_912, %cond3A_913 : i32
        scf.if %cond3A_914 {
          %add3A_920 = arith.constant 2 : i32
          %add3A_921 = arith.addi %add3A_884, %add3A_920 : i32
          %mul3A_922 = arith.constant 128 : i32
          %mul3A_923 = arith.muli %add3A_921, %mul3A_922 : i32
          %add3A_924 = arith.addi %mul3A_807, %mul3A_923 : i32
          %dma_start3A_925 = tpu.memref_slice %arg3[%add3A_924] : memref<323584xi32, #tpu.memory_space<hbm>> -> memref<128xi32, #tpu.memory_space<hbm>>
          %dma_start3A_926 = tpu.memref_slice %arg3[%add3A_924] : memref<323584xi32, #tpu.memory_space<hbm>> -> memref<128xi32, #tpu.memory_space<hbm>>
          tpu.enqueue_dma source(%dma_start3A_926 : memref<128xi32, #tpu.memory_space<hbm>>) target(%arg7 : memref<128xi32, #tpu.memory_space<vmem>>) target_semaphore(%arg15 : memref<!tpu.dma_semaphore, #tpu.memory_space<semaphore_mem>>)
        } else {
        }
        %dma_wait3A_915 = tpu.memref_slice %arg4[%add3A_899] : memref<323584xi32, #tpu.memory_space<hbm>> -> memref<128xi32, #tpu.memory_space<hbm>>
        %dma_wait3A_916 = tpu.memref_slice %arg4[%add3A_899] : memref<323584xi32, #tpu.memory_space<hbm>> -> memref<128xi32, #tpu.memory_space<hbm>>
        tpu.wait_dma2 semaphore(%arg16 : memref<!tpu.dma_semaphore, #tpu.memory_space<semaphore_mem>>) src(%dma_wait3A_916 : memref<128xi32, #tpu.memory_space<hbm>>) dst(%arg8 : memref<128xi32, #tpu.memory_space<vmem>>)
        %dma_start3A_917 = arith.constant 0 : i32
        %dma_start3A_918 = arith.constant 0 : i32
        %dma_start3A_919 = tpu.memref_slice %arg12[%dma_start3A_917, %dma_start3A_918] : memref<10112x128xf32, #tpu.memory_space<vmem_shared>> -> memref<10112x128xf32, #tpu.memory_space<vmem_shared>>
        tpu.enqueue_indirect_dma source(%arg10 : memref<128x128xf32, #tpu.memory_space<vmem>>) target(%dma_start3A_919 : memref<10112x128xf32, #tpu.memory_space<vmem_shared>>) offsets(%arg8 : memref<128xi32, #tpu.memory_space<vmem>>) semaphore(%arg17 : memref<!tpu.dma_semaphore, #tpu.memory_space<semaphore_mem>>) {add = true}
      } else {
      }
      %scan3A_880 = arith.constant 0 : i32
      scf.yield %scan3A_880 : i32
    }
    %scan3A_831 = arith.constant 40 : i32
    %dma_wait3A_832 = arith.constant 0 : i32
    %dma_wait3A_833 = arith.constant 0 : i32
    %dma_wait3A_834 = tpu.memref_slice %arg12[%dma_wait3A_832, %dma_wait3A_833] : memref<10112x128xf32, #tpu.memory_space<vmem_shared>> -> memref<10112x128xf32, #tpu.memory_space<vmem_shared>>
    tpu.wait_indirect_dma semaphore(%arg17 : memref<!tpu.dma_semaphore, #tpu.memory_space<semaphore_mem>>) src(%arg9 : memref<128x128xf32, #tpu.memory_space<vmem>>) dst(%dma_wait3A_834 : memref<10112x128xf32, #tpu.memory_space<vmem_shared>>)
    %barrier3A_835 = arith.constant 0 : index
    tpu.barrier barrier_id(%barrier3A_835)
    "tpu.region"() ({
      %run_scoped3A = tpu.sem_alloc : memref<!tpu.dma_semaphore, #tpu.memory_space<semaphore_mem>>
      %dma_start3A_836 = arith.constant 0 : i32
      %dma_start3A_837 = tpu.memref_slice %arg5[%arg0, %mul3A_768, %dma_start3A_836] : memref<2x10112x128xf32, #tpu.memory_space<hbm>> -> memref<1x632x128xf32, #tpu.memory_space<hbm>>
      %dma_start3A_838 = tpu.memref_squeeze %dma_start3A_837 : memref<1x632x128xf32, #tpu.memory_space<hbm>> -> memref<632x128xf32, #tpu.memory_space<hbm>>
      %dma_start3A_839 = arith.constant 0 : i32
      %dma_start3A_840 = tpu.memref_slice %arg12[%mul3A_768, %dma_start3A_839] : memref<10112x128xf32, #tpu.memory_space<vmem_shared>> -> memref<632x128xf32, #tpu.memory_space<vmem_shared>>
      tpu.enqueue_dma source(%dma_start3A_840 : memref<632x128xf32, #tpu.memory_space<vmem_shared>>) target(%dma_start3A_838 : memref<632x128xf32, #tpu.memory_space<hbm>>) target_semaphore(%run_scoped3A : memref<!tpu.dma_semaphore, #tpu.memory_space<semaphore_mem>>)
      %dma_wait3A_841 = arith.constant 0 : i32
      %dma_wait3A_842 = tpu.memref_slice %arg5[%arg0, %mul3A_768, %dma_wait3A_841] : memref<2x10112x128xf32, #tpu.memory_space<hbm>> -> memref<1x632x128xf32, #tpu.memory_space<hbm>>
      %dma_wait3A_843 = tpu.memref_squeeze %dma_wait3A_842 : memref<1x632x128xf32, #tpu.memory_space<hbm>> -> memref<632x128xf32, #tpu.memory_space<hbm>>
      %dma_wait3A_844 = arith.constant 0 : i32
      %dma_wait3A_845 = tpu.memref_slice %arg12[%mul3A_768, %dma_wait3A_844] : memref<10112x128xf32, #tpu.memory_space<vmem_shared>> -> memref<632x128xf32, #tpu.memory_space<vmem_shared>>
      tpu.wait_dma2 semaphore(%run_scoped3A : memref<!tpu.dma_semaphore, #tpu.memory_space<semaphore_mem>>) src(%dma_wait3A_845 : memref<632x128xf32, #tpu.memory_space<vmem_shared>>) dst(%dma_wait3A_843 : memref<632x128xf32, #tpu.memory_space<hbm>>)
      tpu.yield
    }) : () -> ()
    return
  }
}

#map = affine_map<(d0, d1) -> (0, 0)>
#map1 = affine_map<(d0, d1) -> (0)>
#map2 = affine_map<(d0, d1) -> (0, 0, 0)>
module attributes {stable_mosaic.version = 14 : i64} {
  func.func @body(%arg0: i32, %arg1: i32, %arg2: memref<10112x128xf32, #tpu.memory_space<hbm>>, %arg3: memref<323584xi32, #tpu.memory_space<hbm>>, %arg4: memref<323584xi32, #tpu.memory_space<hbm>>, %arg5: memref<2x10112x128xf32, #tpu.memory_space<hbm>>, %arg6: memref<323584xf32, #tpu.memory_space<hbm>>, %arg7: memref<128xi32, #tpu.memory_space<vmem>>, %arg8: memref<128xi32, #tpu.memory_space<vmem>>, %arg9: memref<128xi32, #tpu.memory_space<vmem>>, %arg10: memref<128x128xf32, #tpu.memory_space<vmem>>, %arg11: memref<128x128xf32, #tpu.memory_space<vmem>>, %arg12: memref<16x128xf32, #tpu.memory_space<vmem>>, %arg13: memref<10112x128xf32, #tpu.memory_space<vmem_shared>>, %arg14: memref<!tpu.dma_semaphore, #tpu.memory_space<semaphore_mem>>, %arg15: memref<!tpu.dma_semaphore, #tpu.memory_space<semaphore_mem>>, %arg16: memref<!tpu.dma_semaphore, #tpu.memory_space<semaphore_mem>>, %arg17: memref<!tpu.dma_semaphore, #tpu.memory_space<semaphore_mem>>, %arg18: memref<!tpu.dma_semaphore, #tpu.memory_space<semaphore_mem>>, %arg19: memref<10112xf32, #tpu.memory_space<vmem>>) attributes {dimension_semantics = [#tpu.dimension_semantics<core_parallel>, #tpu.dimension_semantics<subcore_parallel>], iteration_bounds = array<i64: 2, 16>, scalar_prefetch = 0 : i64, scratch_operands = 13 : i64, tpu.core_type = #tpu.core_type<sc_vector_subcore>, window_params = [{transform_indices = #map}, {transform_indices = #map1}, {transform_indices = #map1}, {transform_indices = #map2}, {transform_indices = #map1}]} {
    %mul3A = arith.constant 2 : i32
    %mul3A_0 = arith.muli %arg1, %mul3A : i32
    %add3A = arith.addi %mul3A_0, %arg0 : i32
    %broadcast_in_dim3A = arith.constant 0.000000e+00 : f32
    %broadcast_in_dim3A_1 = vector.broadcast %broadcast_in_dim3A : f32 to vector<16xf32>
    %swap3A = arith.constant 0 : i32
    %swap3A_2 = arith.index_cast %swap3A : i32 to index
    %swap3A_3 = arith.constant 0 : index
    %swap3A_4 = tpu.vector_load %arg12[%swap3A_2, %swap3A_3] {strides = array<i32>} : memref<16x128xf32, #tpu.memory_space<vmem>>, vector<16xf32>,
    tpu.vector_store %arg12[%swap3A_2, %swap3A_3], %broadcast_in_dim3A_1 {strides = array<i32>} : memref<16x128xf32, #tpu.memory_space<vmem>>, vector<16xf32>,
    %broadcast_in_dim3A_5 = arith.constant 0.000000e+00 : f32
    %broadcast_in_dim3A_6 = vector.broadcast %broadcast_in_dim3A_5 : f32 to vector<16xf32>
    %swap3A_7 = arith.constant 0 : i32
    %swap3A_8 = arith.index_cast %swap3A_7 : i32 to index
    %swap3A_9 = arith.constant 16 : index
    %swap3A_10 = tpu.vector_load %arg12[%swap3A_8, %swap3A_9] {strides = array<i32>} : memref<16x128xf32, #tpu.memory_space<vmem>>, vector<16xf32>,
    tpu.vector_store %arg12[%swap3A_8, %swap3A_9], %broadcast_in_dim3A_6 {strides = array<i32>} : memref<16x128xf32, #tpu.memory_space<vmem>>, vector<16xf32>,
    %broadcast_in_dim3A_11 = arith.constant 0.000000e+00 : f32
    %broadcast_in_dim3A_12 = vector.broadcast %broadcast_in_dim3A_11 : f32 to vector<16xf32>
    %swap3A_13 = arith.constant 0 : i32
    %swap3A_14 = arith.index_cast %swap3A_13 : i32 to index
    %swap3A_15 = arith.constant 32 : index
    %swap3A_16 = tpu.vector_load %arg12[%swap3A_14, %swap3A_15] {strides = array<i32>} : memref<16x128xf32, #tpu.memory_space<vmem>>, vector<16xf32>,
    tpu.vector_store %arg12[%swap3A_14, %swap3A_15], %broadcast_in_dim3A_12 {strides = array<i32>} : memref<16x128xf32, #tpu.memory_space<vmem>>, vector<16xf32>,
    %broadcast_in_dim3A_17 = arith.constant 0.000000e+00 : f32
    %broadcast_in_dim3A_18 = vector.broadcast %broadcast_in_dim3A_17 : f32 to vector<16xf32>
    %swap3A_19 = arith.constant 0 : i32
    %swap3A_20 = arith.index_cast %swap3A_19 : i32 to index
    %swap3A_21 = arith.constant 48 : index
    %swap3A_22 = tpu.vector_load %arg12[%swap3A_20, %swap3A_21] {strides = array<i32>} : memref<16x128xf32, #tpu.memory_space<vmem>>, vector<16xf32>,
    tpu.vector_store %arg12[%swap3A_20, %swap3A_21], %broadcast_in_dim3A_18 {strides = array<i32>} : memref<16x128xf32, #tpu.memory_space<vmem>>, vector<16xf32>,
    %broadcast_in_dim3A_23 = arith.constant 0.000000e+00 : f32
    %broadcast_in_dim3A_24 = vector.broadcast %broadcast_in_dim3A_23 : f32 to vector<16xf32>
    %swap3A_25 = arith.constant 0 : i32
    %swap3A_26 = arith.index_cast %swap3A_25 : i32 to index
    %swap3A_27 = arith.constant 64 : index
    %swap3A_28 = tpu.vector_load %arg12[%swap3A_26, %swap3A_27] {strides = array<i32>} : memref<16x128xf32, #tpu.memory_space<vmem>>, vector<16xf32>,
    tpu.vector_store %arg12[%swap3A_26, %swap3A_27], %broadcast_in_dim3A_24 {strides = array<i32>} : memref<16x128xf32, #tpu.memory_space<vmem>>, vector<16xf32>,
    %broadcast_in_dim3A_29 = arith.constant 0.000000e+00 : f32
    %broadcast_in_dim3A_30 = vector.broadcast %broadcast_in_dim3A_29 : f32 to vector<16xf32>
    %swap3A_31 = arith.constant 0 : i32
    %swap3A_32 = arith.index_cast %swap3A_31 : i32 to index
    %swap3A_33 = arith.constant 80 : index
    %swap3A_34 = tpu.vector_load %arg12[%swap3A_32, %swap3A_33] {strides = array<i32>} : memref<16x128xf32, #tpu.memory_space<vmem>>, vector<16xf32>,
    tpu.vector_store %arg12[%swap3A_32, %swap3A_33], %broadcast_in_dim3A_30 {strides = array<i32>} : memref<16x128xf32, #tpu.memory_space<vmem>>, vector<16xf32>,
    %broadcast_in_dim3A_35 = arith.constant 0.000000e+00 : f32
    %broadcast_in_dim3A_36 = vector.broadcast %broadcast_in_dim3A_35 : f32 to vector<16xf32>
    %swap3A_37 = arith.constant 0 : i32
    %swap3A_38 = arith.index_cast %swap3A_37 : i32 to index
    %swap3A_39 = arith.constant 96 : index
    %swap3A_40 = tpu.vector_load %arg12[%swap3A_38, %swap3A_39] {strides = array<i32>} : memref<16x128xf32, #tpu.memory_space<vmem>>, vector<16xf32>,
    tpu.vector_store %arg12[%swap3A_38, %swap3A_39], %broadcast_in_dim3A_36 {strides = array<i32>} : memref<16x128xf32, #tpu.memory_space<vmem>>, vector<16xf32>,
    %broadcast_in_dim3A_41 = arith.constant 0.000000e+00 : f32
    %broadcast_in_dim3A_42 = vector.broadcast %broadcast_in_dim3A_41 : f32 to vector<16xf32>
    %swap3A_43 = arith.constant 0 : i32
    %swap3A_44 = arith.index_cast %swap3A_43 : i32 to index
    %swap3A_45 = arith.constant 112 : index
    %swap3A_46 = tpu.vector_load %arg12[%swap3A_44, %swap3A_45] {strides = array<i32>} : memref<16x128xf32, #tpu.memory_space<vmem>>, vector<16xf32>,
    tpu.vector_store %arg12[%swap3A_44, %swap3A_45], %broadcast_in_dim3A_42 {strides = array<i32>} : memref<16x128xf32, #tpu.memory_space<vmem>>, vector<16xf32>,
    %broadcast_in_dim3A_47 = arith.constant 0.000000e+00 : f32
    %broadcast_in_dim3A_48 = vector.broadcast %broadcast_in_dim3A_47 : f32 to vector<16xf32>
    %swap3A_49 = arith.constant 1 : i32
    %swap3A_50 = arith.index_cast %swap3A_49 : i32 to index
    %swap3A_51 = arith.constant 0 : index
    %swap3A_52 = tpu.vector_load %arg12[%swap3A_50, %swap3A_51] {strides = array<i32>} : memref<16x128xf32, #tpu.memory_space<vmem>>, vector<16xf32>,
    tpu.vector_store %arg12[%swap3A_50, %swap3A_51], %broadcast_in_dim3A_48 {strides = array<i32>} : memref<16x128xf32, #tpu.memory_space<vmem>>, vector<16xf32>,
    %broadcast_in_dim3A_53 = arith.constant 0.000000e+00 : f32
    %broadcast_in_dim3A_54 = vector.broadcast %broadcast_in_dim3A_53 : f32 to vector<16xf32>
    %swap3A_55 = arith.constant 1 : i32
    %swap3A_56 = arith.index_cast %swap3A_55 : i32 to index
    %swap3A_57 = arith.constant 16 : index
    %swap3A_58 = tpu.vector_load %arg12[%swap3A_56, %swap3A_57] {strides = array<i32>} : memref<16x128xf32, #tpu.memory_space<vmem>>, vector<16xf32>,
    tpu.vector_store %arg12[%swap3A_56, %swap3A_57], %broadcast_in_dim3A_54 {strides = array<i32>} : memref<16x128xf32, #tpu.memory_space<vmem>>, vector<16xf32>,
    %broadcast_in_dim3A_59 = arith.constant 0.000000e+00 : f32
    %broadcast_in_dim3A_60 = vector.broadcast %broadcast_in_dim3A_59 : f32 to vector<16xf32>
    %swap3A_61 = arith.constant 1 : i32
    %swap3A_62 = arith.index_cast %swap3A_61 : i32 to index
    %swap3A_63 = arith.constant 32 : index
    %swap3A_64 = tpu.vector_load %arg12[%swap3A_62, %swap3A_63] {strides = array<i32>} : memref<16x128xf32, #tpu.memory_space<vmem>>, vector<16xf32>,
    tpu.vector_store %arg12[%swap3A_62, %swap3A_63], %broadcast_in_dim3A_60 {strides = array<i32>} : memref<16x128xf32, #tpu.memory_space<vmem>>, vector<16xf32>,
    %broadcast_in_dim3A_65 = arith.constant 0.000000e+00 : f32
    %broadcast_in_dim3A_66 = vector.broadcast %broadcast_in_dim3A_65 : f32 to vector<16xf32>
    %swap3A_67 = arith.constant 1 : i32
    %swap3A_68 = arith.index_cast %swap3A_67 : i32 to index
    %swap3A_69 = arith.constant 48 : index
    %swap3A_70 = tpu.vector_load %arg12[%swap3A_68, %swap3A_69] {strides = array<i32>} : memref<16x128xf32, #tpu.memory_space<vmem>>, vector<16xf32>,
    tpu.vector_store %arg12[%swap3A_68, %swap3A_69], %broadcast_in_dim3A_66 {strides = array<i32>} : memref<16x128xf32, #tpu.memory_space<vmem>>, vector<16xf32>,
    %broadcast_in_dim3A_71 = arith.constant 0.000000e+00 : f32
    %broadcast_in_dim3A_72 = vector.broadcast %broadcast_in_dim3A_71 : f32 to vector<16xf32>
    %swap3A_73 = arith.constant 1 : i32
    %swap3A_74 = arith.index_cast %swap3A_73 : i32 to index
    %swap3A_75 = arith.constant 64 : index
    %swap3A_76 = tpu.vector_load %arg12[%swap3A_74, %swap3A_75] {strides = array<i32>} : memref<16x128xf32, #tpu.memory_space<vmem>>, vector<16xf32>,
    tpu.vector_store %arg12[%swap3A_74, %swap3A_75], %broadcast_in_dim3A_72 {strides = array<i32>} : memref<16x128xf32, #tpu.memory_space<vmem>>, vector<16xf32>,
    %broadcast_in_dim3A_77 = arith.constant 0.000000e+00 : f32
    %broadcast_in_dim3A_78 = vector.broadcast %broadcast_in_dim3A_77 : f32 to vector<16xf32>
    %swap3A_79 = arith.constant 1 : i32
    %swap3A_80 = arith.index_cast %swap3A_79 : i32 to index
    %swap3A_81 = arith.constant 80 : index
    %swap3A_82 = tpu.vector_load %arg12[%swap3A_80, %swap3A_81] {strides = array<i32>} : memref<16x128xf32, #tpu.memory_space<vmem>>, vector<16xf32>,
    tpu.vector_store %arg12[%swap3A_80, %swap3A_81], %broadcast_in_dim3A_78 {strides = array<i32>} : memref<16x128xf32, #tpu.memory_space<vmem>>, vector<16xf32>,
    %broadcast_in_dim3A_83 = arith.constant 0.000000e+00 : f32
    %broadcast_in_dim3A_84 = vector.broadcast %broadcast_in_dim3A_83 : f32 to vector<16xf32>
    %swap3A_85 = arith.constant 1 : i32
    %swap3A_86 = arith.index_cast %swap3A_85 : i32 to index
    %swap3A_87 = arith.constant 96 : index
    %swap3A_88 = tpu.vector_load %arg12[%swap3A_86, %swap3A_87] {strides = array<i32>} : memref<16x128xf32, #tpu.memory_space<vmem>>, vector<16xf32>,
    tpu.vector_store %arg12[%swap3A_86, %swap3A_87], %broadcast_in_dim3A_84 {strides = array<i32>} : memref<16x128xf32, #tpu.memory_space<vmem>>, vector<16xf32>,
    %broadcast_in_dim3A_89 = arith.constant 0.000000e+00 : f32
    %broadcast_in_dim3A_90 = vector.broadcast %broadcast_in_dim3A_89 : f32 to vector<16xf32>
    %swap3A_91 = arith.constant 1 : i32
    %swap3A_92 = arith.index_cast %swap3A_91 : i32 to index
    %swap3A_93 = arith.constant 112 : index
    %swap3A_94 = tpu.vector_load %arg12[%swap3A_92, %swap3A_93] {strides = array<i32>} : memref<16x128xf32, #tpu.memory_space<vmem>>, vector<16xf32>,
    tpu.vector_store %arg12[%swap3A_92, %swap3A_93], %broadcast_in_dim3A_90 {strides = array<i32>} : memref<16x128xf32, #tpu.memory_space<vmem>>, vector<16xf32>,
    %broadcast_in_dim3A_95 = arith.constant 0.000000e+00 : f32
    %broadcast_in_dim3A_96 = vector.broadcast %broadcast_in_dim3A_95 : f32 to vector<16xf32>
    %swap3A_97 = arith.constant 2 : i32
    %swap3A_98 = arith.index_cast %swap3A_97 : i32 to index
    %swap3A_99 = arith.constant 0 : index
    %swap3A_100 = tpu.vector_load %arg12[%swap3A_98, %swap3A_99] {strides = array<i32>} : memref<16x128xf32, #tpu.memory_space<vmem>>, vector<16xf32>,
    tpu.vector_store %arg12[%swap3A_98, %swap3A_99], %broadcast_in_dim3A_96 {strides = array<i32>} : memref<16x128xf32, #tpu.memory_space<vmem>>, vector<16xf32>,
    %broadcast_in_dim3A_101 = arith.constant 0.000000e+00 : f32
    %broadcast_in_dim3A_102 = vector.broadcast %broadcast_in_dim3A_101 : f32 to vector<16xf32>
    %swap3A_103 = arith.constant 2 : i32
    %swap3A_104 = arith.index_cast %swap3A_103 : i32 to index
    %swap3A_105 = arith.constant 16 : index
    %swap3A_106 = tpu.vector_load %arg12[%swap3A_104, %swap3A_105] {strides = array<i32>} : memref<16x128xf32, #tpu.memory_space<vmem>>, vector<16xf32>,
    tpu.vector_store %arg12[%swap3A_104, %swap3A_105], %broadcast_in_dim3A_102 {strides = array<i32>} : memref<16x128xf32, #tpu.memory_space<vmem>>, vector<16xf32>,
    %broadcast_in_dim3A_107 = arith.constant 0.000000e+00 : f32
    %broadcast_in_dim3A_108 = vector.broadcast %broadcast_in_dim3A_107 : f32 to vector<16xf32>
    %swap3A_109 = arith.constant 2 : i32
    %swap3A_110 = arith.index_cast %swap3A_109 : i32 to index
    %swap3A_111 = arith.constant 32 : index
    %swap3A_112 = tpu.vector_load %arg12[%swap3A_110, %swap3A_111] {strides = array<i32>} : memref<16x128xf32, #tpu.memory_space<vmem>>, vector<16xf32>,
    tpu.vector_store %arg12[%swap3A_110, %swap3A_111], %broadcast_in_dim3A_108 {strides = array<i32>} : memref<16x128xf32, #tpu.memory_space<vmem>>, vector<16xf32>,
    %broadcast_in_dim3A_113 = arith.constant 0.000000e+00 : f32
    %broadcast_in_dim3A_114 = vector.broadcast %broadcast_in_dim3A_113 : f32 to vector<16xf32>
    %swap3A_115 = arith.constant 2 : i32
    %swap3A_116 = arith.index_cast %swap3A_115 : i32 to index
    %swap3A_117 = arith.constant 48 : index
    %swap3A_118 = tpu.vector_load %arg12[%swap3A_116, %swap3A_117] {strides = array<i32>} : memref<16x128xf32, #tpu.memory_space<vmem>>, vector<16xf32>,
    tpu.vector_store %arg12[%swap3A_116, %swap3A_117], %broadcast_in_dim3A_114 {strides = array<i32>} : memref<16x128xf32, #tpu.memory_space<vmem>>, vector<16xf32>,
    %broadcast_in_dim3A_119 = arith.constant 0.000000e+00 : f32
    %broadcast_in_dim3A_120 = vector.broadcast %broadcast_in_dim3A_119 : f32 to vector<16xf32>
    %swap3A_121 = arith.constant 2 : i32
    %swap3A_122 = arith.index_cast %swap3A_121 : i32 to index
    %swap3A_123 = arith.constant 64 : index
    %swap3A_124 = tpu.vector_load %arg12[%swap3A_122, %swap3A_123] {strides = array<i32>} : memref<16x128xf32, #tpu.memory_space<vmem>>, vector<16xf32>,
    tpu.vector_store %arg12[%swap3A_122, %swap3A_123], %broadcast_in_dim3A_120 {strides = array<i32>} : memref<16x128xf32, #tpu.memory_space<vmem>>, vector<16xf32>,
    %broadcast_in_dim3A_125 = arith.constant 0.000000e+00 : f32
    %broadcast_in_dim3A_126 = vector.broadcast %broadcast_in_dim3A_125 : f32 to vector<16xf32>
    %swap3A_127 = arith.constant 2 : i32
    %swap3A_128 = arith.index_cast %swap3A_127 : i32 to index
    %swap3A_129 = arith.constant 80 : index
    %swap3A_130 = tpu.vector_load %arg12[%swap3A_128, %swap3A_129] {strides = array<i32>} : memref<16x128xf32, #tpu.memory_space<vmem>>, vector<16xf32>,
    tpu.vector_store %arg12[%swap3A_128, %swap3A_129], %broadcast_in_dim3A_126 {strides = array<i32>} : memref<16x128xf32, #tpu.memory_space<vmem>>, vector<16xf32>,
    %broadcast_in_dim3A_131 = arith.constant 0.000000e+00 : f32
    %broadcast_in_dim3A_132 = vector.broadcast %broadcast_in_dim3A_131 : f32 to vector<16xf32>
    %swap3A_133 = arith.constant 2 : i32
    %swap3A_134 = arith.index_cast %swap3A_133 : i32 to index
    %swap3A_135 = arith.constant 96 : index
    %swap3A_136 = tpu.vector_load %arg12[%swap3A_134, %swap3A_135] {strides = array<i32>} : memref<16x128xf32, #tpu.memory_space<vmem>>, vector<16xf32>,
    tpu.vector_store %arg12[%swap3A_134, %swap3A_135], %broadcast_in_dim3A_132 {strides = array<i32>} : memref<16x128xf32, #tpu.memory_space<vmem>>, vector<16xf32>,
    %broadcast_in_dim3A_137 = arith.constant 0.000000e+00 : f32
    %broadcast_in_dim3A_138 = vector.broadcast %broadcast_in_dim3A_137 : f32 to vector<16xf32>
    %swap3A_139 = arith.constant 2 : i32
    %swap3A_140 = arith.index_cast %swap3A_139 : i32 to index
    %swap3A_141 = arith.constant 112 : index
    %swap3A_142 = tpu.vector_load %arg12[%swap3A_140, %swap3A_141] {strides = array<i32>} : memref<16x128xf32, #tpu.memory_space<vmem>>, vector<16xf32>,
    tpu.vector_store %arg12[%swap3A_140, %swap3A_141], %broadcast_in_dim3A_138 {strides = array<i32>} : memref<16x128xf32, #tpu.memory_space<vmem>>, vector<16xf32>,
    %broadcast_in_dim3A_143 = arith.constant 0.000000e+00 : f32
    %broadcast_in_dim3A_144 = vector.broadcast %broadcast_in_dim3A_143 : f32 to vector<16xf32>
    %swap3A_145 = arith.constant 3 : i32
    %swap3A_146 = arith.index_cast %swap3A_145 : i32 to index
    %swap3A_147 = arith.constant 0 : index
    %swap3A_148 = tpu.vector_load %arg12[%swap3A_146, %swap3A_147] {strides = array<i32>} : memref<16x128xf32, #tpu.memory_space<vmem>>, vector<16xf32>,
    tpu.vector_store %arg12[%swap3A_146, %swap3A_147], %broadcast_in_dim3A_144 {strides = array<i32>} : memref<16x128xf32, #tpu.memory_space<vmem>>, vector<16xf32>,
    %broadcast_in_dim3A_149 = arith.constant 0.000000e+00 : f32
    %broadcast_in_dim3A_150 = vector.broadcast %broadcast_in_dim3A_149 : f32 to vector<16xf32>
    %swap3A_151 = arith.constant 3 : i32
    %swap3A_152 = arith.index_cast %swap3A_151 : i32 to index
    %swap3A_153 = arith.constant 16 : index
    %swap3A_154 = tpu.vector_load %arg12[%swap3A_152, %swap3A_153] {strides = array<i32>} : memref<16x128xf32, #tpu.memory_space<vmem>>, vector<16xf32>,
    tpu.vector_store %arg12[%swap3A_152, %swap3A_153], %broadcast_in_dim3A_150 {strides = array<i32>} : memref<16x128xf32, #tpu.memory_space<vmem>>, vector<16xf32>,
    %broadcast_in_dim3A_155 = arith.constant 0.000000e+00 : f32
    %broadcast_in_dim3A_156 = vector.broadcast %broadcast_in_dim3A_155 : f32 to vector<16xf32>
    %swap3A_157 = arith.constant 3 : i32
    %swap3A_158 = arith.index_cast %swap3A_157 : i32 to index
    %swap3A_159 = arith.constant 32 : index
    %swap3A_160 = tpu.vector_load %arg12[%swap3A_158, %swap3A_159] {strides = array<i32>} : memref<16x128xf32, #tpu.memory_space<vmem>>, vector<16xf32>,
    tpu.vector_store %arg12[%swap3A_158, %swap3A_159], %broadcast_in_dim3A_156 {strides = array<i32>} : memref<16x128xf32, #tpu.memory_space<vmem>>, vector<16xf32>,
    %broadcast_in_dim3A_161 = arith.constant 0.000000e+00 : f32
    %broadcast_in_dim3A_162 = vector.broadcast %broadcast_in_dim3A_161 : f32 to vector<16xf32>
    %swap3A_163 = arith.constant 3 : i32
    %swap3A_164 = arith.index_cast %swap3A_163 : i32 to index
    %swap3A_165 = arith.constant 48 : index
    %swap3A_166 = tpu.vector_load %arg12[%swap3A_164, %swap3A_165] {strides = array<i32>} : memref<16x128xf32, #tpu.memory_space<vmem>>, vector<16xf32>,
    tpu.vector_store %arg12[%swap3A_164, %swap3A_165], %broadcast_in_dim3A_162 {strides = array<i32>} : memref<16x128xf32, #tpu.memory_space<vmem>>, vector<16xf32>,
    %broadcast_in_dim3A_167 = arith.constant 0.000000e+00 : f32
    %broadcast_in_dim3A_168 = vector.broadcast %broadcast_in_dim3A_167 : f32 to vector<16xf32>
    %swap3A_169 = arith.constant 3 : i32
    %swap3A_170 = arith.index_cast %swap3A_169 : i32 to index
    %swap3A_171 = arith.constant 64 : index
    %swap3A_172 = tpu.vector_load %arg12[%swap3A_170, %swap3A_171] {strides = array<i32>} : memref<16x128xf32, #tpu.memory_space<vmem>>, vector<16xf32>,
    tpu.vector_store %arg12[%swap3A_170, %swap3A_171], %broadcast_in_dim3A_168 {strides = array<i32>} : memref<16x128xf32, #tpu.memory_space<vmem>>, vector<16xf32>,
    %broadcast_in_dim3A_173 = arith.constant 0.000000e+00 : f32
    %broadcast_in_dim3A_174 = vector.broadcast %broadcast_in_dim3A_173 : f32 to vector<16xf32>
    %swap3A_175 = arith.constant 3 : i32
    %swap3A_176 = arith.index_cast %swap3A_175 : i32 to index
    %swap3A_177 = arith.constant 80 : index
    %swap3A_178 = tpu.vector_load %arg12[%swap3A_176, %swap3A_177] {strides = array<i32>} : memref<16x128xf32, #tpu.memory_space<vmem>>, vector<16xf32>,
    tpu.vector_store %arg12[%swap3A_176, %swap3A_177], %broadcast_in_dim3A_174 {strides = array<i32>} : memref<16x128xf32, #tpu.memory_space<vmem>>, vector<16xf32>,
    %broadcast_in_dim3A_179 = arith.constant 0.000000e+00 : f32
    %broadcast_in_dim3A_180 = vector.broadcast %broadcast_in_dim3A_179 : f32 to vector<16xf32>
    %swap3A_181 = arith.constant 3 : i32
    %swap3A_182 = arith.index_cast %swap3A_181 : i32 to index
    %swap3A_183 = arith.constant 96 : index
    %swap3A_184 = tpu.vector_load %arg12[%swap3A_182, %swap3A_183] {strides = array<i32>} : memref<16x128xf32, #tpu.memory_space<vmem>>, vector<16xf32>,
    tpu.vector_store %arg12[%swap3A_182, %swap3A_183], %broadcast_in_dim3A_180 {strides = array<i32>} : memref<16x128xf32, #tpu.memory_space<vmem>>, vector<16xf32>,
    %broadcast_in_dim3A_185 = arith.constant 0.000000e+00 : f32
    %broadcast_in_dim3A_186 = vector.broadcast %broadcast_in_dim3A_185 : f32 to vector<16xf32>
    %swap3A_187 = arith.constant 3 : i32
    %swap3A_188 = arith.index_cast %swap3A_187 : i32 to index
    %swap3A_189 = arith.constant 112 : index
    %swap3A_190 = tpu.vector_load %arg12[%swap3A_188, %swap3A_189] {strides = array<i32>} : memref<16x128xf32, #tpu.memory_space<vmem>>, vector<16xf32>,
    tpu.vector_store %arg12[%swap3A_188, %swap3A_189], %broadcast_in_dim3A_186 {strides = array<i32>} : memref<16x128xf32, #tpu.memory_space<vmem>>, vector<16xf32>,
    %broadcast_in_dim3A_191 = arith.constant 0.000000e+00 : f32
    %broadcast_in_dim3A_192 = vector.broadcast %broadcast_in_dim3A_191 : f32 to vector<16xf32>
    %swap3A_193 = arith.constant 4 : i32
    %swap3A_194 = arith.index_cast %swap3A_193 : i32 to index
    %swap3A_195 = arith.constant 0 : index
    %swap3A_196 = tpu.vector_load %arg12[%swap3A_194, %swap3A_195] {strides = array<i32>} : memref<16x128xf32, #tpu.memory_space<vmem>>, vector<16xf32>,
    tpu.vector_store %arg12[%swap3A_194, %swap3A_195], %broadcast_in_dim3A_192 {strides = array<i32>} : memref<16x128xf32, #tpu.memory_space<vmem>>, vector<16xf32>,
    %broadcast_in_dim3A_197 = arith.constant 0.000000e+00 : f32
    %broadcast_in_dim3A_198 = vector.broadcast %broadcast_in_dim3A_197 : f32 to vector<16xf32>
    %swap3A_199 = arith.constant 4 : i32
    %swap3A_200 = arith.index_cast %swap3A_199 : i32 to index
    %swap3A_201 = arith.constant 16 : index
    %swap3A_202 = tpu.vector_load %arg12[%swap3A_200, %swap3A_201] {strides = array<i32>} : memref<16x128xf32, #tpu.memory_space<vmem>>, vector<16xf32>,
    tpu.vector_store %arg12[%swap3A_200, %swap3A_201], %broadcast_in_dim3A_198 {strides = array<i32>} : memref<16x128xf32, #tpu.memory_space<vmem>>, vector<16xf32>,
    %broadcast_in_dim3A_203 = arith.constant 0.000000e+00 : f32
    %broadcast_in_dim3A_204 = vector.broadcast %broadcast_in_dim3A_203 : f32 to vector<16xf32>
    %swap3A_205 = arith.constant 4 : i32
    %swap3A_206 = arith.index_cast %swap3A_205 : i32 to index
    %swap3A_207 = arith.constant 32 : index
    %swap3A_208 = tpu.vector_load %arg12[%swap3A_206, %swap3A_207] {strides = array<i32>} : memref<16x128xf32, #tpu.memory_space<vmem>>, vector<16xf32>,
    tpu.vector_store %arg12[%swap3A_206, %swap3A_207], %broadcast_in_dim3A_204 {strides = array<i32>} : memref<16x128xf32, #tpu.memory_space<vmem>>, vector<16xf32>,
    %broadcast_in_dim3A_209 = arith.constant 0.000000e+00 : f32
    %broadcast_in_dim3A_210 = vector.broadcast %broadcast_in_dim3A_209 : f32 to vector<16xf32>
    %swap3A_211 = arith.constant 4 : i32
    %swap3A_212 = arith.index_cast %swap3A_211 : i32 to index
    %swap3A_213 = arith.constant 48 : index
    %swap3A_214 = tpu.vector_load %arg12[%swap3A_212, %swap3A_213] {strides = array<i32>} : memref<16x128xf32, #tpu.memory_space<vmem>>, vector<16xf32>,
    tpu.vector_store %arg12[%swap3A_212, %swap3A_213], %broadcast_in_dim3A_210 {strides = array<i32>} : memref<16x128xf32, #tpu.memory_space<vmem>>, vector<16xf32>,
    %broadcast_in_dim3A_215 = arith.constant 0.000000e+00 : f32
    %broadcast_in_dim3A_216 = vector.broadcast %broadcast_in_dim3A_215 : f32 to vector<16xf32>
    %swap3A_217 = arith.constant 4 : i32
    %swap3A_218 = arith.index_cast %swap3A_217 : i32 to index
    %swap3A_219 = arith.constant 64 : index
    %swap3A_220 = tpu.vector_load %arg12[%swap3A_218, %swap3A_219] {strides = array<i32>} : memref<16x128xf32, #tpu.memory_space<vmem>>, vector<16xf32>,
    tpu.vector_store %arg12[%swap3A_218, %swap3A_219], %broadcast_in_dim3A_216 {strides = array<i32>} : memref<16x128xf32, #tpu.memory_space<vmem>>, vector<16xf32>,
    %broadcast_in_dim3A_221 = arith.constant 0.000000e+00 : f32
    %broadcast_in_dim3A_222 = vector.broadcast %broadcast_in_dim3A_221 : f32 to vector<16xf32>
    %swap3A_223 = arith.constant 4 : i32
    %swap3A_224 = arith.index_cast %swap3A_223 : i32 to index
    %swap3A_225 = arith.constant 80 : index
    %swap3A_226 = tpu.vector_load %arg12[%swap3A_224, %swap3A_225] {strides = array<i32>} : memref<16x128xf32, #tpu.memory_space<vmem>>, vector<16xf32>,
    tpu.vector_store %arg12[%swap3A_224, %swap3A_225], %broadcast_in_dim3A_222 {strides = array<i32>} : memref<16x128xf32, #tpu.memory_space<vmem>>, vector<16xf32>,
    %broadcast_in_dim3A_227 = arith.constant 0.000000e+00 : f32
    %broadcast_in_dim3A_228 = vector.broadcast %broadcast_in_dim3A_227 : f32 to vector<16xf32>
    %swap3A_229 = arith.constant 4 : i32
    %swap3A_230 = arith.index_cast %swap3A_229 : i32 to index
    %swap3A_231 = arith.constant 96 : index
    %swap3A_232 = tpu.vector_load %arg12[%swap3A_230, %swap3A_231] {strides = array<i32>} : memref<16x128xf32, #tpu.memory_space<vmem>>, vector<16xf32>,
    tpu.vector_store %arg12[%swap3A_230, %swap3A_231], %broadcast_in_dim3A_228 {strides = array<i32>} : memref<16x128xf32, #tpu.memory_space<vmem>>, vector<16xf32>,
    %broadcast_in_dim3A_233 = arith.constant 0.000000e+00 : f32
    %broadcast_in_dim3A_234 = vector.broadcast %broadcast_in_dim3A_233 : f32 to vector<16xf32>
    %swap3A_235 = arith.constant 4 : i32
    %swap3A_236 = arith.index_cast %swap3A_235 : i32 to index
    %swap3A_237 = arith.constant 112 : index
    %swap3A_238 = tpu.vector_load %arg12[%swap3A_236, %swap3A_237] {strides = array<i32>} : memref<16x128xf32, #tpu.memory_space<vmem>>, vector<16xf32>,
    tpu.vector_store %arg12[%swap3A_236, %swap3A_237], %broadcast_in_dim3A_234 {strides = array<i32>} : memref<16x128xf32, #tpu.memory_space<vmem>>, vector<16xf32>,
    %broadcast_in_dim3A_239 = arith.constant 0.000000e+00 : f32
    %broadcast_in_dim3A_240 = vector.broadcast %broadcast_in_dim3A_239 : f32 to vector<16xf32>
    %swap3A_241 = arith.constant 5 : i32
    %swap3A_242 = arith.index_cast %swap3A_241 : i32 to index
    %swap3A_243 = arith.constant 0 : index
    %swap3A_244 = tpu.vector_load %arg12[%swap3A_242, %swap3A_243] {strides = array<i32>} : memref<16x128xf32, #tpu.memory_space<vmem>>, vector<16xf32>,
    tpu.vector_store %arg12[%swap3A_242, %swap3A_243], %broadcast_in_dim3A_240 {strides = array<i32>} : memref<16x128xf32, #tpu.memory_space<vmem>>, vector<16xf32>,
    %broadcast_in_dim3A_245 = arith.constant 0.000000e+00 : f32
    %broadcast_in_dim3A_246 = vector.broadcast %broadcast_in_dim3A_245 : f32 to vector<16xf32>
    %swap3A_247 = arith.constant 5 : i32
    %swap3A_248 = arith.index_cast %swap3A_247 : i32 to index
    %swap3A_249 = arith.constant 16 : index
    %swap3A_250 = tpu.vector_load %arg12[%swap3A_248, %swap3A_249] {strides = array<i32>} : memref<16x128xf32, #tpu.memory_space<vmem>>, vector<16xf32>,
    tpu.vector_store %arg12[%swap3A_248, %swap3A_249], %broadcast_in_dim3A_246 {strides = array<i32>} : memref<16x128xf32, #tpu.memory_space<vmem>>, vector<16xf32>,
    %broadcast_in_dim3A_251 = arith.constant 0.000000e+00 : f32
    %broadcast_in_dim3A_252 = vector.broadcast %broadcast_in_dim3A_251 : f32 to vector<16xf32>
    %swap3A_253 = arith.constant 5 : i32
    %swap3A_254 = arith.index_cast %swap3A_253 : i32 to index
    %swap3A_255 = arith.constant 32 : index
    %swap3A_256 = tpu.vector_load %arg12[%swap3A_254, %swap3A_255] {strides = array<i32>} : memref<16x128xf32, #tpu.memory_space<vmem>>, vector<16xf32>,
    tpu.vector_store %arg12[%swap3A_254, %swap3A_255], %broadcast_in_dim3A_252 {strides = array<i32>} : memref<16x128xf32, #tpu.memory_space<vmem>>, vector<16xf32>,
    %broadcast_in_dim3A_257 = arith.constant 0.000000e+00 : f32
    %broadcast_in_dim3A_258 = vector.broadcast %broadcast_in_dim3A_257 : f32 to vector<16xf32>
    %swap3A_259 = arith.constant 5 : i32
    %swap3A_260 = arith.index_cast %swap3A_259 : i32 to index
    %swap3A_261 = arith.constant 48 : index
    %swap3A_262 = tpu.vector_load %arg12[%swap3A_260, %swap3A_261] {strides = array<i32>} : memref<16x128xf32, #tpu.memory_space<vmem>>, vector<16xf32>,
    tpu.vector_store %arg12[%swap3A_260, %swap3A_261], %broadcast_in_dim3A_258 {strides = array<i32>} : memref<16x128xf32, #tpu.memory_space<vmem>>, vector<16xf32>,
    %broadcast_in_dim3A_263 = arith.constant 0.000000e+00 : f32
    %broadcast_in_dim3A_264 = vector.broadcast %broadcast_in_dim3A_263 : f32 to vector<16xf32>
    %swap3A_265 = arith.constant 5 : i32
    %swap3A_266 = arith.index_cast %swap3A_265 : i32 to index
    %swap3A_267 = arith.constant 64 : index
    %swap3A_268 = tpu.vector_load %arg12[%swap3A_266, %swap3A_267] {strides = array<i32>} : memref<16x128xf32, #tpu.memory_space<vmem>>, vector<16xf32>,
    tpu.vector_store %arg12[%swap3A_266, %swap3A_267], %broadcast_in_dim3A_264 {strides = array<i32>} : memref<16x128xf32, #tpu.memory_space<vmem>>, vector<16xf32>,
    %broadcast_in_dim3A_269 = arith.constant 0.000000e+00 : f32
    %broadcast_in_dim3A_270 = vector.broadcast %broadcast_in_dim3A_269 : f32 to vector<16xf32>
    %swap3A_271 = arith.constant 5 : i32
    %swap3A_272 = arith.index_cast %swap3A_271 : i32 to index
    %swap3A_273 = arith.constant 80 : index
    %swap3A_274 = tpu.vector_load %arg12[%swap3A_272, %swap3A_273] {strides = array<i32>} : memref<16x128xf32, #tpu.memory_space<vmem>>, vector<16xf32>,
    tpu.vector_store %arg12[%swap3A_272, %swap3A_273], %broadcast_in_dim3A_270 {strides = array<i32>} : memref<16x128xf32, #tpu.memory_space<vmem>>, vector<16xf32>,
    %broadcast_in_dim3A_275 = arith.constant 0.000000e+00 : f32
    %broadcast_in_dim3A_276 = vector.broadcast %broadcast_in_dim3A_275 : f32 to vector<16xf32>
    %swap3A_277 = arith.constant 5 : i32
    %swap3A_278 = arith.index_cast %swap3A_277 : i32 to index
    %swap3A_279 = arith.constant 96 : index
    %swap3A_280 = tpu.vector_load %arg12[%swap3A_278, %swap3A_279] {strides = array<i32>} : memref<16x128xf32, #tpu.memory_space<vmem>>, vector<16xf32>,
    tpu.vector_store %arg12[%swap3A_278, %swap3A_279], %broadcast_in_dim3A_276 {strides = array<i32>} : memref<16x128xf32, #tpu.memory_space<vmem>>, vector<16xf32>,
    %broadcast_in_dim3A_281 = arith.constant 0.000000e+00 : f32
    %broadcast_in_dim3A_282 = vector.broadcast %broadcast_in_dim3A_281 : f32 to vector<16xf32>
    %swap3A_283 = arith.constant 5 : i32
    %swap3A_284 = arith.index_cast %swap3A_283 : i32 to index
    %swap3A_285 = arith.constant 112 : index
    %swap3A_286 = tpu.vector_load %arg12[%swap3A_284, %swap3A_285] {strides = array<i32>} : memref<16x128xf32, #tpu.memory_space<vmem>>, vector<16xf32>,
    tpu.vector_store %arg12[%swap3A_284, %swap3A_285], %broadcast_in_dim3A_282 {strides = array<i32>} : memref<16x128xf32, #tpu.memory_space<vmem>>, vector<16xf32>,
    %broadcast_in_dim3A_287 = arith.constant 0.000000e+00 : f32
    %broadcast_in_dim3A_288 = vector.broadcast %broadcast_in_dim3A_287 : f32 to vector<16xf32>
    %swap3A_289 = arith.constant 6 : i32
    %swap3A_290 = arith.index_cast %swap3A_289 : i32 to index
    %swap3A_291 = arith.constant 0 : index
    %swap3A_292 = tpu.vector_load %arg12[%swap3A_290, %swap3A_291] {strides = array<i32>} : memref<16x128xf32, #tpu.memory_space<vmem>>, vector<16xf32>,
    tpu.vector_store %arg12[%swap3A_290, %swap3A_291], %broadcast_in_dim3A_288 {strides = array<i32>} : memref<16x128xf32, #tpu.memory_space<vmem>>, vector<16xf32>,
    %broadcast_in_dim3A_293 = arith.constant 0.000000e+00 : f32
    %broadcast_in_dim3A_294 = vector.broadcast %broadcast_in_dim3A_293 : f32 to vector<16xf32>
    %swap3A_295 = arith.constant 6 : i32
    %swap3A_296 = arith.index_cast %swap3A_295 : i32 to index
    %swap3A_297 = arith.constant 16 : index
    %swap3A_298 = tpu.vector_load %arg12[%swap3A_296, %swap3A_297] {strides = array<i32>} : memref<16x128xf32, #tpu.memory_space<vmem>>, vector<16xf32>,
    tpu.vector_store %arg12[%swap3A_296, %swap3A_297], %broadcast_in_dim3A_294 {strides = array<i32>} : memref<16x128xf32, #tpu.memory_space<vmem>>, vector<16xf32>,
    %broadcast_in_dim3A_299 = arith.constant 0.000000e+00 : f32
    %broadcast_in_dim3A_300 = vector.broadcast %broadcast_in_dim3A_299 : f32 to vector<16xf32>
    %swap3A_301 = arith.constant 6 : i32
    %swap3A_302 = arith.index_cast %swap3A_301 : i32 to index
    %swap3A_303 = arith.constant 32 : index
    %swap3A_304 = tpu.vector_load %arg12[%swap3A_302, %swap3A_303] {strides = array<i32>} : memref<16x128xf32, #tpu.memory_space<vmem>>, vector<16xf32>,
    tpu.vector_store %arg12[%swap3A_302, %swap3A_303], %broadcast_in_dim3A_300 {strides = array<i32>} : memref<16x128xf32, #tpu.memory_space<vmem>>, vector<16xf32>,
    %broadcast_in_dim3A_305 = arith.constant 0.000000e+00 : f32
    %broadcast_in_dim3A_306 = vector.broadcast %broadcast_in_dim3A_305 : f32 to vector<16xf32>
    %swap3A_307 = arith.constant 6 : i32
    %swap3A_308 = arith.index_cast %swap3A_307 : i32 to index
    %swap3A_309 = arith.constant 48 : index
    %swap3A_310 = tpu.vector_load %arg12[%swap3A_308, %swap3A_309] {strides = array<i32>} : memref<16x128xf32, #tpu.memory_space<vmem>>, vector<16xf32>,
    tpu.vector_store %arg12[%swap3A_308, %swap3A_309], %broadcast_in_dim3A_306 {strides = array<i32>} : memref<16x128xf32, #tpu.memory_space<vmem>>, vector<16xf32>,
    %broadcast_in_dim3A_311 = arith.constant 0.000000e+00 : f32
    %broadcast_in_dim3A_312 = vector.broadcast %broadcast_in_dim3A_311 : f32 to vector<16xf32>
    %swap3A_313 = arith.constant 6 : i32
    %swap3A_314 = arith.index_cast %swap3A_313 : i32 to index
    %swap3A_315 = arith.constant 64 : index
    %swap3A_316 = tpu.vector_load %arg12[%swap3A_314, %swap3A_315] {strides = array<i32>} : memref<16x128xf32, #tpu.memory_space<vmem>>, vector<16xf32>,
    tpu.vector_store %arg12[%swap3A_314, %swap3A_315], %broadcast_in_dim3A_312 {strides = array<i32>} : memref<16x128xf32, #tpu.memory_space<vmem>>, vector<16xf32>,
    %broadcast_in_dim3A_317 = arith.constant 0.000000e+00 : f32
    %broadcast_in_dim3A_318 = vector.broadcast %broadcast_in_dim3A_317 : f32 to vector<16xf32>
    %swap3A_319 = arith.constant 6 : i32
    %swap3A_320 = arith.index_cast %swap3A_319 : i32 to index
    %swap3A_321 = arith.constant 80 : index
    %swap3A_322 = tpu.vector_load %arg12[%swap3A_320, %swap3A_321] {strides = array<i32>} : memref<16x128xf32, #tpu.memory_space<vmem>>, vector<16xf32>,
    tpu.vector_store %arg12[%swap3A_320, %swap3A_321], %broadcast_in_dim3A_318 {strides = array<i32>} : memref<16x128xf32, #tpu.memory_space<vmem>>, vector<16xf32>,
    %broadcast_in_dim3A_323 = arith.constant 0.000000e+00 : f32
    %broadcast_in_dim3A_324 = vector.broadcast %broadcast_in_dim3A_323 : f32 to vector<16xf32>
    %swap3A_325 = arith.constant 6 : i32
    %swap3A_326 = arith.index_cast %swap3A_325 : i32 to index
    %swap3A_327 = arith.constant 96 : index
    %swap3A_328 = tpu.vector_load %arg12[%swap3A_326, %swap3A_327] {strides = array<i32>} : memref<16x128xf32, #tpu.memory_space<vmem>>, vector<16xf32>,
    tpu.vector_store %arg12[%swap3A_326, %swap3A_327], %broadcast_in_dim3A_324 {strides = array<i32>} : memref<16x128xf32, #tpu.memory_space<vmem>>, vector<16xf32>,
    %broadcast_in_dim3A_329 = arith.constant 0.000000e+00 : f32
    %broadcast_in_dim3A_330 = vector.broadcast %broadcast_in_dim3A_329 : f32 to vector<16xf32>
    %swap3A_331 = arith.constant 6 : i32
    %swap3A_332 = arith.index_cast %swap3A_331 : i32 to index
    %swap3A_333 = arith.constant 112 : index
    %swap3A_334 = tpu.vector_load %arg12[%swap3A_332, %swap3A_333] {strides = array<i32>} : memref<16x128xf32, #tpu.memory_space<vmem>>, vector<16xf32>,
    tpu.vector_store %arg12[%swap3A_332, %swap3A_333], %broadcast_in_dim3A_330 {strides = array<i32>} : memref<16x128xf32, #tpu.memory_space<vmem>>, vector<16xf32>,
    %broadcast_in_dim3A_335 = arith.constant 0.000000e+00 : f32
    %broadcast_in_dim3A_336 = vector.broadcast %broadcast_in_dim3A_335 : f32 to vector<16xf32>
    %swap3A_337 = arith.constant 7 : i32
    %swap3A_338 = arith.index_cast %swap3A_337 : i32 to index
    %swap3A_339 = arith.constant 0 : index
    %swap3A_340 = tpu.vector_load %arg12[%swap3A_338, %swap3A_339] {strides = array<i32>} : memref<16x128xf32, #tpu.memory_space<vmem>>, vector<16xf32>,
    tpu.vector_store %arg12[%swap3A_338, %swap3A_339], %broadcast_in_dim3A_336 {strides = array<i32>} : memref<16x128xf32, #tpu.memory_space<vmem>>, vector<16xf32>,
    %broadcast_in_dim3A_341 = arith.constant 0.000000e+00 : f32
    %broadcast_in_dim3A_342 = vector.broadcast %broadcast_in_dim3A_341 : f32 to vector<16xf32>
    %swap3A_343 = arith.constant 7 : i32
    %swap3A_344 = arith.index_cast %swap3A_343 : i32 to index
    %swap3A_345 = arith.constant 16 : index
    %swap3A_346 = tpu.vector_load %arg12[%swap3A_344, %swap3A_345] {strides = array<i32>} : memref<16x128xf32, #tpu.memory_space<vmem>>, vector<16xf32>,
    tpu.vector_store %arg12[%swap3A_344, %swap3A_345], %broadcast_in_dim3A_342 {strides = array<i32>} : memref<16x128xf32, #tpu.memory_space<vmem>>, vector<16xf32>,
    %broadcast_in_dim3A_347 = arith.constant 0.000000e+00 : f32
    %broadcast_in_dim3A_348 = vector.broadcast %broadcast_in_dim3A_347 : f32 to vector<16xf32>
    %swap3A_349 = arith.constant 7 : i32
    %swap3A_350 = arith.index_cast %swap3A_349 : i32 to index
    %swap3A_351 = arith.constant 32 : index
    %swap3A_352 = tpu.vector_load %arg12[%swap3A_350, %swap3A_351] {strides = array<i32>} : memref<16x128xf32, #tpu.memory_space<vmem>>, vector<16xf32>,
    tpu.vector_store %arg12[%swap3A_350, %swap3A_351], %broadcast_in_dim3A_348 {strides = array<i32>} : memref<16x128xf32, #tpu.memory_space<vmem>>, vector<16xf32>,
    %broadcast_in_dim3A_353 = arith.constant 0.000000e+00 : f32
    %broadcast_in_dim3A_354 = vector.broadcast %broadcast_in_dim3A_353 : f32 to vector<16xf32>
    %swap3A_355 = arith.constant 7 : i32
    %swap3A_356 = arith.index_cast %swap3A_355 : i32 to index
    %swap3A_357 = arith.constant 48 : index
    %swap3A_358 = tpu.vector_load %arg12[%swap3A_356, %swap3A_357] {strides = array<i32>} : memref<16x128xf32, #tpu.memory_space<vmem>>, vector<16xf32>,
    tpu.vector_store %arg12[%swap3A_356, %swap3A_357], %broadcast_in_dim3A_354 {strides = array<i32>} : memref<16x128xf32, #tpu.memory_space<vmem>>, vector<16xf32>,
    %broadcast_in_dim3A_359 = arith.constant 0.000000e+00 : f32
    %broadcast_in_dim3A_360 = vector.broadcast %broadcast_in_dim3A_359 : f32 to vector<16xf32>
    %swap3A_361 = arith.constant 7 : i32
    %swap3A_362 = arith.index_cast %swap3A_361 : i32 to index
    %swap3A_363 = arith.constant 64 : index
    %swap3A_364 = tpu.vector_load %arg12[%swap3A_362, %swap3A_363] {strides = array<i32>} : memref<16x128xf32, #tpu.memory_space<vmem>>, vector<16xf32>,
    tpu.vector_store %arg12[%swap3A_362, %swap3A_363], %broadcast_in_dim3A_360 {strides = array<i32>} : memref<16x128xf32, #tpu.memory_space<vmem>>, vector<16xf32>,
    %broadcast_in_dim3A_365 = arith.constant 0.000000e+00 : f32
    %broadcast_in_dim3A_366 = vector.broadcast %broadcast_in_dim3A_365 : f32 to vector<16xf32>
    %swap3A_367 = arith.constant 7 : i32
    %swap3A_368 = arith.index_cast %swap3A_367 : i32 to index
    %swap3A_369 = arith.constant 80 : index
    %swap3A_370 = tpu.vector_load %arg12[%swap3A_368, %swap3A_369] {strides = array<i32>} : memref<16x128xf32, #tpu.memory_space<vmem>>, vector<16xf32>,
    tpu.vector_store %arg12[%swap3A_368, %swap3A_369], %broadcast_in_dim3A_366 {strides = array<i32>} : memref<16x128xf32, #tpu.memory_space<vmem>>, vector<16xf32>,
    %broadcast_in_dim3A_371 = arith.constant 0.000000e+00 : f32
    %broadcast_in_dim3A_372 = vector.broadcast %broadcast_in_dim3A_371 : f32 to vector<16xf32>
    %swap3A_373 = arith.constant 7 : i32
    %swap3A_374 = arith.index_cast %swap3A_373 : i32 to index
    %swap3A_375 = arith.constant 96 : index
    %swap3A_376 = tpu.vector_load %arg12[%swap3A_374, %swap3A_375] {strides = array<i32>} : memref<16x128xf32, #tpu.memory_space<vmem>>, vector<16xf32>,
    tpu.vector_store %arg12[%swap3A_374, %swap3A_375], %broadcast_in_dim3A_372 {strides = array<i32>} : memref<16x128xf32, #tpu.memory_space<vmem>>, vector<16xf32>,
    %broadcast_in_dim3A_377 = arith.constant 0.000000e+00 : f32
    %broadcast_in_dim3A_378 = vector.broadcast %broadcast_in_dim3A_377 : f32 to vector<16xf32>
    %swap3A_379 = arith.constant 7 : i32
    %swap3A_380 = arith.index_cast %swap3A_379 : i32 to index
    %swap3A_381 = arith.constant 112 : index
    %swap3A_382 = tpu.vector_load %arg12[%swap3A_380, %swap3A_381] {strides = array<i32>} : memref<16x128xf32, #tpu.memory_space<vmem>>, vector<16xf32>,
    tpu.vector_store %arg12[%swap3A_380, %swap3A_381], %broadcast_in_dim3A_378 {strides = array<i32>} : memref<16x128xf32, #tpu.memory_space<vmem>>, vector<16xf32>,
    %broadcast_in_dim3A_383 = arith.constant 0.000000e+00 : f32
    %broadcast_in_dim3A_384 = vector.broadcast %broadcast_in_dim3A_383 : f32 to vector<16xf32>
    %swap3A_385 = arith.constant 8 : i32
    %swap3A_386 = arith.index_cast %swap3A_385 : i32 to index
    %swap3A_387 = arith.constant 0 : index
    %swap3A_388 = tpu.vector_load %arg12[%swap3A_386, %swap3A_387] {strides = array<i32>} : memref<16x128xf32, #tpu.memory_space<vmem>>, vector<16xf32>,
    tpu.vector_store %arg12[%swap3A_386, %swap3A_387], %broadcast_in_dim3A_384 {strides = array<i32>} : memref<16x128xf32, #tpu.memory_space<vmem>>, vector<16xf32>,
    %broadcast_in_dim3A_389 = arith.constant 0.000000e+00 : f32
    %broadcast_in_dim3A_390 = vector.broadcast %broadcast_in_dim3A_389 : f32 to vector<16xf32>
    %swap3A_391 = arith.constant 8 : i32
    %swap3A_392 = arith.index_cast %swap3A_391 : i32 to index
    %swap3A_393 = arith.constant 16 : index
    %swap3A_394 = tpu.vector_load %arg12[%swap3A_392, %swap3A_393] {strides = array<i32>} : memref<16x128xf32, #tpu.memory_space<vmem>>, vector<16xf32>,
    tpu.vector_store %arg12[%swap3A_392, %swap3A_393], %broadcast_in_dim3A_390 {strides = array<i32>} : memref<16x128xf32, #tpu.memory_space<vmem>>, vector<16xf32>,
    %broadcast_in_dim3A_395 = arith.constant 0.000000e+00 : f32
    %broadcast_in_dim3A_396 = vector.broadcast %broadcast_in_dim3A_395 : f32 to vector<16xf32>
    %swap3A_397 = arith.constant 8 : i32
    %swap3A_398 = arith.index_cast %swap3A_397 : i32 to index
    %swap3A_399 = arith.constant 32 : index
    %swap3A_400 = tpu.vector_load %arg12[%swap3A_398, %swap3A_399] {strides = array<i32>} : memref<16x128xf32, #tpu.memory_space<vmem>>, vector<16xf32>,
    tpu.vector_store %arg12[%swap3A_398, %swap3A_399], %broadcast_in_dim3A_396 {strides = array<i32>} : memref<16x128xf32, #tpu.memory_space<vmem>>, vector<16xf32>,
    %broadcast_in_dim3A_401 = arith.constant 0.000000e+00 : f32
    %broadcast_in_dim3A_402 = vector.broadcast %broadcast_in_dim3A_401 : f32 to vector<16xf32>
    %swap3A_403 = arith.constant 8 : i32
    %swap3A_404 = arith.index_cast %swap3A_403 : i32 to index
    %swap3A_405 = arith.constant 48 : index
    %swap3A_406 = tpu.vector_load %arg12[%swap3A_404, %swap3A_405] {strides = array<i32>} : memref<16x128xf32, #tpu.memory_space<vmem>>, vector<16xf32>,
    tpu.vector_store %arg12[%swap3A_404, %swap3A_405], %broadcast_in_dim3A_402 {strides = array<i32>} : memref<16x128xf32, #tpu.memory_space<vmem>>, vector<16xf32>,
    %broadcast_in_dim3A_407 = arith.constant 0.000000e+00 : f32
    %broadcast_in_dim3A_408 = vector.broadcast %broadcast_in_dim3A_407 : f32 to vector<16xf32>
    %swap3A_409 = arith.constant 8 : i32
    %swap3A_410 = arith.index_cast %swap3A_409 : i32 to index
    %swap3A_411 = arith.constant 64 : index
    %swap3A_412 = tpu.vector_load %arg12[%swap3A_410, %swap3A_411] {strides = array<i32>} : memref<16x128xf32, #tpu.memory_space<vmem>>, vector<16xf32>,
    tpu.vector_store %arg12[%swap3A_410, %swap3A_411], %broadcast_in_dim3A_408 {strides = array<i32>} : memref<16x128xf32, #tpu.memory_space<vmem>>, vector<16xf32>,
    %broadcast_in_dim3A_413 = arith.constant 0.000000e+00 : f32
    %broadcast_in_dim3A_414 = vector.broadcast %broadcast_in_dim3A_413 : f32 to vector<16xf32>
    %swap3A_415 = arith.constant 8 : i32
    %swap3A_416 = arith.index_cast %swap3A_415 : i32 to index
    %swap3A_417 = arith.constant 80 : index
    %swap3A_418 = tpu.vector_load %arg12[%swap3A_416, %swap3A_417] {strides = array<i32>} : memref<16x128xf32, #tpu.memory_space<vmem>>, vector<16xf32>,
    tpu.vector_store %arg12[%swap3A_416, %swap3A_417], %broadcast_in_dim3A_414 {strides = array<i32>} : memref<16x128xf32, #tpu.memory_space<vmem>>, vector<16xf32>,
    %broadcast_in_dim3A_419 = arith.constant 0.000000e+00 : f32
    %broadcast_in_dim3A_420 = vector.broadcast %broadcast_in_dim3A_419 : f32 to vector<16xf32>
    %swap3A_421 = arith.constant 8 : i32
    %swap3A_422 = arith.index_cast %swap3A_421 : i32 to index
    %swap3A_423 = arith.constant 96 : index
    %swap3A_424 = tpu.vector_load %arg12[%swap3A_422, %swap3A_423] {strides = array<i32>} : memref<16x128xf32, #tpu.memory_space<vmem>>, vector<16xf32>,
    tpu.vector_store %arg12[%swap3A_422, %swap3A_423], %broadcast_in_dim3A_420 {strides = array<i32>} : memref<16x128xf32, #tpu.memory_space<vmem>>, vector<16xf32>,
    %broadcast_in_dim3A_425 = arith.constant 0.000000e+00 : f32
    %broadcast_in_dim3A_426 = vector.broadcast %broadcast_in_dim3A_425 : f32 to vector<16xf32>
    %swap3A_427 = arith.constant 8 : i32
    %swap3A_428 = arith.index_cast %swap3A_427 : i32 to index
    %swap3A_429 = arith.constant 112 : index
    %swap3A_430 = tpu.vector_load %arg12[%swap3A_428, %swap3A_429] {strides = array<i32>} : memref<16x128xf32, #tpu.memory_space<vmem>>, vector<16xf32>,
    tpu.vector_store %arg12[%swap3A_428, %swap3A_429], %broadcast_in_dim3A_426 {strides = array<i32>} : memref<16x128xf32, #tpu.memory_space<vmem>>, vector<16xf32>,
    %broadcast_in_dim3A_431 = arith.constant 0.000000e+00 : f32
    %broadcast_in_dim3A_432 = vector.broadcast %broadcast_in_dim3A_431 : f32 to vector<16xf32>
    %swap3A_433 = arith.constant 9 : i32
    %swap3A_434 = arith.index_cast %swap3A_433 : i32 to index
    %swap3A_435 = arith.constant 0 : index
    %swap3A_436 = tpu.vector_load %arg12[%swap3A_434, %swap3A_435] {strides = array<i32>} : memref<16x128xf32, #tpu.memory_space<vmem>>, vector<16xf32>,
    tpu.vector_store %arg12[%swap3A_434, %swap3A_435], %broadcast_in_dim3A_432 {strides = array<i32>} : memref<16x128xf32, #tpu.memory_space<vmem>>, vector<16xf32>,
    %broadcast_in_dim3A_437 = arith.constant 0.000000e+00 : f32
    %broadcast_in_dim3A_438 = vector.broadcast %broadcast_in_dim3A_437 : f32 to vector<16xf32>
    %swap3A_439 = arith.constant 9 : i32
    %swap3A_440 = arith.index_cast %swap3A_439 : i32 to index
    %swap3A_441 = arith.constant 16 : index
    %swap3A_442 = tpu.vector_load %arg12[%swap3A_440, %swap3A_441] {strides = array<i32>} : memref<16x128xf32, #tpu.memory_space<vmem>>, vector<16xf32>,
    tpu.vector_store %arg12[%swap3A_440, %swap3A_441], %broadcast_in_dim3A_438 {strides = array<i32>} : memref<16x128xf32, #tpu.memory_space<vmem>>, vector<16xf32>,
    %broadcast_in_dim3A_443 = arith.constant 0.000000e+00 : f32
    %broadcast_in_dim3A_444 = vector.broadcast %broadcast_in_dim3A_443 : f32 to vector<16xf32>
    %swap3A_445 = arith.constant 9 : i32
    %swap3A_446 = arith.index_cast %swap3A_445 : i32 to index
    %swap3A_447 = arith.constant 32 : index
    %swap3A_448 = tpu.vector_load %arg12[%swap3A_446, %swap3A_447] {strides = array<i32>} : memref<16x128xf32, #tpu.memory_space<vmem>>, vector<16xf32>,
    tpu.vector_store %arg12[%swap3A_446, %swap3A_447], %broadcast_in_dim3A_444 {strides = array<i32>} : memref<16x128xf32, #tpu.memory_space<vmem>>, vector<16xf32>,
    %broadcast_in_dim3A_449 = arith.constant 0.000000e+00 : f32
    %broadcast_in_dim3A_450 = vector.broadcast %broadcast_in_dim3A_449 : f32 to vector<16xf32>
    %swap3A_451 = arith.constant 9 : i32
    %swap3A_452 = arith.index_cast %swap3A_451 : i32 to index
    %swap3A_453 = arith.constant 48 : index
    %swap3A_454 = tpu.vector_load %arg12[%swap3A_452, %swap3A_453] {strides = array<i32>} : memref<16x128xf32, #tpu.memory_space<vmem>>, vector<16xf32>,
    tpu.vector_store %arg12[%swap3A_452, %swap3A_453], %broadcast_in_dim3A_450 {strides = array<i32>} : memref<16x128xf32, #tpu.memory_space<vmem>>, vector<16xf32>,
    %broadcast_in_dim3A_455 = arith.constant 0.000000e+00 : f32
    %broadcast_in_dim3A_456 = vector.broadcast %broadcast_in_dim3A_455 : f32 to vector<16xf32>
    %swap3A_457 = arith.constant 9 : i32
    %swap3A_458 = arith.index_cast %swap3A_457 : i32 to index
    %swap3A_459 = arith.constant 64 : index
    %swap3A_460 = tpu.vector_load %arg12[%swap3A_458, %swap3A_459] {strides = array<i32>} : memref<16x128xf32, #tpu.memory_space<vmem>>, vector<16xf32>,
    tpu.vector_store %arg12[%swap3A_458, %swap3A_459], %broadcast_in_dim3A_456 {strides = array<i32>} : memref<16x128xf32, #tpu.memory_space<vmem>>, vector<16xf32>,
    %broadcast_in_dim3A_461 = arith.constant 0.000000e+00 : f32
    %broadcast_in_dim3A_462 = vector.broadcast %broadcast_in_dim3A_461 : f32 to vector<16xf32>
    %swap3A_463 = arith.constant 9 : i32
    %swap3A_464 = arith.index_cast %swap3A_463 : i32 to index
    %swap3A_465 = arith.constant 80 : index
    %swap3A_466 = tpu.vector_load %arg12[%swap3A_464, %swap3A_465] {strides = array<i32>} : memref<16x128xf32, #tpu.memory_space<vmem>>, vector<16xf32>,
    tpu.vector_store %arg12[%swap3A_464, %swap3A_465], %broadcast_in_dim3A_462 {strides = array<i32>} : memref<16x128xf32, #tpu.memory_space<vmem>>, vector<16xf32>,
    %broadcast_in_dim3A_467 = arith.constant 0.000000e+00 : f32
    %broadcast_in_dim3A_468 = vector.broadcast %broadcast_in_dim3A_467 : f32 to vector<16xf32>
    %swap3A_469 = arith.constant 9 : i32
    %swap3A_470 = arith.index_cast %swap3A_469 : i32 to index
    %swap3A_471 = arith.constant 96 : index
    %swap3A_472 = tpu.vector_load %arg12[%swap3A_470, %swap3A_471] {strides = array<i32>} : memref<16x128xf32, #tpu.memory_space<vmem>>, vector<16xf32>,
    tpu.vector_store %arg12[%swap3A_470, %swap3A_471], %broadcast_in_dim3A_468 {strides = array<i32>} : memref<16x128xf32, #tpu.memory_space<vmem>>, vector<16xf32>,
    %broadcast_in_dim3A_473 = arith.constant 0.000000e+00 : f32
    %broadcast_in_dim3A_474 = vector.broadcast %broadcast_in_dim3A_473 : f32 to vector<16xf32>
    %swap3A_475 = arith.constant 9 : i32
    %swap3A_476 = arith.index_cast %swap3A_475 : i32 to index
    %swap3A_477 = arith.constant 112 : index
    %swap3A_478 = tpu.vector_load %arg12[%swap3A_476, %swap3A_477] {strides = array<i32>} : memref<16x128xf32, #tpu.memory_space<vmem>>, vector<16xf32>,
    tpu.vector_store %arg12[%swap3A_476, %swap3A_477], %broadcast_in_dim3A_474 {strides = array<i32>} : memref<16x128xf32, #tpu.memory_space<vmem>>, vector<16xf32>,
    %broadcast_in_dim3A_479 = arith.constant 0.000000e+00 : f32
    %broadcast_in_dim3A_480 = vector.broadcast %broadcast_in_dim3A_479 : f32 to vector<16xf32>
    %swap3A_481 = arith.constant 10 : i32
    %swap3A_482 = arith.index_cast %swap3A_481 : i32 to index
    %swap3A_483 = arith.constant 0 : index
    %swap3A_484 = tpu.vector_load %arg12[%swap3A_482, %swap3A_483] {strides = array<i32>} : memref<16x128xf32, #tpu.memory_space<vmem>>, vector<16xf32>,
    tpu.vector_store %arg12[%swap3A_482, %swap3A_483], %broadcast_in_dim3A_480 {strides = array<i32>} : memref<16x128xf32, #tpu.memory_space<vmem>>, vector<16xf32>,
    %broadcast_in_dim3A_485 = arith.constant 0.000000e+00 : f32
    %broadcast_in_dim3A_486 = vector.broadcast %broadcast_in_dim3A_485 : f32 to vector<16xf32>
    %swap3A_487 = arith.constant 10 : i32
    %swap3A_488 = arith.index_cast %swap3A_487 : i32 to index
    %swap3A_489 = arith.constant 16 : index
    %swap3A_490 = tpu.vector_load %arg12[%swap3A_488, %swap3A_489] {strides = array<i32>} : memref<16x128xf32, #tpu.memory_space<vmem>>, vector<16xf32>,
    tpu.vector_store %arg12[%swap3A_488, %swap3A_489], %broadcast_in_dim3A_486 {strides = array<i32>} : memref<16x128xf32, #tpu.memory_space<vmem>>, vector<16xf32>,
    %broadcast_in_dim3A_491 = arith.constant 0.000000e+00 : f32
    %broadcast_in_dim3A_492 = vector.broadcast %broadcast_in_dim3A_491 : f32 to vector<16xf32>
    %swap3A_493 = arith.constant 10 : i32
    %swap3A_494 = arith.index_cast %swap3A_493 : i32 to index
    %swap3A_495 = arith.constant 32 : index
    %swap3A_496 = tpu.vector_load %arg12[%swap3A_494, %swap3A_495] {strides = array<i32>} : memref<16x128xf32, #tpu.memory_space<vmem>>, vector<16xf32>,
    tpu.vector_store %arg12[%swap3A_494, %swap3A_495], %broadcast_in_dim3A_492 {strides = array<i32>} : memref<16x128xf32, #tpu.memory_space<vmem>>, vector<16xf32>,
    %broadcast_in_dim3A_497 = arith.constant 0.000000e+00 : f32
    %broadcast_in_dim3A_498 = vector.broadcast %broadcast_in_dim3A_497 : f32 to vector<16xf32>
    %swap3A_499 = arith.constant 10 : i32
    %swap3A_500 = arith.index_cast %swap3A_499 : i32 to index
    %swap3A_501 = arith.constant 48 : index
    %swap3A_502 = tpu.vector_load %arg12[%swap3A_500, %swap3A_501] {strides = array<i32>} : memref<16x128xf32, #tpu.memory_space<vmem>>, vector<16xf32>,
    tpu.vector_store %arg12[%swap3A_500, %swap3A_501], %broadcast_in_dim3A_498 {strides = array<i32>} : memref<16x128xf32, #tpu.memory_space<vmem>>, vector<16xf32>,
    %broadcast_in_dim3A_503 = arith.constant 0.000000e+00 : f32
    %broadcast_in_dim3A_504 = vector.broadcast %broadcast_in_dim3A_503 : f32 to vector<16xf32>
    %swap3A_505 = arith.constant 10 : i32
    %swap3A_506 = arith.index_cast %swap3A_505 : i32 to index
    %swap3A_507 = arith.constant 64 : index
    %swap3A_508 = tpu.vector_load %arg12[%swap3A_506, %swap3A_507] {strides = array<i32>} : memref<16x128xf32, #tpu.memory_space<vmem>>, vector<16xf32>,
    tpu.vector_store %arg12[%swap3A_506, %swap3A_507], %broadcast_in_dim3A_504 {strides = array<i32>} : memref<16x128xf32, #tpu.memory_space<vmem>>, vector<16xf32>,
    %broadcast_in_dim3A_509 = arith.constant 0.000000e+00 : f32
    %broadcast_in_dim3A_510 = vector.broadcast %broadcast_in_dim3A_509 : f32 to vector<16xf32>
    %swap3A_511 = arith.constant 10 : i32
    %swap3A_512 = arith.index_cast %swap3A_511 : i32 to index
    %swap3A_513 = arith.constant 80 : index
    %swap3A_514 = tpu.vector_load %arg12[%swap3A_512, %swap3A_513] {strides = array<i32>} : memref<16x128xf32, #tpu.memory_space<vmem>>, vector<16xf32>,
    tpu.vector_store %arg12[%swap3A_512, %swap3A_513], %broadcast_in_dim3A_510 {strides = array<i32>} : memref<16x128xf32, #tpu.memory_space<vmem>>, vector<16xf32>,
    %broadcast_in_dim3A_515 = arith.constant 0.000000e+00 : f32
    %broadcast_in_dim3A_516 = vector.broadcast %broadcast_in_dim3A_515 : f32 to vector<16xf32>
    %swap3A_517 = arith.constant 10 : i32
    %swap3A_518 = arith.index_cast %swap3A_517 : i32 to index
    %swap3A_519 = arith.constant 96 : index
    %swap3A_520 = tpu.vector_load %arg12[%swap3A_518, %swap3A_519] {strides = array<i32>} : memref<16x128xf32, #tpu.memory_space<vmem>>, vector<16xf32>,
    tpu.vector_store %arg12[%swap3A_518, %swap3A_519], %broadcast_in_dim3A_516 {strides = array<i32>} : memref<16x128xf32, #tpu.memory_space<vmem>>, vector<16xf32>,
    %broadcast_in_dim3A_521 = arith.constant 0.000000e+00 : f32
    %broadcast_in_dim3A_522 = vector.broadcast %broadcast_in_dim3A_521 : f32 to vector<16xf32>
    %swap3A_523 = arith.constant 10 : i32
    %swap3A_524 = arith.index_cast %swap3A_523 : i32 to index
    %swap3A_525 = arith.constant 112 : index
    %swap3A_526 = tpu.vector_load %arg12[%swap3A_524, %swap3A_525] {strides = array<i32>} : memref<16x128xf32, #tpu.memory_space<vmem>>, vector<16xf32>,
    tpu.vector_store %arg12[%swap3A_524, %swap3A_525], %broadcast_in_dim3A_522 {strides = array<i32>} : memref<16x128xf32, #tpu.memory_space<vmem>>, vector<16xf32>,
    %broadcast_in_dim3A_527 = arith.constant 0.000000e+00 : f32
    %broadcast_in_dim3A_528 = vector.broadcast %broadcast_in_dim3A_527 : f32 to vector<16xf32>
    %swap3A_529 = arith.constant 11 : i32
    %swap3A_530 = arith.index_cast %swap3A_529 : i32 to index
    %swap3A_531 = arith.constant 0 : index
    %swap3A_532 = tpu.vector_load %arg12[%swap3A_530, %swap3A_531] {strides = array<i32>} : memref<16x128xf32, #tpu.memory_space<vmem>>, vector<16xf32>,
    tpu.vector_store %arg12[%swap3A_530, %swap3A_531], %broadcast_in_dim3A_528 {strides = array<i32>} : memref<16x128xf32, #tpu.memory_space<vmem>>, vector<16xf32>,
    %broadcast_in_dim3A_533 = arith.constant 0.000000e+00 : f32
    %broadcast_in_dim3A_534 = vector.broadcast %broadcast_in_dim3A_533 : f32 to vector<16xf32>
    %swap3A_535 = arith.constant 11 : i32
    %swap3A_536 = arith.index_cast %swap3A_535 : i32 to index
    %swap3A_537 = arith.constant 16 : index
    %swap3A_538 = tpu.vector_load %arg12[%swap3A_536, %swap3A_537] {strides = array<i32>} : memref<16x128xf32, #tpu.memory_space<vmem>>, vector<16xf32>,
    tpu.vector_store %arg12[%swap3A_536, %swap3A_537], %broadcast_in_dim3A_534 {strides = array<i32>} : memref<16x128xf32, #tpu.memory_space<vmem>>, vector<16xf32>,
    %broadcast_in_dim3A_539 = arith.constant 0.000000e+00 : f32
    %broadcast_in_dim3A_540 = vector.broadcast %broadcast_in_dim3A_539 : f32 to vector<16xf32>
    %swap3A_541 = arith.constant 11 : i32
    %swap3A_542 = arith.index_cast %swap3A_541 : i32 to index
    %swap3A_543 = arith.constant 32 : index
    %swap3A_544 = tpu.vector_load %arg12[%swap3A_542, %swap3A_543] {strides = array<i32>} : memref<16x128xf32, #tpu.memory_space<vmem>>, vector<16xf32>,
    tpu.vector_store %arg12[%swap3A_542, %swap3A_543], %broadcast_in_dim3A_540 {strides = array<i32>} : memref<16x128xf32, #tpu.memory_space<vmem>>, vector<16xf32>,
    %broadcast_in_dim3A_545 = arith.constant 0.000000e+00 : f32
    %broadcast_in_dim3A_546 = vector.broadcast %broadcast_in_dim3A_545 : f32 to vector<16xf32>
    %swap3A_547 = arith.constant 11 : i32
    %swap3A_548 = arith.index_cast %swap3A_547 : i32 to index
    %swap3A_549 = arith.constant 48 : index
    %swap3A_550 = tpu.vector_load %arg12[%swap3A_548, %swap3A_549] {strides = array<i32>} : memref<16x128xf32, #tpu.memory_space<vmem>>, vector<16xf32>,
    tpu.vector_store %arg12[%swap3A_548, %swap3A_549], %broadcast_in_dim3A_546 {strides = array<i32>} : memref<16x128xf32, #tpu.memory_space<vmem>>, vector<16xf32>,
    %broadcast_in_dim3A_551 = arith.constant 0.000000e+00 : f32
    %broadcast_in_dim3A_552 = vector.broadcast %broadcast_in_dim3A_551 : f32 to vector<16xf32>
    %swap3A_553 = arith.constant 11 : i32
    %swap3A_554 = arith.index_cast %swap3A_553 : i32 to index
    %swap3A_555 = arith.constant 64 : index
    %swap3A_556 = tpu.vector_load %arg12[%swap3A_554, %swap3A_555] {strides = array<i32>} : memref<16x128xf32, #tpu.memory_space<vmem>>, vector<16xf32>,
    tpu.vector_store %arg12[%swap3A_554, %swap3A_555], %broadcast_in_dim3A_552 {strides = array<i32>} : memref<16x128xf32, #tpu.memory_space<vmem>>, vector<16xf32>,
    %broadcast_in_dim3A_557 = arith.constant 0.000000e+00 : f32
    %broadcast_in_dim3A_558 = vector.broadcast %broadcast_in_dim3A_557 : f32 to vector<16xf32>
    %swap3A_559 = arith.constant 11 : i32
    %swap3A_560 = arith.index_cast %swap3A_559 : i32 to index
    %swap3A_561 = arith.constant 80 : index
    %swap3A_562 = tpu.vector_load %arg12[%swap3A_560, %swap3A_561] {strides = array<i32>} : memref<16x128xf32, #tpu.memory_space<vmem>>, vector<16xf32>,
    tpu.vector_store %arg12[%swap3A_560, %swap3A_561], %broadcast_in_dim3A_558 {strides = array<i32>} : memref<16x128xf32, #tpu.memory_space<vmem>>, vector<16xf32>,
    %broadcast_in_dim3A_563 = arith.constant 0.000000e+00 : f32
    %broadcast_in_dim3A_564 = vector.broadcast %broadcast_in_dim3A_563 : f32 to vector<16xf32>
    %swap3A_565 = arith.constant 11 : i32
    %swap3A_566 = arith.index_cast %swap3A_565 : i32 to index
    %swap3A_567 = arith.constant 96 : index
    %swap3A_568 = tpu.vector_load %arg12[%swap3A_566, %swap3A_567] {strides = array<i32>} : memref<16x128xf32, #tpu.memory_space<vmem>>, vector<16xf32>,
    tpu.vector_store %arg12[%swap3A_566, %swap3A_567], %broadcast_in_dim3A_564 {strides = array<i32>} : memref<16x128xf32, #tpu.memory_space<vmem>>, vector<16xf32>,
    %broadcast_in_dim3A_569 = arith.constant 0.000000e+00 : f32
    %broadcast_in_dim3A_570 = vector.broadcast %broadcast_in_dim3A_569 : f32 to vector<16xf32>
    %swap3A_571 = arith.constant 11 : i32
    %swap3A_572 = arith.index_cast %swap3A_571 : i32 to index
    %swap3A_573 = arith.constant 112 : index
    %swap3A_574 = tpu.vector_load %arg12[%swap3A_572, %swap3A_573] {strides = array<i32>} : memref<16x128xf32, #tpu.memory_space<vmem>>, vector<16xf32>,
    tpu.vector_store %arg12[%swap3A_572, %swap3A_573], %broadcast_in_dim3A_570 {strides = array<i32>} : memref<16x128xf32, #tpu.memory_space<vmem>>, vector<16xf32>,
    %broadcast_in_dim3A_575 = arith.constant 0.000000e+00 : f32
    %broadcast_in_dim3A_576 = vector.broadcast %broadcast_in_dim3A_575 : f32 to vector<16xf32>
    %swap3A_577 = arith.constant 12 : i32
    %swap3A_578 = arith.index_cast %swap3A_577 : i32 to index
    %swap3A_579 = arith.constant 0 : index
    %swap3A_580 = tpu.vector_load %arg12[%swap3A_578, %swap3A_579] {strides = array<i32>} : memref<16x128xf32, #tpu.memory_space<vmem>>, vector<16xf32>,
    tpu.vector_store %arg12[%swap3A_578, %swap3A_579], %broadcast_in_dim3A_576 {strides = array<i32>} : memref<16x128xf32, #tpu.memory_space<vmem>>, vector<16xf32>,
    %broadcast_in_dim3A_581 = arith.constant 0.000000e+00 : f32
    %broadcast_in_dim3A_582 = vector.broadcast %broadcast_in_dim3A_581 : f32 to vector<16xf32>
    %swap3A_583 = arith.constant 12 : i32
    %swap3A_584 = arith.index_cast %swap3A_583 : i32 to index
    %swap3A_585 = arith.constant 16 : index
    %swap3A_586 = tpu.vector_load %arg12[%swap3A_584, %swap3A_585] {strides = array<i32>} : memref<16x128xf32, #tpu.memory_space<vmem>>, vector<16xf32>,
    tpu.vector_store %arg12[%swap3A_584, %swap3A_585], %broadcast_in_dim3A_582 {strides = array<i32>} : memref<16x128xf32, #tpu.memory_space<vmem>>, vector<16xf32>,
    %broadcast_in_dim3A_587 = arith.constant 0.000000e+00 : f32
    %broadcast_in_dim3A_588 = vector.broadcast %broadcast_in_dim3A_587 : f32 to vector<16xf32>
    %swap3A_589 = arith.constant 12 : i32
    %swap3A_590 = arith.index_cast %swap3A_589 : i32 to index
    %swap3A_591 = arith.constant 32 : index
    %swap3A_592 = tpu.vector_load %arg12[%swap3A_590, %swap3A_591] {strides = array<i32>} : memref<16x128xf32, #tpu.memory_space<vmem>>, vector<16xf32>,
    tpu.vector_store %arg12[%swap3A_590, %swap3A_591], %broadcast_in_dim3A_588 {strides = array<i32>} : memref<16x128xf32, #tpu.memory_space<vmem>>, vector<16xf32>,
    %broadcast_in_dim3A_593 = arith.constant 0.000000e+00 : f32
    %broadcast_in_dim3A_594 = vector.broadcast %broadcast_in_dim3A_593 : f32 to vector<16xf32>
    %swap3A_595 = arith.constant 12 : i32
    %swap3A_596 = arith.index_cast %swap3A_595 : i32 to index
    %swap3A_597 = arith.constant 48 : index
    %swap3A_598 = tpu.vector_load %arg12[%swap3A_596, %swap3A_597] {strides = array<i32>} : memref<16x128xf32, #tpu.memory_space<vmem>>, vector<16xf32>,
    tpu.vector_store %arg12[%swap3A_596, %swap3A_597], %broadcast_in_dim3A_594 {strides = array<i32>} : memref<16x128xf32, #tpu.memory_space<vmem>>, vector<16xf32>,
    %broadcast_in_dim3A_599 = arith.constant 0.000000e+00 : f32
    %broadcast_in_dim3A_600 = vector.broadcast %broadcast_in_dim3A_599 : f32 to vector<16xf32>
    %swap3A_601 = arith.constant 12 : i32
    %swap3A_602 = arith.index_cast %swap3A_601 : i32 to index
    %swap3A_603 = arith.constant 64 : index
    %swap3A_604 = tpu.vector_load %arg12[%swap3A_602, %swap3A_603] {strides = array<i32>} : memref<16x128xf32, #tpu.memory_space<vmem>>, vector<16xf32>,
    tpu.vector_store %arg12[%swap3A_602, %swap3A_603], %broadcast_in_dim3A_600 {strides = array<i32>} : memref<16x128xf32, #tpu.memory_space<vmem>>, vector<16xf32>,
    %broadcast_in_dim3A_605 = arith.constant 0.000000e+00 : f32
    %broadcast_in_dim3A_606 = vector.broadcast %broadcast_in_dim3A_605 : f32 to vector<16xf32>
    %swap3A_607 = arith.constant 12 : i32
    %swap3A_608 = arith.index_cast %swap3A_607 : i32 to index
    %swap3A_609 = arith.constant 80 : index
    %swap3A_610 = tpu.vector_load %arg12[%swap3A_608, %swap3A_609] {strides = array<i32>} : memref<16x128xf32, #tpu.memory_space<vmem>>, vector<16xf32>,
    tpu.vector_store %arg12[%swap3A_608, %swap3A_609], %broadcast_in_dim3A_606 {strides = array<i32>} : memref<16x128xf32, #tpu.memory_space<vmem>>, vector<16xf32>,
    %broadcast_in_dim3A_611 = arith.constant 0.000000e+00 : f32
    %broadcast_in_dim3A_612 = vector.broadcast %broadcast_in_dim3A_611 : f32 to vector<16xf32>
    %swap3A_613 = arith.constant 12 : i32
    %swap3A_614 = arith.index_cast %swap3A_613 : i32 to index
    %swap3A_615 = arith.constant 96 : index
    %swap3A_616 = tpu.vector_load %arg12[%swap3A_614, %swap3A_615] {strides = array<i32>} : memref<16x128xf32, #tpu.memory_space<vmem>>, vector<16xf32>,
    tpu.vector_store %arg12[%swap3A_614, %swap3A_615], %broadcast_in_dim3A_612 {strides = array<i32>} : memref<16x128xf32, #tpu.memory_space<vmem>>, vector<16xf32>,
    %broadcast_in_dim3A_617 = arith.constant 0.000000e+00 : f32
    %broadcast_in_dim3A_618 = vector.broadcast %broadcast_in_dim3A_617 : f32 to vector<16xf32>
    %swap3A_619 = arith.constant 12 : i32
    %swap3A_620 = arith.index_cast %swap3A_619 : i32 to index
    %swap3A_621 = arith.constant 112 : index
    %swap3A_622 = tpu.vector_load %arg12[%swap3A_620, %swap3A_621] {strides = array<i32>} : memref<16x128xf32, #tpu.memory_space<vmem>>, vector<16xf32>,
    tpu.vector_store %arg12[%swap3A_620, %swap3A_621], %broadcast_in_dim3A_618 {strides = array<i32>} : memref<16x128xf32, #tpu.memory_space<vmem>>, vector<16xf32>,
    %broadcast_in_dim3A_623 = arith.constant 0.000000e+00 : f32
    %broadcast_in_dim3A_624 = vector.broadcast %broadcast_in_dim3A_623 : f32 to vector<16xf32>
    %swap3A_625 = arith.constant 13 : i32
    %swap3A_626 = arith.index_cast %swap3A_625 : i32 to index
    %swap3A_627 = arith.constant 0 : index
    %swap3A_628 = tpu.vector_load %arg12[%swap3A_626, %swap3A_627] {strides = array<i32>} : memref<16x128xf32, #tpu.memory_space<vmem>>, vector<16xf32>,
    tpu.vector_store %arg12[%swap3A_626, %swap3A_627], %broadcast_in_dim3A_624 {strides = array<i32>} : memref<16x128xf32, #tpu.memory_space<vmem>>, vector<16xf32>,
    %broadcast_in_dim3A_629 = arith.constant 0.000000e+00 : f32
    %broadcast_in_dim3A_630 = vector.broadcast %broadcast_in_dim3A_629 : f32 to vector<16xf32>
    %swap3A_631 = arith.constant 13 : i32
    %swap3A_632 = arith.index_cast %swap3A_631 : i32 to index
    %swap3A_633 = arith.constant 16 : index
    %swap3A_634 = tpu.vector_load %arg12[%swap3A_632, %swap3A_633] {strides = array<i32>} : memref<16x128xf32, #tpu.memory_space<vmem>>, vector<16xf32>,
    tpu.vector_store %arg12[%swap3A_632, %swap3A_633], %broadcast_in_dim3A_630 {strides = array<i32>} : memref<16x128xf32, #tpu.memory_space<vmem>>, vector<16xf32>,
    %broadcast_in_dim3A_635 = arith.constant 0.000000e+00 : f32
    %broadcast_in_dim3A_636 = vector.broadcast %broadcast_in_dim3A_635 : f32 to vector<16xf32>
    %swap3A_637 = arith.constant 13 : i32
    %swap3A_638 = arith.index_cast %swap3A_637 : i32 to index
    %swap3A_639 = arith.constant 32 : index
    %swap3A_640 = tpu.vector_load %arg12[%swap3A_638, %swap3A_639] {strides = array<i32>} : memref<16x128xf32, #tpu.memory_space<vmem>>, vector<16xf32>,
    tpu.vector_store %arg12[%swap3A_638, %swap3A_639], %broadcast_in_dim3A_636 {strides = array<i32>} : memref<16x128xf32, #tpu.memory_space<vmem>>, vector<16xf32>,
    %broadcast_in_dim3A_641 = arith.constant 0.000000e+00 : f32
    %broadcast_in_dim3A_642 = vector.broadcast %broadcast_in_dim3A_641 : f32 to vector<16xf32>
    %swap3A_643 = arith.constant 13 : i32
    %swap3A_644 = arith.index_cast %swap3A_643 : i32 to index
    %swap3A_645 = arith.constant 48 : index
    %swap3A_646 = tpu.vector_load %arg12[%swap3A_644, %swap3A_645] {strides = array<i32>} : memref<16x128xf32, #tpu.memory_space<vmem>>, vector<16xf32>,
    tpu.vector_store %arg12[%swap3A_644, %swap3A_645], %broadcast_in_dim3A_642 {strides = array<i32>} : memref<16x128xf32, #tpu.memory_space<vmem>>, vector<16xf32>,
    %broadcast_in_dim3A_647 = arith.constant 0.000000e+00 : f32
    %broadcast_in_dim3A_648 = vector.broadcast %broadcast_in_dim3A_647 : f32 to vector<16xf32>
    %swap3A_649 = arith.constant 13 : i32
    %swap3A_650 = arith.index_cast %swap3A_649 : i32 to index
    %swap3A_651 = arith.constant 64 : index
    %swap3A_652 = tpu.vector_load %arg12[%swap3A_650, %swap3A_651] {strides = array<i32>} : memref<16x128xf32, #tpu.memory_space<vmem>>, vector<16xf32>,
    tpu.vector_store %arg12[%swap3A_650, %swap3A_651], %broadcast_in_dim3A_648 {strides = array<i32>} : memref<16x128xf32, #tpu.memory_space<vmem>>, vector<16xf32>,
    %broadcast_in_dim3A_653 = arith.constant 0.000000e+00 : f32
    %broadcast_in_dim3A_654 = vector.broadcast %broadcast_in_dim3A_653 : f32 to vector<16xf32>
    %swap3A_655 = arith.constant 13 : i32
    %swap3A_656 = arith.index_cast %swap3A_655 : i32 to index
    %swap3A_657 = arith.constant 80 : index
    %swap3A_658 = tpu.vector_load %arg12[%swap3A_656, %swap3A_657] {strides = array<i32>} : memref<16x128xf32, #tpu.memory_space<vmem>>, vector<16xf32>,
    tpu.vector_store %arg12[%swap3A_656, %swap3A_657], %broadcast_in_dim3A_654 {strides = array<i32>} : memref<16x128xf32, #tpu.memory_space<vmem>>, vector<16xf32>,
    %broadcast_in_dim3A_659 = arith.constant 0.000000e+00 : f32
    %broadcast_in_dim3A_660 = vector.broadcast %broadcast_in_dim3A_659 : f32 to vector<16xf32>
    %swap3A_661 = arith.constant 13 : i32
    %swap3A_662 = arith.index_cast %swap3A_661 : i32 to index
    %swap3A_663 = arith.constant 96 : index
    %swap3A_664 = tpu.vector_load %arg12[%swap3A_662, %swap3A_663] {strides = array<i32>} : memref<16x128xf32, #tpu.memory_space<vmem>>, vector<16xf32>,
    tpu.vector_store %arg12[%swap3A_662, %swap3A_663], %broadcast_in_dim3A_660 {strides = array<i32>} : memref<16x128xf32, #tpu.memory_space<vmem>>, vector<16xf32>,
    %broadcast_in_dim3A_665 = arith.constant 0.000000e+00 : f32
    %broadcast_in_dim3A_666 = vector.broadcast %broadcast_in_dim3A_665 : f32 to vector<16xf32>
    %swap3A_667 = arith.constant 13 : i32
    %swap3A_668 = arith.index_cast %swap3A_667 : i32 to index
    %swap3A_669 = arith.constant 112 : index
    %swap3A_670 = tpu.vector_load %arg12[%swap3A_668, %swap3A_669] {strides = array<i32>} : memref<16x128xf32, #tpu.memory_space<vmem>>, vector<16xf32>,
    tpu.vector_store %arg12[%swap3A_668, %swap3A_669], %broadcast_in_dim3A_666 {strides = array<i32>} : memref<16x128xf32, #tpu.memory_space<vmem>>, vector<16xf32>,
    %broadcast_in_dim3A_671 = arith.constant 0.000000e+00 : f32
    %broadcast_in_dim3A_672 = vector.broadcast %broadcast_in_dim3A_671 : f32 to vector<16xf32>
    %swap3A_673 = arith.constant 14 : i32
    %swap3A_674 = arith.index_cast %swap3A_673 : i32 to index
    %swap3A_675 = arith.constant 0 : index
    %swap3A_676 = tpu.vector_load %arg12[%swap3A_674, %swap3A_675] {strides = array<i32>} : memref<16x128xf32, #tpu.memory_space<vmem>>, vector<16xf32>,
    tpu.vector_store %arg12[%swap3A_674, %swap3A_675], %broadcast_in_dim3A_672 {strides = array<i32>} : memref<16x128xf32, #tpu.memory_space<vmem>>, vector<16xf32>,
    %broadcast_in_dim3A_677 = arith.constant 0.000000e+00 : f32
    %broadcast_in_dim3A_678 = vector.broadcast %broadcast_in_dim3A_677 : f32 to vector<16xf32>
    %swap3A_679 = arith.constant 14 : i32
    %swap3A_680 = arith.index_cast %swap3A_679 : i32 to index
    %swap3A_681 = arith.constant 16 : index
    %swap3A_682 = tpu.vector_load %arg12[%swap3A_680, %swap3A_681] {strides = array<i32>} : memref<16x128xf32, #tpu.memory_space<vmem>>, vector<16xf32>,
    tpu.vector_store %arg12[%swap3A_680, %swap3A_681], %broadcast_in_dim3A_678 {strides = array<i32>} : memref<16x128xf32, #tpu.memory_space<vmem>>, vector<16xf32>,
    %broadcast_in_dim3A_683 = arith.constant 0.000000e+00 : f32
    %broadcast_in_dim3A_684 = vector.broadcast %broadcast_in_dim3A_683 : f32 to vector<16xf32>
    %swap3A_685 = arith.constant 14 : i32
    %swap3A_686 = arith.index_cast %swap3A_685 : i32 to index
    %swap3A_687 = arith.constant 32 : index
    %swap3A_688 = tpu.vector_load %arg12[%swap3A_686, %swap3A_687] {strides = array<i32>} : memref<16x128xf32, #tpu.memory_space<vmem>>, vector<16xf32>,
    tpu.vector_store %arg12[%swap3A_686, %swap3A_687], %broadcast_in_dim3A_684 {strides = array<i32>} : memref<16x128xf32, #tpu.memory_space<vmem>>, vector<16xf32>,
    %broadcast_in_dim3A_689 = arith.constant 0.000000e+00 : f32
    %broadcast_in_dim3A_690 = vector.broadcast %broadcast_in_dim3A_689 : f32 to vector<16xf32>
    %swap3A_691 = arith.constant 14 : i32
    %swap3A_692 = arith.index_cast %swap3A_691 : i32 to index
    %swap3A_693 = arith.constant 48 : index
    %swap3A_694 = tpu.vector_load %arg12[%swap3A_692, %swap3A_693] {strides = array<i32>} : memref<16x128xf32, #tpu.memory_space<vmem>>, vector<16xf32>,
    tpu.vector_store %arg12[%swap3A_692, %swap3A_693], %broadcast_in_dim3A_690 {strides = array<i32>} : memref<16x128xf32, #tpu.memory_space<vmem>>, vector<16xf32>,
    %broadcast_in_dim3A_695 = arith.constant 0.000000e+00 : f32
    %broadcast_in_dim3A_696 = vector.broadcast %broadcast_in_dim3A_695 : f32 to vector<16xf32>
    %swap3A_697 = arith.constant 14 : i32
    %swap3A_698 = arith.index_cast %swap3A_697 : i32 to index
    %swap3A_699 = arith.constant 64 : index
    %swap3A_700 = tpu.vector_load %arg12[%swap3A_698, %swap3A_699] {strides = array<i32>} : memref<16x128xf32, #tpu.memory_space<vmem>>, vector<16xf32>,
    tpu.vector_store %arg12[%swap3A_698, %swap3A_699], %broadcast_in_dim3A_696 {strides = array<i32>} : memref<16x128xf32, #tpu.memory_space<vmem>>, vector<16xf32>,
    %broadcast_in_dim3A_701 = arith.constant 0.000000e+00 : f32
    %broadcast_in_dim3A_702 = vector.broadcast %broadcast_in_dim3A_701 : f32 to vector<16xf32>
    %swap3A_703 = arith.constant 14 : i32
    %swap3A_704 = arith.index_cast %swap3A_703 : i32 to index
    %swap3A_705 = arith.constant 80 : index
    %swap3A_706 = tpu.vector_load %arg12[%swap3A_704, %swap3A_705] {strides = array<i32>} : memref<16x128xf32, #tpu.memory_space<vmem>>, vector<16xf32>,
    tpu.vector_store %arg12[%swap3A_704, %swap3A_705], %broadcast_in_dim3A_702 {strides = array<i32>} : memref<16x128xf32, #tpu.memory_space<vmem>>, vector<16xf32>,
    %broadcast_in_dim3A_707 = arith.constant 0.000000e+00 : f32
    %broadcast_in_dim3A_708 = vector.broadcast %broadcast_in_dim3A_707 : f32 to vector<16xf32>
    %swap3A_709 = arith.constant 14 : i32
    %swap3A_710 = arith.index_cast %swap3A_709 : i32 to index
    %swap3A_711 = arith.constant 96 : index
    %swap3A_712 = tpu.vector_load %arg12[%swap3A_710, %swap3A_711] {strides = array<i32>} : memref<16x128xf32, #tpu.memory_space<vmem>>, vector<16xf32>,
    tpu.vector_store %arg12[%swap3A_710, %swap3A_711], %broadcast_in_dim3A_708 {strides = array<i32>} : memref<16x128xf32, #tpu.memory_space<vmem>>, vector<16xf32>,
    %broadcast_in_dim3A_713 = arith.constant 0.000000e+00 : f32
    %broadcast_in_dim3A_714 = vector.broadcast %broadcast_in_dim3A_713 : f32 to vector<16xf32>
    %swap3A_715 = arith.constant 14 : i32
    %swap3A_716 = arith.index_cast %swap3A_715 : i32 to index
    %swap3A_717 = arith.constant 112 : index
    %swap3A_718 = tpu.vector_load %arg12[%swap3A_716, %swap3A_717] {strides = array<i32>} : memref<16x128xf32, #tpu.memory_space<vmem>>, vector<16xf32>,
    tpu.vector_store %arg12[%swap3A_716, %swap3A_717], %broadcast_in_dim3A_714 {strides = array<i32>} : memref<16x128xf32, #tpu.memory_space<vmem>>, vector<16xf32>,
    %broadcast_in_dim3A_719 = arith.constant 0.000000e+00 : f32
    %broadcast_in_dim3A_720 = vector.broadcast %broadcast_in_dim3A_719 : f32 to vector<16xf32>
    %swap3A_721 = arith.constant 15 : i32
    %swap3A_722 = arith.index_cast %swap3A_721 : i32 to index
    %swap3A_723 = arith.constant 0 : index
    %swap3A_724 = tpu.vector_load %arg12[%swap3A_722, %swap3A_723] {strides = array<i32>} : memref<16x128xf32, #tpu.memory_space<vmem>>, vector<16xf32>,
    tpu.vector_store %arg12[%swap3A_722, %swap3A_723], %broadcast_in_dim3A_720 {strides = array<i32>} : memref<16x128xf32, #tpu.memory_space<vmem>>, vector<16xf32>,
    %broadcast_in_dim3A_725 = arith.constant 0.000000e+00 : f32
    %broadcast_in_dim3A_726 = vector.broadcast %broadcast_in_dim3A_725 : f32 to vector<16xf32>
    %swap3A_727 = arith.constant 15 : i32
    %swap3A_728 = arith.index_cast %swap3A_727 : i32 to index
    %swap3A_729 = arith.constant 16 : index
    %swap3A_730 = tpu.vector_load %arg12[%swap3A_728, %swap3A_729] {strides = array<i32>} : memref<16x128xf32, #tpu.memory_space<vmem>>, vector<16xf32>,
    tpu.vector_store %arg12[%swap3A_728, %swap3A_729], %broadcast_in_dim3A_726 {strides = array<i32>} : memref<16x128xf32, #tpu.memory_space<vmem>>, vector<16xf32>,
    %broadcast_in_dim3A_731 = arith.constant 0.000000e+00 : f32
    %broadcast_in_dim3A_732 = vector.broadcast %broadcast_in_dim3A_731 : f32 to vector<16xf32>
    %swap3A_733 = arith.constant 15 : i32
    %swap3A_734 = arith.index_cast %swap3A_733 : i32 to index
    %swap3A_735 = arith.constant 32 : index
    %swap3A_736 = tpu.vector_load %arg12[%swap3A_734, %swap3A_735] {strides = array<i32>} : memref<16x128xf32, #tpu.memory_space<vmem>>, vector<16xf32>,
    tpu.vector_store %arg12[%swap3A_734, %swap3A_735], %broadcast_in_dim3A_732 {strides = array<i32>} : memref<16x128xf32, #tpu.memory_space<vmem>>, vector<16xf32>,
    %broadcast_in_dim3A_737 = arith.constant 0.000000e+00 : f32
    %broadcast_in_dim3A_738 = vector.broadcast %broadcast_in_dim3A_737 : f32 to vector<16xf32>
    %swap3A_739 = arith.constant 15 : i32
    %swap3A_740 = arith.index_cast %swap3A_739 : i32 to index
    %swap3A_741 = arith.constant 48 : index
    %swap3A_742 = tpu.vector_load %arg12[%swap3A_740, %swap3A_741] {strides = array<i32>} : memref<16x128xf32, #tpu.memory_space<vmem>>, vector<16xf32>,
    tpu.vector_store %arg12[%swap3A_740, %swap3A_741], %broadcast_in_dim3A_738 {strides = array<i32>} : memref<16x128xf32, #tpu.memory_space<vmem>>, vector<16xf32>,
    %broadcast_in_dim3A_743 = arith.constant 0.000000e+00 : f32
    %broadcast_in_dim3A_744 = vector.broadcast %broadcast_in_dim3A_743 : f32 to vector<16xf32>
    %swap3A_745 = arith.constant 15 : i32
    %swap3A_746 = arith.index_cast %swap3A_745 : i32 to index
    %swap3A_747 = arith.constant 64 : index
    %swap3A_748 = tpu.vector_load %arg12[%swap3A_746, %swap3A_747] {strides = array<i32>} : memref<16x128xf32, #tpu.memory_space<vmem>>, vector<16xf32>,
    tpu.vector_store %arg12[%swap3A_746, %swap3A_747], %broadcast_in_dim3A_744 {strides = array<i32>} : memref<16x128xf32, #tpu.memory_space<vmem>>, vector<16xf32>,
    %broadcast_in_dim3A_749 = arith.constant 0.000000e+00 : f32
    %broadcast_in_dim3A_750 = vector.broadcast %broadcast_in_dim3A_749 : f32 to vector<16xf32>
    %swap3A_751 = arith.constant 15 : i32
    %swap3A_752 = arith.index_cast %swap3A_751 : i32 to index
    %swap3A_753 = arith.constant 80 : index
    %swap3A_754 = tpu.vector_load %arg12[%swap3A_752, %swap3A_753] {strides = array<i32>} : memref<16x128xf32, #tpu.memory_space<vmem>>, vector<16xf32>,
    tpu.vector_store %arg12[%swap3A_752, %swap3A_753], %broadcast_in_dim3A_750 {strides = array<i32>} : memref<16x128xf32, #tpu.memory_space<vmem>>, vector<16xf32>,
    %broadcast_in_dim3A_755 = arith.constant 0.000000e+00 : f32
    %broadcast_in_dim3A_756 = vector.broadcast %broadcast_in_dim3A_755 : f32 to vector<16xf32>
    %swap3A_757 = arith.constant 15 : i32
    %swap3A_758 = arith.index_cast %swap3A_757 : i32 to index
    %swap3A_759 = arith.constant 96 : index
    %swap3A_760 = tpu.vector_load %arg12[%swap3A_758, %swap3A_759] {strides = array<i32>} : memref<16x128xf32, #tpu.memory_space<vmem>>, vector<16xf32>,
    tpu.vector_store %arg12[%swap3A_758, %swap3A_759], %broadcast_in_dim3A_756 {strides = array<i32>} : memref<16x128xf32, #tpu.memory_space<vmem>>, vector<16xf32>,
    %broadcast_in_dim3A_761 = arith.constant 0.000000e+00 : f32
    %broadcast_in_dim3A_762 = vector.broadcast %broadcast_in_dim3A_761 : f32 to vector<16xf32>
    %swap3A_763 = arith.constant 15 : i32
    %swap3A_764 = arith.index_cast %swap3A_763 : i32 to index
    %swap3A_765 = arith.constant 112 : index
    %swap3A_766 = tpu.vector_load %arg12[%swap3A_764, %swap3A_765] {strides = array<i32>} : memref<16x128xf32, #tpu.memory_space<vmem>>, vector<16xf32>,
    tpu.vector_store %arg12[%swap3A_764, %swap3A_765], %broadcast_in_dim3A_762 {strides = array<i32>} : memref<16x128xf32, #tpu.memory_space<vmem>>, vector<16xf32>,
    %scan3A = arith.constant 0 : i32
    %scan3A_767 = arith.constant 0 : i32
    %scan3A_768 = arith.constant 632 : i32
    %scan3A_769 = arith.addi %scan3A_767, %scan3A_768 : i32
    %scan3A_770 = arith.constant 1 : i32
    %scan3A_771 = scf.for %scan3A_845 = %scan3A_767 to %scan3A_769 step %scan3A_770 iter_args(%scan3A_846 = %scan3A) -> (i32)  : i32 {
      %broadcast_in_dim3A_847 = arith.constant 0.000000e+00 : f32
      %broadcast_in_dim3A_848 = vector.broadcast %broadcast_in_dim3A_847 : f32 to vector<16xf32>
      %mul3A_849 = arith.constant 16 : i32
      %mul3A_850 = arith.muli %scan3A_845, %mul3A_849 : i32
      %swap3A_851 = arith.index_cast %mul3A_850 : i32 to index
      %swap3A_852 = tpu.vector_load %arg19[%swap3A_851] {strides = array<i32>} : memref<10112xf32, #tpu.memory_space<vmem>>, vector<16xf32>,
      tpu.vector_store %arg19[%swap3A_851], %broadcast_in_dim3A_848 {strides = array<i32>} : memref<10112xf32, #tpu.memory_space<vmem>>, vector<16xf32>,
      %scan3A_853 = arith.constant 0 : i32
      scf.yield %scan3A_853 : i32
    }
    %scan3A_772 = arith.constant 632 : i32
    %mul3A_773 = arith.constant 632 : i32
    %mul3A_774 = arith.muli %arg1, %mul3A_773 : i32
    %scan3A_775 = arith.constant 0 : i32
    %scan3A_776 = arith.constant 0 : i32
    %scan3A_777 = arith.constant 39 : i32
    %scan3A_778 = arith.addi %scan3A_776, %scan3A_777 : i32
    %scan3A_779 = arith.constant 1 : i32
    %scan3A_780 = scf.for %scan3A_845 = %scan3A_776 to %scan3A_778 step %scan3A_779 iter_args(%scan3A_846 = %scan3A_775) -> (i32)  : i32 {
      %mul3A_847 = arith.constant 16 : i32
      %mul3A_848 = arith.muli %scan3A_845, %mul3A_847 : i32
      %add3A_849 = arith.addi %mul3A_774, %mul3A_848 : i32
      %dma_start3A_850 = arith.constant 0 : i32
      %dma_start3A_851 = tpu.memref_slice %arg13[%add3A_849, %dma_start3A_850] : memref<10112x128xf32, #tpu.memory_space<vmem_shared>> -> memref<16x128xf32, #tpu.memory_space<vmem_shared>>
      %dma_start3A_852 = arith.constant 0 : i32
      %dma_start3A_853 = tpu.memref_slice %arg13[%add3A_849, %dma_start3A_852] : memref<10112x128xf32, #tpu.memory_space<vmem_shared>> -> memref<16x128xf32, #tpu.memory_space<vmem_shared>>
      tpu.enqueue_dma source(%arg12 : memref<16x128xf32, #tpu.memory_space<vmem>>) target(%dma_start3A_853 : memref<16x128xf32, #tpu.memory_space<vmem_shared>>) target_semaphore(%arg17 : memref<!tpu.dma_semaphore, #tpu.memory_space<semaphore_mem>>)
      %scan3A_854 = arith.constant 0 : i32
      scf.yield %scan3A_854 : i32
    }
    %scan3A_781 = arith.constant 39 : i32
    %add3A_782 = arith.constant 624 : i32
    %add3A_783 = arith.addi %mul3A_774, %add3A_782 : i32
    %dma_start3A = arith.constant 0 : i32
    %dma_start3A_784 = arith.constant 0 : i32
    %dma_start3A_785 = tpu.memref_slice %arg12[%dma_start3A, %dma_start3A_784] : memref<16x128xf32, #tpu.memory_space<vmem>> -> memref<8x128xf32, #tpu.memory_space<vmem>>
    %dma_start3A_786 = arith.constant 0 : i32
    %dma_start3A_787 = tpu.memref_slice %arg13[%add3A_783, %dma_start3A_786] : memref<10112x128xf32, #tpu.memory_space<vmem_shared>> -> memref<8x128xf32, #tpu.memory_space<vmem_shared>>
    %dma_start3A_788 = arith.constant 0 : i32
    %dma_start3A_789 = tpu.memref_slice %arg13[%add3A_783, %dma_start3A_788] : memref<10112x128xf32, #tpu.memory_space<vmem_shared>> -> memref<8x128xf32, #tpu.memory_space<vmem_shared>>
    %dma_start3A_790 = arith.constant 0 : i32
    %dma_start3A_791 = arith.constant 0 : i32
    %dma_start3A_792 = tpu.memref_slice %arg12[%dma_start3A_790, %dma_start3A_791] : memref<16x128xf32, #tpu.memory_space<vmem>> -> memref<8x128xf32, #tpu.memory_space<vmem>>
    tpu.enqueue_dma source(%dma_start3A_792 : memref<8x128xf32, #tpu.memory_space<vmem>>) target(%dma_start3A_789 : memref<8x128xf32, #tpu.memory_space<vmem_shared>>) target_semaphore(%arg17 : memref<!tpu.dma_semaphore, #tpu.memory_space<semaphore_mem>>)
    %scan3A_793 = arith.constant 0 : i32
    %scan3A_794 = arith.constant 0 : i32
    %scan3A_795 = arith.constant 39 : i32
    %scan3A_796 = arith.addi %scan3A_794, %scan3A_795 : i32
    %scan3A_797 = arith.constant 1 : i32
    %scan3A_798 = scf.for %scan3A_845 = %scan3A_794 to %scan3A_796 step %scan3A_797 iter_args(%scan3A_846 = %scan3A_793) -> (i32)  : i32 {
      %mul3A_847 = arith.constant 16 : i32
      %mul3A_848 = arith.muli %scan3A_845, %mul3A_847 : i32
      %add3A_849 = arith.addi %mul3A_774, %mul3A_848 : i32
      %dma_wait3A_850 = arith.constant 0 : i32
      %dma_wait3A_851 = tpu.memref_slice %arg13[%add3A_849, %dma_wait3A_850] : memref<10112x128xf32, #tpu.memory_space<vmem_shared>> -> memref<16x128xf32, #tpu.memory_space<vmem_shared>>
      %dma_wait3A_852 = arith.constant 0 : i32
      %dma_wait3A_853 = tpu.memref_slice %arg13[%add3A_849, %dma_wait3A_852] : memref<10112x128xf32, #tpu.memory_space<vmem_shared>> -> memref<16x128xf32, #tpu.memory_space<vmem_shared>>
      tpu.wait_dma2 semaphore(%arg17 : memref<!tpu.dma_semaphore, #tpu.memory_space<semaphore_mem>>) src(%arg12 : memref<16x128xf32, #tpu.memory_space<vmem>>) dst(%dma_wait3A_853 : memref<16x128xf32, #tpu.memory_space<vmem_shared>>)
      %scan3A_854 = arith.constant 0 : i32
      scf.yield %scan3A_854 : i32
    }
    %scan3A_799 = arith.constant 39 : i32
    %add3A_800 = arith.constant 624 : i32
    %add3A_801 = arith.addi %mul3A_774, %add3A_800 : i32
    %dma_wait3A = arith.constant 0 : i32
    %dma_wait3A_802 = arith.constant 0 : i32
    %dma_wait3A_803 = tpu.memref_slice %arg12[%dma_wait3A, %dma_wait3A_802] : memref<16x128xf32, #tpu.memory_space<vmem>> -> memref<8x128xf32, #tpu.memory_space<vmem>>
    %dma_wait3A_804 = arith.constant 0 : i32
    %dma_wait3A_805 = tpu.memref_slice %arg13[%add3A_801, %dma_wait3A_804] : memref<10112x128xf32, #tpu.memory_space<vmem_shared>> -> memref<8x128xf32, #tpu.memory_space<vmem_shared>>
    %dma_wait3A_806 = arith.constant 0 : i32
    %dma_wait3A_807 = tpu.memref_slice %arg13[%add3A_801, %dma_wait3A_806] : memref<10112x128xf32, #tpu.memory_space<vmem_shared>> -> memref<8x128xf32, #tpu.memory_space<vmem_shared>>
    %dma_wait3A_808 = arith.constant 0 : i32
    %dma_wait3A_809 = arith.constant 0 : i32
    %dma_wait3A_810 = tpu.memref_slice %arg12[%dma_wait3A_808, %dma_wait3A_809] : memref<16x128xf32, #tpu.memory_space<vmem>> -> memref<8x128xf32, #tpu.memory_space<vmem>>
    tpu.wait_dma2 semaphore(%arg17 : memref<!tpu.dma_semaphore, #tpu.memory_space<semaphore_mem>>) src(%dma_wait3A_810 : memref<8x128xf32, #tpu.memory_space<vmem>>) dst(%dma_wait3A_807 : memref<8x128xf32, #tpu.memory_space<vmem_shared>>)
    %barrier3A = arith.constant 0 : index
    tpu.barrier barrier_id(%barrier3A)
    %mul3A_811 = arith.constant 79 : i32
    %mul3A_812 = arith.muli %add3A, %mul3A_811 : i32
    %mul3A_813 = arith.constant 128 : i32
    %mul3A_814 = arith.muli %mul3A_812, %mul3A_813 : i32
    %broadcast_in_dim3A_815 = arith.constant 1.000000e+00 : f32
    %broadcast_in_dim3A_816 = vector.broadcast %broadcast_in_dim3A_815 : f32 to vector<16xf32>
    %add3A_817 = arith.constant 0 : i32
    %add3A_818 = arith.addi %mul3A_814, %add3A_817 : i32
    %dma_start3A_819 = tpu.memref_slice %arg3[%add3A_818] : memref<323584xi32, #tpu.memory_space<hbm>> -> memref<128xi32, #tpu.memory_space<hbm>>
    %dma_start3A_820 = tpu.memref_slice %arg3[%add3A_818] : memref<323584xi32, #tpu.memory_space<hbm>> -> memref<128xi32, #tpu.memory_space<hbm>>
    tpu.enqueue_dma source(%dma_start3A_820 : memref<128xi32, #tpu.memory_space<hbm>>) target(%arg7 : memref<128xi32, #tpu.memory_space<vmem>>) target_semaphore(%arg16 : memref<!tpu.dma_semaphore, #tpu.memory_space<semaphore_mem>>)
    %dma_wait3A_821 = arith.constant 0 : i32
    %dma_wait3A_822 = tpu.memref_slice %arg3[%dma_wait3A_821] : memref<323584xi32, #tpu.memory_space<hbm>> -> memref<128xi32, #tpu.memory_space<hbm>>
    %dma_wait3A_823 = arith.constant 0 : i32
    %dma_wait3A_824 = tpu.memref_slice %arg3[%dma_wait3A_823] : memref<323584xi32, #tpu.memory_space<hbm>> -> memref<128xi32, #tpu.memory_space<hbm>>
    tpu.wait_dma2 semaphore(%arg16 : memref<!tpu.dma_semaphore, #tpu.memory_space<semaphore_mem>>) src(%dma_wait3A_824 : memref<128xi32, #tpu.memory_space<hbm>>) dst(%arg7 : memref<128xi32, #tpu.memory_space<vmem>>)
    %dma_start3A_825 = arith.constant 0 : i32
    %dma_start3A_826 = arith.constant 0 : i32
    %dma_start3A_827 = tpu.memref_slice %arg2[%dma_start3A_825, %dma_start3A_826] : memref<10112x128xf32, #tpu.memory_space<hbm>> -> memref<10112x128xf32, #tpu.memory_space<hbm>>
    tpu.enqueue_indirect_dma source(%dma_start3A_827 : memref<10112x128xf32, #tpu.memory_space<hbm>>) target(%arg10 : memref<128x128xf32, #tpu.memory_space<vmem>>) offsets(%arg7 : memref<128xi32, #tpu.memory_space<vmem>>) semaphore(%arg14 : memref<!tpu.dma_semaphore, #tpu.memory_space<semaphore_mem>>)
    %add3A_828 = arith.constant 128 : i32
    %add3A_829 = arith.addi %mul3A_814, %add3A_828 : i32
    %dma_start3A_830 = tpu.memref_slice %arg3[%add3A_829] : memref<323584xi32, #tpu.memory_space<hbm>> -> memref<128xi32, #tpu.memory_space<hbm>>
    %dma_start3A_831 = tpu.memref_slice %arg3[%add3A_829] : memref<323584xi32, #tpu.memory_space<hbm>> -> memref<128xi32, #tpu.memory_space<hbm>>
    tpu.enqueue_dma source(%dma_start3A_831 : memref<128xi32, #tpu.memory_space<hbm>>) target(%arg8 : memref<128xi32, #tpu.memory_space<vmem>>) target_semaphore(%arg16 : memref<!tpu.dma_semaphore, #tpu.memory_space<semaphore_mem>>)
    %scan3A_832 = arith.constant 0 : i32
    %scan3A_833 = arith.constant 0 : i32
    %scan3A_834 = arith.constant 40 : i32
    %scan3A_835 = arith.addi %scan3A_833, %scan3A_834 : i32
    %scan3A_836 = arith.constant 1 : i32
    %scan3A_837 = scf.for %scan3A_845 = %scan3A_833 to %scan3A_835 step %scan3A_836 iter_args(%scan3A_846 = %scan3A_832) -> (i32)  : i32 {
      %mul3A_847 = arith.constant 2 : i32
      %mul3A_848 = arith.muli %mul3A_847, %scan3A_845 : i32
      %gt3A = arith.constant 0 : i32
      %gt3A_849 = arith.cmpi sgt, %mul3A_848, %gt3A : i32
      %convert_element_type3A = arith.extui %gt3A_849 : i1 to i32
      %cond3A = arith.constant 0 : i32
      %cond3A_850 = arith.cmpi ne, %convert_element_type3A, %cond3A : i32
      scf.if %cond3A_850 {
        %dma_wait3A_905 = arith.constant 0 : i32
        %dma_wait3A_906 = arith.constant 0 : i32
        %dma_wait3A_907 = tpu.memref_slice %arg13[%dma_wait3A_905, %dma_wait3A_906] : memref<10112x128xf32, #tpu.memory_space<vmem_shared>> -> memref<10112x128xf32, #tpu.memory_space<vmem_shared>>
        tpu.wait_indirect_dma semaphore(%arg18 : memref<!tpu.dma_semaphore, #tpu.memory_space<semaphore_mem>>) src(%arg11 : memref<128x128xf32, #tpu.memory_space<vmem>>) dst(%dma_wait3A_907 : memref<10112x128xf32, #tpu.memory_space<vmem_shared>>)
      } else {
      }
      %add3A_851 = arith.constant 1 : i32
      %add3A_852 = arith.addi %mul3A_848, %add3A_851 : i32
      %lt3A = arith.constant 79 : i32
      %lt3A_853 = arith.cmpi slt, %add3A_852, %lt3A : i32
      %convert_element_type3A_854 = arith.extui %lt3A_853 : i1 to i32
      %cond3A_855 = arith.constant 0 : i32
      %cond3A_856 = arith.cmpi ne, %convert_element_type3A_854, %cond3A_855 : i32
      scf.if %cond3A_856 {
        %dma_wait3A_905 = arith.constant 0 : i32
        %dma_wait3A_906 = tpu.memref_slice %arg3[%dma_wait3A_905] : memref<323584xi32, #tpu.memory_space<hbm>> -> memref<128xi32, #tpu.memory_space<hbm>>
        %dma_wait3A_907 = arith.constant 0 : i32
        %dma_wait3A_908 = tpu.memref_slice %arg3[%dma_wait3A_907] : memref<323584xi32, #tpu.memory_space<hbm>> -> memref<128xi32, #tpu.memory_space<hbm>>
        tpu.wait_dma2 semaphore(%arg16 : memref<!tpu.dma_semaphore, #tpu.memory_space<semaphore_mem>>) src(%dma_wait3A_908 : memref<128xi32, #tpu.memory_space<hbm>>) dst(%arg8 : memref<128xi32, #tpu.memory_space<vmem>>)
        %dma_start3A_909 = arith.constant 0 : i32
        %dma_start3A_910 = arith.constant 0 : i32
        %dma_start3A_911 = tpu.memref_slice %arg2[%dma_start3A_909, %dma_start3A_910] : memref<10112x128xf32, #tpu.memory_space<hbm>> -> memref<10112x128xf32, #tpu.memory_space<hbm>>
        tpu.enqueue_indirect_dma source(%dma_start3A_911 : memref<10112x128xf32, #tpu.memory_space<hbm>>) target(%arg11 : memref<128x128xf32, #tpu.memory_space<vmem>>) offsets(%arg8 : memref<128xi32, #tpu.memory_space<vmem>>) semaphore(%arg15 : memref<!tpu.dma_semaphore, #tpu.memory_space<semaphore_mem>>)
      } else {
      }
      %mul3A_857 = arith.constant 128 : i32
      %mul3A_858 = arith.muli %mul3A_848, %mul3A_857 : i32
      %add3A_859 = arith.addi %mul3A_814, %mul3A_858 : i32
      %dma_start3A_860 = tpu.memref_slice %arg4[%add3A_859] : memref<323584xi32, #tpu.memory_space<hbm>> -> memref<128xi32, #tpu.memory_space<hbm>>
      %dma_start3A_861 = tpu.memref_slice %arg4[%add3A_859] : memref<323584xi32, #tpu.memory_space<hbm>> -> memref<128xi32, #tpu.memory_space<hbm>>
      tpu.enqueue_dma source(%dma_start3A_861 : memref<128xi32, #tpu.memory_space<hbm>>) target(%arg9 : memref<128xi32, #tpu.memory_space<vmem>>) target_semaphore(%arg17 : memref<!tpu.dma_semaphore, #tpu.memory_space<semaphore_mem>>)
      %dma_wait3A_862 = arith.constant 0 : i32
      %dma_wait3A_863 = arith.constant 0 : i32
      %dma_wait3A_864 = tpu.memref_slice %arg2[%dma_wait3A_862, %dma_wait3A_863] : memref<10112x128xf32, #tpu.memory_space<hbm>> -> memref<128x128xf32, #tpu.memory_space<hbm>>
      %dma_wait3A_865 = arith.constant 0 : i32
      %dma_wait3A_866 = arith.constant 0 : i32
      %dma_wait3A_867 = tpu.memref_slice %arg2[%dma_wait3A_865, %dma_wait3A_866] : memref<10112x128xf32, #tpu.memory_space<hbm>> -> memref<128x128xf32, #tpu.memory_space<hbm>>
      tpu.wait_dma2 semaphore(%arg14 : memref<!tpu.dma_semaphore, #tpu.memory_space<semaphore_mem>>) src(%dma_wait3A_867 : memref<128x128xf32, #tpu.memory_space<hbm>>) dst(%arg10 : memref<128x128xf32, #tpu.memory_space<vmem>>)
      %add3A_868 = arith.constant 2 : i32
      %add3A_869 = arith.addi %mul3A_848, %add3A_868 : i32
      %lt3A_870 = arith.constant 79 : i32
      %lt3A_871 = arith.cmpi slt, %add3A_869, %lt3A_870 : i32
      %convert_element_type3A_872 = arith.extui %lt3A_871 : i1 to i32
      %cond3A_873 = arith.constant 0 : i32
      %cond3A_874 = arith.cmpi ne, %convert_element_type3A_872, %cond3A_873 : i32
      scf.if %cond3A_874 {
        %add3A_905 = arith.constant 2 : i32
        %add3A_906 = arith.addi %mul3A_848, %add3A_905 : i32
        %mul3A_907 = arith.constant 128 : i32
        %mul3A_908 = arith.muli %add3A_906, %mul3A_907 : i32
        %add3A_909 = arith.addi %mul3A_814, %mul3A_908 : i32
        %dma_start3A_910 = tpu.memref_slice %arg3[%add3A_909] : memref<323584xi32, #tpu.memory_space<hbm>> -> memref<128xi32, #tpu.memory_space<hbm>>
        %dma_start3A_911 = tpu.memref_slice %arg3[%add3A_909] : memref<323584xi32, #tpu.memory_space<hbm>> -> memref<128xi32, #tpu.memory_space<hbm>>
        tpu.enqueue_dma source(%dma_start3A_911 : memref<128xi32, #tpu.memory_space<hbm>>) target(%arg7 : memref<128xi32, #tpu.memory_space<vmem>>) target_semaphore(%arg16 : memref<!tpu.dma_semaphore, #tpu.memory_space<semaphore_mem>>)
      } else {
      }
      %dma_wait3A_875 = tpu.memref_slice %arg4[%add3A_859] : memref<323584xi32, #tpu.memory_space<hbm>> -> memref<128xi32, #tpu.memory_space<hbm>>
      %dma_wait3A_876 = tpu.memref_slice %arg4[%add3A_859] : memref<323584xi32, #tpu.memory_space<hbm>> -> memref<128xi32, #tpu.memory_space<hbm>>
      tpu.wait_dma2 semaphore(%arg17 : memref<!tpu.dma_semaphore, #tpu.memory_space<semaphore_mem>>) src(%dma_wait3A_876 : memref<128xi32, #tpu.memory_space<hbm>>) dst(%arg9 : memref<128xi32, #tpu.memory_space<vmem>>)
      %dma_start3A_877 = arith.constant 0 : i32
      %dma_start3A_878 = arith.constant 0 : i32
      %dma_start3A_879 = tpu.memref_slice %arg13[%dma_start3A_877, %dma_start3A_878] : memref<10112x128xf32, #tpu.memory_space<vmem_shared>> -> memref<10112x128xf32, #tpu.memory_space<vmem_shared>>
      tpu.enqueue_indirect_dma source(%arg10 : memref<128x128xf32, #tpu.memory_space<vmem>>) target(%dma_start3A_879 : memref<10112x128xf32, #tpu.memory_space<vmem_shared>>) offsets(%arg9 : memref<128xi32, #tpu.memory_space<vmem>>) semaphore(%arg18 : memref<!tpu.dma_semaphore, #tpu.memory_space<semaphore_mem>>) {add = true}
      %get3A = arith.constant 0 : index
      %get3A_880 = tpu.vector_load %arg9[%get3A] {strides = array<i32>} : memref<128xi32, #tpu.memory_space<vmem>>, vector<16xi32>,
      tpu.vector_store_idx %arg19[%get3A_880], %broadcast_in_dim3A_816 {add = true} : memref<10112xf32, #tpu.memory_space<vmem>>[vector<16xi32>], vector<16xf32>,
      %get3A_881 = arith.constant 16 : index
      %get3A_882 = tpu.vector_load %arg9[%get3A_881] {strides = array<i32>} : memref<128xi32, #tpu.memory_space<vmem>>, vector<16xi32>,
      tpu.vector_store_idx %arg19[%get3A_882], %broadcast_in_dim3A_816 {add = true} : memref<10112xf32, #tpu.memory_space<vmem>>[vector<16xi32>], vector<16xf32>,
      %get3A_883 = arith.constant 32 : index
      %get3A_884 = tpu.vector_load %arg9[%get3A_883] {strides = array<i32>} : memref<128xi32, #tpu.memory_space<vmem>>, vector<16xi32>,
      tpu.vector_store_idx %arg19[%get3A_884], %broadcast_in_dim3A_816 {add = true} : memref<10112xf32, #tpu.memory_space<vmem>>[vector<16xi32>], vector<16xf32>,
      %get3A_885 = arith.constant 48 : index
      %get3A_886 = tpu.vector_load %arg9[%get3A_885] {strides = array<i32>} : memref<128xi32, #tpu.memory_space<vmem>>, vector<16xi32>,
      tpu.vector_store_idx %arg19[%get3A_886], %broadcast_in_dim3A_816 {add = true} : memref<10112xf32, #tpu.memory_space<vmem>>[vector<16xi32>], vector<16xf32>,
      %get3A_887 = arith.constant 64 : index
      %get3A_888 = tpu.vector_load %arg9[%get3A_887] {strides = array<i32>} : memref<128xi32, #tpu.memory_space<vmem>>, vector<16xi32>,
      tpu.vector_store_idx %arg19[%get3A_888], %broadcast_in_dim3A_816 {add = true} : memref<10112xf32, #tpu.memory_space<vmem>>[vector<16xi32>], vector<16xf32>,
      %get3A_889 = arith.constant 80 : index
      %get3A_890 = tpu.vector_load %arg9[%get3A_889] {strides = array<i32>} : memref<128xi32, #tpu.memory_space<vmem>>, vector<16xi32>,
      tpu.vector_store_idx %arg19[%get3A_890], %broadcast_in_dim3A_816 {add = true} : memref<10112xf32, #tpu.memory_space<vmem>>[vector<16xi32>], vector<16xf32>,
      %get3A_891 = arith.constant 96 : index
      %get3A_892 = tpu.vector_load %arg9[%get3A_891] {strides = array<i32>} : memref<128xi32, #tpu.memory_space<vmem>>, vector<16xi32>,
      tpu.vector_store_idx %arg19[%get3A_892], %broadcast_in_dim3A_816 {add = true} : memref<10112xf32, #tpu.memory_space<vmem>>[vector<16xi32>], vector<16xf32>,
      %get3A_893 = arith.constant 112 : index
      %get3A_894 = tpu.vector_load %arg9[%get3A_893] {strides = array<i32>} : memref<128xi32, #tpu.memory_space<vmem>>, vector<16xi32>,
      tpu.vector_store_idx %arg19[%get3A_894], %broadcast_in_dim3A_816 {add = true} : memref<10112xf32, #tpu.memory_space<vmem>>[vector<16xi32>], vector<16xf32>,
      %mul3A_895 = arith.constant 2 : i32
      %mul3A_896 = arith.muli %mul3A_895, %scan3A_845 : i32
      %add3A_897 = arith.constant 1 : i32
      %add3A_898 = arith.addi %mul3A_896, %add3A_897 : i32
      %lt3A_899 = arith.constant 79 : i32
      %lt3A_900 = arith.cmpi slt, %add3A_898, %lt3A_899 : i32
      %convert_element_type3A_901 = arith.extui %lt3A_900 : i1 to i32
      %cond3A_902 = arith.constant 0 : i32
      %cond3A_903 = arith.cmpi ne, %convert_element_type3A_901, %cond3A_902 : i32
      scf.if %cond3A_903 {
        %mul3A_905 = arith.constant 2 : i32
        %mul3A_906 = arith.muli %mul3A_905, %scan3A_845 : i32
        %add3A_907 = arith.constant 1 : i32
        %add3A_908 = arith.addi %mul3A_906, %add3A_907 : i32
        %gt3A_909 = arith.constant 0 : i32
        %gt3A_910 = arith.cmpi sgt, %add3A_908, %gt3A_909 : i32
        %convert_element_type3A_911 = arith.extui %gt3A_910 : i1 to i32
        %cond3A_912 = arith.constant 0 : i32
        %cond3A_913 = arith.cmpi ne, %convert_element_type3A_911, %cond3A_912 : i32
        scf.if %cond3A_913 {
          %dma_wait3A_960 = arith.constant 0 : i32
          %dma_wait3A_961 = arith.constant 0 : i32
          %dma_wait3A_962 = tpu.memref_slice %arg13[%dma_wait3A_960, %dma_wait3A_961] : memref<10112x128xf32, #tpu.memory_space<vmem_shared>> -> memref<10112x128xf32, #tpu.memory_space<vmem_shared>>
          tpu.wait_indirect_dma semaphore(%arg18 : memref<!tpu.dma_semaphore, #tpu.memory_space<semaphore_mem>>) src(%arg10 : memref<128x128xf32, #tpu.memory_space<vmem>>) dst(%dma_wait3A_962 : memref<10112x128xf32, #tpu.memory_space<vmem_shared>>)
        } else {
        }
        %add3A_914 = arith.constant 1 : i32
        %add3A_915 = arith.addi %add3A_908, %add3A_914 : i32
        %lt3A_916 = arith.constant 79 : i32
        %lt3A_917 = arith.cmpi slt, %add3A_915, %lt3A_916 : i32
        %convert_element_type3A_918 = arith.extui %lt3A_917 : i1 to i32
        %cond3A_919 = arith.constant 0 : i32
        %cond3A_920 = arith.cmpi ne, %convert_element_type3A_918, %cond3A_919 : i32
        scf.if %cond3A_920 {
          %dma_wait3A_960 = arith.constant 0 : i32
          %dma_wait3A_961 = tpu.memref_slice %arg3[%dma_wait3A_960] : memref<323584xi32, #tpu.memory_space<hbm>> -> memref<128xi32, #tpu.memory_space<hbm>>
          %dma_wait3A_962 = arith.constant 0 : i32
          %dma_wait3A_963 = tpu.memref_slice %arg3[%dma_wait3A_962] : memref<323584xi32, #tpu.memory_space<hbm>> -> memref<128xi32, #tpu.memory_space<hbm>>
          tpu.wait_dma2 semaphore(%arg16 : memref<!tpu.dma_semaphore, #tpu.memory_space<semaphore_mem>>) src(%dma_wait3A_963 : memref<128xi32, #tpu.memory_space<hbm>>) dst(%arg7 : memref<128xi32, #tpu.memory_space<vmem>>)
          %dma_start3A_964 = arith.constant 0 : i32
          %dma_start3A_965 = arith.constant 0 : i32
          %dma_start3A_966 = tpu.memref_slice %arg2[%dma_start3A_964, %dma_start3A_965] : memref<10112x128xf32, #tpu.memory_space<hbm>> -> memref<10112x128xf32, #tpu.memory_space<hbm>>
          tpu.enqueue_indirect_dma source(%dma_start3A_966 : memref<10112x128xf32, #tpu.memory_space<hbm>>) target(%arg10 : memref<128x128xf32, #tpu.memory_space<vmem>>) offsets(%arg7 : memref<128xi32, #tpu.memory_space<vmem>>) semaphore(%arg14 : memref<!tpu.dma_semaphore, #tpu.memory_space<semaphore_mem>>)
        } else {
        }
        %mul3A_921 = arith.constant 128 : i32
        %mul3A_922 = arith.muli %add3A_908, %mul3A_921 : i32
        %add3A_923 = arith.addi %mul3A_814, %mul3A_922 : i32
        %dma_start3A_924 = tpu.memref_slice %arg4[%add3A_923] : memref<323584xi32, #tpu.memory_space<hbm>> -> memref<128xi32, #tpu.memory_space<hbm>>
        %dma_start3A_925 = tpu.memref_slice %arg4[%add3A_923] : memref<323584xi32, #tpu.memory_space<hbm>> -> memref<128xi32, #tpu.memory_space<hbm>>
        tpu.enqueue_dma source(%dma_start3A_925 : memref<128xi32, #tpu.memory_space<hbm>>) target(%arg9 : memref<128xi32, #tpu.memory_space<vmem>>) target_semaphore(%arg17 : memref<!tpu.dma_semaphore, #tpu.memory_space<semaphore_mem>>)
        %dma_wait3A_926 = arith.constant 0 : i32
        %dma_wait3A_927 = arith.constant 0 : i32
        %dma_wait3A_928 = tpu.memref_slice %arg2[%dma_wait3A_926, %dma_wait3A_927] : memref<10112x128xf32, #tpu.memory_space<hbm>> -> memref<128x128xf32, #tpu.memory_space<hbm>>
        %dma_wait3A_929 = arith.constant 0 : i32
        %dma_wait3A_930 = arith.constant 0 : i32
        %dma_wait3A_931 = tpu.memref_slice %arg2[%dma_wait3A_929, %dma_wait3A_930] : memref<10112x128xf32, #tpu.memory_space<hbm>> -> memref<128x128xf32, #tpu.memory_space<hbm>>
        tpu.wait_dma2 semaphore(%arg15 : memref<!tpu.dma_semaphore, #tpu.memory_space<semaphore_mem>>) src(%dma_wait3A_931 : memref<128x128xf32, #tpu.memory_space<hbm>>) dst(%arg11 : memref<128x128xf32, #tpu.memory_space<vmem>>)
        %add3A_932 = arith.constant 2 : i32
        %add3A_933 = arith.addi %add3A_908, %add3A_932 : i32
        %lt3A_934 = arith.constant 79 : i32
        %lt3A_935 = arith.cmpi slt, %add3A_933, %lt3A_934 : i32
        %convert_element_type3A_936 = arith.extui %lt3A_935 : i1 to i32
        %cond3A_937 = arith.constant 0 : i32
        %cond3A_938 = arith.cmpi ne, %convert_element_type3A_936, %cond3A_937 : i32
        scf.if %cond3A_938 {
          %add3A_960 = arith.constant 2 : i32
          %add3A_961 = arith.addi %add3A_908, %add3A_960 : i32
          %mul3A_962 = arith.constant 128 : i32
          %mul3A_963 = arith.muli %add3A_961, %mul3A_962 : i32
          %add3A_964 = arith.addi %mul3A_814, %mul3A_963 : i32
          %dma_start3A_965 = tpu.memref_slice %arg3[%add3A_964] : memref<323584xi32, #tpu.memory_space<hbm>> -> memref<128xi32, #tpu.memory_space<hbm>>
          %dma_start3A_966 = tpu.memref_slice %arg3[%add3A_964] : memref<323584xi32, #tpu.memory_space<hbm>> -> memref<128xi32, #tpu.memory_space<hbm>>
          tpu.enqueue_dma source(%dma_start3A_966 : memref<128xi32, #tpu.memory_space<hbm>>) target(%arg8 : memref<128xi32, #tpu.memory_space<vmem>>) target_semaphore(%arg16 : memref<!tpu.dma_semaphore, #tpu.memory_space<semaphore_mem>>)
        } else {
        }
        %dma_wait3A_939 = tpu.memref_slice %arg4[%add3A_923] : memref<323584xi32, #tpu.memory_space<hbm>> -> memref<128xi32, #tpu.memory_space<hbm>>
        %dma_wait3A_940 = tpu.memref_slice %arg4[%add3A_923] : memref<323584xi32, #tpu.memory_space<hbm>> -> memref<128xi32, #tpu.memory_space<hbm>>
        tpu.wait_dma2 semaphore(%arg17 : memref<!tpu.dma_semaphore, #tpu.memory_space<semaphore_mem>>) src(%dma_wait3A_940 : memref<128xi32, #tpu.memory_space<hbm>>) dst(%arg9 : memref<128xi32, #tpu.memory_space<vmem>>)
        %dma_start3A_941 = arith.constant 0 : i32
        %dma_start3A_942 = arith.constant 0 : i32
        %dma_start3A_943 = tpu.memref_slice %arg13[%dma_start3A_941, %dma_start3A_942] : memref<10112x128xf32, #tpu.memory_space<vmem_shared>> -> memref<10112x128xf32, #tpu.memory_space<vmem_shared>>
        tpu.enqueue_indirect_dma source(%arg11 : memref<128x128xf32, #tpu.memory_space<vmem>>) target(%dma_start3A_943 : memref<10112x128xf32, #tpu.memory_space<vmem_shared>>) offsets(%arg9 : memref<128xi32, #tpu.memory_space<vmem>>) semaphore(%arg18 : memref<!tpu.dma_semaphore, #tpu.memory_space<semaphore_mem>>) {add = true}
        %get3A_944 = arith.constant 0 : index
        %get3A_945 = tpu.vector_load %arg9[%get3A_944] {strides = array<i32>} : memref<128xi32, #tpu.memory_space<vmem>>, vector<16xi32>,
        tpu.vector_store_idx %arg19[%get3A_945], %broadcast_in_dim3A_816 {add = true} : memref<10112xf32, #tpu.memory_space<vmem>>[vector<16xi32>], vector<16xf32>,
        %get3A_946 = arith.constant 16 : index
        %get3A_947 = tpu.vector_load %arg9[%get3A_946] {strides = array<i32>} : memref<128xi32, #tpu.memory_space<vmem>>, vector<16xi32>,
        tpu.vector_store_idx %arg19[%get3A_947], %broadcast_in_dim3A_816 {add = true} : memref<10112xf32, #tpu.memory_space<vmem>>[vector<16xi32>], vector<16xf32>,
        %get3A_948 = arith.constant 32 : index
        %get3A_949 = tpu.vector_load %arg9[%get3A_948] {strides = array<i32>} : memref<128xi32, #tpu.memory_space<vmem>>, vector<16xi32>,
        tpu.vector_store_idx %arg19[%get3A_949], %broadcast_in_dim3A_816 {add = true} : memref<10112xf32, #tpu.memory_space<vmem>>[vector<16xi32>], vector<16xf32>,
        %get3A_950 = arith.constant 48 : index
        %get3A_951 = tpu.vector_load %arg9[%get3A_950] {strides = array<i32>} : memref<128xi32, #tpu.memory_space<vmem>>, vector<16xi32>,
        tpu.vector_store_idx %arg19[%get3A_951], %broadcast_in_dim3A_816 {add = true} : memref<10112xf32, #tpu.memory_space<vmem>>[vector<16xi32>], vector<16xf32>,
        %get3A_952 = arith.constant 64 : index
        %get3A_953 = tpu.vector_load %arg9[%get3A_952] {strides = array<i32>} : memref<128xi32, #tpu.memory_space<vmem>>, vector<16xi32>,
        tpu.vector_store_idx %arg19[%get3A_953], %broadcast_in_dim3A_816 {add = true} : memref<10112xf32, #tpu.memory_space<vmem>>[vector<16xi32>], vector<16xf32>,
        %get3A_954 = arith.constant 80 : index
        %get3A_955 = tpu.vector_load %arg9[%get3A_954] {strides = array<i32>} : memref<128xi32, #tpu.memory_space<vmem>>, vector<16xi32>,
        tpu.vector_store_idx %arg19[%get3A_955], %broadcast_in_dim3A_816 {add = true} : memref<10112xf32, #tpu.memory_space<vmem>>[vector<16xi32>], vector<16xf32>,
        %get3A_956 = arith.constant 96 : index
        %get3A_957 = tpu.vector_load %arg9[%get3A_956] {strides = array<i32>} : memref<128xi32, #tpu.memory_space<vmem>>, vector<16xi32>,
        tpu.vector_store_idx %arg19[%get3A_957], %broadcast_in_dim3A_816 {add = true} : memref<10112xf32, #tpu.memory_space<vmem>>[vector<16xi32>], vector<16xf32>,
        %get3A_958 = arith.constant 112 : index
        %get3A_959 = tpu.vector_load %arg9[%get3A_958] {strides = array<i32>} : memref<128xi32, #tpu.memory_space<vmem>>, vector<16xi32>,
        tpu.vector_store_idx %arg19[%get3A_959], %broadcast_in_dim3A_816 {add = true} : memref<10112xf32, #tpu.memory_space<vmem>>[vector<16xi32>], vector<16xf32>,
      } else {
      }
      %scan3A_904 = arith.constant 0 : i32
      scf.yield %scan3A_904 : i32
    }
    %scan3A_838 = arith.constant 40 : i32
    %dma_wait3A_839 = arith.constant 0 : i32
    %dma_wait3A_840 = arith.constant 0 : i32
    %dma_wait3A_841 = tpu.memref_slice %arg13[%dma_wait3A_839, %dma_wait3A_840] : memref<10112x128xf32, #tpu.memory_space<vmem_shared>> -> memref<10112x128xf32, #tpu.memory_space<vmem_shared>>
    tpu.wait_indirect_dma semaphore(%arg18 : memref<!tpu.dma_semaphore, #tpu.memory_space<semaphore_mem>>) src(%arg10 : memref<128x128xf32, #tpu.memory_space<vmem>>) dst(%dma_wait3A_841 : memref<10112x128xf32, #tpu.memory_space<vmem_shared>>)
    %barrier3A_842 = arith.constant 0 : index
    tpu.barrier barrier_id(%barrier3A_842)
    "tpu.region"() ({
      %run_scoped3A = tpu.sem_alloc : memref<!tpu.dma_semaphore, #tpu.memory_space<semaphore_mem>>
      %dma_start3A_845 = arith.constant 0 : i32
      %dma_start3A_846 = tpu.memref_slice %arg5[%arg0, %mul3A_774, %dma_start3A_845] : memref<2x10112x128xf32, #tpu.memory_space<hbm>> -> memref<1x632x128xf32, #tpu.memory_space<hbm>>
      %dma_start3A_847 = tpu.memref_squeeze %dma_start3A_846 : memref<1x632x128xf32, #tpu.memory_space<hbm>> -> memref<632x128xf32, #tpu.memory_space<hbm>>
      %dma_start3A_848 = arith.constant 0 : i32
      %dma_start3A_849 = tpu.memref_slice %arg13[%mul3A_774, %dma_start3A_848] : memref<10112x128xf32, #tpu.memory_space<vmem_shared>> -> memref<632x128xf32, #tpu.memory_space<vmem_shared>>
      tpu.enqueue_dma source(%dma_start3A_849 : memref<632x128xf32, #tpu.memory_space<vmem_shared>>) target(%dma_start3A_847 : memref<632x128xf32, #tpu.memory_space<hbm>>) target_semaphore(%run_scoped3A : memref<!tpu.dma_semaphore, #tpu.memory_space<semaphore_mem>>)
      %dma_wait3A_850 = arith.constant 0 : i32
      %dma_wait3A_851 = tpu.memref_slice %arg5[%arg0, %mul3A_774, %dma_wait3A_850] : memref<2x10112x128xf32, #tpu.memory_space<hbm>> -> memref<1x632x128xf32, #tpu.memory_space<hbm>>
      %dma_wait3A_852 = tpu.memref_squeeze %dma_wait3A_851 : memref<1x632x128xf32, #tpu.memory_space<hbm>> -> memref<632x128xf32, #tpu.memory_space<hbm>>
      %dma_wait3A_853 = arith.constant 0 : i32
      %dma_wait3A_854 = tpu.memref_slice %arg13[%mul3A_774, %dma_wait3A_853] : memref<10112x128xf32, #tpu.memory_space<vmem_shared>> -> memref<632x128xf32, #tpu.memory_space<vmem_shared>>
      tpu.wait_dma2 semaphore(%run_scoped3A : memref<!tpu.dma_semaphore, #tpu.memory_space<semaphore_mem>>) src(%dma_wait3A_854 : memref<632x128xf32, #tpu.memory_space<vmem_shared>>) dst(%dma_wait3A_852 : memref<632x128xf32, #tpu.memory_space<hbm>>)
      tpu.yield
    }) : () -> ()
    %mul3A_843 = arith.constant 10112 : i32
    %mul3A_844 = arith.muli %add3A, %mul3A_843 : i32
    "tpu.region"() ({
      %run_scoped3A = tpu.sem_alloc : memref<!tpu.dma_semaphore, #tpu.memory_space<semaphore_mem>>
      %dma_start3A_845 = tpu.memref_slice %arg6[%mul3A_844] : memref<323584xf32, #tpu.memory_space<hbm>> -> memref<10112xf32, #tpu.memory_space<hbm>>
      %dma_start3A_846 = tpu.memref_slice %arg6[%mul3A_844] : memref<323584xf32, #tpu.memory_space<hbm>> -> memref<10112xf32, #tpu.memory_space<hbm>>
      tpu.enqueue_dma source(%arg19 : memref<10112xf32, #tpu.memory_space<vmem>>) target(%dma_start3A_846 : memref<10112xf32, #tpu.memory_space<hbm>>) target_semaphore(%run_scoped3A : memref<!tpu.dma_semaphore, #tpu.memory_space<semaphore_mem>>)
      %dma_wait3A_847 = tpu.memref_slice %arg6[%mul3A_844] : memref<323584xf32, #tpu.memory_space<hbm>> -> memref<10112xf32, #tpu.memory_space<hbm>>
      %dma_wait3A_848 = tpu.memref_slice %arg6[%mul3A_844] : memref<323584xf32, #tpu.memory_space<hbm>> -> memref<10112xf32, #tpu.memory_space<hbm>>
      tpu.wait_dma2 semaphore(%run_scoped3A : memref<!tpu.dma_semaphore, #tpu.memory_space<semaphore_mem>>) src(%arg19 : memref<10112xf32, #tpu.memory_space<vmem>>) dst(%dma_wait3A_848 : memref<10112xf32, #tpu.memory_space<hbm>>)
      tpu.yield
    }) : () -> ()
    return
  }
}

module attributes {stable_mosaic.version = 14 : i64} {
  func.func @body(%arg0: i32, %arg1: memref<2528x128xf32, #tpu.memory_space<vmem>>, %arg2: memref<128x128xf32, #tpu.memory_space<vmem>>, %arg3: memref<1x128xf32, #tpu.memory_space<vmem>>, %arg4: memref<1x128xf32, #tpu.memory_space<vmem>>, %arg5: memref<1x128xf32, #tpu.memory_space<vmem>>, %arg6: memref<2528x128xf32, #tpu.memory_space<vmem>>) attributes {dimension_semantics = [#tpu.dimension_semantics<arbitrary>], iteration_bounds = array<i64: 4>, scalar_prefetch = 0 : i64, scratch_operands = 0 : i64, tpu.core_type = #tpu.core_type<tc>, window_params = [{transform_indices = @transform_0, window_bounds = array<i64: 2528, 128>}, {pipeline_mode = #tpu.pipeline_mode<synchronous>, transform_indices = @transform_1, window_bounds = array<i64: 128, 128>}, {pipeline_mode = #tpu.pipeline_mode<synchronous>, transform_indices = @transform_2, window_bounds = array<i64: 1, 128>}, {pipeline_mode = #tpu.pipeline_mode<synchronous>, transform_indices = @transform_3, window_bounds = array<i64: 1, 128>}, {pipeline_mode = #tpu.pipeline_mode<synchronous>, transform_indices = @transform_4, window_bounds = array<i64: 1, 128>}, {transform_indices = @transform_5, window_bounds = array<i64: 2528, 128>}]} {
    %get3A = arith.constant 0 : index
    %get3A_0 = arith.constant 0 : index
    %get3A_1 = vector.load %arg1[%get3A, %get3A_0] : memref<2528x128xf32, #tpu.memory_space<vmem>>, vector<2528x128xf32>
    %get3A_2 = arith.constant 0 : index
    %get3A_3 = arith.constant 0 : index
    %get3A_4 = vector.load %arg2[%get3A_2, %get3A_3] : memref<128x128xf32, #tpu.memory_space<vmem>>, vector<128x128xf32>
    %dot_general3A = arith.constant dense<0.000000e+00> : vector<2528x128xf32>
    %dot_general3A_5 = tpu.matmul %get3A_1, %get3A_4, %dot_general3A {dimension_numbers = #tpu.dot_dimension_numbers<[1], [0], [0], [1], [0, 0, 1, 1], [], []>, transpose_lhs_hint = false} : vector<2528x128xf32>, vector<128x128xf32>, vector<2528x128xf32> -> vector<2528x128xf32>
    %get3A_6 = arith.constant 0 : index
    %get3A_7 = arith.constant 0 : index
    %get3A_8 = vector.load %arg3[%get3A_6, %get3A_7] : memref<1x128xf32, #tpu.memory_space<vmem>>, vector<1x128xf32>
    %add3A = vector.broadcast %get3A_8 : vector<1x128xf32> to vector<2528x128xf32>
    %add3A_9 = arith.addf %dot_general3A_5, %add3A : vector<2528x128xf32>
    %reduce_sum3A = arith.constant dense<0.000000e+00> : vector<2528xf32>
    %reduce_sum3A_10 = vector.multi_reduction <add>, %add3A_9, %reduce_sum3A [1] : vector<2528x128xf32> to vector<2528xf32>
    %broadcast_in_dim3A = vector.shape_cast %reduce_sum3A_10 : vector<2528xf32> to vector<2528x1xf32>
    %div3A = arith.constant 1.280000e+02 : f32
    %div3A_11 = vector.broadcast %div3A : f32 to vector<2528x1xf32>
    %div3A_12 = arith.divf %broadcast_in_dim3A, %div3A_11 : vector<2528x1xf32>
    %sub3A = vector.broadcast %div3A_12 : vector<2528x1xf32> to vector<2528x128xf32>
    %sub3A_13 = arith.subf %add3A_9, %sub3A : vector<2528x128xf32>
    %integer_pow3A = arith.mulf %sub3A_13, %sub3A_13 : vector<2528x128xf32>
    %reduce_sum3A_14 = arith.constant dense<0.000000e+00> : vector<2528xf32>
    %reduce_sum3A_15 = vector.multi_reduction <add>, %integer_pow3A, %reduce_sum3A_14 [1] : vector<2528x128xf32> to vector<2528xf32>
    %broadcast_in_dim3A_16 = vector.shape_cast %reduce_sum3A_15 : vector<2528xf32> to vector<2528x1xf32>
    %div3A_17 = arith.constant 1.280000e+02 : f32
    %div3A_18 = vector.broadcast %div3A_17 : f32 to vector<2528x1xf32>
    %div3A_19 = arith.divf %broadcast_in_dim3A_16, %div3A_18 : vector<2528x1xf32>
    %sub3A_20 = vector.broadcast %div3A_12 : vector<2528x1xf32> to vector<2528x128xf32>
    %sub3A_21 = arith.subf %add3A_9, %sub3A_20 : vector<2528x128xf32>
    %add3A_22 = arith.constant 9.99999974E-6 : f32
    %add3A_23 = vector.broadcast %add3A_22 : f32 to vector<2528x1xf32>
    %add3A_24 = arith.addf %div3A_19, %add3A_23 : vector<2528x1xf32>
    %sqrt3A = math.sqrt %add3A_24 : vector<2528x1xf32>
    %div3A_25 = vector.broadcast %sqrt3A : vector<2528x1xf32> to vector<2528x128xf32>
    %div3A_26 = arith.divf %sub3A_21, %div3A_25 : vector<2528x128xf32>
    %get3A_27 = arith.constant 0 : index
    %get3A_28 = arith.constant 0 : index
    %get3A_29 = vector.load %arg4[%get3A_27, %get3A_28] : memref<1x128xf32, #tpu.memory_space<vmem>>, vector<1x128xf32>
    %mul3A = vector.broadcast %get3A_29 : vector<1x128xf32> to vector<2528x128xf32>
    %mul3A_30 = arith.mulf %div3A_26, %mul3A : vector<2528x128xf32>
    %get3A_31 = arith.constant 0 : index
    %get3A_32 = arith.constant 0 : index
    %get3A_33 = vector.load %arg5[%get3A_31, %get3A_32] : memref<1x128xf32, #tpu.memory_space<vmem>>, vector<1x128xf32>
    %add3A_34 = vector.broadcast %get3A_33 : vector<1x128xf32> to vector<2528x128xf32>
    %add3A_35 = arith.addf %mul3A_30, %add3A_34 : vector<2528x128xf32>
    %max3A = arith.constant 0.000000e+00 : f32
    %max3A_36 = vector.broadcast %max3A : f32 to vector<2528x128xf32>
    %max3A_37 = arith.maximumf %add3A_35, %max3A_36 : vector<2528x128xf32>
    %swap3A = arith.constant 0 : index
    %swap3A_38 = arith.constant 0 : index
    %swap3A_39 = vector.load %arg6[%swap3A, %swap3A_38] : memref<2528x128xf32, #tpu.memory_space<vmem>>, vector<2528x128xf32>
    tpu.vector_store %arg6[%swap3A, %swap3A_38], %max3A_37 {strides = array<i32>} : memref<2528x128xf32, #tpu.memory_space<vmem>>, vector<2528x128xf32>,
    return
  }
  func.func @transform_0(%arg0: i32) -> (i32, i32) {
    %c0_i32 = arith.constant 0 : i32
    %c0_i32_0 = arith.constant 0 : i32
    return %arg0, %c0_i32 : i32, i32
  }
  func.func @transform_1(%arg0: i32) -> (i32, i32) {
    %c0_i32 = arith.constant 0 : i32
    %c0_i32_0 = arith.constant 0 : i32
    %c0_i32_1 = arith.constant 0 : i32
    return %c0_i32, %c0_i32_0 : i32, i32
  }
  func.func @transform_2(%arg0: i32) -> (i32, i32) {
    %c0_i32 = arith.constant 0 : i32
    %c0_i32_0 = arith.constant 0 : i32
    %c0_i32_1 = arith.constant 0 : i32
    return %c0_i32, %c0_i32_0 : i32, i32
  }
  func.func @transform_3(%arg0: i32) -> (i32, i32) {
    %c0_i32 = arith.constant 0 : i32
    %c0_i32_0 = arith.constant 0 : i32
    %c0_i32_1 = arith.constant 0 : i32
    return %c0_i32, %c0_i32_0 : i32, i32
  }
  func.func @transform_4(%arg0: i32) -> (i32, i32) {
    %c0_i32 = arith.constant 0 : i32
    %c0_i32_0 = arith.constant 0 : i32
    %c0_i32_1 = arith.constant 0 : i32
    return %c0_i32, %c0_i32_0 : i32, i32
  }
  func.func @transform_5(%arg0: i32) -> (i32, i32) {
    %c0_i32 = arith.constant 0 : i32
    %c0_i32_0 = arith.constant 0 : i32
    return %arg0, %c0_i32 : i32, i32
  }
}

module attributes {stable_mosaic.version = 14 : i64} {
  func.func @body(%arg0: i32, %arg1: memref<2x2528x128xf32, #tpu.memory_space<vmem>>, %arg2: memref<2528x32xf32, #tpu.memory_space<vmem>>, %arg3: memref<2528x128xf32, #tpu.memory_space<vmem>>, %arg4: memref<128x128xf32, #tpu.memory_space<vmem>>, %arg5: memref<1x128xf32, #tpu.memory_space<vmem>>, %arg6: memref<128x128xf32, #tpu.memory_space<vmem>>, %arg7: memref<2528x128xf32, #tpu.memory_space<vmem>>) attributes {dimension_semantics = [#tpu.dimension_semantics<arbitrary>], iteration_bounds = array<i64: 4>, scalar_prefetch = 0 : i64, scratch_operands = 0 : i64, tpu.core_type = #tpu.core_type<tc>, window_params = [{transform_indices = @transform_0, window_bounds = array<i64: 2, 2528, 128>}, {transform_indices = @transform_1, window_bounds = array<i64: 2528, 32>}, {transform_indices = @transform_2, window_bounds = array<i64: 2528, 128>}, {pipeline_mode = #tpu.pipeline_mode<synchronous>, transform_indices = @transform_3, window_bounds = array<i64: 128, 128>}, {pipeline_mode = #tpu.pipeline_mode<synchronous>, transform_indices = @transform_4, window_bounds = array<i64: 1, 128>}, {pipeline_mode = #tpu.pipeline_mode<synchronous>, transform_indices = @transform_5, window_bounds = array<i64: 128, 128>}, {transform_indices = @transform_6, window_bounds = array<i64: 2528, 128>}]} {
    %get3A = arith.constant 0 : index
    %get3A_0 = arith.constant 0 : index
    %get3A_1 = arith.constant 0 : index
    %get3A_2 = vector.load %arg1[%get3A, %get3A_0, %get3A_1] : memref<2x2528x128xf32, #tpu.memory_space<vmem>>, vector<1x2528x128xf32>
    %get3A_3 = vector.shape_cast %get3A_2 : vector<1x2528x128xf32> to vector<2528x128xf32>
    %get3A_4 = arith.constant 1 : index
    %get3A_5 = arith.constant 0 : index
    %get3A_6 = arith.constant 0 : index
    %get3A_7 = vector.load %arg1[%get3A_4, %get3A_5, %get3A_6] : memref<2x2528x128xf32, #tpu.memory_space<vmem>>, vector<1x2528x128xf32>
    %get3A_8 = vector.shape_cast %get3A_7 : vector<1x2528x128xf32> to vector<2528x128xf32>
    %add3A = arith.addf %get3A_3, %get3A_8 : vector<2528x128xf32>
    %get3A_9 = arith.constant 0 : index
    %get3A_10 = arith.constant 0 : index
    %get3A_11 = vector.load %arg2[%get3A_9, %get3A_10] : memref<2528x32xf32, #tpu.memory_space<vmem>>, vector<2528x32xf32>
    %reduce_sum3A = arith.constant dense<0.000000e+00> : vector<2528xf32>
    %reduce_sum3A_12 = vector.multi_reduction <add>, %get3A_11, %reduce_sum3A [1] : vector<2528x32xf32> to vector<2528xf32>
    %broadcast_in_dim3A = vector.shape_cast %reduce_sum3A_12 : vector<2528xf32> to vector<2528x1xf32>
    %max3A = arith.constant 1.000000e+00 : f32
    %max3A_13 = vector.broadcast %max3A : f32 to vector<2528x1xf32>
    %max3A_14 = arith.maximumf %broadcast_in_dim3A, %max3A_13 : vector<2528x1xf32>
    %div3A = vector.broadcast %max3A_14 : vector<2528x1xf32> to vector<2528x128xf32>
    %div3A_15 = arith.divf %add3A, %div3A : vector<2528x128xf32>
    %get3A_16 = arith.constant 0 : index
    %get3A_17 = arith.constant 0 : index
    %get3A_18 = vector.load %arg4[%get3A_16, %get3A_17] : memref<128x128xf32, #tpu.memory_space<vmem>>, vector<128x128xf32>
    %dot_general3A = arith.constant dense<0.000000e+00> : vector<2528x128xf32>
    %dot_general3A_19 = tpu.matmul %div3A_15, %get3A_18, %dot_general3A {dimension_numbers = #tpu.dot_dimension_numbers<[1], [0], [0], [1], [0, 0, 1, 1], [], []>, transpose_lhs_hint = false} : vector<2528x128xf32>, vector<128x128xf32>, vector<2528x128xf32> -> vector<2528x128xf32>
    %get3A_20 = arith.constant 0 : index
    %get3A_21 = arith.constant 0 : index
    %get3A_22 = vector.load %arg5[%get3A_20, %get3A_21] : memref<1x128xf32, #tpu.memory_space<vmem>>, vector<1x128xf32>
    %add3A_23 = vector.broadcast %get3A_22 : vector<1x128xf32> to vector<2528x128xf32>
    %add3A_24 = arith.addf %dot_general3A_19, %add3A_23 : vector<2528x128xf32>
    %get3A_25 = arith.constant 0 : index
    %get3A_26 = arith.constant 0 : index
    %get3A_27 = vector.load %arg3[%get3A_25, %get3A_26] : memref<2528x128xf32, #tpu.memory_space<vmem>>, vector<2528x128xf32>
    %get3A_28 = arith.constant 0 : index
    %get3A_29 = arith.constant 0 : index
    %get3A_30 = vector.load %arg6[%get3A_28, %get3A_29] : memref<128x128xf32, #tpu.memory_space<vmem>>, vector<128x128xf32>
    %dot_general3A_31 = arith.constant dense<0.000000e+00> : vector<2528x128xf32>
    %dot_general3A_32 = tpu.matmul %get3A_27, %get3A_30, %dot_general3A_31 {dimension_numbers = #tpu.dot_dimension_numbers<[1], [0], [0], [1], [0, 0, 1, 1], [], []>, transpose_lhs_hint = false} : vector<2528x128xf32>, vector<128x128xf32>, vector<2528x128xf32> -> vector<2528x128xf32>
    %add3A_33 = arith.addf %add3A_24, %dot_general3A_32 : vector<2528x128xf32>
    %max3A_34 = arith.constant 0.000000e+00 : f32
    %max3A_35 = vector.broadcast %max3A_34 : f32 to vector<2528x128xf32>
    %max3A_36 = arith.maximumf %add3A_33, %max3A_35 : vector<2528x128xf32>
    %swap3A = arith.constant 0 : index
    %swap3A_37 = arith.constant 0 : index
    %swap3A_38 = vector.load %arg7[%swap3A, %swap3A_37] : memref<2528x128xf32, #tpu.memory_space<vmem>>, vector<2528x128xf32>
    tpu.vector_store %arg7[%swap3A, %swap3A_37], %max3A_36 {strides = array<i32>} : memref<2528x128xf32, #tpu.memory_space<vmem>>, vector<2528x128xf32>,
    return
  }
  func.func @transform_0(%arg0: i32) -> (i32, i32, i32) {
    %c0_i32 = arith.constant 0 : i32
    %c0_i32_0 = arith.constant 0 : i32
    %c0_i32_1 = arith.constant 0 : i32
    return %c0_i32, %arg0, %c0_i32_0 : i32, i32, i32
  }
  func.func @transform_1(%arg0: i32) -> (i32, i32) {
    %c0_i32 = arith.constant 0 : i32
    %c0_i32_0 = arith.constant 0 : i32
    return %arg0, %c0_i32 : i32, i32
  }
  func.func @transform_2(%arg0: i32) -> (i32, i32) {
    %c0_i32 = arith.constant 0 : i32
    %c0_i32_0 = arith.constant 0 : i32
    return %arg0, %c0_i32 : i32, i32
  }
  func.func @transform_3(%arg0: i32) -> (i32, i32) {
    %c0_i32 = arith.constant 0 : i32
    %c0_i32_0 = arith.constant 0 : i32
    %c0_i32_1 = arith.constant 0 : i32
    return %c0_i32, %c0_i32_0 : i32, i32
  }
  func.func @transform_4(%arg0: i32) -> (i32, i32) {
    %c0_i32 = arith.constant 0 : i32
    %c0_i32_0 = arith.constant 0 : i32
    %c0_i32_1 = arith.constant 0 : i32
    return %c0_i32, %c0_i32_0 : i32, i32
  }
  func.func @transform_5(%arg0: i32) -> (i32, i32) {
    %c0_i32 = arith.constant 0 : i32
    %c0_i32_0 = arith.constant 0 : i32
    %c0_i32_1 = arith.constant 0 : i32
    return %c0_i32, %c0_i32_0 : i32, i32
  }
  func.func @transform_6(%arg0: i32) -> (i32, i32) {
    %c0_i32 = arith.constant 0 : i32
    %c0_i32_0 = arith.constant 0 : i32
    return %arg0, %c0_i32 : i32, i32
  }
}

module attributes {stable_mosaic.version = 14 : i64} {
  func.func @body(%arg0: i32, %arg1: memref<2x2528x128xf32, #tpu.memory_space<vmem>>, %arg2: memref<2528x32xf32, #tpu.memory_space<vmem>>, %arg3: memref<2528x128xf32, #tpu.memory_space<vmem>>, %arg4: memref<128x128xf32, #tpu.memory_space<vmem>>, %arg5: memref<1x128xf32, #tpu.memory_space<vmem>>, %arg6: memref<128x128xf32, #tpu.memory_space<vmem>>, %arg7: memref<2528x128xf32, #tpu.memory_space<vmem>>) attributes {dimension_semantics = [#tpu.dimension_semantics<arbitrary>], iteration_bounds = array<i64: 4>, scalar_prefetch = 0 : i64, scratch_operands = 0 : i64, tpu.core_type = #tpu.core_type<tc>, window_params = [{transform_indices = @transform_0, window_bounds = array<i64: 2, 2528, 128>}, {transform_indices = @transform_1, window_bounds = array<i64: 2528, 32>}, {transform_indices = @transform_2, window_bounds = array<i64: 2528, 128>}, {pipeline_mode = #tpu.pipeline_mode<synchronous>, transform_indices = @transform_3, window_bounds = array<i64: 128, 128>}, {pipeline_mode = #tpu.pipeline_mode<synchronous>, transform_indices = @transform_4, window_bounds = array<i64: 1, 128>}, {pipeline_mode = #tpu.pipeline_mode<synchronous>, transform_indices = @transform_5, window_bounds = array<i64: 128, 128>}, {transform_indices = @transform_6, window_bounds = array<i64: 2528, 128>}]} {
    %get3A = arith.constant 0 : index
    %get3A_0 = arith.constant 0 : index
    %get3A_1 = arith.constant 0 : index
    %get3A_2 = vector.load %arg1[%get3A, %get3A_0, %get3A_1] : memref<2x2528x128xf32, #tpu.memory_space<vmem>>, vector<1x2528x128xf32>
    %get3A_3 = vector.shape_cast %get3A_2 : vector<1x2528x128xf32> to vector<2528x128xf32>
    %get3A_4 = arith.constant 1 : index
    %get3A_5 = arith.constant 0 : index
    %get3A_6 = arith.constant 0 : index
    %get3A_7 = vector.load %arg1[%get3A_4, %get3A_5, %get3A_6] : memref<2x2528x128xf32, #tpu.memory_space<vmem>>, vector<1x2528x128xf32>
    %get3A_8 = vector.shape_cast %get3A_7 : vector<1x2528x128xf32> to vector<2528x128xf32>
    %add3A = arith.addf %get3A_3, %get3A_8 : vector<2528x128xf32>
    %get3A_9 = arith.constant 0 : index
    %get3A_10 = arith.constant 0 : index
    %get3A_11 = vector.load %arg2[%get3A_9, %get3A_10] : memref<2528x32xf32, #tpu.memory_space<vmem>>, vector<2528x32xf32>
    %reduce_sum3A = arith.constant dense<0.000000e+00> : vector<2528xf32>
    %reduce_sum3A_12 = vector.multi_reduction <add>, %get3A_11, %reduce_sum3A [1] : vector<2528x32xf32> to vector<2528xf32>
    %broadcast_in_dim3A = vector.shape_cast %reduce_sum3A_12 : vector<2528xf32> to vector<2528x1xf32>
    %max3A = arith.constant 1.000000e+00 : f32
    %max3A_13 = vector.broadcast %max3A : f32 to vector<2528x1xf32>
    %max3A_14 = arith.maximumf %broadcast_in_dim3A, %max3A_13 : vector<2528x1xf32>
    %div3A = vector.broadcast %max3A_14 : vector<2528x1xf32> to vector<2528x128xf32>
    %div3A_15 = arith.divf %add3A, %div3A : vector<2528x128xf32>
    %get3A_16 = arith.constant 0 : index
    %get3A_17 = arith.constant 0 : index
    %get3A_18 = vector.load %arg4[%get3A_16, %get3A_17] : memref<128x128xf32, #tpu.memory_space<vmem>>, vector<128x128xf32>
    %dot_general3A = arith.constant dense<0.000000e+00> : vector<2528x128xf32>
    %dot_general3A_19 = tpu.matmul %div3A_15, %get3A_18, %dot_general3A {dimension_numbers = #tpu.dot_dimension_numbers<[1], [0], [0], [1], [0, 0, 1, 1], [], []>, transpose_lhs_hint = false} : vector<2528x128xf32>, vector<128x128xf32>, vector<2528x128xf32> -> vector<2528x128xf32>
    %get3A_20 = arith.constant 0 : index
    %get3A_21 = arith.constant 0 : index
    %get3A_22 = vector.load %arg5[%get3A_20, %get3A_21] : memref<1x128xf32, #tpu.memory_space<vmem>>, vector<1x128xf32>
    %add3A_23 = vector.broadcast %get3A_22 : vector<1x128xf32> to vector<2528x128xf32>
    %add3A_24 = arith.addf %dot_general3A_19, %add3A_23 : vector<2528x128xf32>
    %get3A_25 = arith.constant 0 : index
    %get3A_26 = arith.constant 0 : index
    %get3A_27 = vector.load %arg3[%get3A_25, %get3A_26] : memref<2528x128xf32, #tpu.memory_space<vmem>>, vector<2528x128xf32>
    %get3A_28 = arith.constant 0 : index
    %get3A_29 = arith.constant 0 : index
    %get3A_30 = vector.load %arg6[%get3A_28, %get3A_29] : memref<128x128xf32, #tpu.memory_space<vmem>>, vector<128x128xf32>
    %dot_general3A_31 = arith.constant dense<0.000000e+00> : vector<2528x128xf32>
    %dot_general3A_32 = tpu.matmul %get3A_27, %get3A_30, %dot_general3A_31 {dimension_numbers = #tpu.dot_dimension_numbers<[1], [0], [0], [1], [0, 0, 1, 1], [], []>, transpose_lhs_hint = false} : vector<2528x128xf32>, vector<128x128xf32>, vector<2528x128xf32> -> vector<2528x128xf32>
    %add3A_33 = arith.addf %add3A_24, %dot_general3A_32 : vector<2528x128xf32>
    %get3A_34 = arith.constant 0 : index
    %get3A_35 = arith.constant 0 : index
    %get3A_36 = vector.load %arg3[%get3A_34, %get3A_35] : memref<2528x128xf32, #tpu.memory_space<vmem>>, vector<2528x128xf32>
    %add3A_37 = arith.addf %add3A_33, %get3A_36 : vector<2528x128xf32>
    %swap3A = arith.constant 0 : index
    %swap3A_38 = arith.constant 0 : index
    %swap3A_39 = vector.load %arg7[%swap3A, %swap3A_38] : memref<2528x128xf32, #tpu.memory_space<vmem>>, vector<2528x128xf32>
    tpu.vector_store %arg7[%swap3A, %swap3A_38], %add3A_37 {strides = array<i32>} : memref<2528x128xf32, #tpu.memory_space<vmem>>, vector<2528x128xf32>,
    return
  }
  func.func @transform_0(%arg0: i32) -> (i32, i32, i32) {
    %c0_i32 = arith.constant 0 : i32
    %c0_i32_0 = arith.constant 0 : i32
    %c0_i32_1 = arith.constant 0 : i32
    return %c0_i32, %arg0, %c0_i32_0 : i32, i32, i32
  }
  func.func @transform_1(%arg0: i32) -> (i32, i32) {
    %c0_i32 = arith.constant 0 : i32
    %c0_i32_0 = arith.constant 0 : i32
    return %arg0, %c0_i32 : i32, i32
  }
  func.func @transform_2(%arg0: i32) -> (i32, i32) {
    %c0_i32 = arith.constant 0 : i32
    %c0_i32_0 = arith.constant 0 : i32
    return %arg0, %c0_i32 : i32, i32
  }
  func.func @transform_3(%arg0: i32) -> (i32, i32) {
    %c0_i32 = arith.constant 0 : i32
    %c0_i32_0 = arith.constant 0 : i32
    %c0_i32_1 = arith.constant 0 : i32
    return %c0_i32, %c0_i32_0 : i32, i32
  }
  func.func @transform_4(%arg0: i32) -> (i32, i32) {
    %c0_i32 = arith.constant 0 : i32
    %c0_i32_0 = arith.constant 0 : i32
    %c0_i32_1 = arith.constant 0 : i32
    return %c0_i32, %c0_i32_0 : i32, i32
  }
  func.func @transform_5(%arg0: i32) -> (i32, i32) {
    %c0_i32 = arith.constant 0 : i32
    %c0_i32_0 = arith.constant 0 : i32
    %c0_i32_1 = arith.constant 0 : i32
    return %c0_i32, %c0_i32_0 : i32, i32
  }
  func.func @transform_6(%arg0: i32) -> (i32, i32) {
    %c0_i32 = arith.constant 0 : i32
    %c0_i32_0 = arith.constant 0 : i32
    return %arg0, %c0_i32 : i32, i32
  }
}

</mosaic_0001>

<sc_bundles>
// kernel: kernel.10.cloned.1.call-start
scs
__scs_entry_jumppad:
0x0: {  	(pc) =	sbr.rel $0x88, $3  }
0x1: {  	(tag) =	ssettag $0x0;
	lr =	simm.s32 $0x1  }
0x2: {  	[smem:$0x3F95] =	sst lr;
	_ =	strace $0xD0000000  }
0x3: {  	_ = 	snop  }
0x4: {  	_ = 	snop  }
0x5: {  	_ = 	snop  }
0x6: {  	_ = 	snop  }
0x7: {  	_ = 	snop  }
__scs_overlays_trampoline_lowered:
0x8: {  	[smem:$0x3FA4] =	sst s0  }
0x9: {  	[smem:$0x3FA5] =	sst s1  }
0xa: {  	[smem:$0x3FA6] =	sst s2  }
0xb: {  	[smem:$0x3FA7] =	sst s3  }
0xc: {  	[smem:$0x3FA8] =	sst s4  }
0xd: {  	[smem:$0x3FA9] =	sst s5  }
0xe: {  	[smem:$0x3FAA] =	sst s6  }
0xf: {  	[smem:$0x3FAB] =	sst s7  }
0x10: {  	[smem:$0x3FAC] =	sst s8  }
0x11: {  	[smem:$0x3FAD] =	sst s9;
	s0 =	simm.s32 @!p0 $0x0  }
0x12: {  	s1 =	sld [smem:$0x3F93];
	s0 =	simm.s32 @p0 $0x1  }
0x13: {  	[smem:$0x3FAE] =	sst s0;
	s0 =	simm.s32 @!p1 $0x0  }
0x14: {  	s2 =	sld [smem:$0x3F92];
	s0 =	simm.s32 @p1 $0x1  }
0x15: {  	[smem:$0x3FAF] =	sst s0;
	s0 =	simm.s32 @!p2 $0x0  }
0x16: {  	s3 =	sld [smem:$0x3FDB];
	s0 =	simm.s32 @p2 $0x1  }
0x17: {  	s4 =	simm.s32 $0x1BF5;
	[smem:$0x3FB1] =	sst s0  }
0x18: {  	s0 =	sld [smem:$0x3F94];
	_ =	swait.ge [sflag:s4], $0x0  }
0x19: {  	s7 =	sld [smem:$0x3F95]  }
0x1a: {  	s8 =	sadd.s32 $0xFFFFE003, lr  }
0x1b: {  	s9 =	sadd.s32 $0xFFFFFEF7, lr;
	s5 =	simm.s32 $0xFFFFFFFF;
	p2 =	slt.u32 s8, $0xFFFFF086  }
0x1c: {  	p1 =	slt.u32 s9, $0xF7A;
	s5 =	simm.s32 @!p2 $0x0  }
0x1d: {  	s5 =	simm.s32 @p1 $0x1;
	p0 =	seq.s32 s7, s2  }
0x1e: {  	s7 =	smul.u32 @!p0 $0xF7A, s2;
	p2 =	seq.s32 @!p0 s5, $0x0  }
0x1f: {  	s9 =	smul.u32 $0xF7A, s1;
	s8 =	simm.s32 @!p0 $0x1BF5;
	p2 =	por !p2, p0  }
0x20: {  	[sflag:s8] =	ssyncset.s32 @!p0 $0xFFFFF086;
	s6 =	sadd.s32 @!p0 s3, s7;
	s7 =	simm.s32 @!p0 $0x108  }
0x21: {  	s3 =	sadd.s32 s3, s9;
	s6 =	sadd.s32 @!p0 $0x88, s6;
	s7 =	simm.s32 @p2 $0x1082  }
0x22: {  	[simem:s7], [sflag:s8] =	dma.local @!p0 [hbm:s6], $0xF7A  }
0x23: {  	s9 =	sor.u32 $0xD0000000, s2;
	s6 =	simm.s32 $0x108;
	_ =	swait.ge @!p0 [sflag:s8], $0x0  }
0x24: {  	s3 =	sadd.s32 $0x88, s3;
	s6 =	simm.s32 @!p1 $0x1082;
	[sflag:s4] =	ssyncset.s32 $0xFFFFF086  }
0x25: {  	[simem:s6], [sflag:s4] =	dma.local [hbm:s3], $0xF7A  }
0x26: {  	[smem:$0x3F95] =	sst s1;
	(tag) =	ssettag s2;
	_ =	strace s9  }
0x27: {  	s1 =	sld [smem:$0x3FA5]  }
0x28: {  	s2 =	sld [smem:$0x3FA6]  }
0x29: {  	s4 =	sld [smem:$0x3FA8]  }
0x2a: {  	p0 =	seq.s32 s5, $0x0;
	s5 =	sld [smem:$0x3FA9]  }
0x2b: {  	s6 =	sld [smem:$0x3FAA]  }
0x2c: {  	s7 =	sld [smem:$0x3FAB]  }
0x2d: {  	s3 =	simm.s32 $0x108;
	s8 =	sld [smem:$0x3FAC]  }
0x2e: {  	s3 =	simm.s32 @!p0 $0x1082;
	s9 =	sld [smem:$0x3FAD]  }
0x2f: {  	lr =	sadd.s32 s0, s3;
	s0 =	sld [smem:$0x3FA4]  }
0x30: {  	s3 =	sld [smem:$0x3FA7]  }
0x31: {  	[smem:$0x3FB0] =	sst s10  }
0x32: {  	s10 =	sld [smem:$0x3FAE];
	_ =	sdelay $0x3  }
0x33: {  	p0 =	seq.s32 s10, $0x1;
	s10 =	sld [smem:$0x3FB0];
	_ =	sdelay $0x3  }
0x34: {  	[smem:$0x3FB0] =	sst s10  }
0x35: {  	s10 =	sld [smem:$0x3FAF];
	_ =	sdelay $0x3  }
0x36: {  	p1 =	seq.s32 s10, $0x1;
	s10 =	sld [smem:$0x3FB0];
	_ =	sdelay $0x3  }
0x37: {  	[smem:$0x3FB0] =	sst s10  }
0x38: {  	s10 =	sld [smem:$0x3FB1]  }
0x39: {  	_ = 	snop;
	(pc) =	sbr.ind lr, $3  }
0x3a: {  	_ = 	snop  }
0x3b: {  	_ = 	snop  }
0x3c: {  	p2 =	seq.s32 s10, $0x1;
	s10 =	sld [smem:$0x3FB0]  }
0x3d: {  	_ =	shalt  }
0x3e: {  	_ =	shalt  }
0x3f: {  	_ =	shalt  }
0x40: {  	_ =	shalt  }
0x41: {  	_ =	shalt  }
0x42: {  	_ =	shalt  }
0x43: {  	_ =	shalt  }
0x44: {  	_ =	shalt  }
0x45: {  	_ =	shalt  }
0x46: {  	_ =	shalt  }
0x47: {  	_ =	shalt  }
0x48: {  	_ =	shalt  }
0x49: {  	_ =	shalt  }
0x4a: {  	_ =	shalt  }
0x4b: {  	_ =	shalt  }
0x4c: {  	_ =	shalt  }
0x4d: {  	_ =	shalt  }
0x4e: {  	_ =	shalt  }
0x4f: {  	_ =	shalt  }
0x50: {  	_ =	shalt  }
0x51: {  	_ =	shalt  }
0x52: {  	_ =	shalt  }
0x53: {  	_ =	shalt  }
0x54: {  	_ =	shalt  }
0x55: {  	_ =	shalt  }
0x56: {  	_ =	shalt  }
0x57: {  	_ =	shalt  }
0x58: {  	_ =	shalt  }
0x59: {  	_ =	shalt  }
0x5a: {  	_ =	shalt  }
0x5b: {  	_ =	shalt  }
0x5c: {  	_ =	shalt  }
0x5d: {  	_ =	shalt  }
0x5e: {  	_ =	shalt  }
0x5f: {  	_ =	shalt  }
0x60: {  	_ =	shalt  }
0x61: {  	_ =	shalt  }
0x62: {  	_ =	shalt  }
0x63: {  	_ =	shalt  }
0x64: {  	_ =	shalt  }
0x65: {  	_ =	shalt  }
0x66: {  	_ =	shalt  }
0x67: {  	_ =	shalt  }
0x68: {  	_ =	shalt  }
0x69: {  	_ =	shalt  }
0x6a: {  	_ =	shalt  }
0x6b: {  	_ =	shalt  }
0x6c: {  	_ =	shalt  }
0x6d: {  	_ =	shalt  }
0x6e: {  	_ =	shalt  }
0x6f: {  	_ =	shalt  }
0x70: {  	_ =	shalt  }
0x71: {  	_ =	shalt  }
0x72: {  	_ =	shalt  }
0x73: {  	_ =	shalt  }
0x74: {  	_ =	shalt  }
0x75: {  	_ =	shalt  }
0x76: {  	_ =	shalt  }
0x77: {  	_ =	shalt  }
0x78: {  	_ =	shalt  }
0x79: {  	_ =	shalt  }
0x7a: {  	_ =	shalt  }
0x7b: {  	_ =	shalt  }
0x7c: {  	_ =	shalt  }
0x7d: {  	_ =	shalt  }
0x7e: {  	_ =	shalt  }
0x7f: {  	_ =	shalt  }
0x80: {  	_ =	shalt  }
0x81: {  	_ =	shalt  }
0x82: {  	_ =	shalt  }
0x83: {  	_ =	shalt  }
0x84: {  	_ =	shalt  }
0x85: {  	_ =	shalt  }
0x86: {  	_ =	shalt  }
0x87: {  	_ =	shalt  }
.Lfunc_end0:
.L_simem_size_0:
called_computation.1_lowered:
.L_overlay_start_0:
0x88: {  	s2 =	sld [smem:$0x3FD9]  }
0x89: {  	s3 =	sld [smem:$0x3FFE];
	_ =	sdelay $0x1  }
0x8a: {  	s1 =	srdreg.scid  }
0x8b: {  	s0 =	sand.u32 $0x1, s1  }
0x8c: {  	s17 =	sshll.u32 s0, $0xA;
	s2 =	sadd.s32 s3, s2  }
0x8d: {  	s2 =	sadd.s32 s2, s17  }
0x8e: {  	[smem:$0x3FBC] =	sst s2  }
0x8f: {  	_ = 	snop  }
0x90: {  	s2 =	sld [smem:$0x3FD0];
	(tm) =	ssettm $0x1  }
0x91: {  	s18 =	sld [smem:$0x3FFB];
	_ =	sdelay $0x3  }
0x92: {  	_ =	strace s18  }
0x93: {  	s3 =	sld [smem:$0x3FFC];
	_ =	sdelay $0x3  }
0x94: {  	_ =	strace s3  }
0x95: {  	s3 =	sld [smem:$0x3FFD];
	_ =	sdelay $0x3  }
0x96: {  	_ =	strace s3  }
0x97: {  	_ =	strace $0x8FFFFFFF  }
0x98: {  	s19 =	sld [smem:$0x3FDB];
	_ =	sdelay $0x1  }
0x99: {  	s4 =	simm.s32 $_scs_section_size  }
0x9a: {  	s5 =	simm.s32 $_size__tile_overlayer_lowered;
	s6 =	simm.s32 $_tile_overlayer_lowered  }
0x9b: {  	s22 =	simm.s32 $0x1BFF;
	s21 =	sshll.u32 s6, $0x1;
	s3 =	sadd.s32 s4, s19  }
0x9c: {  	s7 =	simm.s32 $0x0;
	s20 =	sshll.u32 s5, $0x1;
	s5 =	sadd.s32 s21, s3  }
0x9d: {  	[timem:s7], [sflag:s22] =	dma.local [hbm:s5], s20  }
0x9e: {  	_ =	swait.ge [sflag:s22], s20  }
0x9f: {  	s4 =	ssub.s32 $0x0, s20;
	[sflag:s22] =	ssyncset.done $0x0  }
0xa0: {  	[sflag:s22] =	ssyncadd.s32 s4;
	_ =	sdelay $0x1  }
0xa1: {  	s23 =	simm.s32 $0x1B8B  }
0xa2: {  	_ =	swait.ge [sflag:s23], $0x1  }
0xa3: {  	[sflag:s23] =	ssyncset.done $0x0  }
0xa4: {  	s25 =	simm.s32 $0x1B8E;
	s24 =	sld [smem:$0x3FFE];
	[sflag:s23] =	ssyncadd.s32 $0xFFFFFFFF  }
0xa5: {  	s26 =	simm.s32 $execute0_lowered;
	[smem:$0x3FD2] =	sst s25  }
0xa6: {  	s5 =	sshll.u32 s26, $0x1;
	_ =	strace $0x80000049;
	[dreg:$0x1] =	wrdreg $0xFFFFFFFF  }
0xa7: {  	s28 =	simm.s32 $_size_execute0_lowered;
	s3 =	sadd.s32 s3, s5;
	[dreg:$0x0] =	wrdreg $0x0  }
0xa8: {  	s5 =	sshll.u32 s28, $0x1;
	[dreg:$0x2] =	wrdreg s3  }
0xa9: {  	[dreg:$0x3] =	wrdreg s5  }
0xaa: {  	[dreg:$0x4] =	wrdreg $0xC0  }
0xab: {  	_ =	task [dreg:s7], $0x5FFFF  }
0xac: {  	[dreg:$0x1] =	wrdreg $0xFFFFFFFF  }
0xad: {  	[dreg:$0x0] =	wrdreg $0x60  }
0xae: {  	[dreg:$0x2] =	wrdreg s24  }
0xaf: {  	[dreg:$0x3] =	wrdreg s2  }
0xb0: {  	[dreg:$0x4] =	wrdreg $0x89800  }
0xb1: {  	[dreg:$0x5] =	wrdreg $0x9  }
0xb2: {  	_ =	task.clear_ibuf [dreg:s7], $0x6FFFF;
	_ =	strace $0x90000049  }
0xb3: {  	s29 =	simm.s32 $0x9;
	_ =	strace $0x8000004B  }
0xb4: {  	_ =	swait.ge [sflag:s29], $0x1  }
0xb5: {  	[sflag:s29] =	ssyncadd.s32 $0xFFFFFFFF  }
0xb6: {  	_ =	strace $0x9000004B  }
0xb7: {  	_ =	sfence  }
0xb8: {  	s30 =	sld [smem:$0x0];
	_ =	sdelay $0x2  }
0xb9: {  	s31 =	sshll.u32 s1, $0xD;
	s1 =	sshrl.u32 s1, $0x2  }
0xba: {  	s3 =	sand.u32 $0x4000, s31;
	s1 =	sadd.s32 s1, s30  }
0xbb: {  	s0 =	sor.u32 s3, s0;
	s1 =	sshll.u32 s1, $0x11  }
0xbc: {  	s0 =	sor.u32 s1, s0  }
0xbd: {  	s0 =	sadd.s32 $0x8F2B, s0  }
0xbe: {  	[sflag:s0] =	ssyncadd.remote.s32 $0x1  }
0xbf: {  	_ =	sfence.sel $0xFFFF  }
0xc0: {  	[dreg:$0x0] =	wrdreg $0xFFFFFFFF;
	(pc) =	sbr.abs _section_cstart, $3  }
0xc1: {  	[dreg:$0x1] =	wrdreg $0xFFFFFFFF  }
0xc2: {  	_ =	task.clear_ibuf [dreg:s7], $0x2FFFF;
	_ =	strace $0x9FFFFFFF  }
0xc3: {  	(tm) =	ssettm $0x7FFFFFFF  }
tec
execute0_lowered:
.L_overlay_start_1:
0x0: {  	(tag) =	ssettag $0x1  }
0x1: {  	s12 =	stileid.u32  }
0x2: {  	s3 =	srdreg.scid;
	s8 =	smul.u32 $0x13C00, s12  }
0x3: {  	s0 =	rddreg [dreg:$0x0];
	s3 =	sand.u32 $0x1, s3;
	s22 =	smul.u32 $0x4F000, s12  }
0x4: {  	s1 =	rddreg [dreg:$0x1];
	s9 =	sshll.u32 s12, $0x1;
	s7 =	smul.u32 $0x13C000, s3  }
0x5: {  	s2 =	rddreg [dreg:$0x2];
	s21 =	sor.u32 s3, s9;
	s9 =	sshrl.u32 s22, $0x2  }
0x6: {  	s4 =	simm.s32 $0x0;
	s7 =	sadd.s32 s8, s7;
	s8 =	sadd.s32 s9, s2  }
0x7: {  	[smem:$0x7FF] =	sst s4;
	s29 =	smul.u32 $0x4F00, s12;
	s26 =	sadd.s32 $0x13800, s8  }
0x8: {  	_ =	strace $0x8000004A;
	s12 =	sadd.s32 $0x1000, s8;
	[dreg:$0x4] =	wrdreg s26  }
0x9: {  	s13 =	sadd.s32 $0x1800, s8;
	[dreg:$0xa] =	wrdreg s12  }
0xa: {  	s14 =	sadd.s32 $0x2000, s8;
	[dreg:$0xb] =	wrdreg s13  }
0xb: {  	s15 =	sadd.s32 $0x2800, s8;
	[dreg:$0xc] =	wrdreg s14  }
0xc: {  	s5 =	sadd.s32 $0xC000, s0;
	s16 =	sadd.s32 $0x3000, s8;
	[dreg:$0xd] =	wrdreg s15  }
0xd: {  	s6 =	sadd.s32 $0x2200, s0;
	s18 =	sadd.s32 $0x3800, s8;
	[dreg:$0xe] =	wrdreg s16  }
0xe: {  	s11 =	ssub.s32 $0x2, s3;
	s19 =	sadd.s32 $0x4000, s8;
	[dreg:$0xf] =	wrdreg s18  }
0xf: {  	s23 =	sshrl.u32 s11, $0x1;
	s20 =	sadd.s32 $0x4800, s8;
	[dreg:$0x10] =	wrdreg s19  }
0x10: {  	s24 =	ssub.s32 s11, s23;
	s22 =	sadd.s32 $0x5000, s8;
	[dreg:$0x11] =	wrdreg s20  }
0x11: {  	s10 =	sshrl.u32 s7, $0x3;
	s9 =	sadd.s32 $0x8800, s8;
	[dreg:$0x13] =	wrdreg s22  }
0x12: {  	s0 =	sadd.s32 s10, s0;
	s10 =	smax.u32 s24, $0x1;
	[dreg:$0x1a] =	wrdreg s9  }
0x13: {  	s24 =	sadd.s32 $0x5800, s8;
	[dreg:$0x8] =	wrdreg s10  }
0x14: {  	s26 =	sadd.s32 $0x6000, s8;
	[dreg:$0x14] =	wrdreg s24  }
0x15: {  	s12 =	sadd.s32 $0xA000, s8;
	[dreg:$0x15] =	wrdreg s26  }
0x16: {  	s13 =	sadd.s32 $0xA800, s8;
	[dreg:$0x1d] =	wrdreg s12  }
0x17: {  	s14 =	sadd.s32 $0xB000, s8;
	[dreg:$0x1e] =	wrdreg s13  }
0x18: {  	s15 =	sadd.s32 $0xB800, s8;
	[dreg:$0x1f] =	wrdreg s14  }
0x19: {  	s16 =	sadd.s32 $0xC000, s8;
	[smem:$0x7F1] =	sst s15  }
0x1a: {  	s30 =	smul.u32 $0x2780, s3;
	s18 =	sadd.s32 $0xD000, s8;
	[smem:$0x7F2] =	sst s16  }
0x1b: {  	s7 =	smul.u32 $0x2780, s21;
	s19 =	sadd.s32 $0xD800, s8;
	[smem:$0x7F4] =	sst s18  }
0x1c: {  	s31 =	sadd.s32 $0x12000, s8;
	s20 =	sadd.s32 $0xE000, s8;
	[smem:$0x7F5] =	sst s19  }
0x1d: {  	s22 =	sadd.s32 $0xF000, s8;
	s9 =	simm.s32 $0x8180;
	[smem:$0x7F6] =	sst s20  }
0x1e: {  	s25 =	sshrl.u32 s7, $0x3;
	s0 =	sadd.s32 $0x33800, s0;
	[smem:$0x7F8] =	sst s22  }
0x1f: {  	s10 =	sadd.s32 $0x9000, s8;
	s24 =	sadd.s32 $0xF800, s8;
	[dreg:$0x7] =	wrdreg s0  }
0x20: {  	s26 =	sadd.s32 $0x10000, s8;
	s12 =	simm.s32 $0x3;
	[dreg:$0x1b] =	wrdreg s10  }
0x21: {  	s13 =	simm.s32 $0x80;
	s14 =	simm.s32 $0x180;
	[smem:$0x7F9] =	sst s24  }
0x22: {  	s15 =	simm.s32 $0x1;
	s28 =	sadd.s32 s1, s25;
	[smem:$0x7FA] =	sst s26  }
0x23: {  	s0 =	sadd.s32 s30, s29;
	s29 =	sadd.s32 $0x7000, s8;
	[dreg:$0x5] =	wrdreg s28  }
0x24: {  	s16 =	simm.s32 $0x4180;
	s30 =	sadd.s32 $0x7800, s8;
	[dreg:$0x17] =	wrdreg s29  }
0x25: {  	s11 =	sadd.s32 $0x10, s28;
	s17 =	sadd.s32 $0x180, s0;
	[dreg:$0x18] =	wrdreg s30  }
0x26: {  	s21 =	sshrl.u32 s0, $0x3;
	s0 =	sadd.s32 $0x100, s0;
	[dreg:$0x6] =	wrdreg s11  }
0x27: {  	s18 =	simm.s32 $0x5;
	s28 =	sadd.s32 $0x6800, s8;
	[dreg:$0x12] =	wrdreg s0  }
0x28: {  	s19 =	simm.s32 $0x0;
	s29 =	sadd.s32 $0x11000, s8;
	[dreg:$0x16] =	wrdreg s28  }
0x29: {  	s10 =	simm.s32 $0x6;
	s30 =	sadd.s32 $0x11800, s8;
	[smem:$0x7FC] =	sst s29  }
0x2a: {  	s11 =	sadd.s32 $0x800, s8;
	s3 =	sshrl.u32 s17, $0x3;
	[smem:$0x7FD] =	sst s30  }
0x2b: {  	s25 =	sadd.s32 s21, s6;
	s17 =	sadd.s32 $0xC800, s8;
	[dreg:$0x9] =	wrdreg s11  }
.Ltmp0:
0x2c: {  	s21 =	sadd.s32 $0xE800, s8;
	[smem:$0x7F3] =	sst s17;
	(pc) =	sbr.rel .LBB2_1-.Ltmp0, $4  }
0x2d: {  	s28 =	sadd.s32 $0x10800, s8;
	s0 =	sadd.s32 $0x12800, s8;
	[smem:$0x7F7] =	sst s21  }
0x2e: {  	s23 =	sadd.s32 s3, s1;
	s3 =	sadd.s32 $0x8000, s8;
	[smem:$0x7FB] =	sst s28  }
0x2f: {  	s11 =	sadd.s32 $0x9800, s8;
	s17 =	simm.s32 $0x100;
	[dreg:$0x19] =	wrdreg s3  }
0x30: {  	v0 =	vimm.f32 $0.0e+00;
	[dreg:$0x1c] =	wrdreg s11;
	s3 =	sadd.s32 $0x13000, s8;
	s11 =	simm.s32 $0x4  }
.LBB2_8:
0x31: {  	_ =	swait.ge [sflag:s18], $0x4000  }
0x32: {  	[sflag:s18] =	ssyncset.done $0x0  }
0x33: {  	s20 =	stileid.u32;
	[sflag:s18] =	ssyncadd.s32 $0xFFFFC000  }
0x34: {  	s20 =	sshll.u32 s20, $0x6;
	[bflag:$0x0] =	sbarrier.arrive $0xFFFF  }
0x35: {  	s21 =	sshrl.u32 s8, $0x3;
	s20 =	sor.u32 $0x1C06, s20;
	s22 =	rddreg [dreg:$0x7]  }
0x36: {  	[hbm:s22], [sflag:s20] =	dma.local [spmem:s21], $0x2780  }
0x37: {  	_ =	swait.ge [sflag:s10], $0x2780  }
0x38: {  	s19 =	sadd.s32 $0x1, s19;
	s30 =	rddreg [dreg:$0x8]  }
0x39: {  	p0 =	sne.s32 s19, s30  }
.Ltmp1:
0x3a: {  	_ = 	snop;
	(pc) =	sbr.rel @!p0 .LBB2_9-.Ltmp1, $3  }
0x3b: {  	_ =	sdelay $0x1  }
0x3c: {  	[sflag:s10] =	ssyncset.done $0x0  }
0x3d: {  	[sflag:s10] =	ssyncadd.s32 $0xFFFFD880  }
.LBB2_1:
0x3e: {  	[tilespmem:$0x8180] =	vst v0  }
0x3f: {  	[tilespmem:$0x8190] =	vst v0  }
0x40: {  	[tilespmem:$0x81A0] =	vst v0  }
0x41: {  	[tilespmem:$0x81B0] =	vst v0  }
0x42: {  	[tilespmem:$0x81C0] =	vst v0  }
0x43: {  	[tilespmem:$0x81D0] =	vst v0  }
0x44: {  	[tilespmem:$0x81E0] =	vst v0  }
0x45: {  	[tilespmem:$0x81F0] =	vst v0  }
0x46: {  	[tilespmem:$0x8200] =	vst v0  }
0x47: {  	[tilespmem:$0x8210] =	vst v0  }
0x48: {  	[tilespmem:$0x8220] =	vst v0  }
0x49: {  	[tilespmem:$0x8230] =	vst v0  }
0x4a: {  	[tilespmem:$0x8240] =	vst v0  }
0x4b: {  	[tilespmem:$0x8250] =	vst v0  }
0x4c: {  	[tilespmem:$0x8260] =	vst v0  }
0x4d: {  	[tilespmem:$0x8270] =	vst v0  }
0x4e: {  	[tilespmem:$0x8280] =	vst v0  }
0x4f: {  	[tilespmem:$0x8290] =	vst v0  }
0x50: {  	[tilespmem:$0x82A0] =	vst v0  }
0x51: {  	[tilespmem:$0x82B0] =	vst v0  }
0x52: {  	[tilespmem:$0x82C0] =	vst v0  }
0x53: {  	[tilespmem:$0x82D0] =	vst v0  }
0x54: {  	[tilespmem:$0x82E0] =	vst v0  }
0x55: {  	[tilespmem:$0x82F0] =	vst v0  }
0x56: {  	[tilespmem:$0x8300] =	vst v0  }
0x57: {  	[tilespmem:$0x8310] =	vst v0  }
0x58: {  	[tilespmem:$0x8320] =	vst v0  }
0x59: {  	[tilespmem:$0x8330] =	vst v0  }
0x5a: {  	[tilespmem:$0x8340] =	vst v0  }
0x5b: {  	[tilespmem:$0x8350] =	vst v0  }
0x5c: {  	[tilespmem:$0x8360] =	vst v0  }
0x5d: {  	[tilespmem:$0x8370] =	vst v0  }
0x5e: {  	[tilespmem:$0x8380] =	vst v0  }
0x5f: {  	[tilespmem:$0x8390] =	vst v0  }
0x60: {  	[tilespmem:$0x83A0] =	vst v0  }
0x61: {  	[tilespmem:$0x83B0] =	vst v0  }
0x62: {  	[tilespmem:$0x83C0] =	vst v0  }
0x63: {  	[tilespmem:$0x83D0] =	vst v0  }
0x64: {  	[tilespmem:$0x83E0] =	vst v0  }
0x65: {  	[tilespmem:$0x83F0] =	vst v0  }
0x66: {  	[tilespmem:$0x8400] =	vst v0  }
0x67: {  	[tilespmem:$0x8410] =	vst v0  }
0x68: {  	[tilespmem:$0x8420] =	vst v0  }
0x69: {  	[tilespmem:$0x8430] =	vst v0  }
0x6a: {  	[tilespmem:$0x8440] =	vst v0  }
0x6b: {  	[tilespmem:$0x8450] =	vst v0  }
0x6c: {  	[tilespmem:$0x8460] =	vst v0  }
0x6d: {  	[tilespmem:$0x8470] =	vst v0  }
0x6e: {  	[tilespmem:$0x8480] =	vst v0  }
0x6f: {  	[tilespmem:$0x8490] =	vst v0  }
0x70: {  	[tilespmem:$0x84A0] =	vst v0  }
0x71: {  	[tilespmem:$0x84B0] =	vst v0  }
0x72: {  	[tilespmem:$0x84C0] =	vst v0  }
0x73: {  	[tilespmem:$0x84D0] =	vst v0  }
0x74: {  	[tilespmem:$0x84E0] =	vst v0  }
0x75: {  	[tilespmem:$0x84F0] =	vst v0  }
0x76: {  	[tilespmem:$0x8500] =	vst v0  }
0x77: {  	[tilespmem:$0x8510] =	vst v0  }
0x78: {  	[tilespmem:$0x8520] =	vst v0  }
0x79: {  	[tilespmem:$0x8530] =	vst v0  }
0x7a: {  	[tilespmem:$0x8540] =	vst v0  }
0x7b: {  	[tilespmem:$0x8550] =	vst v0  }
0x7c: {  	[tilespmem:$0x8560] =	vst v0  }
0x7d: {  	[tilespmem:$0x8570] =	vst v0  }
0x7e: {  	[tilespmem:$0x8580] =	vst v0  }
0x7f: {  	[tilespmem:$0x8590] =	vst v0  }
0x80: {  	[tilespmem:$0x85A0] =	vst v0  }
0x81: {  	[tilespmem:$0x85B0] =	vst v0  }
0x82: {  	[tilespmem:$0x85C0] =	vst v0  }
0x83: {  	[tilespmem:$0x85D0] =	vst v0  }
0x84: {  	[tilespmem:$0x85E0] =	vst v0  }
0x85: {  	[tilespmem:$0x85F0] =	vst v0  }
0x86: {  	[tilespmem:$0x8600] =	vst v0  }
0x87: {  	[tilespmem:$0x8610] =	vst v0  }
0x88: {  	[tilespmem:$0x8620] =	vst v0  }
0x89: {  	[tilespmem:$0x8630] =	vst v0  }
0x8a: {  	[tilespmem:$0x8640] =	vst v0  }
0x8b: {  	[tilespmem:$0x8650] =	vst v0  }
0x8c: {  	[tilespmem:$0x8660] =	vst v0  }
0x8d: {  	[tilespmem:$0x8670] =	vst v0  }
0x8e: {  	[tilespmem:$0x8680] =	vst v0  }
0x8f: {  	[tilespmem:$0x8690] =	vst v0  }
0x90: {  	[tilespmem:$0x86A0] =	vst v0  }
0x91: {  	[tilespmem:$0x86B0] =	vst v0  }
0x92: {  	[tilespmem:$0x86C0] =	vst v0  }
0x93: {  	[tilespmem:$0x86D0] =	vst v0  }
0x94: {  	[tilespmem:$0x86E0] =	vst v0  }
0x95: {  	[tilespmem:$0x86F0] =	vst v0  }
0x96: {  	[tilespmem:$0x8700] =	vst v0  }
0x97: {  	[tilespmem:$0x8710] =	vst v0  }
0x98: {  	[tilespmem:$0x8720] =	vst v0  }
0x99: {  	[tilespmem:$0x8730] =	vst v0  }
0x9a: {  	[tilespmem:$0x8740] =	vst v0  }
0x9b: {  	[tilespmem:$0x8750] =	vst v0  }
0x9c: {  	[tilespmem:$0x8760] =	vst v0  }
0x9d: {  	[tilespmem:$0x8770] =	vst v0  }
0x9e: {  	[tilespmem:$0x8780] =	vst v0  }
0x9f: {  	[tilespmem:$0x8790] =	vst v0  }
0xa0: {  	[tilespmem:$0x87A0] =	vst v0  }
0xa1: {  	[tilespmem:$0x87B0] =	vst v0  }
0xa2: {  	[tilespmem:$0x87C0] =	vst v0  }
0xa3: {  	[tilespmem:$0x87D0] =	vst v0  }
0xa4: {  	[tilespmem:$0x87E0] =	vst v0  }
0xa5: {  	[tilespmem:$0x87F0] =	vst v0  }
0xa6: {  	[tilespmem:$0x8800] =	vst v0  }
0xa7: {  	[tilespmem:$0x8810] =	vst v0  }
0xa8: {  	[tilespmem:$0x8820] =	vst v0  }
0xa9: {  	[tilespmem:$0x8830] =	vst v0  }
0xaa: {  	[tilespmem:$0x8840] =	vst v0  }
0xab: {  	[tilespmem:$0x8850] =	vst v0  }
0xac: {  	[tilespmem:$0x8860] =	vst v0  }
0xad: {  	[tilespmem:$0x8870] =	vst v0  }
0xae: {  	[tilespmem:$0x8880] =	vst v0  }
0xaf: {  	[tilespmem:$0x8890] =	vst v0  }
0xb0: {  	[tilespmem:$0x88A0] =	vst v0  }
0xb1: {  	[tilespmem:$0x88B0] =	vst v0  }
0xb2: {  	[tilespmem:$0x88C0] =	vst v0  }
0xb3: {  	[tilespmem:$0x88D0] =	vst v0  }
0xb4: {  	[tilespmem:$0x88E0] =	vst v0  }
0xb5: {  	[tilespmem:$0x88F0] =	vst v0  }
0xb6: {  	[tilespmem:$0x8900] =	vst v0  }
0xb7: {  	[tilespmem:$0x8910] =	vst v0  }
0xb8: {  	[tilespmem:$0x8920] =	vst v0  }
0xb9: {  	[tilespmem:$0x8930] =	vst v0  }
0xba: {  	[tilespmem:$0x8940] =	vst v0  }
0xbb: {  	[tilespmem:$0x8950] =	vst v0  }
0xbc: {  	[tilespmem:$0x8960] =	vst v0  }
0xbd: {  	[tilespmem:$0x8970] =	vst v0;
	s20 =	rddreg [dreg:$0x9]  }
0xbe: {  	[spmem:s8] =	stream.linear.scatter [tilespmem:s9], [sflag:$0x4], $0x800, $0x38;
	[tilespmem:$0x1C580] =	vst v63  }
0xbf: {  	s21 =	rddreg [dreg:$0xa]  }
0xc0: {  	[spmem:s20] =	stream.linear.scatter [tilespmem:s9], [sflag:$0x4], $0x800, $0x38;
	[tilespmem:$0x1C580] =	vst v63  }
0xc1: {  	s22 =	rddreg [dreg:$0xb]  }
0xc2: {  	[spmem:s21] =	stream.linear.scatter [tilespmem:s9], [sflag:$0x4], $0x800, $0x38;
	[tilespmem:$0x1C580] =	vst v63  }
0xc3: {  	s24 =	rddreg [dreg:$0xc]  }
0xc4: {  	[spmem:s22] =	stream.linear.scatter [tilespmem:s9], [sflag:$0x4], $0x800, $0x38;
	[tilespmem:$0x1C580] =	vst v63  }
0xc5: {  	s26 =	rddreg [dreg:$0xd]  }
0xc6: {  	[spmem:s24] =	stream.linear.scatter [tilespmem:s9], [sflag:$0x4], $0x800, $0x38;
	[tilespmem:$0x1C580] =	vst v63  }
0xc7: {  	s28 =	rddreg [dreg:$0xe]  }
0xc8: {  	[spmem:s26] =	stream.linear.scatter [tilespmem:s9], [sflag:$0x4], $0x800, $0x38;
	[tilespmem:$0x1C580] =	vst v63  }
0xc9: {  	s29 =	rddreg [dreg:$0xf]  }
0xca: {  	[spmem:s28] =	stream.linear.scatter [tilespmem:s9], [sflag:$0x4], $0x800, $0x38;
	[tilespmem:$0x1C580] =	vst v63  }
0xcb: {  	s30 =	rddreg [dreg:$0x10]  }
0xcc: {  	[spmem:s29] =	stream.linear.scatter [tilespmem:s9], [sflag:$0x4], $0x800, $0x38;
	[tilespmem:$0x1C580] =	vst v63  }
0xcd: {  	s21 =	rddreg [dreg:$0x11]  }
0xce: {  	[spmem:s30] =	stream.linear.scatter [tilespmem:s9], [sflag:$0x4], $0x800, $0x38;
	[tilespmem:$0x1C580] =	vst v63  }
0xcf: {  	s22 =	rddreg [dreg:$0x13]  }
0xd0: {  	[spmem:s21] =	stream.linear.scatter [tilespmem:s9], [sflag:$0x4], $0x800, $0x38;
	[tilespmem:$0x1C580] =	vst v63  }
0xd1: {  	s24 =	rddreg [dreg:$0x14]  }
0xd2: {  	[spmem:s22] =	stream.linear.scatter [tilespmem:s9], [sflag:$0x4], $0x800, $0x38;
	[tilespmem:$0x1C580] =	vst v63  }
0xd3: {  	s26 =	rddreg [dreg:$0x15]  }
0xd4: {  	[spmem:s24] =	stream.linear.scatter [tilespmem:s9], [sflag:$0x4], $0x800, $0x38;
	[tilespmem:$0x1C580] =	vst v63  }
0xd5: {  	s28 =	rddreg [dreg:$0x16]  }
0xd6: {  	[spmem:s26] =	stream.linear.scatter [tilespmem:s9], [sflag:$0x4], $0x800, $0x38;
	[tilespmem:$0x1C580] =	vst v63  }
0xd7: {  	s29 =	rddreg [dreg:$0x17]  }
0xd8: {  	[spmem:s28] =	stream.linear.scatter [tilespmem:s9], [sflag:$0x4], $0x800, $0x38;
	[tilespmem:$0x1C580] =	vst v63  }
0xd9: {  	s30 =	rddreg [dreg:$0x18]  }
0xda: {  	[spmem:s29] =	stream.linear.scatter [tilespmem:s9], [sflag:$0x4], $0x800, $0x38;
	[tilespmem:$0x1C580] =	vst v63  }
0xdb: {  	s21 =	rddreg [dreg:$0x19]  }
0xdc: {  	[spmem:s30] =	stream.linear.scatter [tilespmem:s9], [sflag:$0x4], $0x800, $0x38;
	[tilespmem:$0x1C580] =	vst v63  }
0xdd: {  	s22 =	rddreg [dreg:$0x1a]  }
0xde: {  	[spmem:s21] =	stream.linear.scatter [tilespmem:s9], [sflag:$0x4], $0x800, $0x38;
	[tilespmem:$0x1C580] =	vst v63  }
0xdf: {  	s24 =	rddreg [dreg:$0x1b]  }
0xe0: {  	[spmem:s22] =	stream.linear.scatter [tilespmem:s9], [sflag:$0x4], $0x800, $0x38;
	[tilespmem:$0x1C580] =	vst v63  }
0xe1: {  	s26 =	rddreg [dreg:$0x1c]  }
0xe2: {  	[spmem:s24] =	stream.linear.scatter [tilespmem:s9], [sflag:$0x4], $0x800, $0x38;
	[tilespmem:$0x1C580] =	vst v63  }
0xe3: {  	s28 =	rddreg [dreg:$0x1d]  }
0xe4: {  	[spmem:s26] =	stream.linear.scatter [tilespmem:s9], [sflag:$0x4], $0x800, $0x38;
	[tilespmem:$0x1C580] =	vst v63  }
0xe5: {  	s29 =	rddreg [dreg:$0x1e]  }
0xe6: {  	[spmem:s28] =	stream.linear.scatter [tilespmem:s9], [sflag:$0x4], $0x800, $0x38;
	[tilespmem:$0x1C580] =	vst v63  }
0xe7: {  	s30 =	rddreg [dreg:$0x1f]  }
0xe8: {  	[spmem:s29] =	stream.linear.scatter [tilespmem:s9], [sflag:$0x4], $0x800, $0x38;
	[tilespmem:$0x1C580] =	vst v63  }
0xe9: {  	s21 =	sld [smem:$0x7F1]  }
0xea: {  	[spmem:s30] =	stream.linear.scatter [tilespmem:s9], [sflag:$0x4], $0x800, $0x38;
	[tilespmem:$0x1C580] =	vst v63  }
0xeb: {  	s22 =	sld [smem:$0x7F2]  }
0xec: {  	[spmem:s21] =	stream.linear.scatter [tilespmem:s9], [sflag:$0x4], $0x800, $0x38;
	[tilespmem:$0x1C580] =	vst v63  }
0xed: {  	s24 =	sld [smem:$0x7F3]  }
0xee: {  	[spmem:s22] =	stream.linear.scatter [tilespmem:s9], [sflag:$0x4], $0x800, $0x38;
	[tilespmem:$0x1C580] =	vst v63  }
0xef: {  	s26 =	sld [smem:$0x7F4]  }
0xf0: {  	[spmem:s24] =	stream.linear.scatter [tilespmem:s9], [sflag:$0x4], $0x800, $0x38;
	[tilespmem:$0x1C580] =	vst v63  }
0xf1: {  	s28 =	sld [smem:$0x7F5]  }
0xf2: {  	[spmem:s26] =	stream.linear.scatter [tilespmem:s9], [sflag:$0x4], $0x800, $0x38;
	[tilespmem:$0x1C580] =	vst v63  }
0xf3: {  	s29 =	sld [smem:$0x7F6]  }
0xf4: {  	[spmem:s28] =	stream.linear.scatter [tilespmem:s9], [sflag:$0x4], $0x800, $0x38;
	[tilespmem:$0x1C580] =	vst v63  }
0xf5: {  	s30 =	sld [smem:$0x7F7]  }
0xf6: {  	[spmem:s29] =	stream.linear.scatter [tilespmem:s9], [sflag:$0x4], $0x800, $0x38;
	[tilespmem:$0x1C580] =	vst v63  }
0xf7: {  	s21 =	sld [smem:$0x7F8]  }
0xf8: {  	[spmem:s30] =	stream.linear.scatter [tilespmem:s9], [sflag:$0x4], $0x800, $0x38;
	[tilespmem:$0x1C580] =	vst v63  }
0xf9: {  	s22 =	sld [smem:$0x7F9]  }
0xfa: {  	[spmem:s21] =	stream.linear.scatter [tilespmem:s9], [sflag:$0x4], $0x800, $0x38;
	[tilespmem:$0x1C580] =	vst v63  }
0xfb: {  	s24 =	sld [smem:$0x7FA]  }
0xfc: {  	[spmem:s22] =	stream.linear.scatter [tilespmem:s9], [sflag:$0x4], $0x800, $0x38;
	[tilespmem:$0x1C580] =	vst v63  }
0xfd: {  	s26 =	sld [smem:$0x7FB]  }
0xfe: {  	[spmem:s24] =	stream.linear.scatter [tilespmem:s9], [sflag:$0x4], $0x800, $0x38;
	[tilespmem:$0x1C580] =	vst v63  }
0xff: {  	s28 =	sld [smem:$0x7FC]  }
0x100: {  	[spmem:s26] =	stream.linear.scatter [tilespmem:s9], [sflag:$0x4], $0x800, $0x38;
	[tilespmem:$0x1C580] =	vst v63  }
0x101: {  	s29 =	sld [smem:$0x7FD]  }
0x102: {  	[spmem:s28] =	stream.linear.scatter [tilespmem:s9], [sflag:$0x4], $0x800, $0x38;
	[tilespmem:$0x1C580] =	vst v63  }
0x103: {  	_ = 	snop  }
0x104: {  	[spmem:s29] =	stream.linear.scatter [tilespmem:s9], [sflag:$0x4], $0x800, $0x38;
	[tilespmem:$0x1C580] =	vst v63  }
0x105: {  	_ = 	snop  }
0x106: {  	[spmem:s31] =	stream.linear.scatter [tilespmem:s9], [sflag:$0x4], $0x800, $0x38;
	[tilespmem:$0x1C580] =	vst v63  }
0x107: {  	_ = 	snop  }
0x108: {  	[spmem:s0] =	stream.linear.scatter [tilespmem:s9], [sflag:$0x4], $0x800, $0x38;
	[tilespmem:$0x1C580] =	vst v63  }
0x109: {  	_ = 	snop  }
0x10a: {  	[spmem:s3] =	stream.linear.scatter [tilespmem:s9], [sflag:$0x4], $0x800, $0x38;
	[tilespmem:$0x1C580] =	vst v63  }
0x10b: {  	s30 =	rddreg [dreg:$0x4]  }
0x10c: {  	[spmem:s30] =	stream.linear.scatter [tilespmem:s9], [sflag:$0x4], $0x400, $0x38;
	[tilespmem:$0x1C580] =	vst v63  }
0x10d: {  	_ =	swait.ge [sflag:s11], $0x800  }
0x10e: {  	s20 =	simm.s32 $0x26;
	[sflag:s11] =	ssyncset.done $0x0  }
.LBB2_2:
0x10f: {  	p0 =	sne.s32 s20, $0x1;
	s20 =	sadd.s32 $0xFFFFFFFF, s20;
	[sflag:s11] =	ssyncadd.s32 $0xFFFFF800  }
.Ltmp2:
0x110: {  	(pc) =	sbr.rel @p0 .LBB2_2-.Ltmp2, $3  }
0x111: {  	_ =	sdelay $0x1  }
0x112: {  	_ =	swait.ge [sflag:s11], $0x800  }
0x113: {  	[sflag:s11] =	ssyncset.done $0x0  }
0x114: {  	[sflag:s11] =	ssyncadd.s32 $0xFFFFF800  }
0x115: {  	_ =	swait.ge [sflag:s11], $0x400  }
0x116: {  	[sflag:s11] =	ssyncset.done $0x0  }
0x117: {  	[sflag:s11] =	ssyncadd.s32 $0xFFFFFC00  }
0x118: {  	[bflag:$0x0] =	sbarrier.arrive $0xFFFF  }
0x119: {  	s20 =	simm.s32 $0x0;
	s21 =	rddreg [dreg:$0x5]  }
0x11a: {  	[tilespmem:s20], [sflag:$0x3] =	stream.linear.gather [hbm4b:s21+s20], $0x80, $0x38;
	[tilespmem:$0x1C580] =	vst v63  }
0x11b: {  	_ =	swait.ge [sflag:s12], $0x80  }
.Ltmp3:
0x11c: {  	[sflag:s12] =	ssyncset.done $0x0;
	(pc) =	sbr.rel .LBB2_4-.Ltmp3, $4  }
0x11d: {  	s30 =	rddreg [dreg:$0x6];
	[sflag:s12] =	ssyncadd.s32 $0xFFFFFF80  }
0x11e: {  	[tilespmem:s14], [sflag:$0x1] =	stream.indirect.gather [hbm4b:s5+s13], $0x80, s20, s13, $0xb8;
	[tilespmem:$0x1C580] =	vst v63  }
0x11f: {  	s26 =	simm.s32 $0x0;
	s21 =	simm.s32 $0x1;
	s22 =	rddreg [dreg:$0x12]  }
0x120: {  	[tilespmem:s13], [sflag:$0x3] =	stream.linear.gather [hbm4b:s30+s20], $0x80, $0x38;
	[tilespmem:$0x1C580] =	vst v63  }
.LBB2_6:
0x121: {  	_ =	swait.ge [sflag:s12], $0x80;
	s28 =	smov.u32 s21  }
0x122: {  	[sflag:s12] =	ssyncset.done $0x0;
	s28 =	simm.s32 @p0 $0x1  }
0x123: {  	p0 =	por $0x1, $0x1;
	[sflag:s12] =	ssyncadd.s32 $0xFFFFFF80;
	s28 =	sshll.u32 s28, $0x7  }
0x124: {  	[tilespmem:s16], [sflag:$0x2] =	stream.indirect.gather [hbm4b:s5+s13], $0x80, s13, s13, $0xb8;
	[tilespmem:$0x1C580] =	vst v63  }
.LBB2_7:
0x125: {  	s24 =	sadd.s32 s20, s25  }
0x126: {  	[tilespmem:s17], [sflag:$0x4] =	stream.linear.gather [hbm4b:s24+s4], $0x80, $0x38;
	[tilespmem:$0x1C580] =	vst v63  }
0x127: {  	p1 =	seq.s32 s20, $0x4E0;
	_ =	swait.ge [sflag:s15], $0x4000  }
0x128: {  	s24 =	sshrl.u32 @!p1 s22, $0x3;
	[sflag:s15] =	ssyncset.done $0x0  }
0x129: {  	s29 =	simm.s32 @!p1 $0x0;
	s24 =	sadd.s32 @!p1 s1, s24;
	[sflag:s15] =	ssyncadd.s32 $0xFFFFC000  }
0x12a: {  	[tilespmem:s29], [sflag:$0x3] =	stream.linear.gather @!p1 [hbm4b:s24+s29], $0x80, $0x38;
	[tilespmem:$0x1C580] =	vst v63  }
0x12b: {  	_ =	swait.ge [sflag:s11], $0x80  }
0x12c: {  	[sflag:s11] =	ssyncset.done $0x0  }
0x12d: {  	s24 =	simm.s32 @p0 $0x5;
	[sflag:s11] =	ssyncadd.s32 $0xFFFFFF80  }
0x12e: {  	[spmem:s2] =	stream.indirect.scatter.add.f32 [tilespmem:s14], [sflag:$0x5], $0x80, s17, s13, $0xb8;
	[tilespmem:$0x1C580] =	vst v63  }
0x12f: {  	p1 =	seq.s32 @p0 s20, $0x4E0;
	_ =	swait.ge @p0 [sflag:s24], $0x4000  }
0x130: {  	p1 =	por p1, !p0;
	[sflag:s24] =	ssyncset.done @p0 $0x0  }
0x131: {  	[sflag:s24] =	ssyncadd.s32 @p0 $0xFFFFC000;
	s24 =	simm.s32 @!p1 $0x3  }
0x132: {  	_ =	swait.ge @!p1 [sflag:s24], $0x80  }
0x133: {  	s29 =	simm.s32 @!p1 $0x0;
	[sflag:s24] =	ssyncset.done @!p1 $0x0  }
0x134: {  	s30 =	simm.s32 @!p1 $0x180;
	[sflag:s24] =	ssyncadd.s32 @!p1 $0xFFFFFF80;
	s24 =	simm.s32 @!p1 $0x80  }
0x135: {  	[tilespmem:s30], [sflag:$0x1] =	stream.indirect.gather @!p1 [hbm4b:s5+s24], $0x80, s29, s24, $0xb8;
	[tilespmem:$0x1C580] =	vst v63  }
0x136: {  	s24 =	sadd.s32 @p0 s7, s28  }
0x137: {  	s24 =	sshrl.u32 @p0 s24, $0x3  }
0x138: {  	s28 =	simm.s32 @p0 $0x0;
	s29 =	simm.s32 @p0 $0x100;
	s24 =	sadd.s32 @p0 s6, s24  }
0x139: {  	[tilespmem:s29], [sflag:$0x4] =	stream.linear.gather @p0 [hbm4b:s24+s28], $0x80, $0x38;
	[tilespmem:$0x1C580] =	vst v63  }
0x13a: {  	p1 =	sgt.u32 @p0 s26, $0x25;
	s24 =	simm.s32 @p0 $0x2  }
0x13b: {  	p1 =	por p1, !p0;
	_ =	swait.ge @p0 [sflag:s24], $0x4000  }
0x13c: {  	s30 =	simm.s32 @!p1 $0x80;
	[sflag:s24] =	ssyncset.done @p0 $0x0  }
0x13d: {  	s28 =	simm.s32 @!p1 $0x0;
	[sflag:s24] =	ssyncadd.s32 @p0 $0xFFFFC000;
	s24 =	sadd.s32 @!p1 s20, s23  }
0x13e: {  	[tilespmem:s30], [sflag:$0x3] =	stream.linear.gather @!p1 [hbm4b:s24+s28], $0x80, $0x38;
	[tilespmem:$0x1C580] =	vst v63  }
0x13f: {  	s24 =	simm.s32 @p0 $0x4  }
0x140: {  	_ =	swait.ge @p0 [sflag:s24], $0x80  }
0x141: {  	s20 =	sadd.s32 $0x20, s20;
	[sflag:s24] =	ssyncset.done @p0 $0x0  }
0x142: {  	s28 =	simm.s32 @p0 $0x4180;
	[sflag:s24] =	ssyncadd.s32 @p0 $0xFFFFFF80;
	s24 =	simm.s32 @p0 $0x80  }
0x143: {  	[spmem:s2] =	stream.indirect.scatter.add.f32 @p0 [tilespmem:s28], [sflag:$0x5], $0x80, s29, s24, $0xb8;
	[tilespmem:$0x1C580] =	vst v63  }
0x144: {  	p0 =	sne.s32 s20, $0x500  }
.Ltmp4:
0x145: {  	_ = 	snop;
	(pc) =	sbr.rel @!p0 .LBB2_8-.Ltmp4, $2  }
0x146: {  	_ =	sdelay $0x2  }
0x147: {  	s21 =	sadd.s32 $0x2, s21;
	s22 =	sadd.s32 $0x100, s22;
	s26 =	sadd.s32 $0x1, s26  }
.LBB2_4:
0x148: {  	p0 =	seq.s32 s20, $0x0  }
0x149: {  	p1 =	sgt.u32 @!p0 s21, $0x4E  }
0x14a: {  	p1 =	por p0, !p1  }
.Ltmp5:
0x14b: {  	_ = 	snop;
	(pc) =	sbr.rel @p1 .LBB2_6-.Ltmp5, $4  }
0x14c: {  	s28 =	simm.s32 @!p0 $0x5  }
0x14d: {  	_ =	swait.ge @!p0 [sflag:s28], $0x4000  }
0x14e: {  	[sflag:s28] =	ssyncset.done @!p0 $0x0  }
0x14f: {  	[sflag:s28] =	ssyncadd.s32 @!p0 $0xFFFFC000  }
.Ltmp6:
0x150: {  	(pc) =	sbr.rel .LBB2_7-.Ltmp6, $2  }
0x151: {  	_ =	sdelay $0x2  }
0x152: {  	s28 =	simm.s32 @!p0 $0x2780;
	p0 =	por @!p0 $0x0, $0x0  }
.LBB2_9:
0x153: {  	_ =	sfence.sel $0x180000  }
0x154: {  	[bflag:$0x0] =	sbarrier.arrive $0xFFFF  }
0x155: {  	_ =	strace $0x9000004A  }
0x156: {  	s0 =	stileid.u32;
	[bflag:$0x2] =	sbarrier.arrive $0xFFFF  }
0x157: {  	p0 =	sne.s32 s0, $0x0;
	s0 =	rddreg [dreg:$0x3]  }
0x158: {  	s0 =	sadd.s32 @!p0 $0x100000, s0  }
0x159: {  	[sflag:s0] =	ssyncadd.tile.s32 @!p0 $0x1;
	_ =	shalt  }
.Lfunc_end2:
_tile_overlayer_lowered:
.L_overlay_start_2:
0x15a: {  	(tag) =	ssettag $0x2  }
0x15b: {  	s0 =	rddreg [dreg:$0x0];
	s2 =	stileid.u32  }
0x15c: {  	s1 =	rddreg [dreg:$0x1];
	p0 =	sne.s32 s2, $0x0  }
0x15d: {  	s3 =	rddreg [dreg:$0x2];
	[bflag:$0x3] =	sbarrier.arrive $0xFFFF;
	s2 =	simm.s32 @!p0 $0x1C06  }
0x15e: {  	[timem:s3], [sflag:s2] =	dma.local @!p0 [hbm:s0], s1  }
0x15f: {  	s0 =	simm.s32 @!p0 $0x6  }
0x160: {  	_ =	swait.ge @!p0 [sflag:s0], s1  }
0x161: {  	s1 =	ssub.s32 @!p0 $0x0, s1;
	[sflag:s0] =	ssyncset.done @!p0 $0x0  }
0x162: {  	[sflag:s0] =	ssyncadd.s32 @!p0 s1  }
0x163: {  	[bflag:$0x3] =	sbarrier.arrive $0xFFFF  }
0x164: {  	_ =	shalt  }

// kernel: kernel.7.cloned.1.call-start
scs
__scs_entry_jumppad:
0x0: {  	(pc) =	sbr.rel $0x88, $3  }
0x1: {  	(tag) =	ssettag $0x0;
	lr =	simm.s32 $0x1  }
0x2: {  	[smem:$0x3F95] =	sst lr;
	_ =	strace $0xD0000000  }
0x3: {  	_ = 	snop  }
0x4: {  	_ = 	snop  }
0x5: {  	_ = 	snop  }
0x6: {  	_ = 	snop  }
0x7: {  	_ = 	snop  }
__scs_overlays_trampoline_lowered:
0x8: {  	[smem:$0x3FA4] =	sst s0  }
0x9: {  	[smem:$0x3FA5] =	sst s1  }
0xa: {  	[smem:$0x3FA6] =	sst s2  }
0xb: {  	[smem:$0x3FA7] =	sst s3  }
0xc: {  	[smem:$0x3FA8] =	sst s4  }
0xd: {  	[smem:$0x3FA9] =	sst s5  }
0xe: {  	[smem:$0x3FAA] =	sst s6  }
0xf: {  	[smem:$0x3FAB] =	sst s7  }
0x10: {  	[smem:$0x3FAC] =	sst s8  }
0x11: {  	[smem:$0x3FAD] =	sst s9;
	s0 =	simm.s32 @!p0 $0x0  }
0x12: {  	s1 =	sld [smem:$0x3F93];
	s0 =	simm.s32 @p0 $0x1  }
0x13: {  	[smem:$0x3FAE] =	sst s0;
	s0 =	simm.s32 @!p1 $0x0  }
0x14: {  	s2 =	sld [smem:$0x3F92];
	s0 =	simm.s32 @p1 $0x1  }
0x15: {  	[smem:$0x3FAF] =	sst s0;
	s0 =	simm.s32 @!p2 $0x0  }
0x16: {  	s3 =	sld [smem:$0x3FDB];
	s0 =	simm.s32 @p2 $0x1  }
0x17: {  	s4 =	simm.s32 $0x1BF5;
	[smem:$0x3FB1] =	sst s0  }
0x18: {  	s0 =	sld [smem:$0x3F94];
	_ =	swait.ge [sflag:s4], $0x0  }
0x19: {  	s7 =	sld [smem:$0x3F95]  }
0x1a: {  	s8 =	sadd.s32 $0xFFFFE003, lr  }
0x1b: {  	s9 =	sadd.s32 $0xFFFFFEF7, lr;
	s5 =	simm.s32 $0xFFFFFFFF;
	p2 =	slt.u32 s8, $0xFFFFF086  }
0x1c: {  	p1 =	slt.u32 s9, $0xF7A;
	s5 =	simm.s32 @!p2 $0x0  }
0x1d: {  	s5 =	simm.s32 @p1 $0x1;
	p0 =	seq.s32 s7, s2  }
0x1e: {  	s7 =	smul.u32 @!p0 $0xF7A, s2;
	p2 =	seq.s32 @!p0 s5, $0x0  }
0x1f: {  	s9 =	smul.u32 $0xF7A, s1;
	s8 =	simm.s32 @!p0 $0x1BF5;
	p2 =	por !p2, p0  }
0x20: {  	[sflag:s8] =	ssyncset.s32 @!p0 $0xFFFFF086;
	s6 =	sadd.s32 @!p0 s3, s7;
	s7 =	simm.s32 @!p0 $0x108  }
0x21: {  	s3 =	sadd.s32 s3, s9;
	s6 =	sadd.s32 @!p0 $0x88, s6;
	s7 =	simm.s32 @p2 $0x1082  }
0x22: {  	[simem:s7], [sflag:s8] =	dma.local @!p0 [hbm:s6], $0xF7A  }
0x23: {  	s9 =	sor.u32 $0xD0000000, s2;
	s6 =	simm.s32 $0x108;
	_ =	swait.ge @!p0 [sflag:s8], $0x0  }
0x24: {  	s3 =	sadd.s32 $0x88, s3;
	s6 =	simm.s32 @!p1 $0x1082;
	[sflag:s4] =	ssyncset.s32 $0xFFFFF086  }
0x25: {  	[simem:s6], [sflag:s4] =	dma.local [hbm:s3], $0xF7A  }
0x26: {  	[smem:$0x3F95] =	sst s1;
	(tag) =	ssettag s2;
	_ =	strace s9  }
0x27: {  	s1 =	sld [smem:$0x3FA5]  }
0x28: {  	s2 =	sld [smem:$0x3FA6]  }
0x29: {  	s4 =	sld [smem:$0x3FA8]  }
0x2a: {  	p0 =	seq.s32 s5, $0x0;
	s5 =	sld [smem:$0x3FA9]  }
0x2b: {  	s6 =	sld [smem:$0x3FAA]  }
0x2c: {  	s7 =	sld [smem:$0x3FAB]  }
0x2d: {  	s3 =	simm.s32 $0x108;
	s8 =	sld [smem:$0x3FAC]  }
0x2e: {  	s3 =	simm.s32 @!p0 $0x1082;
	s9 =	sld [smem:$0x3FAD]  }
0x2f: {  	lr =	sadd.s32 s0, s3;
	s0 =	sld [smem:$0x3FA4]  }
0x30: {  	s3 =	sld [smem:$0x3FA7]  }
0x31: {  	[smem:$0x3FB0] =	sst s10  }
0x32: {  	s10 =	sld [smem:$0x3FAE];
	_ =	sdelay $0x3  }
0x33: {  	p0 =	seq.s32 s10, $0x1;
	s10 =	sld [smem:$0x3FB0];
	_ =	sdelay $0x3  }
0x34: {  	[smem:$0x3FB0] =	sst s10  }
0x35: {  	s10 =	sld [smem:$0x3FAF];
	_ =	sdelay $0x3  }
0x36: {  	p1 =	seq.s32 s10, $0x1;
	s10 =	sld [smem:$0x3FB0];
	_ =	sdelay $0x3  }
0x37: {  	[smem:$0x3FB0] =	sst s10  }
0x38: {  	s10 =	sld [smem:$0x3FB1]  }
0x39: {  	_ = 	snop;
	(pc) =	sbr.ind lr, $3  }
0x3a: {  	_ = 	snop  }
0x3b: {  	_ = 	snop  }
0x3c: {  	p2 =	seq.s32 s10, $0x1;
	s10 =	sld [smem:$0x3FB0]  }
0x3d: {  	_ =	shalt  }
0x3e: {  	_ =	shalt  }
0x3f: {  	_ =	shalt  }
0x40: {  	_ =	shalt  }
0x41: {  	_ =	shalt  }
0x42: {  	_ =	shalt  }
0x43: {  	_ =	shalt  }
0x44: {  	_ =	shalt  }
0x45: {  	_ =	shalt  }
0x46: {  	_ =	shalt  }
0x47: {  	_ =	shalt  }
0x48: {  	_ =	shalt  }
0x49: {  	_ =	shalt  }
0x4a: {  	_ =	shalt  }
0x4b: {  	_ =	shalt  }
0x4c: {  	_ =	shalt  }
0x4d: {  	_ =	shalt  }
0x4e: {  	_ =	shalt  }
0x4f: {  	_ =	shalt  }
0x50: {  	_ =	shalt  }
0x51: {  	_ =	shalt  }
0x52: {  	_ =	shalt  }
0x53: {  	_ =	shalt  }
0x54: {  	_ =	shalt  }
0x55: {  	_ =	shalt  }
0x56: {  	_ =	shalt  }
0x57: {  	_ =	shalt  }
0x58: {  	_ =	shalt  }
0x59: {  	_ =	shalt  }
0x5a: {  	_ =	shalt  }
0x5b: {  	_ =	shalt  }
0x5c: {  	_ =	shalt  }
0x5d: {  	_ =	shalt  }
0x5e: {  	_ =	shalt  }
0x5f: {  	_ =	shalt  }
0x60: {  	_ =	shalt  }
0x61: {  	_ =	shalt  }
0x62: {  	_ =	shalt  }
0x63: {  	_ =	shalt  }
0x64: {  	_ =	shalt  }
0x65: {  	_ =	shalt  }
0x66: {  	_ =	shalt  }
0x67: {  	_ =	shalt  }
0x68: {  	_ =	shalt  }
0x69: {  	_ =	shalt  }
0x6a: {  	_ =	shalt  }
0x6b: {  	_ =	shalt  }
0x6c: {  	_ =	shalt  }
0x6d: {  	_ =	shalt  }
0x6e: {  	_ =	shalt  }
0x6f: {  	_ =	shalt  }
0x70: {  	_ =	shalt  }
0x71: {  	_ =	shalt  }
0x72: {  	_ =	shalt  }
0x73: {  	_ =	shalt  }
0x74: {  	_ =	shalt  }
0x75: {  	_ =	shalt  }
0x76: {  	_ =	shalt  }
0x77: {  	_ =	shalt  }
0x78: {  	_ =	shalt  }
0x79: {  	_ =	shalt  }
0x7a: {  	_ =	shalt  }
0x7b: {  	_ =	shalt  }
0x7c: {  	_ =	shalt  }
0x7d: {  	_ =	shalt  }
0x7e: {  	_ =	shalt  }
0x7f: {  	_ =	shalt  }
0x80: {  	_ =	shalt  }
0x81: {  	_ =	shalt  }
0x82: {  	_ =	shalt  }
0x83: {  	_ =	shalt  }
0x84: {  	_ =	shalt  }
0x85: {  	_ =	shalt  }
0x86: {  	_ =	shalt  }
0x87: {  	_ =	shalt  }
.Lfunc_end0:
.L_simem_size_0:
called_computation_lowered:
.L_overlay_start_0:
0x88: {  	s2 =	sld [smem:$0x3FD9]  }
0x89: {  	s3 =	sld [smem:$0x3FFE];
	_ =	sdelay $0x1  }
0x8a: {  	s1 =	srdreg.scid  }
0x8b: {  	s0 =	sand.u32 $0x1, s1  }
0x8c: {  	s17 =	sshll.u32 s0, $0xA;
	s2 =	sadd.s32 s3, s2  }
0x8d: {  	s2 =	sadd.s32 s2, s17  }
0x8e: {  	[smem:$0x3FBC] =	sst s2  }
0x8f: {  	_ = 	snop  }
0x90: {  	s2 =	sld [smem:$0x3FD0];
	(tm) =	ssettm $0x1  }
0x91: {  	s18 =	sld [smem:$0x3FFB];
	_ =	sdelay $0x3  }
0x92: {  	_ =	strace s18  }
0x93: {  	s3 =	sld [smem:$0x3FFC];
	_ =	sdelay $0x3  }
0x94: {  	_ =	strace s3  }
0x95: {  	s3 =	sld [smem:$0x3FFD];
	_ =	sdelay $0x3  }
0x96: {  	_ =	strace s3  }
0x97: {  	_ =	strace $0x8FFFFFFF  }
0x98: {  	s19 =	sld [smem:$0x3FDB];
	_ =	sdelay $0x1  }
0x99: {  	s4 =	simm.s32 $_scs_section_size  }
0x9a: {  	s5 =	simm.s32 $_size__tile_overlayer_lowered;
	s6 =	simm.s32 $_tile_overlayer_lowered  }
0x9b: {  	s22 =	simm.s32 $0x1BFF;
	s21 =	sshll.u32 s6, $0x1;
	s3 =	sadd.s32 s4, s19  }
0x9c: {  	s7 =	simm.s32 $0x0;
	s20 =	sshll.u32 s5, $0x1;
	s5 =	sadd.s32 s21, s3  }
0x9d: {  	[timem:s7], [sflag:s22] =	dma.local [hbm:s5], s20  }
0x9e: {  	_ =	swait.ge [sflag:s22], s20  }
0x9f: {  	s4 =	ssub.s32 $0x0, s20;
	[sflag:s22] =	ssyncset.done $0x0  }
0xa0: {  	[sflag:s22] =	ssyncadd.s32 s4;
	_ =	sdelay $0x1  }
0xa1: {  	s23 =	simm.s32 $0x1B8B  }
0xa2: {  	_ =	swait.ge [sflag:s23], $0x1  }
0xa3: {  	[sflag:s23] =	ssyncset.done $0x0  }
0xa4: {  	s25 =	simm.s32 $0x1B8E;
	s24 =	sld [smem:$0x3FFE];
	[sflag:s23] =	ssyncadd.s32 $0xFFFFFFFF  }
0xa5: {  	s26 =	simm.s32 $execute0_lowered;
	[smem:$0x3FD2] =	sst s25  }
0xa6: {  	s5 =	sshll.u32 s26, $0x1;
	_ =	strace $0x80000046;
	[dreg:$0x1] =	wrdreg $0xFFFFFFFF  }
0xa7: {  	s28 =	simm.s32 $_size_execute0_lowered;
	s3 =	sadd.s32 s3, s5;
	[dreg:$0x0] =	wrdreg $0x0  }
0xa8: {  	s5 =	sshll.u32 s28, $0x1;
	[dreg:$0x2] =	wrdreg s3  }
0xa9: {  	[dreg:$0x3] =	wrdreg s5  }
0xaa: {  	[dreg:$0x4] =	wrdreg $0xC0  }
0xab: {  	_ =	task [dreg:s7], $0x5FFFF  }
0xac: {  	[dreg:$0x1] =	wrdreg $0xFFFFFFFF  }
0xad: {  	[dreg:$0x0] =	wrdreg $0x60  }
0xae: {  	[dreg:$0x2] =	wrdreg s24  }
0xaf: {  	[dreg:$0x3] =	wrdreg s2  }
0xb0: {  	[dreg:$0x4] =	wrdreg $0x89800  }
0xb1: {  	[dreg:$0x5] =	wrdreg $0x9  }
0xb2: {  	_ =	task.clear_ibuf [dreg:s7], $0x6FFFF;
	_ =	strace $0x90000046  }
0xb3: {  	s29 =	simm.s32 $0x9;
	_ =	strace $0x80000048  }
0xb4: {  	_ =	swait.ge [sflag:s29], $0x1  }
0xb5: {  	[sflag:s29] =	ssyncadd.s32 $0xFFFFFFFF  }
0xb6: {  	_ =	strace $0x90000048  }
0xb7: {  	_ =	sfence  }
0xb8: {  	s30 =	sld [smem:$0x0];
	_ =	sdelay $0x2  }
0xb9: {  	s31 =	sshll.u32 s1, $0xD;
	s1 =	sshrl.u32 s1, $0x2  }
0xba: {  	s3 =	sand.u32 $0x4000, s31;
	s1 =	sadd.s32 s1, s30  }
0xbb: {  	s0 =	sor.u32 s3, s0;
	s1 =	sshll.u32 s1, $0x11  }
0xbc: {  	s0 =	sor.u32 s1, s0  }
0xbd: {  	s0 =	sadd.s32 $0x8F2B, s0  }
0xbe: {  	[sflag:s0] =	ssyncadd.remote.s32 $0x1  }
0xbf: {  	_ =	sfence.sel $0xFFFF  }
0xc0: {  	[dreg:$0x0] =	wrdreg $0xFFFFFFFF;
	(pc) =	sbr.abs _section_cstart, $3  }
0xc1: {  	[dreg:$0x1] =	wrdreg $0xFFFFFFFF  }
0xc2: {  	_ =	task.clear_ibuf [dreg:s7], $0x2FFFF;
	_ =	strace $0x9FFFFFFF  }
0xc3: {  	(tm) =	ssettm $0x7FFFFFFF  }
tec
execute0_lowered:
.L_overlay_start_1:
0x0: {  	(tag) =	ssettag $0x1  }
0x1: {  	s0 =	rddreg [dreg:$0x0]  }
0x2: {  	s2 =	srdreg.scid;
	s1 =	rddreg [dreg:$0x1]  }
0x3: {  	s13 =	stileid.u32;
	s3 =	rddreg [dreg:$0x2]  }
0x4: {  	s4 =	simm.s32 $0x0;
	s2 =	sand.u32 $0x1, s2;
	s6 =	smul.u32 $0x13C00, s13  }
0x5: {  	s7 =	sshll.u32 s13, $0x1;
	[smem:$0x7FF] =	sst s4;
	s9 =	smul.u32 $0x4F000, s13  }
0x6: {  	s5 =	smul.u32 $0x13C000, s2;
	s7 =	sor.u32 s2, s7;
	s12 =	ssub.s32 $0x2, s2  }
0x7: {  	_ =	strace $0x80000047;
	s28 =	sshrl.u32 s9, $0x2;
	s29 =	sshrl.u32 s12, $0x1  }
0x8: {  	s6 =	sadd.s32 s6, s5;
	s5 =	smul.u32 $0x2780, s7;
	s7 =	sadd.s32 $0x2200, s0  }
0x9: {  	s9 =	ssub.s32 s12, s29;
	s8 =	sshrl.u32 s6, $0x3;
	s6 =	sadd.s32 $0xC000, s0  }
0xa: {  	s9 =	smax.u32 s9, $0x1;
	s10 =	sadd.s32 s8, s0;
	s8 =	sadd.s32 s28, s3  }
0xb: {  	s11 =	sshrl.u32 s5, $0x3;
	[dreg:$0x9] =	wrdreg s9;
	s30 =	sadd.s32 $0x13800, s8  }
0xc: {  	s0 =	sadd.s32 s11, s0;
	s11 =	sadd.s32 s1, s11;
	[dreg:$0x4] =	wrdreg s30  }
0xd: {  	s10 =	sadd.s32 $0x3D600, s10;
	[dreg:$0x5] =	wrdreg s11  }
0xe: {  	s12 =	sadd.s32 $0x800, s8;
	[dreg:$0x7] =	wrdreg s10  }
0xf: {  	s31 =	smul.u32 $0x4F00, s13;
	s13 =	sadd.s32 $0x1000, s8;
	[dreg:$0xa] =	wrdreg s12  }
0x10: {  	s14 =	sadd.s32 $0x1800, s8;
	[dreg:$0xb] =	wrdreg s13  }
0x11: {  	s15 =	sadd.s32 $0x2000, s8;
	[dreg:$0xc] =	wrdreg s14  }
0x12: {  	s16 =	sadd.s32 $0x2800, s8;
	[dreg:$0xd] =	wrdreg s15  }
0x13: {  	s17 =	sadd.s32 $0x3000, s8;
	[dreg:$0xe] =	wrdreg s16  }
0x14: {  	s18 =	sadd.s32 $0x3800, s8;
	[dreg:$0xf] =	wrdreg s17  }
0x15: {  	s20 =	sadd.s32 $0x4000, s8;
	[dreg:$0x10] =	wrdreg s18  }
0x16: {  	s22 =	sadd.s32 $0x4800, s8;
	[dreg:$0x11] =	wrdreg s20  }
0x17: {  	s24 =	sadd.s32 $0x5000, s8;
	[dreg:$0x13] =	wrdreg s22  }
0x18: {  	s26 =	sadd.s32 $0x5800, s8;
	[dreg:$0x14] =	wrdreg s24  }
0x19: {  	s28 =	sadd.s32 $0x6000, s8;
	[dreg:$0x15] =	wrdreg s26  }
0x1a: {  	s29 =	sadd.s32 $0x6800, s8;
	[dreg:$0x16] =	wrdreg s28  }
0x1b: {  	s9 =	sadd.s32 $0x8800, s8;
	[dreg:$0x17] =	wrdreg s29  }
0x1c: {  	s11 =	sadd.s32 $0x10, s11;
	[dreg:$0x1b] =	wrdreg s9  }
0x1d: {  	s0 =	sadd.s32 $0x33800, s0;
	[dreg:$0x6] =	wrdreg s11  }
0x1e: {  	s30 =	sadd.s32 $0x7000, s8;
	[dreg:$0x8] =	wrdreg s0  }
0x1f: {  	s10 =	sadd.s32 $0x9000, s8;
	[dreg:$0x18] =	wrdreg s30  }
0x20: {  	s12 =	sadd.s32 $0xA000, s8;
	[dreg:$0x1c] =	wrdreg s10  }
0x21: {  	s13 =	sadd.s32 $0xA800, s8;
	[dreg:$0x1e] =	wrdreg s12  }
0x22: {  	s14 =	sadd.s32 $0xB000, s8;
	[dreg:$0x1f] =	wrdreg s13  }
0x23: {  	s15 =	sadd.s32 $0xB800, s8;
	[smem:$0x7EF] =	sst s14  }
0x24: {  	s16 =	sadd.s32 $0xC000, s8;
	[smem:$0x7F0] =	sst s15  }
0x25: {  	s17 =	sadd.s32 $0xC800, s8;
	[smem:$0x7F1] =	sst s16  }
0x26: {  	s18 =	sadd.s32 $0xD000, s8;
	[smem:$0x7F2] =	sst s17  }
0x27: {  	s20 =	sadd.s32 $0xE000, s8;
	[smem:$0x7F3] =	sst s18  }
0x28: {  	s22 =	sadd.s32 $0xF000, s8;
	[smem:$0x7F5] =	sst s20  }
0x29: {  	s24 =	sadd.s32 $0xF800, s8;
	[smem:$0x7F7] =	sst s22  }
0x2a: {  	s26 =	sadd.s32 $0x10000, s8;
	[smem:$0x7F8] =	sst s24  }
0x2b: {  	s28 =	sadd.s32 $0x10800, s8;
	[smem:$0x7F9] =	sst s26  }
0x2c: {  	s29 =	sadd.s32 $0x11000, s8;
	[smem:$0x7FA] =	sst s28  }
0x2d: {  	s9 =	sadd.s32 $0x13000, s8;
	s11 =	smul.u32 $0x2780, s2;
	[smem:$0x7FB] =	sst s29  }
0x2e: {  	s30 =	sadd.s32 $0x11800, s8;
	s12 =	simm.s32 $0x4;
	s13 =	simm.s32 $0x3  }
0x2f: {  	s14 =	simm.s32 $0x80;
	s15 =	simm.s32 $0x180;
	s16 =	simm.s32 $0x1  }
0x30: {  	s17 =	simm.s32 $0x4180;
	s18 =	simm.s32 $0x100;
	s20 =	simm.s32 $0x5  }
0x31: {  	s10 =	simm.s32 $0x6;
	[smem:$0x7FC] =	sst s30;
	s0 =	sadd.s32 s11, s31  }
0x32: {  	s31 =	sadd.s32 $0x7800, s8;
	s11 =	sadd.s32 $0x9800, s8;
	s19 =	sadd.s32 $0x180, s0  }
0x33: {  	s21 =	sshrl.u32 s0, $0x3;
	s0 =	sadd.s32 $0x100, s0;
	[dreg:$0x19] =	wrdreg s31  }
0x34: {  	[dreg:$0x1d] =	wrdreg s11;
	s31 =	sadd.s32 $0x12000, s8;
	s11 =	simm.s32 $0x8180  }
.Ltmp0:
0x35: {  	s2 =	sshrl.u32 s19, $0x3;
	[dreg:$0x12] =	wrdreg s0;
	(pc) =	sbr.rel .LBB2_1-.Ltmp0, $4  }
0x36: {  	s25 =	sadd.s32 s21, s7;
	s19 =	sadd.s32 $0xD800, s8;
	[smem:$0x7FD] =	sst s31  }
0x37: {  	s21 =	sadd.s32 $0xE800, s8;
	s0 =	sadd.s32 $0x12800, s8;
	[smem:$0x7F4] =	sst s19  }
0x38: {  	s23 =	sadd.s32 s2, s1;
	s2 =	sadd.s32 $0x8000, s8;
	[smem:$0x7F6] =	sst s21  }
0x39: {  	v0 =	vimm.f32 $0.0e+00;
	v1 =	vimm.f32 $1.000000000e+00;
	s19 =	simm.s32 $0x1C580;
	s21 =	simm.s32 $0x0;
	[dreg:$0x1a] =	wrdreg s2  }
.LBB2_10:
0x3a: {  	_ =	swait.ge [sflag:s20], $0x4000  }
0x3b: {  	[sflag:s20] =	ssyncset.done $0x0  }
0x3c: {  	s2 =	stileid.u32;
	[sflag:s20] =	ssyncadd.s32 $0xFFFFC000  }
0x3d: {  	s2 =	sshll.u32 s2, $0x6;
	[bflag:$0x0] =	sbarrier.arrive $0xFFFF  }
0x3e: {  	s22 =	sshrl.u32 s8, $0x3;
	s2 =	sor.u32 $0x1C06, s2;
	s24 =	rddreg [dreg:$0x7]  }
0x3f: {  	[hbm:s24], [sflag:s2] =	dma.local [spmem:s22], $0x2780  }
0x40: {  	_ =	swait.ge [sflag:s10], $0x2780  }
0x41: {  	[sflag:s10] =	ssyncset.done $0x0  }
0x42: {  	s30 =	rddreg [dreg:$0x8];
	[sflag:s10] =	ssyncadd.s32 $0xFFFFD880  }
0x43: {  	[hbm4b:s30+s4] =	stream.linear.scatter [tilespmem:s19], [sflag:$0x6], $0x2780, $0x38;
	[tilespmem:$0x1ED00] =	vst v63  }
0x44: {  	_ =	swait.ge [sflag:s10], $0x2780  }
0x45: {  	s21 =	sadd.s32 $0x1, s21;
	s31 =	rddreg [dreg:$0x9]  }
0x46: {  	p0 =	sne.s32 s21, s31  }
.Ltmp1:
0x47: {  	_ = 	snop;
	(pc) =	sbr.rel @!p0 .LBB2_11-.Ltmp1, $3  }
0x48: {  	_ =	sdelay $0x1  }
0x49: {  	[sflag:s10] =	ssyncset.done $0x0  }
0x4a: {  	[sflag:s10] =	ssyncadd.s32 $0xFFFFD880  }
.LBB2_1:
0x4b: {  	[tilespmem:$0x8180] =	vst v0  }
0x4c: {  	[tilespmem:$0x8190] =	vst v0  }
0x4d: {  	[tilespmem:$0x81A0] =	vst v0  }
0x4e: {  	[tilespmem:$0x81B0] =	vst v0  }
0x4f: {  	[tilespmem:$0x81C0] =	vst v0  }
0x50: {  	[tilespmem:$0x81D0] =	vst v0  }
0x51: {  	[tilespmem:$0x81E0] =	vst v0  }
0x52: {  	[tilespmem:$0x81F0] =	vst v0  }
0x53: {  	[tilespmem:$0x8200] =	vst v0  }
0x54: {  	[tilespmem:$0x8210] =	vst v0  }
0x55: {  	[tilespmem:$0x8220] =	vst v0  }
0x56: {  	[tilespmem:$0x8230] =	vst v0  }
0x57: {  	[tilespmem:$0x8240] =	vst v0  }
0x58: {  	[tilespmem:$0x8250] =	vst v0  }
0x59: {  	[tilespmem:$0x8260] =	vst v0  }
0x5a: {  	[tilespmem:$0x8270] =	vst v0  }
0x5b: {  	[tilespmem:$0x8280] =	vst v0  }
0x5c: {  	[tilespmem:$0x8290] =	vst v0  }
0x5d: {  	[tilespmem:$0x82A0] =	vst v0  }
0x5e: {  	[tilespmem:$0x82B0] =	vst v0  }
0x5f: {  	[tilespmem:$0x82C0] =	vst v0  }
0x60: {  	[tilespmem:$0x82D0] =	vst v0  }
0x61: {  	[tilespmem:$0x82E0] =	vst v0  }
0x62: {  	[tilespmem:$0x82F0] =	vst v0  }
0x63: {  	[tilespmem:$0x8300] =	vst v0  }
0x64: {  	[tilespmem:$0x8310] =	vst v0  }
0x65: {  	[tilespmem:$0x8320] =	vst v0  }
0x66: {  	[tilespmem:$0x8330] =	vst v0  }
0x67: {  	[tilespmem:$0x8340] =	vst v0  }
0x68: {  	[tilespmem:$0x8350] =	vst v0  }
0x69: {  	[tilespmem:$0x8360] =	vst v0  }
0x6a: {  	[tilespmem:$0x8370] =	vst v0  }
0x6b: {  	[tilespmem:$0x8380] =	vst v0  }
0x6c: {  	[tilespmem:$0x8390] =	vst v0  }
0x6d: {  	[tilespmem:$0x83A0] =	vst v0  }
0x6e: {  	[tilespmem:$0x83B0] =	vst v0  }
0x6f: {  	[tilespmem:$0x83C0] =	vst v0  }
0x70: {  	[tilespmem:$0x83D0] =	vst v0  }
0x71: {  	[tilespmem:$0x83E0] =	vst v0  }
0x72: {  	[tilespmem:$0x83F0] =	vst v0  }
0x73: {  	[tilespmem:$0x8400] =	vst v0  }
0x74: {  	[tilespmem:$0x8410] =	vst v0  }
0x75: {  	[tilespmem:$0x8420] =	vst v0  }
0x76: {  	[tilespmem:$0x8430] =	vst v0  }
0x77: {  	[tilespmem:$0x8440] =	vst v0  }
0x78: {  	[tilespmem:$0x8450] =	vst v0  }
0x79: {  	[tilespmem:$0x8460] =	vst v0  }
0x7a: {  	[tilespmem:$0x8470] =	vst v0  }
0x7b: {  	[tilespmem:$0x8480] =	vst v0  }
0x7c: {  	[tilespmem:$0x8490] =	vst v0  }
0x7d: {  	[tilespmem:$0x84A0] =	vst v0  }
0x7e: {  	[tilespmem:$0x84B0] =	vst v0  }
0x7f: {  	[tilespmem:$0x84C0] =	vst v0  }
0x80: {  	[tilespmem:$0x84D0] =	vst v0  }
0x81: {  	[tilespmem:$0x84E0] =	vst v0  }
0x82: {  	[tilespmem:$0x84F0] =	vst v0  }
0x83: {  	[tilespmem:$0x8500] =	vst v0  }
0x84: {  	[tilespmem:$0x8510] =	vst v0  }
0x85: {  	[tilespmem:$0x8520] =	vst v0  }
0x86: {  	[tilespmem:$0x8530] =	vst v0  }
0x87: {  	[tilespmem:$0x8540] =	vst v0  }
0x88: {  	[tilespmem:$0x8550] =	vst v0  }
0x89: {  	[tilespmem:$0x8560] =	vst v0  }
0x8a: {  	[tilespmem:$0x8570] =	vst v0  }
0x8b: {  	[tilespmem:$0x8580] =	vst v0  }
0x8c: {  	[tilespmem:$0x8590] =	vst v0  }
0x8d: {  	[tilespmem:$0x85A0] =	vst v0  }
0x8e: {  	[tilespmem:$0x85B0] =	vst v0  }
0x8f: {  	[tilespmem:$0x85C0] =	vst v0  }
0x90: {  	[tilespmem:$0x85D0] =	vst v0  }
0x91: {  	[tilespmem:$0x85E0] =	vst v0  }
0x92: {  	[tilespmem:$0x85F0] =	vst v0  }
0x93: {  	[tilespmem:$0x8600] =	vst v0  }
0x94: {  	[tilespmem:$0x8610] =	vst v0  }
0x95: {  	[tilespmem:$0x8620] =	vst v0  }
0x96: {  	[tilespmem:$0x8630] =	vst v0  }
0x97: {  	[tilespmem:$0x8640] =	vst v0  }
0x98: {  	[tilespmem:$0x8650] =	vst v0  }
0x99: {  	[tilespmem:$0x8660] =	vst v0  }
0x9a: {  	[tilespmem:$0x8670] =	vst v0  }
0x9b: {  	[tilespmem:$0x8680] =	vst v0  }
0x9c: {  	[tilespmem:$0x8690] =	vst v0  }
0x9d: {  	[tilespmem:$0x86A0] =	vst v0  }
0x9e: {  	[tilespmem:$0x86B0] =	vst v0  }
0x9f: {  	[tilespmem:$0x86C0] =	vst v0  }
0xa0: {  	[tilespmem:$0x86D0] =	vst v0  }
0xa1: {  	[tilespmem:$0x86E0] =	vst v0  }
0xa2: {  	[tilespmem:$0x86F0] =	vst v0  }
0xa3: {  	[tilespmem:$0x8700] =	vst v0  }
0xa4: {  	[tilespmem:$0x8710] =	vst v0  }
0xa5: {  	[tilespmem:$0x8720] =	vst v0  }
0xa6: {  	[tilespmem:$0x8730] =	vst v0  }
0xa7: {  	[tilespmem:$0x8740] =	vst v0  }
0xa8: {  	[tilespmem:$0x8750] =	vst v0  }
0xa9: {  	[tilespmem:$0x8760] =	vst v0  }
0xaa: {  	[tilespmem:$0x8770] =	vst v0  }
0xab: {  	[tilespmem:$0x8780] =	vst v0  }
0xac: {  	[tilespmem:$0x8790] =	vst v0  }
0xad: {  	[tilespmem:$0x87A0] =	vst v0  }
0xae: {  	[tilespmem:$0x87B0] =	vst v0  }
0xaf: {  	[tilespmem:$0x87C0] =	vst v0  }
0xb0: {  	[tilespmem:$0x87D0] =	vst v0  }
0xb1: {  	[tilespmem:$0x87E0] =	vst v0  }
0xb2: {  	[tilespmem:$0x87F0] =	vst v0  }
0xb3: {  	[tilespmem:$0x8800] =	vst v0  }
0xb4: {  	[tilespmem:$0x8810] =	vst v0  }
0xb5: {  	[tilespmem:$0x8820] =	vst v0  }
0xb6: {  	[tilespmem:$0x8830] =	vst v0  }
0xb7: {  	[tilespmem:$0x8840] =	vst v0  }
0xb8: {  	[tilespmem:$0x8850] =	vst v0  }
0xb9: {  	[tilespmem:$0x8860] =	vst v0  }
0xba: {  	[tilespmem:$0x8870] =	vst v0  }
0xbb: {  	[tilespmem:$0x8880] =	vst v0  }
0xbc: {  	[tilespmem:$0x8890] =	vst v0  }
0xbd: {  	[tilespmem:$0x88A0] =	vst v0  }
0xbe: {  	[tilespmem:$0x88B0] =	vst v0  }
0xbf: {  	[tilespmem:$0x88C0] =	vst v0  }
0xc0: {  	[tilespmem:$0x88D0] =	vst v0  }
0xc1: {  	[tilespmem:$0x88E0] =	vst v0  }
0xc2: {  	[tilespmem:$0x88F0] =	vst v0  }
0xc3: {  	[tilespmem:$0x8900] =	vst v0  }
0xc4: {  	[tilespmem:$0x8910] =	vst v0  }
0xc5: {  	[tilespmem:$0x8920] =	vst v0  }
0xc6: {  	[tilespmem:$0x8930] =	vst v0  }
0xc7: {  	[tilespmem:$0x8940] =	vst v0  }
0xc8: {  	[tilespmem:$0x8950] =	vst v0  }
0xc9: {  	[tilespmem:$0x8960] =	vst v0  }
0xca: {  	[tilespmem:$0x8970] =	vst v0;
	s22 =	simm.s32 $0x40;
	s24 =	simm.s32 $0x0  }
.LBB2_2:
0xcb: {  	p0 =	sne.s32 s22, $0x9DC0;
	[tilespmem:s24+$0x1C580] =	vst v0;
	s24 =	smov.u32 s22;
	s22 =	sadd.s32 $0x40, s22  }
.Ltmp2:
0xcc: {  	(pc) =	sbr.rel @p0 .LBB2_2-.Ltmp2, $2  }
0xcd: {  	_ =	sdelay $0x2  }
0xce: {  	s24 =	sshra.s32 s24, $0x2  }
0xcf: {  	[tilespmem:s24+$0x1C580] =	vst v0;
	s2 =	rddreg [dreg:$0xa]  }
0xd0: {  	[spmem:s8] =	stream.linear.scatter [tilespmem:s11], [sflag:$0x4], $0x800, $0x38;
	[tilespmem:$0x1ED00] =	vst v63  }
0xd1: {  	s31 =	rddreg [dreg:$0xb]  }
0xd2: {  	[spmem:s2] =	stream.linear.scatter [tilespmem:s11], [sflag:$0x4], $0x800, $0x38;
	[tilespmem:$0x1ED00] =	vst v63  }
0xd3: {  	s22 =	rddreg [dreg:$0xc]  }
0xd4: {  	[spmem:s31] =	stream.linear.scatter [tilespmem:s11], [sflag:$0x4], $0x800, $0x38;
	[tilespmem:$0x1ED00] =	vst v63  }
0xd5: {  	s24 =	rddreg [dreg:$0xd]  }
0xd6: {  	[spmem:s22] =	stream.linear.scatter [tilespmem:s11], [sflag:$0x4], $0x800, $0x38;
	[tilespmem:$0x1ED00] =	vst v63  }
0xd7: {  	s26 =	rddreg [dreg:$0xe]  }
0xd8: {  	[spmem:s24] =	stream.linear.scatter [tilespmem:s11], [sflag:$0x4], $0x800, $0x38;
	[tilespmem:$0x1ED00] =	vst v63  }
0xd9: {  	s28 =	rddreg [dreg:$0xf]  }
0xda: {  	[spmem:s26] =	stream.linear.scatter [tilespmem:s11], [sflag:$0x4], $0x800, $0x38;
	[tilespmem:$0x1ED00] =	vst v63  }
0xdb: {  	s29 =	rddreg [dreg:$0x10]  }
0xdc: {  	[spmem:s28] =	stream.linear.scatter [tilespmem:s11], [sflag:$0x4], $0x800, $0x38;
	[tilespmem:$0x1ED00] =	vst v63  }
0xdd: {  	s30 =	rddreg [dreg:$0x11]  }
0xde: {  	[spmem:s29] =	stream.linear.scatter [tilespmem:s11], [sflag:$0x4], $0x800, $0x38;
	[tilespmem:$0x1ED00] =	vst v63  }
0xdf: {  	s31 =	rddreg [dreg:$0x13]  }
0xe0: {  	[spmem:s30] =	stream.linear.scatter [tilespmem:s11], [sflag:$0x4], $0x800, $0x38;
	[tilespmem:$0x1ED00] =	vst v63  }
0xe1: {  	s22 =	rddreg [dreg:$0x14]  }
0xe2: {  	[spmem:s31] =	stream.linear.scatter [tilespmem:s11], [sflag:$0x4], $0x800, $0x38;
	[tilespmem:$0x1ED00] =	vst v63  }
0xe3: {  	s24 =	rddreg [dreg:$0x15]  }
0xe4: {  	[spmem:s22] =	stream.linear.scatter [tilespmem:s11], [sflag:$0x4], $0x800, $0x38;
	[tilespmem:$0x1ED00] =	vst v63  }
0xe5: {  	s26 =	rddreg [dreg:$0x16]  }
0xe6: {  	[spmem:s24] =	stream.linear.scatter [tilespmem:s11], [sflag:$0x4], $0x800, $0x38;
	[tilespmem:$0x1ED00] =	vst v63  }
0xe7: {  	s28 =	rddreg [dreg:$0x17]  }
0xe8: {  	[spmem:s26] =	stream.linear.scatter [tilespmem:s11], [sflag:$0x4], $0x800, $0x38;
	[tilespmem:$0x1ED00] =	vst v63  }
0xe9: {  	s29 =	rddreg [dreg:$0x18]  }
0xea: {  	[spmem:s28] =	stream.linear.scatter [tilespmem:s11], [sflag:$0x4], $0x800, $0x38;
	[tilespmem:$0x1ED00] =	vst v63  }
0xeb: {  	s30 =	rddreg [dreg:$0x19]  }
0xec: {  	[spmem:s29] =	stream.linear.scatter [tilespmem:s11], [sflag:$0x4], $0x800, $0x38;
	[tilespmem:$0x1ED00] =	vst v63  }
0xed: {  	s31 =	rddreg [dreg:$0x1a]  }
0xee: {  	[spmem:s30] =	stream.linear.scatter [tilespmem:s11], [sflag:$0x4], $0x800, $0x38;
	[tilespmem:$0x1ED00] =	vst v63  }
0xef: {  	s22 =	rddreg [dreg:$0x1b]  }
0xf0: {  	[spmem:s31] =	stream.linear.scatter [tilespmem:s11], [sflag:$0x4], $0x800, $0x38;
	[tilespmem:$0x1ED00] =	vst v63  }
0xf1: {  	s24 =	rddreg [dreg:$0x1c]  }
0xf2: {  	[spmem:s22] =	stream.linear.scatter [tilespmem:s11], [sflag:$0x4], $0x800, $0x38;
	[tilespmem:$0x1ED00] =	vst v63  }
0xf3: {  	s26 =	rddreg [dreg:$0x1d]  }
0xf4: {  	[spmem:s24] =	stream.linear.scatter [tilespmem:s11], [sflag:$0x4], $0x800, $0x38;
	[tilespmem:$0x1ED00] =	vst v63  }
0xf5: {  	s28 =	rddreg [dreg:$0x1e]  }
0xf6: {  	[spmem:s26] =	stream.linear.scatter [tilespmem:s11], [sflag:$0x4], $0x800, $0x38;
	[tilespmem:$0x1ED00] =	vst v63  }
0xf7: {  	s29 =	rddreg [dreg:$0x1f]  }
0xf8: {  	[spmem:s28] =	stream.linear.scatter [tilespmem:s11], [sflag:$0x4], $0x800, $0x38;
	[tilespmem:$0x1ED00] =	vst v63  }
0xf9: {  	s30 =	sld [smem:$0x7EF]  }
0xfa: {  	[spmem:s29] =	stream.linear.scatter [tilespmem:s11], [sflag:$0x4], $0x800, $0x38;
	[tilespmem:$0x1ED00] =	vst v63  }
0xfb: {  	s31 =	sld [smem:$0x7F0]  }
0xfc: {  	[spmem:s30] =	stream.linear.scatter [tilespmem:s11], [sflag:$0x4], $0x800, $0x38;
	[tilespmem:$0x1ED00] =	vst v63  }
0xfd: {  	s22 =	sld [smem:$0x7F1]  }
0xfe: {  	[spmem:s31] =	stream.linear.scatter [tilespmem:s11], [sflag:$0x4], $0x800, $0x38;
	[tilespmem:$0x1ED00] =	vst v63  }
0xff: {  	s24 =	sld [smem:$0x7F2]  }
0x100: {  	[spmem:s22] =	stream.linear.scatter [tilespmem:s11], [sflag:$0x4], $0x800, $0x38;
	[tilespmem:$0x1ED00] =	vst v63  }
0x101: {  	s26 =	sld [smem:$0x7F3]  }
0x102: {  	[spmem:s24] =	stream.linear.scatter [tilespmem:s11], [sflag:$0x4], $0x800, $0x38;
	[tilespmem:$0x1ED00] =	vst v63  }
0x103: {  	s28 =	sld [smem:$0x7F4]  }
0x104: {  	[spmem:s26] =	stream.linear.scatter [tilespmem:s11], [sflag:$0x4], $0x800, $0x38;
	[tilespmem:$0x1ED00] =	vst v63  }
0x105: {  	s29 =	sld [smem:$0x7F5]  }
0x106: {  	[spmem:s28] =	stream.linear.scatter [tilespmem:s11], [sflag:$0x4], $0x800, $0x38;
	[tilespmem:$0x1ED00] =	vst v63  }
0x107: {  	s30 =	sld [smem:$0x7F6]  }
0x108: {  	[spmem:s29] =	stream.linear.scatter [tilespmem:s11], [sflag:$0x4], $0x800, $0x38;
	[tilespmem:$0x1ED00] =	vst v63  }
0x109: {  	s31 =	sld [smem:$0x7F7]  }
0x10a: {  	[spmem:s30] =	stream.linear.scatter [tilespmem:s11], [sflag:$0x4], $0x800, $0x38;
	[tilespmem:$0x1ED00] =	vst v63  }
0x10b: {  	s22 =	sld [smem:$0x7F8]  }
0x10c: {  	[spmem:s31] =	stream.linear.scatter [tilespmem:s11], [sflag:$0x4], $0x800, $0x38;
	[tilespmem:$0x1ED00] =	vst v63  }
0x10d: {  	s24 =	sld [smem:$0x7F9]  }
0x10e: {  	[spmem:s22] =	stream.linear.scatter [tilespmem:s11], [sflag:$0x4], $0x800, $0x38;
	[tilespmem:$0x1ED00] =	vst v63  }
0x10f: {  	s26 =	sld [smem:$0x7FA]  }
0x110: {  	[spmem:s24] =	stream.linear.scatter [tilespmem:s11], [sflag:$0x4], $0x800, $0x38;
	[tilespmem:$0x1ED00] =	vst v63  }
0x111: {  	s28 =	sld [smem:$0x7FB]  }
0x112: {  	[spmem:s26] =	stream.linear.scatter [tilespmem:s11], [sflag:$0x4], $0x800, $0x38;
	[tilespmem:$0x1ED00] =	vst v63  }
0x113: {  	s29 =	sld [smem:$0x7FC]  }
0x114: {  	[spmem:s28] =	stream.linear.scatter [tilespmem:s11], [sflag:$0x4], $0x800, $0x38;
	[tilespmem:$0x1ED00] =	vst v63  }
0x115: {  	s30 =	sld [smem:$0x7FD]  }
0x116: {  	[spmem:s29] =	stream.linear.scatter [tilespmem:s11], [sflag:$0x4], $0x800, $0x38;
	[tilespmem:$0x1ED00] =	vst v63  }
0x117: {  	_ = 	snop  }
0x118: {  	[spmem:s30] =	stream.linear.scatter [tilespmem:s11], [sflag:$0x4], $0x800, $0x38;
	[tilespmem:$0x1ED00] =	vst v63  }
0x119: {  	_ = 	snop  }
0x11a: {  	[spmem:s0] =	stream.linear.scatter [tilespmem:s11], [sflag:$0x4], $0x800, $0x38;
	[tilespmem:$0x1ED00] =	vst v63  }
0x11b: {  	_ = 	snop  }
0x11c: {  	[spmem:s9] =	stream.linear.scatter [tilespmem:s11], [sflag:$0x4], $0x800, $0x38;
	[tilespmem:$0x1ED00] =	vst v63  }
0x11d: {  	s31 =	rddreg [dreg:$0x4]  }
0x11e: {  	[spmem:s31] =	stream.linear.scatter [tilespmem:s11], [sflag:$0x4], $0x400, $0x38;
	[tilespmem:$0x1ED00] =	vst v63  }
0x11f: {  	_ =	swait.ge [sflag:s12], $0x800  }
0x120: {  	s22 =	simm.s32 $0x26;
	[sflag:s12] =	ssyncset.done $0x0  }
.LBB2_4:
0x121: {  	p0 =	sne.s32 s22, $0x1;
	s22 =	sadd.s32 $0xFFFFFFFF, s22;
	[sflag:s12] =	ssyncadd.s32 $0xFFFFF800  }
.Ltmp3:
0x122: {  	(pc) =	sbr.rel @p0 .LBB2_4-.Ltmp3, $3  }
0x123: {  	_ =	sdelay $0x1  }
0x124: {  	_ =	swait.ge [sflag:s12], $0x800  }
0x125: {  	[sflag:s12] =	ssyncset.done $0x0  }
0x126: {  	[sflag:s12] =	ssyncadd.s32 $0xFFFFF800  }
0x127: {  	_ =	swait.ge [sflag:s12], $0x400  }
0x128: {  	[sflag:s12] =	ssyncset.done $0x0  }
0x129: {  	[sflag:s12] =	ssyncadd.s32 $0xFFFFFC00  }
0x12a: {  	[bflag:$0x0] =	sbarrier.arrive $0xFFFF  }
0x12b: {  	s22 =	simm.s32 $0x0;
	s2 =	rddreg [dreg:$0x5]  }
0x12c: {  	[tilespmem:s22], [sflag:$0x3] =	stream.linear.gather [hbm4b:s2+s22], $0x80, $0x38;
	[tilespmem:$0x1ED00] =	vst v63  }
0x12d: {  	_ =	swait.ge [sflag:s13], $0x80  }
.Ltmp4:
0x12e: {  	[sflag:s13] =	ssyncset.done $0x0;
	(pc) =	sbr.rel .LBB2_6-.Ltmp4, $4  }
0x12f: {  	s31 =	rddreg [dreg:$0x6];
	[sflag:s13] =	ssyncadd.s32 $0xFFFFFF80  }
0x130: {  	[tilespmem:s15], [sflag:$0x1] =	stream.indirect.gather [hbm4b:s6+s14], $0x80, s22, s14, $0xb8;
	[tilespmem:$0x1ED00] =	vst v63  }
0x131: {  	s26 =	simm.s32 $0x1;
	s29 =	simm.s32 $0x0;
	s28 =	rddreg [dreg:$0x12]  }
0x132: {  	[tilespmem:s14], [sflag:$0x3] =	stream.linear.gather [hbm4b:s31+s22], $0x80, $0x38;
	[tilespmem:$0x1ED00] =	vst v63  }
.LBB2_8:
0x133: {  	_ =	swait.ge [sflag:s13], $0x80;
	s24 =	smov.u32 s26  }
0x134: {  	[sflag:s13] =	ssyncset.done $0x0;
	s24 =	simm.s32 @p0 $0x1  }
0x135: {  	p0 =	por $0x1, $0x1;
	[sflag:s13] =	ssyncadd.s32 $0xFFFFFF80;
	s24 =	sshll.u32 s24, $0x7  }
0x136: {  	[tilespmem:s17], [sflag:$0x2] =	stream.indirect.gather [hbm4b:s6+s14], $0x80, s14, s14, $0xb8;
	[tilespmem:$0x1ED00] =	vst v63  }
.LBB2_9:
0x137: {  	s30 =	sadd.s32 s22, s25  }
0x138: {  	[tilespmem:s18], [sflag:$0x4] =	stream.linear.gather [hbm4b:s30+s4], $0x80, $0x38;
	[tilespmem:$0x1ED00] =	vst v63  }
0x139: {  	p1 =	seq.s32 s22, $0x4E0;
	_ =	swait.ge [sflag:s16], $0x4000  }
0x13a: {  	s30 =	sshrl.u32 @!p1 s28, $0x3;
	[sflag:s16] =	ssyncset.done $0x0  }
0x13b: {  	s31 =	simm.s32 @!p1 $0x0;
	s30 =	sadd.s32 @!p1 s1, s30;
	[sflag:s16] =	ssyncadd.s32 $0xFFFFC000  }
0x13c: {  	[tilespmem:s31], [sflag:$0x3] =	stream.linear.gather @!p1 [hbm4b:s30+s31], $0x80, $0x38;
	[tilespmem:$0x1ED00] =	vst v63  }
0x13d: {  	_ =	swait.ge [sflag:s12], $0x80  }
0x13e: {  	[sflag:s12] =	ssyncset.done $0x0  }
0x13f: {  	[sflag:s12] =	ssyncadd.s32 $0xFFFFFF80  }
0x140: {  	[spmem:s3] =	stream.indirect.scatter.add.f32 [tilespmem:s15], [sflag:$0x5], $0x80, s18, s14, $0xb8;
	[tilespmem:$0x1ED00] =	vst v63  }
0x141: {  	v2 =	vld [tilespmem:$0x100];
	_ =	sdelay $0x7  }
0x142: {  	[tilespmem:v2+s19+$0x0] =	vst.idx.add.f32.msk $0xffff, v1  }
0x143: {  	v2 =	vld [tilespmem:$0x110];
	_ =	sdelay $0x7  }
0x144: {  	[tilespmem:v2+s19+$0x0] =	vst.idx.add.f32.msk $0xffff, v1  }
0x145: {  	v2 =	vld [tilespmem:$0x120];
	_ =	sdelay $0x7  }
0x146: {  	[tilespmem:v2+s19+$0x0] =	vst.idx.add.f32.msk $0xffff, v1  }
0x147: {  	v2 =	vld [tilespmem:$0x130];
	_ =	sdelay $0x7  }
0x148: {  	[tilespmem:v2+s19+$0x0] =	vst.idx.add.f32.msk $0xffff, v1  }
0x149: {  	v2 =	vld [tilespmem:$0x140];
	_ =	sdelay $0x7  }
0x14a: {  	[tilespmem:v2+s19+$0x0] =	vst.idx.add.f32.msk $0xffff, v1  }
0x14b: {  	v2 =	vld [tilespmem:$0x150];
	_ =	sdelay $0x7  }
0x14c: {  	[tilespmem:v2+s19+$0x0] =	vst.idx.add.f32.msk $0xffff, v1  }
0x14d: {  	v2 =	vld [tilespmem:$0x160];
	_ =	sdelay $0x7  }
0x14e: {  	[tilespmem:v2+s19+$0x0] =	vst.idx.add.f32.msk $0xffff, v1  }
0x14f: {  	v2 =	vld [tilespmem:$0x170];
	_ =	sdelay $0x7  }
0x150: {  	s30 =	simm.s32 @p0 $0x5;
	[tilespmem:v2+s19+$0x0] =	vst.idx.add.f32.msk $0xffff, v1  }
0x151: {  	p1 =	seq.s32 @p0 s22, $0x4E0;
	_ =	swait.ge @p0 [sflag:s30], $0x4000  }
0x152: {  	p1 =	por p1, !p0;
	[sflag:s30] =	ssyncset.done @p0 $0x0  }
0x153: {  	[sflag:s30] =	ssyncadd.s32 @p0 $0xFFFFC000;
	s30 =	simm.s32 @!p1 $0x3  }
0x154: {  	_ =	swait.ge @!p1 [sflag:s30], $0x80  }
0x155: {  	s31 =	simm.s32 @!p1 $0x0;
	[sflag:s30] =	ssyncset.done @!p1 $0x0  }
0x156: {  	s2 =	simm.s32 @!p1 $0x180;
	[sflag:s30] =	ssyncadd.s32 @!p1 $0xFFFFFF80;
	s30 =	simm.s32 @!p1 $0x80  }
0x157: {  	[tilespmem:s2], [sflag:$0x1] =	stream.indirect.gather @!p1 [hbm4b:s6+s30], $0x80, s31, s30, $0xb8;
	[tilespmem:$0x1ED00] =	vst v63  }
0x158: {  	s2 =	sadd.s32 @p0 s5, s24  }
0x159: {  	s2 =	sshrl.u32 @p0 s2, $0x3  }
0x15a: {  	s24 =	simm.s32 @p0 $0x0;
	s30 =	simm.s32 @p0 $0x100;
	s2 =	sadd.s32 @p0 s7, s2  }
0x15b: {  	[tilespmem:s30], [sflag:$0x4] =	stream.linear.gather @p0 [hbm4b:s2+s24], $0x80, $0x38;
	[tilespmem:$0x1ED00] =	vst v63  }
0x15c: {  	p1 =	sgt.u32 @p0 s29, $0x25;
	s2 =	simm.s32 @p0 $0x2  }
0x15d: {  	p1 =	por p1, !p0;
	_ =	swait.ge @p0 [sflag:s2], $0x4000  }
0x15e: {  	s31 =	simm.s32 @!p1 $0x80;
	[sflag:s2] =	ssyncset.done @p0 $0x0  }
0x15f: {  	s24 =	simm.s32 @!p1 $0x0;
	[sflag:s2] =	ssyncadd.s32 @p0 $0xFFFFC000;
	s2 =	sadd.s32 @!p1 s22, s23  }
0x160: {  	[tilespmem:s31], [sflag:$0x3] =	stream.linear.gather @!p1 [hbm4b:s2+s24], $0x80, $0x38;
	[tilespmem:$0x1ED00] =	vst v63  }
0x161: {  	s2 =	simm.s32 @p0 $0x4  }
0x162: {  	_ =	swait.ge @p0 [sflag:s2], $0x80  }
0x163: {  	[sflag:s2] =	ssyncset.done @p0 $0x0  }
0x164: {  	s24 =	simm.s32 @p0 $0x4180;
	[sflag:s2] =	ssyncadd.s32 @p0 $0xFFFFFF80;
	s2 =	simm.s32 @p0 $0x80  }
0x165: {  	[spmem:s3] =	stream.indirect.scatter.add.f32 @p0 [tilespmem:s24], [sflag:$0x5], $0x80, s30, s2, $0xb8;
	[tilespmem:$0x1ED00] =	vst v63  }
0x166: {  	v2 =	vld @p0 [tilespmem:$0x100];
	_ =	sdelay $0x6  }
0x167: {  	v3 =	vimm.f32 @p0 $1.000000000e+00;
	s2 =	simm.s32 @p0 $0x1C580  }
0x168: {  	[tilespmem:v2+s2+$0x0] =	vst.idx.add.f32.msk @p0 $0xffff, v3  }
0x169: {  	v2 =	vld @p0 [tilespmem:$0x110];
	_ =	sdelay $0x7  }
0x16a: {  	[tilespmem:v2+s2+$0x0] =	vst.idx.add.f32.msk @p0 $0xffff, v3  }
0x16b: {  	v2 =	vld @p0 [tilespmem:$0x120];
	_ =	sdelay $0x7  }
0x16c: {  	[tilespmem:v2+s2+$0x0] =	vst.idx.add.f32.msk @p0 $0xffff, v3  }
0x16d: {  	v2 =	vld @p0 [tilespmem:$0x130];
	_ =	sdelay $0x7  }
0x16e: {  	[tilespmem:v2+s2+$0x0] =	vst.idx.add.f32.msk @p0 $0xffff, v3  }
0x16f: {  	v2 =	vld @p0 [tilespmem:$0x140];
	_ =	sdelay $0x7  }
0x170: {  	[tilespmem:v2+s2+$0x0] =	vst.idx.add.f32.msk @p0 $0xffff, v3  }
0x171: {  	v2 =	vld @p0 [tilespmem:$0x150];
	_ =	sdelay $0x7  }
0x172: {  	[tilespmem:v2+s2+$0x0] =	vst.idx.add.f32.msk @p0 $0xffff, v3  }
0x173: {  	v2 =	vld @p0 [tilespmem:$0x160];
	_ =	sdelay $0x7  }
0x174: {  	[tilespmem:v2+s2+$0x0] =	vst.idx.add.f32.msk @p0 $0xffff, v3  }
0x175: {  	v2 =	vld @p0 [tilespmem:$0x170];
	_ =	sdelay $0x1  }
0x176: {  	s22 =	sadd.s32 $0x20, s22  }
0x177: {  	p1 =	sne.s32 s22, $0x500  }
.Ltmp5:
0x178: {  	_ = 	snop;
	(pc) =	sbr.rel @!p1 .LBB2_10-.Ltmp5, $2  }
0x179: {  	_ =	sdelay $0x2  }
0x17a: {  	s26 =	sadd.s32 $0x2, s26;
	s28 =	sadd.s32 $0x100, s28;
	s29 =	sadd.s32 $0x1, s29;
	[tilespmem:v2+s2+$0x0] =	vst.idx.add.f32.msk @p0 $0xffff, v3  }
.LBB2_6:
0x17b: {  	p0 =	seq.s32 s22, $0x0  }
0x17c: {  	p1 =	sgt.u32 @!p0 s26, $0x4E  }
0x17d: {  	p1 =	por p0, !p1  }
.Ltmp6:
0x17e: {  	_ = 	snop;
	(pc) =	sbr.rel @p1 .LBB2_8-.Ltmp6, $4  }
0x17f: {  	s24 =	simm.s32 @!p0 $0x5  }
0x180: {  	_ =	swait.ge @!p0 [sflag:s24], $0x4000  }
0x181: {  	[sflag:s24] =	ssyncset.done @!p0 $0x0  }
0x182: {  	[sflag:s24] =	ssyncadd.s32 @!p0 $0xFFFFC000  }
.Ltmp7:
0x183: {  	(pc) =	sbr.rel .LBB2_9-.Ltmp7, $2  }
0x184: {  	_ =	sdelay $0x2  }
0x185: {  	s24 =	simm.s32 @!p0 $0x2780;
	p0 =	por @!p0 $0x0, $0x0  }
.LBB2_11:
0x186: {  	_ =	sfence.sel $0x180000  }
0x187: {  	[bflag:$0x0] =	sbarrier.arrive $0xFFFF  }
0x188: {  	_ =	strace $0x90000047  }
0x189: {  	s0 =	stileid.u32;
	[bflag:$0x2] =	sbarrier.arrive $0xFFFF  }
0x18a: {  	p0 =	sne.s32 s0, $0x0;
	s0 =	rddreg [dreg:$0x3]  }
0x18b: {  	s0 =	sadd.s32 @!p0 $0x100000, s0  }
0x18c: {  	[sflag:s0] =	ssyncadd.tile.s32 @!p0 $0x1;
	_ =	shalt  }
.Lfunc_end2:
_tile_overlayer_lowered:
.L_overlay_start_2:
0x18d: {  	(tag) =	ssettag $0x2  }
0x18e: {  	s0 =	rddreg [dreg:$0x0];
	s2 =	stileid.u32  }
0x18f: {  	s1 =	rddreg [dreg:$0x1];
	p0 =	sne.s32 s2, $0x0  }
0x190: {  	s3 =	rddreg [dreg:$0x2];
	[bflag:$0x3] =	sbarrier.arrive $0xFFFF;
	s2 =	simm.s32 @!p0 $0x1C06  }
0x191: {  	[timem:s3], [sflag:s2] =	dma.local @!p0 [hbm:s0], s1  }
0x192: {  	s0 =	simm.s32 @!p0 $0x6  }
0x193: {  	_ =	swait.ge @!p0 [sflag:s0], s1  }
0x194: {  	s1 =	ssub.s32 @!p0 $0x0, s1;
	[sflag:s0] =	ssyncset.done @!p0 $0x0  }
0x195: {  	[sflag:s0] =	ssyncadd.s32 @!p0 s1  }
0x196: {  	[bflag:$0x3] =	sbarrier.arrive $0xFFFF  }
0x197: {  	_ =	shalt  }

</sc_bundles>
